<compile_context>
chip_gen: v7x
topology: tpu7x:2x2x1
jax: 0.10.2.dev20260603
libtpu: 0.0.44.dev20260713+nightly
codegen_flags: <defaults>
</compile_context>

<pallas_src>
import functools
import jax
import jax.numpy as jnp
from jax import lax
from jax.experimental import pallas as pl
from jax.experimental.pallas import tpu as pltpu
from jax.experimental.pallas import tpu_sc as plsc

NI, NJ = 4096, 200
D = 64
B = NI * NJ
NC, NS = 2, 16
NW = NC * NS
IB = NI // NW
BPW = IB * NJ
NBUF = 4
L = 16

_mesh = plsc.VectorSubcoreMesh(core_axis_name="c", subcore_axis_name="s")


@functools.partial(
    pl.kernel,
    mesh=_mesh,
    out_type=jax.ShapeDtypeStruct((NJ, D // 8, NW, 8, IB), jnp.float32),
    scratch_types=[
        pltpu.VMEM((BPW,), jnp.int32),
        pltpu.VMEM((NJ, IB), jnp.int32),
        pltpu.VMEM((NBUF, IB, D), jnp.float32),
        pltpu.VMEM((NBUF, D, IB + 5), jnp.float32),
        pltpu.SemaphoreType.DMA((NBUF,)),
        pltpu.SemaphoreType.DMA((NBUF,)),
    ],
    compiler_params=pltpu.CompilerParams(
        use_tc_tiling_on_sc=False, needs_layout_passes=False
    ),
)
def _gather_kernel(table_hbm, idx_hbm, out_hbm, idx_raw, idx_t, rows_a,
                   tiles_b, gsem, wsem):
    wid = lax.axis_index("s") * NC + lax.axis_index("c")
    pltpu.sync_copy(idx_hbm.at[pl.ds(wid * BPW, BPW)], idx_raw)

    lanes = lax.iota(jnp.int32, L)
    bases = [lanes * NJ + (L * t) * NJ for t in range(IB // L)]

    def idx_tr(j, carry):
        for t in range(IB // L):
            v = plsc.load_gather(idx_raw, [bases[t] + j])
            idx_t[j, pl.ds(L * t, L)] = v
        return carry

    lax.fori_loop(0, NJ, idx_tr, 0, unroll=False)

    def gather(j, s):
        return pltpu.make_async_copy(
            table_hbm.at[idx_t.at[j]], rows_a.at[s], gsem.at[s])

    def writeback(j, s):
        copies = [
            pltpu.make_async_copy(
                tiles_b.at[s, pl.ds(8 * tk, 8), pl.ds(0, IB)],
                out_hbm.at[j, tk, wid],
                wsem.at[s],
            )
            for tk in range(D // 8)
        ]

        class _Group:
            def start(self):
                for c in copies:
                    c.start()

            def wait(self):
                for c in copies:
                    c.wait()

        return _Group()

    kvs = [lanes + L * t for t in range(D // L)]

    def transpose(s):
        def tr_body(i4, carry):
            for u in range(4):
                il = i4 * 4 + u
                ilv = jnp.broadcast_to(il, (L,))
                for t in range(D // L):
                    v = rows_a[s, il, pl.ds(L * t, L)]
                    plsc.store_scatter(tiles_b.at[s], [kvs[t], ilv], v)
            return carry

        lax.fori_loop(0, IB // 4, tr_body, 0)

    for s in range(NBUF):
        gather(s, s).start()

    def block(b, carry):
        for s in range(NBUF):
            j = b * NBUF + s
            gather(j, s).wait()
            transpose(s)
            writeback(j, s).start()

            @pl.when(j >= 2)
            def _retire():
                writeback(j - 2, (s + 2) % NBUF).wait()

            @pl.when(j + NBUF < NJ)
            def _prefetch():
                gather(j + NBUF, s).start()

        return carry

    lax.fori_loop(0, NJ // NBUF, block, 0)

    writeback(NJ - 2, 2).wait()
    writeback(NJ - 1, 3).wait()


def kernel(joint_indices, table):
    flat_idx = joint_indices.reshape(B).astype(jnp.int32)
    out = _gather_kernel(table, flat_idx)
    return jnp.transpose(out, (2, 4, 0, 1, 3)).reshape(NI, NJ, D)

# --- scband reference (transcript-rebuilt; emitter-appended) ---
"""Pipeline reference for scband-joint-type-embedding-86002425135786 (READ-ONLY COPY).

The authoritative reference and input builder live on the scoring server;
editing this copy changes nothing except your own understanding.
"""

import jax, jax.numpy as jnp
import numpy as np

NUM_EMB = 100000
EMB_DIM = 64

def setup_inputs(seed: int = 0) -> dict:
    key = jax.random.key(seed)
    k_idx, k_tab = jax.random.split(key)
    joint_indices = jax.random.randint(k_idx, (4096, 200), 0, NUM_EMB, dtype=jnp.int64 if jax.config.jax_enable_x64 else jnp.int32)
    # nn.Embedding default init: N(0, 1)
    table = jax.random.normal(k_tab, (NUM_EMB, EMB_DIM), dtype=jnp.float32)
    return {"joint_indices": joint_indices, "table": table}

def reference(joint_indices, table):
    # nn.Embedding forward: row gather from the table
    return jnp.take(table, joint_indices, axis=0)

if __name__ == "__main__":
    import jax
    _d = setup_inputs()
    print(jax.jit(kernel)(*tuple(_d.values())))

</pallas_src>

<mosaic_0001>
#map = affine_map<(d0, d1) -> (0, 0)>
#map1 = affine_map<(d0, d1) -> (0)>
#map2 = affine_map<(d0, d1) -> (0, 0, 0, 0, 0)>
module attributes {stable_mosaic.version = 14 : i64} {
  func.func @_gather_kernel(%arg0: i32, %arg1: i32, %arg2: memref<100000x64xf32, #tpu.memory_space<hbm>>, %arg3: memref<819200xi32, #tpu.memory_space<hbm>>, %arg4: memref<200x8x32x8x128xf32, #tpu.memory_space<hbm>>, %arg5: memref<25600xi32, #tpu.memory_space<vmem>>, %arg6: memref<200x128xi32, #tpu.memory_space<vmem>>, %arg7: memref<4x128x64xf32, #tpu.memory_space<vmem>>, %arg8: memref<4x64x133xf32, #tpu.memory_space<vmem>>, %arg9: memref<4x!tpu.dma_semaphore, #tpu.memory_space<semaphore_mem>>, %arg10: memref<4x!tpu.dma_semaphore, #tpu.memory_space<semaphore_mem>>) attributes {dimension_semantics = [#tpu.dimension_semantics<core_parallel>, #tpu.dimension_semantics<subcore_parallel>], iteration_bounds = array<i64: 2, 16>, scalar_prefetch = 0 : i64, scratch_operands = 6 : i64, tpu.core_type = #tpu.core_type<sc_vector_subcore>, window_params = [{transform_indices = #map}, {transform_indices = #map1}, {transform_indices = #map2}]} {
    %mul3A = arith.constant 2 : i32
    %mul3A_0 = arith.muli %arg1, %mul3A : i32
    %add3A = arith.addi %mul3A_0, %arg0 : i32
    %mul3A_1 = arith.constant 25600 : i32
    %mul3A_2 = arith.muli %add3A, %mul3A_1 : i32
    "tpu.region"() ({
      %run_scoped3A = tpu.sem_alloc : memref<!tpu.dma_semaphore, #tpu.memory_space<semaphore_mem>>
      %dma_start3A_484 = tpu.memref_slice %arg3[%mul3A_2] : memref<819200xi32, #tpu.memory_space<hbm>> -> memref<25600xi32, #tpu.memory_space<hbm>>
      %dma_start3A_485 = tpu.memref_slice %arg3[%mul3A_2] : memref<819200xi32, #tpu.memory_space<hbm>> -> memref<25600xi32, #tpu.memory_space<hbm>>
      tpu.enqueue_dma source(%dma_start3A_485 : memref<25600xi32, #tpu.memory_space<hbm>>) target(%arg5 : memref<25600xi32, #tpu.memory_space<vmem>>) target_semaphore(%run_scoped3A : memref<!tpu.dma_semaphore, #tpu.memory_space<semaphore_mem>>)
      %dma_wait3A_486 = tpu.memref_slice %arg3[%mul3A_2] : memref<819200xi32, #tpu.memory_space<hbm>> -> memref<25600xi32, #tpu.memory_space<hbm>>
      %dma_wait3A_487 = tpu.memref_slice %arg3[%mul3A_2] : memref<819200xi32, #tpu.memory_space<hbm>> -> memref<25600xi32, #tpu.memory_space<hbm>>
      tpu.wait_dma2 semaphore(%run_scoped3A : memref<!tpu.dma_semaphore, #tpu.memory_space<semaphore_mem>>) src(%dma_wait3A_487 : memref<25600xi32, #tpu.memory_space<hbm>>) dst(%arg5 : memref<25600xi32, #tpu.memory_space<vmem>>)
      tpu.yield
    }) : () -> ()
    %iota3A = tpu.iota {dimensions = array<i32: 0>} : vector<16xi32>
    %mul3A_3 = arith.constant 200 : i32
    %mul3A_4 = vector.broadcast %mul3A_3 : i32 to vector<16xi32>
    %mul3A_5 = arith.muli %iota3A, %mul3A_4 : vector<16xi32>
    %add3A_6 = arith.constant 0 : i32
    %add3A_7 = vector.broadcast %add3A_6 : i32 to vector<16xi32>
    %add3A_8 = arith.addi %mul3A_5, %add3A_7 : vector<16xi32>
    %mul3A_9 = arith.constant 200 : i32
    %mul3A_10 = vector.broadcast %mul3A_9 : i32 to vector<16xi32>
    %mul3A_11 = arith.muli %iota3A, %mul3A_10 : vector<16xi32>
    %add3A_12 = arith.constant 3200 : i32
    %add3A_13 = vector.broadcast %add3A_12 : i32 to vector<16xi32>
    %add3A_14 = arith.addi %mul3A_11, %add3A_13 : vector<16xi32>
    %mul3A_15 = arith.constant 200 : i32
    %mul3A_16 = vector.broadcast %mul3A_15 : i32 to vector<16xi32>
    %mul3A_17 = arith.muli %iota3A, %mul3A_16 : vector<16xi32>
    %add3A_18 = arith.constant 6400 : i32
    %add3A_19 = vector.broadcast %add3A_18 : i32 to vector<16xi32>
    %add3A_20 = arith.addi %mul3A_17, %add3A_19 : vector<16xi32>
    %mul3A_21 = arith.constant 200 : i32
    %mul3A_22 = vector.broadcast %mul3A_21 : i32 to vector<16xi32>
    %mul3A_23 = arith.muli %iota3A, %mul3A_22 : vector<16xi32>
    %add3A_24 = arith.constant 9600 : i32
    %add3A_25 = vector.broadcast %add3A_24 : i32 to vector<16xi32>
    %add3A_26 = arith.addi %mul3A_23, %add3A_25 : vector<16xi32>
    %mul3A_27 = arith.constant 200 : i32
    %mul3A_28 = vector.broadcast %mul3A_27 : i32 to vector<16xi32>
    %mul3A_29 = arith.muli %iota3A, %mul3A_28 : vector<16xi32>
    %add3A_30 = arith.constant 12800 : i32
    %add3A_31 = vector.broadcast %add3A_30 : i32 to vector<16xi32>
    %add3A_32 = arith.addi %mul3A_29, %add3A_31 : vector<16xi32>
    %mul3A_33 = arith.constant 200 : i32
    %mul3A_34 = vector.broadcast %mul3A_33 : i32 to vector<16xi32>
    %mul3A_35 = arith.muli %iota3A, %mul3A_34 : vector<16xi32>
    %add3A_36 = arith.constant 16000 : i32
    %add3A_37 = vector.broadcast %add3A_36 : i32 to vector<16xi32>
    %add3A_38 = arith.addi %mul3A_35, %add3A_37 : vector<16xi32>
    %mul3A_39 = arith.constant 200 : i32
    %mul3A_40 = vector.broadcast %mul3A_39 : i32 to vector<16xi32>
    %mul3A_41 = arith.muli %iota3A, %mul3A_40 : vector<16xi32>
    %add3A_42 = arith.constant 19200 : i32
    %add3A_43 = vector.broadcast %add3A_42 : i32 to vector<16xi32>
    %add3A_44 = arith.addi %mul3A_41, %add3A_43 : vector<16xi32>
    %mul3A_45 = arith.constant 200 : i32
    %mul3A_46 = vector.broadcast %mul3A_45 : i32 to vector<16xi32>
    %mul3A_47 = arith.muli %iota3A, %mul3A_46 : vector<16xi32>
    %add3A_48 = arith.constant 22400 : i32
    %add3A_49 = vector.broadcast %add3A_48 : i32 to vector<16xi32>
    %add3A_50 = arith.addi %mul3A_47, %add3A_49 : vector<16xi32>
    %scan3A = arith.constant 0 : i32
    %scan3A_51 = arith.constant 0 : i32
    %scan3A_52 = arith.constant 200 : i32
    %scan3A_53 = arith.addi %scan3A_51, %scan3A_52 : i32
    %scan3A_54 = arith.constant 1 : i32
    scf.for %scan3A_484 = %scan3A_51 to %scan3A_53 step %scan3A_54  : i32 {
      %add3A_485 = vector.broadcast %scan3A_484 : i32 to vector<16xi32>
      %add3A_486 = arith.addi %add3A_8, %add3A_485 : vector<16xi32>
      %gather3A = tpu.vector_load_idx %arg5[%add3A_486] : memref<25600xi32, #tpu.memory_space<vmem>>[vector<16xi32>], vector<16xi32>,
      %swap3A = arith.index_cast %scan3A_484 : i32 to index
      %swap3A_487 = arith.constant 0 : index
      %swap3A_488 = tpu.vector_load %arg6[%swap3A, %swap3A_487] {strides = array<i32>} : memref<200x128xi32, #tpu.memory_space<vmem>>, vector<16xi32>,
      tpu.vector_store %arg6[%swap3A, %swap3A_487], %gather3A {strides = array<i32>} : memref<200x128xi32, #tpu.memory_space<vmem>>, vector<16xi32>,
      %add3A_489 = vector.broadcast %scan3A_484 : i32 to vector<16xi32>
      %add3A_490 = arith.addi %add3A_14, %add3A_489 : vector<16xi32>
      %gather3A_491 = tpu.vector_load_idx %arg5[%add3A_490] : memref<25600xi32, #tpu.memory_space<vmem>>[vector<16xi32>], vector<16xi32>,
      %swap3A_492 = arith.index_cast %scan3A_484 : i32 to index
      %swap3A_493 = arith.constant 16 : index
      %swap3A_494 = tpu.vector_load %arg6[%swap3A_492, %swap3A_493] {strides = array<i32>} : memref<200x128xi32, #tpu.memory_space<vmem>>, vector<16xi32>,
      tpu.vector_store %arg6[%swap3A_492, %swap3A_493], %gather3A_491 {strides = array<i32>} : memref<200x128xi32, #tpu.memory_space<vmem>>, vector<16xi32>,
      %add3A_495 = vector.broadcast %scan3A_484 : i32 to vector<16xi32>
      %add3A_496 = arith.addi %add3A_20, %add3A_495 : vector<16xi32>
      %gather3A_497 = tpu.vector_load_idx %arg5[%add3A_496] : memref<25600xi32, #tpu.memory_space<vmem>>[vector<16xi32>], vector<16xi32>,
      %swap3A_498 = arith.index_cast %scan3A_484 : i32 to index
      %swap3A_499 = arith.constant 32 : index
      %swap3A_500 = tpu.vector_load %arg6[%swap3A_498, %swap3A_499] {strides = array<i32>} : memref<200x128xi32, #tpu.memory_space<vmem>>, vector<16xi32>,
      tpu.vector_store %arg6[%swap3A_498, %swap3A_499], %gather3A_497 {strides = array<i32>} : memref<200x128xi32, #tpu.memory_space<vmem>>, vector<16xi32>,
      %add3A_501 = vector.broadcast %scan3A_484 : i32 to vector<16xi32>
      %add3A_502 = arith.addi %add3A_26, %add3A_501 : vector<16xi32>
      %gather3A_503 = tpu.vector_load_idx %arg5[%add3A_502] : memref<25600xi32, #tpu.memory_space<vmem>>[vector<16xi32>], vector<16xi32>,
      %swap3A_504 = arith.index_cast %scan3A_484 : i32 to index
      %swap3A_505 = arith.constant 48 : index
      %swap3A_506 = tpu.vector_load %arg6[%swap3A_504, %swap3A_505] {strides = array<i32>} : memref<200x128xi32, #tpu.memory_space<vmem>>, vector<16xi32>,
      tpu.vector_store %arg6[%swap3A_504, %swap3A_505], %gather3A_503 {strides = array<i32>} : memref<200x128xi32, #tpu.memory_space<vmem>>, vector<16xi32>,
      %add3A_507 = vector.broadcast %scan3A_484 : i32 to vector<16xi32>
      %add3A_508 = arith.addi %add3A_32, %add3A_507 : vector<16xi32>
      %gather3A_509 = tpu.vector_load_idx %arg5[%add3A_508] : memref<25600xi32, #tpu.memory_space<vmem>>[vector<16xi32>], vector<16xi32>,
      %swap3A_510 = arith.index_cast %scan3A_484 : i32 to index
      %swap3A_511 = arith.constant 64 : index
      %swap3A_512 = tpu.vector_load %arg6[%swap3A_510, %swap3A_511] {strides = array<i32>} : memref<200x128xi32, #tpu.memory_space<vmem>>, vector<16xi32>,
      tpu.vector_store %arg6[%swap3A_510, %swap3A_511], %gather3A_509 {strides = array<i32>} : memref<200x128xi32, #tpu.memory_space<vmem>>, vector<16xi32>,
      %add3A_513 = vector.broadcast %scan3A_484 : i32 to vector<16xi32>
      %add3A_514 = arith.addi %add3A_38, %add3A_513 : vector<16xi32>
      %gather3A_515 = tpu.vector_load_idx %arg5[%add3A_514] : memref<25600xi32, #tpu.memory_space<vmem>>[vector<16xi32>], vector<16xi32>,
      %swap3A_516 = arith.index_cast %scan3A_484 : i32 to index
      %swap3A_517 = arith.constant 80 : index
      %swap3A_518 = tpu.vector_load %arg6[%swap3A_516, %swap3A_517] {strides = array<i32>} : memref<200x128xi32, #tpu.memory_space<vmem>>, vector<16xi32>,
      tpu.vector_store %arg6[%swap3A_516, %swap3A_517], %gather3A_515 {strides = array<i32>} : memref<200x128xi32, #tpu.memory_space<vmem>>, vector<16xi32>,
      %add3A_519 = vector.broadcast %scan3A_484 : i32 to vector<16xi32>
      %add3A_520 = arith.addi %add3A_44, %add3A_519 : vector<16xi32>
      %gather3A_521 = tpu.vector_load_idx %arg5[%add3A_520] : memref<25600xi32, #tpu.memory_space<vmem>>[vector<16xi32>], vector<16xi32>,
      %swap3A_522 = arith.index_cast %scan3A_484 : i32 to index
      %swap3A_523 = arith.constant 96 : index
      %swap3A_524 = tpu.vector_load %arg6[%swap3A_522, %swap3A_523] {strides = array<i32>} : memref<200x128xi32, #tpu.memory_space<vmem>>, vector<16xi32>,
      tpu.vector_store %arg6[%swap3A_522, %swap3A_523], %gather3A_521 {strides = array<i32>} : memref<200x128xi32, #tpu.memory_space<vmem>>, vector<16xi32>,
      %add3A_525 = vector.broadcast %scan3A_484 : i32 to vector<16xi32>
      %add3A_526 = arith.addi %add3A_50, %add3A_525 : vector<16xi32>
      %gather3A_527 = tpu.vector_load_idx %arg5[%add3A_526] : memref<25600xi32, #tpu.memory_space<vmem>>[vector<16xi32>], vector<16xi32>,
      %swap3A_528 = arith.index_cast %scan3A_484 : i32 to index
      %swap3A_529 = arith.constant 112 : index
      %swap3A_530 = tpu.vector_load %arg6[%swap3A_528, %swap3A_529] {strides = array<i32>} : memref<200x128xi32, #tpu.memory_space<vmem>>, vector<16xi32>,
      tpu.vector_store %arg6[%swap3A_528, %swap3A_529], %gather3A_527 {strides = array<i32>} : memref<200x128xi32, #tpu.memory_space<vmem>>, vector<16xi32>,
    }
    %scan3A_55 = arith.constant 200 : i32
    %add3A_56 = arith.constant 0 : i32
    %add3A_57 = vector.broadcast %add3A_56 : i32 to vector<16xi32>
    %add3A_58 = arith.addi %iota3A, %add3A_57 : vector<16xi32>
    %add3A_59 = arith.constant 16 : i32
    %add3A_60 = vector.broadcast %add3A_59 : i32 to vector<16xi32>
    %add3A_61 = arith.addi %iota3A, %add3A_60 : vector<16xi32>
    %add3A_62 = arith.constant 32 : i32
    %add3A_63 = vector.broadcast %add3A_62 : i32 to vector<16xi32>
    %add3A_64 = arith.addi %iota3A, %add3A_63 : vector<16xi32>
    %add3A_65 = arith.constant 48 : i32
    %add3A_66 = vector.broadcast %add3A_65 : i32 to vector<16xi32>
    %add3A_67 = arith.addi %iota3A, %add3A_66 : vector<16xi32>
    %dma_start3A = arith.constant 0 : i32
    %dma_start3A_68 = arith.constant 0 : i32
    %dma_start3A_69 = arith.constant 0 : i32
    %dma_start3A_70 = arith.constant 0 : i32
    %dma_start3A_71 = arith.constant 0 : i32
    %dma_start3A_72 = tpu.memref_slice %arg7[%dma_start3A_68, %dma_start3A_70, %dma_start3A_71] : memref<4x128x64xf32, #tpu.memory_space<vmem>> -> memref<1x128x64xf32, #tpu.memory_space<vmem>>
    %dma_start3A_73 = tpu.memref_squeeze %dma_start3A_72 : memref<1x128x64xf32, #tpu.memory_space<vmem>> -> memref<128x64xf32, #tpu.memory_space<vmem>>
    %dma_start3A_74 = arith.constant 0 : i32
    %dma_start3A_75 = tpu.memref_slice %arg6[%dma_start3A, %dma_start3A_74] : memref<200x128xi32, #tpu.memory_space<vmem>> -> memref<1x128xi32, #tpu.memory_space<vmem>>
    %dma_start3A_76 = tpu.memref_squeeze %dma_start3A_75 : memref<1x128xi32, #tpu.memory_space<vmem>> -> memref<128xi32, #tpu.memory_space<vmem>>
    %dma_start3A_77 = arith.constant 0 : i32
    %dma_start3A_78 = arith.constant 0 : i32
    %dma_start3A_79 = tpu.memref_slice %arg2[%dma_start3A_77, %dma_start3A_78] : memref<100000x64xf32, #tpu.memory_space<hbm>> -> memref<100000x64xf32, #tpu.memory_space<hbm>>
    %dma_start3A_80 = tpu.memref_slice %arg9[%dma_start3A_69] : memref<4x!tpu.dma_semaphore, #tpu.memory_space<semaphore_mem>> -> memref<1x!tpu.dma_semaphore, #tpu.memory_space<semaphore_mem>>
    %dma_start3A_81 = tpu.memref_squeeze %dma_start3A_80 : memref<1x!tpu.dma_semaphore, #tpu.memory_space<semaphore_mem>> -> memref<!tpu.dma_semaphore, #tpu.memory_space<semaphore_mem>>
    tpu.enqueue_indirect_dma source(%dma_start3A_79 : memref<100000x64xf32, #tpu.memory_space<hbm>>) target(%dma_start3A_73 : memref<128x64xf32, #tpu.memory_space<vmem>>) offsets(%dma_start3A_76 : memref<128xi32, #tpu.memory_space<vmem>>) semaphore(%dma_start3A_81 : memref<!tpu.dma_semaphore, #tpu.memory_space<semaphore_mem>>)
    %dma_start3A_82 = arith.constant 1 : i32
    %dma_start3A_83 = arith.constant 1 : i32
    %dma_start3A_84 = arith.constant 1 : i32
    %dma_start3A_85 = arith.constant 0 : i32
    %dma_start3A_86 = arith.constant 0 : i32
    %dma_start3A_87 = tpu.memref_slice %arg7[%dma_start3A_83, %dma_start3A_85, %dma_start3A_86] : memref<4x128x64xf32, #tpu.memory_space<vmem>> -> memref<1x128x64xf32, #tpu.memory_space<vmem>>
    %dma_start3A_88 = tpu.memref_squeeze %dma_start3A_87 : memref<1x128x64xf32, #tpu.memory_space<vmem>> -> memref<128x64xf32, #tpu.memory_space<vmem>>
    %dma_start3A_89 = arith.constant 0 : i32
    %dma_start3A_90 = tpu.memref_slice %arg6[%dma_start3A_82, %dma_start3A_89] : memref<200x128xi32, #tpu.memory_space<vmem>> -> memref<1x128xi32, #tpu.memory_space<vmem>>
    %dma_start3A_91 = tpu.memref_squeeze %dma_start3A_90 : memref<1x128xi32, #tpu.memory_space<vmem>> -> memref<128xi32, #tpu.memory_space<vmem>>
    %dma_start3A_92 = arith.constant 0 : i32
    %dma_start3A_93 = arith.constant 0 : i32
    %dma_start3A_94 = tpu.memref_slice %arg2[%dma_start3A_92, %dma_start3A_93] : memref<100000x64xf32, #tpu.memory_space<hbm>> -> memref<100000x64xf32, #tpu.memory_space<hbm>>
    %dma_start3A_95 = tpu.memref_slice %arg9[%dma_start3A_84] : memref<4x!tpu.dma_semaphore, #tpu.memory_space<semaphore_mem>> -> memref<1x!tpu.dma_semaphore, #tpu.memory_space<semaphore_mem>>
    %dma_start3A_96 = tpu.memref_squeeze %dma_start3A_95 : memref<1x!tpu.dma_semaphore, #tpu.memory_space<semaphore_mem>> -> memref<!tpu.dma_semaphore, #tpu.memory_space<semaphore_mem>>
    tpu.enqueue_indirect_dma source(%dma_start3A_94 : memref<100000x64xf32, #tpu.memory_space<hbm>>) target(%dma_start3A_88 : memref<128x64xf32, #tpu.memory_space<vmem>>) offsets(%dma_start3A_91 : memref<128xi32, #tpu.memory_space<vmem>>) semaphore(%dma_start3A_96 : memref<!tpu.dma_semaphore, #tpu.memory_space<semaphore_mem>>)
    %dma_start3A_97 = arith.constant 2 : i32
    %dma_start3A_98 = arith.constant 2 : i32
    %dma_start3A_99 = arith.constant 2 : i32
    %dma_start3A_100 = arith.constant 0 : i32
    %dma_start3A_101 = arith.constant 0 : i32
    %dma_start3A_102 = tpu.memref_slice %arg7[%dma_start3A_98, %dma_start3A_100, %dma_start3A_101] : memref<4x128x64xf32, #tpu.memory_space<vmem>> -> memref<1x128x64xf32, #tpu.memory_space<vmem>>
    %dma_start3A_103 = tpu.memref_squeeze %dma_start3A_102 : memref<1x128x64xf32, #tpu.memory_space<vmem>> -> memref<128x64xf32, #tpu.memory_space<vmem>>
    %dma_start3A_104 = arith.constant 0 : i32
    %dma_start3A_105 = tpu.memref_slice %arg6[%dma_start3A_97, %dma_start3A_104] : memref<200x128xi32, #tpu.memory_space<vmem>> -> memref<1x128xi32, #tpu.memory_space<vmem>>
    %dma_start3A_106 = tpu.memref_squeeze %dma_start3A_105 : memref<1x128xi32, #tpu.memory_space<vmem>> -> memref<128xi32, #tpu.memory_space<vmem>>
    %dma_start3A_107 = arith.constant 0 : i32
    %dma_start3A_108 = arith.constant 0 : i32
    %dma_start3A_109 = tpu.memref_slice %arg2[%dma_start3A_107, %dma_start3A_108] : memref<100000x64xf32, #tpu.memory_space<hbm>> -> memref<100000x64xf32, #tpu.memory_space<hbm>>
    %dma_start3A_110 = tpu.memref_slice %arg9[%dma_start3A_99] : memref<4x!tpu.dma_semaphore, #tpu.memory_space<semaphore_mem>> -> memref<1x!tpu.dma_semaphore, #tpu.memory_space<semaphore_mem>>
    %dma_start3A_111 = tpu.memref_squeeze %dma_start3A_110 : memref<1x!tpu.dma_semaphore, #tpu.memory_space<semaphore_mem>> -> memref<!tpu.dma_semaphore, #tpu.memory_space<semaphore_mem>>
    tpu.enqueue_indirect_dma source(%dma_start3A_109 : memref<100000x64xf32, #tpu.memory_space<hbm>>) target(%dma_start3A_103 : memref<128x64xf32, #tpu.memory_space<vmem>>) offsets(%dma_start3A_106 : memref<128xi32, #tpu.memory_space<vmem>>) semaphore(%dma_start3A_111 : memref<!tpu.dma_semaphore, #tpu.memory_space<semaphore_mem>>)
    %dma_start3A_112 = arith.constant 3 : i32
    %dma_start3A_113 = arith.constant 3 : i32
    %dma_start3A_114 = arith.constant 3 : i32
    %dma_start3A_115 = arith.constant 0 : i32
    %dma_start3A_116 = arith.constant 0 : i32
    %dma_start3A_117 = tpu.memref_slice %arg7[%dma_start3A_113, %dma_start3A_115, %dma_start3A_116] : memref<4x128x64xf32, #tpu.memory_space<vmem>> -> memref<1x128x64xf32, #tpu.memory_space<vmem>>
    %dma_start3A_118 = tpu.memref_squeeze %dma_start3A_117 : memref<1x128x64xf32, #tpu.memory_space<vmem>> -> memref<128x64xf32, #tpu.memory_space<vmem>>
    %dma_start3A_119 = arith.constant 0 : i32
    %dma_start3A_120 = tpu.memref_slice %arg6[%dma_start3A_112, %dma_start3A_119] : memref<200x128xi32, #tpu.memory_space<vmem>> -> memref<1x128xi32, #tpu.memory_space<vmem>>
    %dma_start3A_121 = tpu.memref_squeeze %dma_start3A_120 : memref<1x128xi32, #tpu.memory_space<vmem>> -> memref<128xi32, #tpu.memory_space<vmem>>
    %dma_start3A_122 = arith.constant 0 : i32
    %dma_start3A_123 = arith.constant 0 : i32
    %dma_start3A_124 = tpu.memref_slice %arg2[%dma_start3A_122, %dma_start3A_123] : memref<100000x64xf32, #tpu.memory_space<hbm>> -> memref<100000x64xf32, #tpu.memory_space<hbm>>
    %dma_start3A_125 = tpu.memref_slice %arg9[%dma_start3A_114] : memref<4x!tpu.dma_semaphore, #tpu.memory_space<semaphore_mem>> -> memref<1x!tpu.dma_semaphore, #tpu.memory_space<semaphore_mem>>
    %dma_start3A_126 = tpu.memref_squeeze %dma_start3A_125 : memref<1x!tpu.dma_semaphore, #tpu.memory_space<semaphore_mem>> -> memref<!tpu.dma_semaphore, #tpu.memory_space<semaphore_mem>>
    tpu.enqueue_indirect_dma source(%dma_start3A_124 : memref<100000x64xf32, #tpu.memory_space<hbm>>) target(%dma_start3A_118 : memref<128x64xf32, #tpu.memory_space<vmem>>) offsets(%dma_start3A_121 : memref<128xi32, #tpu.memory_space<vmem>>) semaphore(%dma_start3A_126 : memref<!tpu.dma_semaphore, #tpu.memory_space<semaphore_mem>>)
    %scan3A_127 = arith.constant 0 : i32
    %scan3A_128 = arith.constant 0 : i32
    %scan3A_129 = arith.constant 50 : i32
    %scan3A_130 = arith.addi %scan3A_128, %scan3A_129 : i32
    %scan3A_131 = arith.constant 1 : i32
    scf.for %scan3A_484 = %scan3A_128 to %scan3A_130 step %scan3A_131  : i32 {
      %mul3A_485 = arith.constant 4 : i32
      %mul3A_486 = arith.muli %scan3A_484, %mul3A_485 : i32
      %add3A_487 = arith.constant 0 : i32
      %add3A_488 = arith.addi %mul3A_486, %add3A_487 : i32
      %dma_wait3A_489 = arith.constant 0 : i32
      %dma_wait3A_490 = arith.constant 0 : i32
      %dma_wait3A_491 = arith.constant 0 : i32
      %dma_wait3A_492 = arith.constant 0 : i32
      %dma_wait3A_493 = tpu.memref_slice %arg7[%dma_wait3A_489, %dma_wait3A_491, %dma_wait3A_492] : memref<4x128x64xf32, #tpu.memory_space<vmem>> -> memref<1x128x64xf32, #tpu.memory_space<vmem>>
      %dma_wait3A_494 = tpu.memref_squeeze %dma_wait3A_493 : memref<1x128x64xf32, #tpu.memory_space<vmem>> -> memref<128x64xf32, #tpu.memory_space<vmem>>
      %dma_wait3A_495 = arith.constant 0 : i32
      %dma_wait3A_496 = tpu.memref_slice %arg6[%add3A_488, %dma_wait3A_495] : memref<200x128xi32, #tpu.memory_space<vmem>> -> memref<1x128xi32, #tpu.memory_space<vmem>>
      %dma_wait3A_497 = tpu.memref_squeeze %dma_wait3A_496 : memref<1x128xi32, #tpu.memory_space<vmem>> -> memref<128xi32, #tpu.memory_space<vmem>>
      %dma_wait3A_498 = arith.constant 0 : i32
      %dma_wait3A_499 = arith.constant 0 : i32
      %dma_wait3A_500 = tpu.memref_slice %arg2[%dma_wait3A_498, %dma_wait3A_499] : memref<100000x64xf32, #tpu.memory_space<hbm>> -> memref<100000x64xf32, #tpu.memory_space<hbm>>
      %dma_wait3A_501 = tpu.memref_slice %arg9[%dma_wait3A_490] : memref<4x!tpu.dma_semaphore, #tpu.memory_space<semaphore_mem>> -> memref<1x!tpu.dma_semaphore, #tpu.memory_space<semaphore_mem>>
      %dma_wait3A_502 = tpu.memref_squeeze %dma_wait3A_501 : memref<1x!tpu.dma_semaphore, #tpu.memory_space<semaphore_mem>> -> memref<!tpu.dma_semaphore, #tpu.memory_space<semaphore_mem>>
      tpu.wait_indirect_dma semaphore(%dma_wait3A_502 : memref<!tpu.dma_semaphore, #tpu.memory_space<semaphore_mem>>) src(%dma_wait3A_500 : memref<100000x64xf32, #tpu.memory_space<hbm>>) dst(%dma_wait3A_494 : memref<128x64xf32, #tpu.memory_space<vmem>>)
      %scan3A_503 = arith.constant 0 : i32
      %scan3A_504 = arith.constant 0 : i32
      %scan3A_505 = arith.constant 32 : i32
      %scan3A_506 = arith.addi %scan3A_504, %scan3A_505 : i32
      %scan3A_507 = arith.constant 1 : i32
      scf.for %scan3A_1297 = %scan3A_504 to %scan3A_506 step %scan3A_507  : i32 {
        %mul3A_1298 = arith.constant 4 : i32
        %mul3A_1299 = arith.muli %scan3A_1297, %mul3A_1298 : i32
        %add3A_1300 = arith.constant 0 : i32
        %add3A_1301 = arith.addi %mul3A_1299, %add3A_1300 : i32
        %broadcast_in_dim3A = vector.broadcast %add3A_1301 : i32 to vector<16xi32>
        %get3A = arith.constant 0 : i32
        %get3A_1302 = arith.index_cast %get3A : i32 to index
        %get3A_1303 = arith.index_cast %add3A_1301 : i32 to index
        %get3A_1304 = arith.constant 0 : index
        %get3A_1305 = tpu.vector_load %arg7[%get3A_1302, %get3A_1303, %get3A_1304] {strides = array<i32>} : memref<4x128x64xf32, #tpu.memory_space<vmem>>, vector<16xf32>,
        %scatter3A = arith.constant 0 : i32
        %scatter3A_1306 = arith.constant 0 : i32
        %scatter3A_1307 = arith.constant 0 : i32
        %scatter3A_1308 = tpu.memref_slice %arg8[%scatter3A, %scatter3A_1306, %scatter3A_1307] : memref<4x64x133xf32, #tpu.memory_space<vmem>> -> memref<1x64x133xf32, #tpu.memory_space<vmem>>
        %scatter3A_1309 = tpu.memref_squeeze %scatter3A_1308 : memref<1x64x133xf32, #tpu.memory_space<vmem>> -> memref<64x133xf32, #tpu.memory_space<vmem>>
        tpu.vector_store_idx %scatter3A_1309[%add3A_58, %broadcast_in_dim3A], %get3A_1305 : memref<64x133xf32, #tpu.memory_space<vmem>>[vector<16xi32>, vector<16xi32>], vector<16xf32>,
        %get3A_1310 = arith.constant 0 : i32
        %get3A_1311 = arith.index_cast %get3A_1310 : i32 to index
        %get3A_1312 = arith.index_cast %add3A_1301 : i32 to index
        %get3A_1313 = arith.constant 16 : index
        %get3A_1314 = tpu.vector_load %arg7[%get3A_1311, %get3A_1312, %get3A_1313] {strides = array<i32>} : memref<4x128x64xf32, #tpu.memory_space<vmem>>, vector<16xf32>,
        %scatter3A_1315 = arith.constant 0 : i32
        %scatter3A_1316 = arith.constant 0 : i32
        %scatter3A_1317 = arith.constant 0 : i32
        %scatter3A_1318 = tpu.memref_slice %arg8[%scatter3A_1315, %scatter3A_1316, %scatter3A_1317] : memref<4x64x133xf32, #tpu.memory_space<vmem>> -> memref<1x64x133xf32, #tpu.memory_space<vmem>>
        %scatter3A_1319 = tpu.memref_squeeze %scatter3A_1318 : memref<1x64x133xf32, #tpu.memory_space<vmem>> -> memref<64x133xf32, #tpu.memory_space<vmem>>
        tpu.vector_store_idx %scatter3A_1319[%add3A_61, %broadcast_in_dim3A], %get3A_1314 : memref<64x133xf32, #tpu.memory_space<vmem>>[vector<16xi32>, vector<16xi32>], vector<16xf32>,
        %get3A_1320 = arith.constant 0 : i32
        %get3A_1321 = arith.index_cast %get3A_1320 : i32 to index
        %get3A_1322 = arith.index_cast %add3A_1301 : i32 to index
        %get3A_1323 = arith.constant 32 : index
        %get3A_1324 = tpu.vector_load %arg7[%get3A_1321, %get3A_1322, %get3A_1323] {strides = array<i32>} : memref<4x128x64xf32, #tpu.memory_space<vmem>>, vector<16xf32>,
        %scatter3A_1325 = arith.constant 0 : i32
        %scatter3A_1326 = arith.constant 0 : i32
        %scatter3A_1327 = arith.constant 0 : i32
        %scatter3A_1328 = tpu.memref_slice %arg8[%scatter3A_1325, %scatter3A_1326, %scatter3A_1327] : memref<4x64x133xf32, #tpu.memory_space<vmem>> -> memref<1x64x133xf32, #tpu.memory_space<vmem>>
        %scatter3A_1329 = tpu.memref_squeeze %scatter3A_1328 : memref<1x64x133xf32, #tpu.memory_space<vmem>> -> memref<64x133xf32, #tpu.memory_space<vmem>>
        tpu.vector_store_idx %scatter3A_1329[%add3A_64, %broadcast_in_dim3A], %get3A_1324 : memref<64x133xf32, #tpu.memory_space<vmem>>[vector<16xi32>, vector<16xi32>], vector<16xf32>,
        %get3A_1330 = arith.constant 0 : i32
        %get3A_1331 = arith.index_cast %get3A_1330 : i32 to index
        %get3A_1332 = arith.index_cast %add3A_1301 : i32 to index
        %get3A_1333 = arith.constant 48 : index
        %get3A_1334 = tpu.vector_load %arg7[%get3A_1331, %get3A_1332, %get3A_1333] {strides = array<i32>} : memref<4x128x64xf32, #tpu.memory_space<vmem>>, vector<16xf32>,
        %scatter3A_1335 = arith.constant 0 : i32
        %scatter3A_1336 = arith.constant 0 : i32
        %scatter3A_1337 = arith.constant 0 : i32
        %scatter3A_1338 = tpu.memref_slice %arg8[%scatter3A_1335, %scatter3A_1336, %scatter3A_1337] : memref<4x64x133xf32, #tpu.memory_space<vmem>> -> memref<1x64x133xf32, #tpu.memory_space<vmem>>
        %scatter3A_1339 = tpu.memref_squeeze %scatter3A_1338 : memref<1x64x133xf32, #tpu.memory_space<vmem>> -> memref<64x133xf32, #tpu.memory_space<vmem>>
        tpu.vector_store_idx %scatter3A_1339[%add3A_67, %broadcast_in_dim3A], %get3A_1334 : memref<64x133xf32, #tpu.memory_space<vmem>>[vector<16xi32>, vector<16xi32>], vector<16xf32>,
        %mul3A_1340 = arith.constant 4 : i32
        %mul3A_1341 = arith.muli %scan3A_1297, %mul3A_1340 : i32
        %add3A_1342 = arith.constant 1 : i32
        %add3A_1343 = arith.addi %mul3A_1341, %add3A_1342 : i32
        %broadcast_in_dim3A_1344 = vector.broadcast %add3A_1343 : i32 to vector<16xi32>
        %get3A_1345 = arith.constant 0 : i32
        %get3A_1346 = arith.index_cast %get3A_1345 : i32 to index
        %get3A_1347 = arith.index_cast %add3A_1343 : i32 to index
        %get3A_1348 = arith.constant 0 : index
        %get3A_1349 = tpu.vector_load %arg7[%get3A_1346, %get3A_1347, %get3A_1348] {strides = array<i32>} : memref<4x128x64xf32, #tpu.memory_space<vmem>>, vector<16xf32>,
        %scatter3A_1350 = arith.constant 0 : i32
        %scatter3A_1351 = arith.constant 0 : i32
        %scatter3A_1352 = arith.constant 0 : i32
        %scatter3A_1353 = tpu.memref_slice %arg8[%scatter3A_1350, %scatter3A_1351, %scatter3A_1352] : memref<4x64x133xf32, #tpu.memory_space<vmem>> -> memref<1x64x133xf32, #tpu.memory_space<vmem>>
        %scatter3A_1354 = tpu.memref_squeeze %scatter3A_1353 : memref<1x64x133xf32, #tpu.memory_space<vmem>> -> memref<64x133xf32, #tpu.memory_space<vmem>>
        tpu.vector_store_idx %scatter3A_1354[%add3A_58, %broadcast_in_dim3A_1344], %get3A_1349 : memref<64x133xf32, #tpu.memory_space<vmem>>[vector<16xi32>, vector<16xi32>], vector<16xf32>,
        %get3A_1355 = arith.constant 0 : i32
        %get3A_1356 = arith.index_cast %get3A_1355 : i32 to index
        %get3A_1357 = arith.index_cast %add3A_1343 : i32 to index
        %get3A_1358 = arith.constant 16 : index
        %get3A_1359 = tpu.vector_load %arg7[%get3A_1356, %get3A_1357, %get3A_1358] {strides = array<i32>} : memref<4x128x64xf32, #tpu.memory_space<vmem>>, vector<16xf32>,
        %scatter3A_1360 = arith.constant 0 : i32
        %scatter3A_1361 = arith.constant 0 : i32
        %scatter3A_1362 = arith.constant 0 : i32
        %scatter3A_1363 = tpu.memref_slice %arg8[%scatter3A_1360, %scatter3A_1361, %scatter3A_1362] : memref<4x64x133xf32, #tpu.memory_space<vmem>> -> memref<1x64x133xf32, #tpu.memory_space<vmem>>
        %scatter3A_1364 = tpu.memref_squeeze %scatter3A_1363 : memref<1x64x133xf32, #tpu.memory_space<vmem>> -> memref<64x133xf32, #tpu.memory_space<vmem>>
        tpu.vector_store_idx %scatter3A_1364[%add3A_61, %broadcast_in_dim3A_1344], %get3A_1359 : memref<64x133xf32, #tpu.memory_space<vmem>>[vector<16xi32>, vector<16xi32>], vector<16xf32>,
        %get3A_1365 = arith.constant 0 : i32
        %get3A_1366 = arith.index_cast %get3A_1365 : i32 to index
        %get3A_1367 = arith.index_cast %add3A_1343 : i32 to index
        %get3A_1368 = arith.constant 32 : index
        %get3A_1369 = tpu.vector_load %arg7[%get3A_1366, %get3A_1367, %get3A_1368] {strides = array<i32>} : memref<4x128x64xf32, #tpu.memory_space<vmem>>, vector<16xf32>,
        %scatter3A_1370 = arith.constant 0 : i32
        %scatter3A_1371 = arith.constant 0 : i32
        %scatter3A_1372 = arith.constant 0 : i32
        %scatter3A_1373 = tpu.memref_slice %arg8[%scatter3A_1370, %scatter3A_1371, %scatter3A_1372] : memref<4x64x133xf32, #tpu.memory_space<vmem>> -> memref<1x64x133xf32, #tpu.memory_space<vmem>>
        %scatter3A_1374 = tpu.memref_squeeze %scatter3A_1373 : memref<1x64x133xf32, #tpu.memory_space<vmem>> -> memref<64x133xf32, #tpu.memory_space<vmem>>
        tpu.vector_store_idx %scatter3A_1374[%add3A_64, %broadcast_in_dim3A_1344], %get3A_1369 : memref<64x133xf32, #tpu.memory_space<vmem>>[vector<16xi32>, vector<16xi32>], vector<16xf32>,
        %get3A_1375 = arith.constant 0 : i32
        %get3A_1376 = arith.index_cast %get3A_1375 : i32 to index
        %get3A_1377 = arith.index_cast %add3A_1343 : i32 to index
        %get3A_1378 = arith.constant 48 : index
        %get3A_1379 = tpu.vector_load %arg7[%get3A_1376, %get3A_1377, %get3A_1378] {strides = array<i32>} : memref<4x128x64xf32, #tpu.memory_space<vmem>>, vector<16xf32>,
        %scatter3A_1380 = arith.constant 0 : i32
        %scatter3A_1381 = arith.constant 0 : i32
        %scatter3A_1382 = arith.constant 0 : i32
        %scatter3A_1383 = tpu.memref_slice %arg8[%scatter3A_1380, %scatter3A_1381, %scatter3A_1382] : memref<4x64x133xf32, #tpu.memory_space<vmem>> -> memref<1x64x133xf32, #tpu.memory_space<vmem>>
        %scatter3A_1384 = tpu.memref_squeeze %scatter3A_1383 : memref<1x64x133xf32, #tpu.memory_space<vmem>> -> memref<64x133xf32, #tpu.memory_space<vmem>>
        tpu.vector_store_idx %scatter3A_1384[%add3A_67, %broadcast_in_dim3A_1344], %get3A_1379 : memref<64x133xf32, #tpu.memory_space<vmem>>[vector<16xi32>, vector<16xi32>], vector<16xf32>,
        %mul3A_1385 = arith.constant 4 : i32
        %mul3A_1386 = arith.muli %scan3A_1297, %mul3A_1385 : i32
        %add3A_1387 = arith.constant 2 : i32
        %add3A_1388 = arith.addi %mul3A_1386, %add3A_1387 : i32
        %broadcast_in_dim3A_1389 = vector.broadcast %add3A_1388 : i32 to vector<16xi32>
        %get3A_1390 = arith.constant 0 : i32
        %get3A_1391 = arith.index_cast %get3A_1390 : i32 to index
        %get3A_1392 = arith.index_cast %add3A_1388 : i32 to index
        %get3A_1393 = arith.constant 0 : index
        %get3A_1394 = tpu.vector_load %arg7[%get3A_1391, %get3A_1392, %get3A_1393] {strides = array<i32>} : memref<4x128x64xf32, #tpu.memory_space<vmem>>, vector<16xf32>,
        %scatter3A_1395 = arith.constant 0 : i32
        %scatter3A_1396 = arith.constant 0 : i32
        %scatter3A_1397 = arith.constant 0 : i32
        %scatter3A_1398 = tpu.memref_slice %arg8[%scatter3A_1395, %scatter3A_1396, %scatter3A_1397] : memref<4x64x133xf32, #tpu.memory_space<vmem>> -> memref<1x64x133xf32, #tpu.memory_space<vmem>>
        %scatter3A_1399 = tpu.memref_squeeze %scatter3A_1398 : memref<1x64x133xf32, #tpu.memory_space<vmem>> -> memref<64x133xf32, #tpu.memory_space<vmem>>
        tpu.vector_store_idx %scatter3A_1399[%add3A_58, %broadcast_in_dim3A_1389], %get3A_1394 : memref<64x133xf32, #tpu.memory_space<vmem>>[vector<16xi32>, vector<16xi32>], vector<16xf32>,
        %get3A_1400 = arith.constant 0 : i32
        %get3A_1401 = arith.index_cast %get3A_1400 : i32 to index
        %get3A_1402 = arith.index_cast %add3A_1388 : i32 to index
        %get3A_1403 = arith.constant 16 : index
        %get3A_1404 = tpu.vector_load %arg7[%get3A_1401, %get3A_1402, %get3A_1403] {strides = array<i32>} : memref<4x128x64xf32, #tpu.memory_space<vmem>>, vector<16xf32>,
        %scatter3A_1405 = arith.constant 0 : i32
        %scatter3A_1406 = arith.constant 0 : i32
        %scatter3A_1407 = arith.constant 0 : i32
        %scatter3A_1408 = tpu.memref_slice %arg8[%scatter3A_1405, %scatter3A_1406, %scatter3A_1407] : memref<4x64x133xf32, #tpu.memory_space<vmem>> -> memref<1x64x133xf32, #tpu.memory_space<vmem>>
        %scatter3A_1409 = tpu.memref_squeeze %scatter3A_1408 : memref<1x64x133xf32, #tpu.memory_space<vmem>> -> memref<64x133xf32, #tpu.memory_space<vmem>>
        tpu.vector_store_idx %scatter3A_1409[%add3A_61, %broadcast_in_dim3A_1389], %get3A_1404 : memref<64x133xf32, #tpu.memory_space<vmem>>[vector<16xi32>, vector<16xi32>], vector<16xf32>,
        %get3A_1410 = arith.constant 0 : i32
        %get3A_1411 = arith.index_cast %get3A_1410 : i32 to index
        %get3A_1412 = arith.index_cast %add3A_1388 : i32 to index
        %get3A_1413 = arith.constant 32 : index
        %get3A_1414 = tpu.vector_load %arg7[%get3A_1411, %get3A_1412, %get3A_1413] {strides = array<i32>} : memref<4x128x64xf32, #tpu.memory_space<vmem>>, vector<16xf32>,
        %scatter3A_1415 = arith.constant 0 : i32
        %scatter3A_1416 = arith.constant 0 : i32
        %scatter3A_1417 = arith.constant 0 : i32
        %scatter3A_1418 = tpu.memref_slice %arg8[%scatter3A_1415, %scatter3A_1416, %scatter3A_1417] : memref<4x64x133xf32, #tpu.memory_space<vmem>> -> memref<1x64x133xf32, #tpu.memory_space<vmem>>
        %scatter3A_1419 = tpu.memref_squeeze %scatter3A_1418 : memref<1x64x133xf32, #tpu.memory_space<vmem>> -> memref<64x133xf32, #tpu.memory_space<vmem>>
        tpu.vector_store_idx %scatter3A_1419[%add3A_64, %broadcast_in_dim3A_1389], %get3A_1414 : memref<64x133xf32, #tpu.memory_space<vmem>>[vector<16xi32>, vector<16xi32>], vector<16xf32>,
        %get3A_1420 = arith.constant 0 : i32
        %get3A_1421 = arith.index_cast %get3A_1420 : i32 to index
        %get3A_1422 = arith.index_cast %add3A_1388 : i32 to index
        %get3A_1423 = arith.constant 48 : index
        %get3A_1424 = tpu.vector_load %arg7[%get3A_1421, %get3A_1422, %get3A_1423] {strides = array<i32>} : memref<4x128x64xf32, #tpu.memory_space<vmem>>, vector<16xf32>,
        %scatter3A_1425 = arith.constant 0 : i32
        %scatter3A_1426 = arith.constant 0 : i32
        %scatter3A_1427 = arith.constant 0 : i32
        %scatter3A_1428 = tpu.memref_slice %arg8[%scatter3A_1425, %scatter3A_1426, %scatter3A_1427] : memref<4x64x133xf32, #tpu.memory_space<vmem>> -> memref<1x64x133xf32, #tpu.memory_space<vmem>>
        %scatter3A_1429 = tpu.memref_squeeze %scatter3A_1428 : memref<1x64x133xf32, #tpu.memory_space<vmem>> -> memref<64x133xf32, #tpu.memory_space<vmem>>
        tpu.vector_store_idx %scatter3A_1429[%add3A_67, %broadcast_in_dim3A_1389], %get3A_1424 : memref<64x133xf32, #tpu.memory_space<vmem>>[vector<16xi32>, vector<16xi32>], vector<16xf32>,
        %mul3A_1430 = arith.constant 4 : i32
        %mul3A_1431 = arith.muli %scan3A_1297, %mul3A_1430 : i32
        %add3A_1432 = arith.constant 3 : i32
        %add3A_1433 = arith.addi %mul3A_1431, %add3A_1432 : i32
        %broadcast_in_dim3A_1434 = vector.broadcast %add3A_1433 : i32 to vector<16xi32>
        %get3A_1435 = arith.constant 0 : i32
        %get3A_1436 = arith.index_cast %get3A_1435 : i32 to index
        %get3A_1437 = arith.index_cast %add3A_1433 : i32 to index
        %get3A_1438 = arith.constant 0 : index
        %get3A_1439 = tpu.vector_load %arg7[%get3A_1436, %get3A_1437, %get3A_1438] {strides = array<i32>} : memref<4x128x64xf32, #tpu.memory_space<vmem>>, vector<16xf32>,
        %scatter3A_1440 = arith.constant 0 : i32
        %scatter3A_1441 = arith.constant 0 : i32
        %scatter3A_1442 = arith.constant 0 : i32
        %scatter3A_1443 = tpu.memref_slice %arg8[%scatter3A_1440, %scatter3A_1441, %scatter3A_1442] : memref<4x64x133xf32, #tpu.memory_space<vmem>> -> memref<1x64x133xf32, #tpu.memory_space<vmem>>
        %scatter3A_1444 = tpu.memref_squeeze %scatter3A_1443 : memref<1x64x133xf32, #tpu.memory_space<vmem>> -> memref<64x133xf32, #tpu.memory_space<vmem>>
        tpu.vector_store_idx %scatter3A_1444[%add3A_58, %broadcast_in_dim3A_1434], %get3A_1439 : memref<64x133xf32, #tpu.memory_space<vmem>>[vector<16xi32>, vector<16xi32>], vector<16xf32>,
        %get3A_1445 = arith.constant 0 : i32
        %get3A_1446 = arith.index_cast %get3A_1445 : i32 to index
        %get3A_1447 = arith.index_cast %add3A_1433 : i32 to index
        %get3A_1448 = arith.constant 16 : index
        %get3A_1449 = tpu.vector_load %arg7[%get3A_1446, %get3A_1447, %get3A_1448] {strides = array<i32>} : memref<4x128x64xf32, #tpu.memory_space<vmem>>, vector<16xf32>,
        %scatter3A_1450 = arith.constant 0 : i32
        %scatter3A_1451 = arith.constant 0 : i32
        %scatter3A_1452 = arith.constant 0 : i32
        %scatter3A_1453 = tpu.memref_slice %arg8[%scatter3A_1450, %scatter3A_1451, %scatter3A_1452] : memref<4x64x133xf32, #tpu.memory_space<vmem>> -> memref<1x64x133xf32, #tpu.memory_space<vmem>>
        %scatter3A_1454 = tpu.memref_squeeze %scatter3A_1453 : memref<1x64x133xf32, #tpu.memory_space<vmem>> -> memref<64x133xf32, #tpu.memory_space<vmem>>
        tpu.vector_store_idx %scatter3A_1454[%add3A_61, %broadcast_in_dim3A_1434], %get3A_1449 : memref<64x133xf32, #tpu.memory_space<vmem>>[vector<16xi32>, vector<16xi32>], vector<16xf32>,
        %get3A_1455 = arith.constant 0 : i32
        %get3A_1456 = arith.index_cast %get3A_1455 : i32 to index
        %get3A_1457 = arith.index_cast %add3A_1433 : i32 to index
        %get3A_1458 = arith.constant 32 : index
        %get3A_1459 = tpu.vector_load %arg7[%get3A_1456, %get3A_1457, %get3A_1458] {strides = array<i32>} : memref<4x128x64xf32, #tpu.memory_space<vmem>>, vector<16xf32>,
        %scatter3A_1460 = arith.constant 0 : i32
        %scatter3A_1461 = arith.constant 0 : i32
        %scatter3A_1462 = arith.constant 0 : i32
        %scatter3A_1463 = tpu.memref_slice %arg8[%scatter3A_1460, %scatter3A_1461, %scatter3A_1462] : memref<4x64x133xf32, #tpu.memory_space<vmem>> -> memref<1x64x133xf32, #tpu.memory_space<vmem>>
        %scatter3A_1464 = tpu.memref_squeeze %scatter3A_1463 : memref<1x64x133xf32, #tpu.memory_space<vmem>> -> memref<64x133xf32, #tpu.memory_space<vmem>>
        tpu.vector_store_idx %scatter3A_1464[%add3A_64, %broadcast_in_dim3A_1434], %get3A_1459 : memref<64x133xf32, #tpu.memory_space<vmem>>[vector<16xi32>, vector<16xi32>], vector<16xf32>,
        %get3A_1465 = arith.constant 0 : i32
        %get3A_1466 = arith.index_cast %get3A_1465 : i32 to index
        %get3A_1467 = arith.index_cast %add3A_1433 : i32 to index
        %get3A_1468 = arith.constant 48 : index
        %get3A_1469 = tpu.vector_load %arg7[%get3A_1466, %get3A_1467, %get3A_1468] {strides = array<i32>} : memref<4x128x64xf32, #tpu.memory_space<vmem>>, vector<16xf32>,
        %scatter3A_1470 = arith.constant 0 : i32
        %scatter3A_1471 = arith.constant 0 : i32
        %scatter3A_1472 = arith.constant 0 : i32
        %scatter3A_1473 = tpu.memref_slice %arg8[%scatter3A_1470, %scatter3A_1471, %scatter3A_1472] : memref<4x64x133xf32, #tpu.memory_space<vmem>> -> memref<1x64x133xf32, #tpu.memory_space<vmem>>
        %scatter3A_1474 = tpu.memref_squeeze %scatter3A_1473 : memref<1x64x133xf32, #tpu.memory_space<vmem>> -> memref<64x133xf32, #tpu.memory_space<vmem>>
        tpu.vector_store_idx %scatter3A_1474[%add3A_67, %broadcast_in_dim3A_1434], %get3A_1469 : memref<64x133xf32, #tpu.memory_space<vmem>>[vector<16xi32>, vector<16xi32>], vector<16xf32>,
      }
      %scan3A_508 = arith.constant 32 : i32
      %dma_start3A_509 = arith.constant 0 : i32
      %dma_start3A_510 = arith.constant 0 : i32
      %dma_start3A_511 = arith.constant 0 : i32
      %dma_start3A_512 = arith.constant 0 : i32
      %dma_start3A_513 = arith.constant 0 : i32
      %dma_start3A_514 = tpu.memref_slice %arg8[%dma_start3A_509, %dma_start3A_512, %dma_start3A_513] : memref<4x64x133xf32, #tpu.memory_space<vmem>> -> memref<1x8x128xf32, #tpu.memory_space<vmem>>
      %dma_start3A_515 = tpu.memref_squeeze %dma_start3A_514 : memref<1x8x128xf32, #tpu.memory_space<vmem>> -> memref<8x128xf32, #tpu.memory_space<vmem>>
      %dma_start3A_516 = arith.constant 0 : i32
      %dma_start3A_517 = arith.constant 0 : i32
      %dma_start3A_518 = tpu.memref_slice %arg4[%add3A_488, %dma_start3A_510, %add3A, %dma_start3A_516, %dma_start3A_517] : memref<200x8x32x8x128xf32, #tpu.memory_space<hbm>> -> memref<1x1x1x8x128xf32, #tpu.memory_space<hbm>>
      %dma_start3A_519 = tpu.memref_squeeze %dma_start3A_518 : memref<1x1x1x8x128xf32, #tpu.memory_space<hbm>> -> memref<8x128xf32, #tpu.memory_space<hbm>>
      %dma_start3A_520 = tpu.memref_slice %arg10[%dma_start3A_511] : memref<4x!tpu.dma_semaphore, #tpu.memory_space<semaphore_mem>> -> memref<1x!tpu.dma_semaphore, #tpu.memory_space<semaphore_mem>>
      %dma_start3A_521 = tpu.memref_squeeze %dma_start3A_520 : memref<1x!tpu.dma_semaphore, #tpu.memory_space<semaphore_mem>> -> memref<!tpu.dma_semaphore, #tpu.memory_space<semaphore_mem>>
      %dma_start3A_522 = arith.constant 0 : i32
      %dma_start3A_523 = arith.constant 0 : i32
      %dma_start3A_524 = tpu.memref_slice %arg4[%add3A_488, %dma_start3A_510, %add3A, %dma_start3A_522, %dma_start3A_523] : memref<200x8x32x8x128xf32, #tpu.memory_space<hbm>> -> memref<1x1x1x8x128xf32, #tpu.memory_space<hbm>>
      %dma_start3A_525 = tpu.memref_squeeze %dma_start3A_524 : memref<1x1x1x8x128xf32, #tpu.memory_space<hbm>> -> memref<8x128xf32, #tpu.memory_space<hbm>>
      %dma_start3A_526 = arith.constant 0 : i32
      %dma_start3A_527 = arith.constant 0 : i32
      %dma_start3A_528 = tpu.memref_slice %arg8[%dma_start3A_509, %dma_start3A_526, %dma_start3A_527] : memref<4x64x133xf32, #tpu.memory_space<vmem>> -> memref<1x8x128xf32, #tpu.memory_space<vmem>>
      %dma_start3A_529 = tpu.memref_squeeze %dma_start3A_528 : memref<1x8x128xf32, #tpu.memory_space<vmem>> -> memref<8x128xf32, #tpu.memory_space<vmem>>
      tpu.enqueue_dma source(%dma_start3A_529 : memref<8x128xf32, #tpu.memory_space<vmem>>) target(%dma_start3A_525 : memref<8x128xf32, #tpu.memory_space<hbm>>) target_semaphore(%dma_start3A_521 : memref<!tpu.dma_semaphore, #tpu.memory_space<semaphore_mem>>)
      %dma_start3A_530 = arith.constant 0 : i32
      %dma_start3A_531 = arith.constant 1 : i32
      %dma_start3A_532 = arith.constant 0 : i32
      %dma_start3A_533 = arith.constant 8 : i32
      %dma_start3A_534 = arith.constant 0 : i32
      %dma_start3A_535 = tpu.memref_slice %arg8[%dma_start3A_530, %dma_start3A_533, %dma_start3A_534] : memref<4x64x133xf32, #tpu.memory_space<vmem>> -> memref<1x8x128xf32, #tpu.memory_space<vmem>>
      %dma_start3A_536 = tpu.memref_squeeze %dma_start3A_535 : memref<1x8x128xf32, #tpu.memory_space<vmem>> -> memref<8x128xf32, #tpu.memory_space<vmem>>
      %dma_start3A_537 = arith.constant 0 : i32
      %dma_start3A_538 = arith.constant 0 : i32
      %dma_start3A_539 = tpu.memref_slice %arg4[%add3A_488, %dma_start3A_531, %add3A, %dma_start3A_537, %dma_start3A_538] : memref<200x8x32x8x128xf32, #tpu.memory_space<hbm>> -> memref<1x1x1x8x128xf32, #tpu.memory_space<hbm>>
      %dma_start3A_540 = tpu.memref_squeeze %dma_start3A_539 : memref<1x1x1x8x128xf32, #tpu.memory_space<hbm>> -> memref<8x128xf32, #tpu.memory_space<hbm>>
      %dma_start3A_541 = tpu.memref_slice %arg10[%dma_start3A_532] : memref<4x!tpu.dma_semaphore, #tpu.memory_space<semaphore_mem>> -> memref<1x!tpu.dma_semaphore, #tpu.memory_space<semaphore_mem>>
      %dma_start3A_542 = tpu.memref_squeeze %dma_start3A_541 : memref<1x!tpu.dma_semaphore, #tpu.memory_space<semaphore_mem>> -> memref<!tpu.dma_semaphore, #tpu.memory_space<semaphore_mem>>
      %dma_start3A_543 = arith.constant 0 : i32
      %dma_start3A_544 = arith.constant 0 : i32
      %dma_start3A_545 = tpu.memref_slice %arg4[%add3A_488, %dma_start3A_531, %add3A, %dma_start3A_543, %dma_start3A_544] : memref<200x8x32x8x128xf32, #tpu.memory_space<hbm>> -> memref<1x1x1x8x128xf32, #tpu.memory_space<hbm>>
      %dma_start3A_546 = tpu.memref_squeeze %dma_start3A_545 : memref<1x1x1x8x128xf32, #tpu.memory_space<hbm>> -> memref<8x128xf32, #tpu.memory_space<hbm>>
      %dma_start3A_547 = arith.constant 8 : i32
      %dma_start3A_548 = arith.constant 0 : i32
      %dma_start3A_549 = tpu.memref_slice %arg8[%dma_start3A_530, %dma_start3A_547, %dma_start3A_548] : memref<4x64x133xf32, #tpu.memory_space<vmem>> -> memref<1x8x128xf32, #tpu.memory_space<vmem>>
      %dma_start3A_550 = tpu.memref_squeeze %dma_start3A_549 : memref<1x8x128xf32, #tpu.memory_space<vmem>> -> memref<8x128xf32, #tpu.memory_space<vmem>>
      tpu.enqueue_dma source(%dma_start3A_550 : memref<8x128xf32, #tpu.memory_space<vmem>>) target(%dma_start3A_546 : memref<8x128xf32, #tpu.memory_space<hbm>>) target_semaphore(%dma_start3A_542 : memref<!tpu.dma_semaphore, #tpu.memory_space<semaphore_mem>>)
      %dma_start3A_551 = arith.constant 0 : i32
      %dma_start3A_552 = arith.constant 2 : i32
      %dma_start3A_553 = arith.constant 0 : i32
      %dma_start3A_554 = arith.constant 16 : i32
      %dma_start3A_555 = arith.constant 0 : i32
      %dma_start3A_556 = tpu.memref_slice %arg8[%dma_start3A_551, %dma_start3A_554, %dma_start3A_555] : memref<4x64x133xf32, #tpu.memory_space<vmem>> -> memref<1x8x128xf32, #tpu.memory_space<vmem>>
      %dma_start3A_557 = tpu.memref_squeeze %dma_start3A_556 : memref<1x8x128xf32, #tpu.memory_space<vmem>> -> memref<8x128xf32, #tpu.memory_space<vmem>>
      %dma_start3A_558 = arith.constant 0 : i32
      %dma_start3A_559 = arith.constant 0 : i32
      %dma_start3A_560 = tpu.memref_slice %arg4[%add3A_488, %dma_start3A_552, %add3A, %dma_start3A_558, %dma_start3A_559] : memref<200x8x32x8x128xf32, #tpu.memory_space<hbm>> -> memref<1x1x1x8x128xf32, #tpu.memory_space<hbm>>
      %dma_start3A_561 = tpu.memref_squeeze %dma_start3A_560 : memref<1x1x1x8x128xf32, #tpu.memory_space<hbm>> -> memref<8x128xf32, #tpu.memory_space<hbm>>
      %dma_start3A_562 = tpu.memref_slice %arg10[%dma_start3A_553] : memref<4x!tpu.dma_semaphore, #tpu.memory_space<semaphore_mem>> -> memref<1x!tpu.dma_semaphore, #tpu.memory_space<semaphore_mem>>
      %dma_start3A_563 = tpu.memref_squeeze %dma_start3A_562 : memref<1x!tpu.dma_semaphore, #tpu.memory_space<semaphore_mem>> -> memref<!tpu.dma_semaphore, #tpu.memory_space<semaphore_mem>>
      %dma_start3A_564 = arith.constant 0 : i32
      %dma_start3A_565 = arith.constant 0 : i32
      %dma_start3A_566 = tpu.memref_slice %arg4[%add3A_488, %dma_start3A_552, %add3A, %dma_start3A_564, %dma_start3A_565] : memref<200x8x32x8x128xf32, #tpu.memory_space<hbm>> -> memref<1x1x1x8x128xf32, #tpu.memory_space<hbm>>
      %dma_start3A_567 = tpu.memref_squeeze %dma_start3A_566 : memref<1x1x1x8x128xf32, #tpu.memory_space<hbm>> -> memref<8x128xf32, #tpu.memory_space<hbm>>
      %dma_start3A_568 = arith.constant 16 : i32
      %dma_start3A_569 = arith.constant 0 : i32
      %dma_start3A_570 = tpu.memref_slice %arg8[%dma_start3A_551, %dma_start3A_568, %dma_start3A_569] : memref<4x64x133xf32, #tpu.memory_space<vmem>> -> memref<1x8x128xf32, #tpu.memory_space<vmem>>
      %dma_start3A_571 = tpu.memref_squeeze %dma_start3A_570 : memref<1x8x128xf32, #tpu.memory_space<vmem>> -> memref<8x128xf32, #tpu.memory_space<vmem>>
      tpu.enqueue_dma source(%dma_start3A_571 : memref<8x128xf32, #tpu.memory_space<vmem>>) target(%dma_start3A_567 : memref<8x128xf32, #tpu.memory_space<hbm>>) target_semaphore(%dma_start3A_563 : memref<!tpu.dma_semaphore, #tpu.memory_space<semaphore_mem>>)
      %dma_start3A_572 = arith.constant 0 : i32
      %dma_start3A_573 = arith.constant 3 : i32
      %dma_start3A_574 = arith.constant 0 : i32
      %dma_start3A_575 = arith.constant 24 : i32
      %dma_start3A_576 = arith.constant 0 : i32
      %dma_start3A_577 = tpu.memref_slice %arg8[%dma_start3A_572, %dma_start3A_575, %dma_start3A_576] : memref<4x64x133xf32, #tpu.memory_space<vmem>> -> memref<1x8x128xf32, #tpu.memory_space<vmem>>
      %dma_start3A_578 = tpu.memref_squeeze %dma_start3A_577 : memref<1x8x128xf32, #tpu.memory_space<vmem>> -> memref<8x128xf32, #tpu.memory_space<vmem>>
      %dma_start3A_579 = arith.constant 0 : i32
      %dma_start3A_580 = arith.constant 0 : i32
      %dma_start3A_581 = tpu.memref_slice %arg4[%add3A_488, %dma_start3A_573, %add3A, %dma_start3A_579, %dma_start3A_580] : memref<200x8x32x8x128xf32, #tpu.memory_space<hbm>> -> memref<1x1x1x8x128xf32, #tpu.memory_space<hbm>>
      %dma_start3A_582 = tpu.memref_squeeze %dma_start3A_581 : memref<1x1x1x8x128xf32, #tpu.memory_space<hbm>> -> memref<8x128xf32, #tpu.memory_space<hbm>>
      %dma_start3A_583 = tpu.memref_slice %arg10[%dma_start3A_574] : memref<4x!tpu.dma_semaphore, #tpu.memory_space<semaphore_mem>> -> memref<1x!tpu.dma_semaphore, #tpu.memory_space<semaphore_mem>>
      %dma_start3A_584 = tpu.memref_squeeze %dma_start3A_583 : memref<1x!tpu.dma_semaphore, #tpu.memory_space<semaphore_mem>> -> memref<!tpu.dma_semaphore, #tpu.memory_space<semaphore_mem>>
      %dma_start3A_585 = arith.constant 0 : i32
      %dma_start3A_586 = arith.constant 0 : i32
      %dma_start3A_587 = tpu.memref_slice %arg4[%add3A_488, %dma_start3A_573, %add3A, %dma_start3A_585, %dma_start3A_586] : memref<200x8x32x8x128xf32, #tpu.memory_space<hbm>> -> memref<1x1x1x8x128xf32, #tpu.memory_space<hbm>>
      %dma_start3A_588 = tpu.memref_squeeze %dma_start3A_587 : memref<1x1x1x8x128xf32, #tpu.memory_space<hbm>> -> memref<8x128xf32, #tpu.memory_space<hbm>>
      %dma_start3A_589 = arith.constant 24 : i32
      %dma_start3A_590 = arith.constant 0 : i32
      %dma_start3A_591 = tpu.memref_slice %arg8[%dma_start3A_572, %dma_start3A_589, %dma_start3A_590] : memref<4x64x133xf32, #tpu.memory_space<vmem>> -> memref<1x8x128xf32, #tpu.memory_space<vmem>>
      %dma_start3A_592 = tpu.memref_squeeze %dma_start3A_591 : memref<1x8x128xf32, #tpu.memory_space<vmem>> -> memref<8x128xf32, #tpu.memory_space<vmem>>
      tpu.enqueue_dma source(%dma_start3A_592 : memref<8x128xf32, #tpu.memory_space<vmem>>) target(%dma_start3A_588 : memref<8x128xf32, #tpu.memory_space<hbm>>) target_semaphore(%dma_start3A_584 : memref<!tpu.dma_semaphore, #tpu.memory_space<semaphore_mem>>)
      %dma_start3A_593 = arith.constant 0 : i32
      %dma_start3A_594 = arith.constant 4 : i32
      %dma_start3A_595 = arith.constant 0 : i32
      %dma_start3A_596 = arith.constant 32 : i32
      %dma_start3A_597 = arith.constant 0 : i32
      %dma_start3A_598 = tpu.memref_slice %arg8[%dma_start3A_593, %dma_start3A_596, %dma_start3A_597] : memref<4x64x133xf32, #tpu.memory_space<vmem>> -> memref<1x8x128xf32, #tpu.memory_space<vmem>>
      %dma_start3A_599 = tpu.memref_squeeze %dma_start3A_598 : memref<1x8x128xf32, #tpu.memory_space<vmem>> -> memref<8x128xf32, #tpu.memory_space<vmem>>
      %dma_start3A_600 = arith.constant 0 : i32
      %dma_start3A_601 = arith.constant 0 : i32
      %dma_start3A_602 = tpu.memref_slice %arg4[%add3A_488, %dma_start3A_594, %add3A, %dma_start3A_600, %dma_start3A_601] : memref<200x8x32x8x128xf32, #tpu.memory_space<hbm>> -> memref<1x1x1x8x128xf32, #tpu.memory_space<hbm>>
      %dma_start3A_603 = tpu.memref_squeeze %dma_start3A_602 : memref<1x1x1x8x128xf32, #tpu.memory_space<hbm>> -> memref<8x128xf32, #tpu.memory_space<hbm>>
      %dma_start3A_604 = tpu.memref_slice %arg10[%dma_start3A_595] : memref<4x!tpu.dma_semaphore, #tpu.memory_space<semaphore_mem>> -> memref<1x!tpu.dma_semaphore, #tpu.memory_space<semaphore_mem>>
      %dma_start3A_605 = tpu.memref_squeeze %dma_start3A_604 : memref<1x!tpu.dma_semaphore, #tpu.memory_space<semaphore_mem>> -> memref<!tpu.dma_semaphore, #tpu.memory_space<semaphore_mem>>
      %dma_start3A_606 = arith.constant 0 : i32
      %dma_start3A_607 = arith.constant 0 : i32
      %dma_start3A_608 = tpu.memref_slice %arg4[%add3A_488, %dma_start3A_594, %add3A, %dma_start3A_606, %dma_start3A_607] : memref<200x8x32x8x128xf32, #tpu.memory_space<hbm>> -> memref<1x1x1x8x128xf32, #tpu.memory_space<hbm>>
      %dma_start3A_609 = tpu.memref_squeeze %dma_start3A_608 : memref<1x1x1x8x128xf32, #tpu.memory_space<hbm>> -> memref<8x128xf32, #tpu.memory_space<hbm>>
      %dma_start3A_610 = arith.constant 32 : i32
      %dma_start3A_611 = arith.constant 0 : i32
      %dma_start3A_612 = tpu.memref_slice %arg8[%dma_start3A_593, %dma_start3A_610, %dma_start3A_611] : memref<4x64x133xf32, #tpu.memory_space<vmem>> -> memref<1x8x128xf32, #tpu.memory_space<vmem>>
      %dma_start3A_613 = tpu.memref_squeeze %dma_start3A_612 : memref<1x8x128xf32, #tpu.memory_space<vmem>> -> memref<8x128xf32, #tpu.memory_space<vmem>>
      tpu.enqueue_dma source(%dma_start3A_613 : memref<8x128xf32, #tpu.memory_space<vmem>>) target(%dma_start3A_609 : memref<8x128xf32, #tpu.memory_space<hbm>>) target_semaphore(%dma_start3A_605 : memref<!tpu.dma_semaphore, #tpu.memory_space<semaphore_mem>>)
      %dma_start3A_614 = arith.constant 0 : i32
      %dma_start3A_615 = arith.constant 5 : i32
      %dma_start3A_616 = arith.constant 0 : i32
      %dma_start3A_617 = arith.constant 40 : i32
      %dma_start3A_618 = arith.constant 0 : i32
      %dma_start3A_619 = tpu.memref_slice %arg8[%dma_start3A_614, %dma_start3A_617, %dma_start3A_618] : memref<4x64x133xf32, #tpu.memory_space<vmem>> -> memref<1x8x128xf32, #tpu.memory_space<vmem>>
      %dma_start3A_620 = tpu.memref_squeeze %dma_start3A_619 : memref<1x8x128xf32, #tpu.memory_space<vmem>> -> memref<8x128xf32, #tpu.memory_space<vmem>>
      %dma_start3A_621 = arith.constant 0 : i32
      %dma_start3A_622 = arith.constant 0 : i32
      %dma_start3A_623 = tpu.memref_slice %arg4[%add3A_488, %dma_start3A_615, %add3A, %dma_start3A_621, %dma_start3A_622] : memref<200x8x32x8x128xf32, #tpu.memory_space<hbm>> -> memref<1x1x1x8x128xf32, #tpu.memory_space<hbm>>
      %dma_start3A_624 = tpu.memref_squeeze %dma_start3A_623 : memref<1x1x1x8x128xf32, #tpu.memory_space<hbm>> -> memref<8x128xf32, #tpu.memory_space<hbm>>
      %dma_start3A_625 = tpu.memref_slice %arg10[%dma_start3A_616] : memref<4x!tpu.dma_semaphore, #tpu.memory_space<semaphore_mem>> -> memref<1x!tpu.dma_semaphore, #tpu.memory_space<semaphore_mem>>
      %dma_start3A_626 = tpu.memref_squeeze %dma_start3A_625 : memref<1x!tpu.dma_semaphore, #tpu.memory_space<semaphore_mem>> -> memref<!tpu.dma_semaphore, #tpu.memory_space<semaphore_mem>>
      %dma_start3A_627 = arith.constant 0 : i32
      %dma_start3A_628 = arith.constant 0 : i32
      %dma_start3A_629 = tpu.memref_slice %arg4[%add3A_488, %dma_start3A_615, %add3A, %dma_start3A_627, %dma_start3A_628] : memref<200x8x32x8x128xf32, #tpu.memory_space<hbm>> -> memref<1x1x1x8x128xf32, #tpu.memory_space<hbm>>
      %dma_start3A_630 = tpu.memref_squeeze %dma_start3A_629 : memref<1x1x1x8x128xf32, #tpu.memory_space<hbm>> -> memref<8x128xf32, #tpu.memory_space<hbm>>
      %dma_start3A_631 = arith.constant 40 : i32
      %dma_start3A_632 = arith.constant 0 : i32
      %dma_start3A_633 = tpu.memref_slice %arg8[%dma_start3A_614, %dma_start3A_631, %dma_start3A_632] : memref<4x64x133xf32, #tpu.memory_space<vmem>> -> memref<1x8x128xf32, #tpu.memory_space<vmem>>
      %dma_start3A_634 = tpu.memref_squeeze %dma_start3A_633 : memref<1x8x128xf32, #tpu.memory_space<vmem>> -> memref<8x128xf32, #tpu.memory_space<vmem>>
      tpu.enqueue_dma source(%dma_start3A_634 : memref<8x128xf32, #tpu.memory_space<vmem>>) target(%dma_start3A_630 : memref<8x128xf32, #tpu.memory_space<hbm>>) target_semaphore(%dma_start3A_626 : memref<!tpu.dma_semaphore, #tpu.memory_space<semaphore_mem>>)
      %dma_start3A_635 = arith.constant 0 : i32
      %dma_start3A_636 = arith.constant 6 : i32
      %dma_start3A_637 = arith.constant 0 : i32
      %dma_start3A_638 = arith.constant 48 : i32
      %dma_start3A_639 = arith.constant 0 : i32
      %dma_start3A_640 = tpu.memref_slice %arg8[%dma_start3A_635, %dma_start3A_638, %dma_start3A_639] : memref<4x64x133xf32, #tpu.memory_space<vmem>> -> memref<1x8x128xf32, #tpu.memory_space<vmem>>
      %dma_start3A_641 = tpu.memref_squeeze %dma_start3A_640 : memref<1x8x128xf32, #tpu.memory_space<vmem>> -> memref<8x128xf32, #tpu.memory_space<vmem>>
      %dma_start3A_642 = arith.constant 0 : i32
      %dma_start3A_643 = arith.constant 0 : i32
      %dma_start3A_644 = tpu.memref_slice %arg4[%add3A_488, %dma_start3A_636, %add3A, %dma_start3A_642, %dma_start3A_643] : memref<200x8x32x8x128xf32, #tpu.memory_space<hbm>> -> memref<1x1x1x8x128xf32, #tpu.memory_space<hbm>>
      %dma_start3A_645 = tpu.memref_squeeze %dma_start3A_644 : memref<1x1x1x8x128xf32, #tpu.memory_space<hbm>> -> memref<8x128xf32, #tpu.memory_space<hbm>>
      %dma_start3A_646 = tpu.memref_slice %arg10[%dma_start3A_637] : memref<4x!tpu.dma_semaphore, #tpu.memory_space<semaphore_mem>> -> memref<1x!tpu.dma_semaphore, #tpu.memory_space<semaphore_mem>>
      %dma_start3A_647 = tpu.memref_squeeze %dma_start3A_646 : memref<1x!tpu.dma_semaphore, #tpu.memory_space<semaphore_mem>> -> memref<!tpu.dma_semaphore, #tpu.memory_space<semaphore_mem>>
      %dma_start3A_648 = arith.constant 0 : i32
      %dma_start3A_649 = arith.constant 0 : i32
      %dma_start3A_650 = tpu.memref_slice %arg4[%add3A_488, %dma_start3A_636, %add3A, %dma_start3A_648, %dma_start3A_649] : memref<200x8x32x8x128xf32, #tpu.memory_space<hbm>> -> memref<1x1x1x8x128xf32, #tpu.memory_space<hbm>>
      %dma_start3A_651 = tpu.memref_squeeze %dma_start3A_650 : memref<1x1x1x8x128xf32, #tpu.memory_space<hbm>> -> memref<8x128xf32, #tpu.memory_space<hbm>>
      %dma_start3A_652 = arith.constant 48 : i32
      %dma_start3A_653 = arith.constant 0 : i32
      %dma_start3A_654 = tpu.memref_slice %arg8[%dma_start3A_635, %dma_start3A_652, %dma_start3A_653] : memref<4x64x133xf32, #tpu.memory_space<vmem>> -> memref<1x8x128xf32, #tpu.memory_space<vmem>>
      %dma_start3A_655 = tpu.memref_squeeze %dma_start3A_654 : memref<1x8x128xf32, #tpu.memory_space<vmem>> -> memref<8x128xf32, #tpu.memory_space<vmem>>
      tpu.enqueue_dma source(%dma_start3A_655 : memref<8x128xf32, #tpu.memory_space<vmem>>) target(%dma_start3A_651 : memref<8x128xf32, #tpu.memory_space<hbm>>) target_semaphore(%dma_start3A_647 : memref<!tpu.dma_semaphore, #tpu.memory_space<semaphore_mem>>)
      %dma_start3A_656 = arith.constant 0 : i32
      %dma_start3A_657 = arith.constant 7 : i32
      %dma_start3A_658 = arith.constant 0 : i32
      %dma_start3A_659 = arith.constant 56 : i32
      %dma_start3A_660 = arith.constant 0 : i32
      %dma_start3A_661 = tpu.memref_slice %arg8[%dma_start3A_656, %dma_start3A_659, %dma_start3A_660] : memref<4x64x133xf32, #tpu.memory_space<vmem>> -> memref<1x8x128xf32, #tpu.memory_space<vmem>>
      %dma_start3A_662 = tpu.memref_squeeze %dma_start3A_661 : memref<1x8x128xf32, #tpu.memory_space<vmem>> -> memref<8x128xf32, #tpu.memory_space<vmem>>
      %dma_start3A_663 = arith.constant 0 : i32
      %dma_start3A_664 = arith.constant 0 : i32
      %dma_start3A_665 = tpu.memref_slice %arg4[%add3A_488, %dma_start3A_657, %add3A, %dma_start3A_663, %dma_start3A_664] : memref<200x8x32x8x128xf32, #tpu.memory_space<hbm>> -> memref<1x1x1x8x128xf32, #tpu.memory_space<hbm>>
      %dma_start3A_666 = tpu.memref_squeeze %dma_start3A_665 : memref<1x1x1x8x128xf32, #tpu.memory_space<hbm>> -> memref<8x128xf32, #tpu.memory_space<hbm>>
      %dma_start3A_667 = tpu.memref_slice %arg10[%dma_start3A_658] : memref<4x!tpu.dma_semaphore, #tpu.memory_space<semaphore_mem>> -> memref<1x!tpu.dma_semaphore, #tpu.memory_space<semaphore_mem>>
      %dma_start3A_668 = tpu.memref_squeeze %dma_start3A_667 : memref<1x!tpu.dma_semaphore, #tpu.memory_space<semaphore_mem>> -> memref<!tpu.dma_semaphore, #tpu.memory_space<semaphore_mem>>
      %dma_start3A_669 = arith.constant 0 : i32
      %dma_start3A_670 = arith.constant 0 : i32
      %dma_start3A_671 = tpu.memref_slice %arg4[%add3A_488, %dma_start3A_657, %add3A, %dma_start3A_669, %dma_start3A_670] : memref<200x8x32x8x128xf32, #tpu.memory_space<hbm>> -> memref<1x1x1x8x128xf32, #tpu.memory_space<hbm>>
      %dma_start3A_672 = tpu.memref_squeeze %dma_start3A_671 : memref<1x1x1x8x128xf32, #tpu.memory_space<hbm>> -> memref<8x128xf32, #tpu.memory_space<hbm>>
      %dma_start3A_673 = arith.constant 56 : i32
      %dma_start3A_674 = arith.constant 0 : i32
      %dma_start3A_675 = tpu.memref_slice %arg8[%dma_start3A_656, %dma_start3A_673, %dma_start3A_674] : memref<4x64x133xf32, #tpu.memory_space<vmem>> -> memref<1x8x128xf32, #tpu.memory_space<vmem>>
      %dma_start3A_676 = tpu.memref_squeeze %dma_start3A_675 : memref<1x8x128xf32, #tpu.memory_space<vmem>> -> memref<8x128xf32, #tpu.memory_space<vmem>>
      tpu.enqueue_dma source(%dma_start3A_676 : memref<8x128xf32, #tpu.memory_space<vmem>>) target(%dma_start3A_672 : memref<8x128xf32, #tpu.memory_space<hbm>>) target_semaphore(%dma_start3A_668 : memref<!tpu.dma_semaphore, #tpu.memory_space<semaphore_mem>>)
      %ge3A = arith.constant 2 : i32
      %ge3A_677 = arith.cmpi sge, %add3A_488, %ge3A : i32
      %convert_element_type3A = arith.extui %ge3A_677 : i1 to i32
      %cond3A = arith.constant 0 : i32
      %cond3A_678 = arith.cmpi ne, %convert_element_type3A, %cond3A : i32
      scf.if %cond3A_678 {
        %sub3A = arith.constant 2 : i32
        %sub3A_1297 = arith.subi %add3A_488, %sub3A : i32
        %dma_wait3A_1298 = arith.constant 2 : i32
        %dma_wait3A_1299 = arith.constant 0 : i32
        %dma_wait3A_1300 = arith.constant 2 : i32
        %dma_wait3A_1301 = arith.constant 0 : i32
        %dma_wait3A_1302 = arith.constant 0 : i32
        %dma_wait3A_1303 = tpu.memref_slice %arg8[%dma_wait3A_1298, %dma_wait3A_1301, %dma_wait3A_1302] : memref<4x64x133xf32, #tpu.memory_space<vmem>> -> memref<1x8x128xf32, #tpu.memory_space<vmem>>
        %dma_wait3A_1304 = tpu.memref_squeeze %dma_wait3A_1303 : memref<1x8x128xf32, #tpu.memory_space<vmem>> -> memref<8x128xf32, #tpu.memory_space<vmem>>
        %dma_wait3A_1305 = arith.constant 0 : i32
        %dma_wait3A_1306 = arith.constant 0 : i32
        %dma_wait3A_1307 = tpu.memref_slice %arg4[%sub3A_1297, %dma_wait3A_1299, %add3A, %dma_wait3A_1305, %dma_wait3A_1306] : memref<200x8x32x8x128xf32, #tpu.memory_space<hbm>> -> memref<1x1x1x8x128xf32, #tpu.memory_space<hbm>>
        %dma_wait3A_1308 = tpu.memref_squeeze %dma_wait3A_1307 : memref<1x1x1x8x128xf32, #tpu.memory_space<hbm>> -> memref<8x128xf32, #tpu.memory_space<hbm>>
        %dma_wait3A_1309 = tpu.memref_slice %arg10[%dma_wait3A_1300] : memref<4x!tpu.dma_semaphore, #tpu.memory_space<semaphore_mem>> -> memref<1x!tpu.dma_semaphore, #tpu.memory_space<semaphore_mem>>
        %dma_wait3A_1310 = tpu.memref_squeeze %dma_wait3A_1309 : memref<1x!tpu.dma_semaphore, #tpu.memory_space<semaphore_mem>> -> memref<!tpu.dma_semaphore, #tpu.memory_space<semaphore_mem>>
        %dma_wait3A_1311 = arith.constant 0 : i32
        %dma_wait3A_1312 = arith.constant 0 : i32
        %dma_wait3A_1313 = tpu.memref_slice %arg4[%sub3A_1297, %dma_wait3A_1299, %add3A, %dma_wait3A_1311, %dma_wait3A_1312] : memref<200x8x32x8x128xf32, #tpu.memory_space<hbm>> -> memref<1x1x1x8x128xf32, #tpu.memory_space<hbm>>
        %dma_wait3A_1314 = tpu.memref_squeeze %dma_wait3A_1313 : memref<1x1x1x8x128xf32, #tpu.memory_space<hbm>> -> memref<8x128xf32, #tpu.memory_space<hbm>>
        %dma_wait3A_1315 = arith.constant 0 : i32
        %dma_wait3A_1316 = arith.constant 0 : i32
        %dma_wait3A_1317 = tpu.memref_slice %arg8[%dma_wait3A_1298, %dma_wait3A_1315, %dma_wait3A_1316] : memref<4x64x133xf32, #tpu.memory_space<vmem>> -> memref<1x8x128xf32, #tpu.memory_space<vmem>>
        %dma_wait3A_1318 = tpu.memref_squeeze %dma_wait3A_1317 : memref<1x8x128xf32, #tpu.memory_space<vmem>> -> memref<8x128xf32, #tpu.memory_space<vmem>>
        tpu.wait_dma2 semaphore(%dma_wait3A_1310 : memref<!tpu.dma_semaphore, #tpu.memory_space<semaphore_mem>>) src(%dma_wait3A_1318 : memref<8x128xf32, #tpu.memory_space<vmem>>) dst(%dma_wait3A_1314 : memref<8x128xf32, #tpu.memory_space<hbm>>)
        %dma_wait3A_1319 = arith.constant 2 : i32
        %dma_wait3A_1320 = arith.constant 1 : i32
        %dma_wait3A_1321 = arith.constant 2 : i32
        %dma_wait3A_1322 = arith.constant 8 : i32
        %dma_wait3A_1323 = arith.constant 0 : i32
        %dma_wait3A_1324 = tpu.memref_slice %arg8[%dma_wait3A_1319, %dma_wait3A_1322, %dma_wait3A_1323] : memref<4x64x133xf32, #tpu.memory_space<vmem>> -> memref<1x8x128xf32, #tpu.memory_space<vmem>>
        %dma_wait3A_1325 = tpu.memref_squeeze %dma_wait3A_1324 : memref<1x8x128xf32, #tpu.memory_space<vmem>> -> memref<8x128xf32, #tpu.memory_space<vmem>>
        %dma_wait3A_1326 = arith.constant 0 : i32
        %dma_wait3A_1327 = arith.constant 0 : i32
        %dma_wait3A_1328 = tpu.memref_slice %arg4[%sub3A_1297, %dma_wait3A_1320, %add3A, %dma_wait3A_1326, %dma_wait3A_1327] : memref<200x8x32x8x128xf32, #tpu.memory_space<hbm>> -> memref<1x1x1x8x128xf32, #tpu.memory_space<hbm>>
        %dma_wait3A_1329 = tpu.memref_squeeze %dma_wait3A_1328 : memref<1x1x1x8x128xf32, #tpu.memory_space<hbm>> -> memref<8x128xf32, #tpu.memory_space<hbm>>
        %dma_wait3A_1330 = tpu.memref_slice %arg10[%dma_wait3A_1321] : memref<4x!tpu.dma_semaphore, #tpu.memory_space<semaphore_mem>> -> memref<1x!tpu.dma_semaphore, #tpu.memory_space<semaphore_mem>>
        %dma_wait3A_1331 = tpu.memref_squeeze %dma_wait3A_1330 : memref<1x!tpu.dma_semaphore, #tpu.memory_space<semaphore_mem>> -> memref<!tpu.dma_semaphore, #tpu.memory_space<semaphore_mem>>
        %dma_wait3A_1332 = arith.constant 0 : i32
        %dma_wait3A_1333 = arith.constant 0 : i32
        %dma_wait3A_1334 = tpu.memref_slice %arg4[%sub3A_1297, %dma_wait3A_1320, %add3A, %dma_wait3A_1332, %dma_wait3A_1333] : memref<200x8x32x8x128xf32, #tpu.memory_space<hbm>> -> memref<1x1x1x8x128xf32, #tpu.memory_space<hbm>>
        %dma_wait3A_1335 = tpu.memref_squeeze %dma_wait3A_1334 : memref<1x1x1x8x128xf32, #tpu.memory_space<hbm>> -> memref<8x128xf32, #tpu.memory_space<hbm>>
        %dma_wait3A_1336 = arith.constant 8 : i32
        %dma_wait3A_1337 = arith.constant 0 : i32
        %dma_wait3A_1338 = tpu.memref_slice %arg8[%dma_wait3A_1319, %dma_wait3A_1336, %dma_wait3A_1337] : memref<4x64x133xf32, #tpu.memory_space<vmem>> -> memref<1x8x128xf32, #tpu.memory_space<vmem>>
        %dma_wait3A_1339 = tpu.memref_squeeze %dma_wait3A_1338 : memref<1x8x128xf32, #tpu.memory_space<vmem>> -> memref<8x128xf32, #tpu.memory_space<vmem>>
        tpu.wait_dma2 semaphore(%dma_wait3A_1331 : memref<!tpu.dma_semaphore, #tpu.memory_space<semaphore_mem>>) src(%dma_wait3A_1339 : memref<8x128xf32, #tpu.memory_space<vmem>>) dst(%dma_wait3A_1335 : memref<8x128xf32, #tpu.memory_space<hbm>>)
        %dma_wait3A_1340 = arith.constant 2 : i32
        %dma_wait3A_1341 = arith.constant 2 : i32
        %dma_wait3A_1342 = arith.constant 2 : i32
        %dma_wait3A_1343 = arith.constant 16 : i32
        %dma_wait3A_1344 = arith.constant 0 : i32
        %dma_wait3A_1345 = tpu.memref_slice %arg8[%dma_wait3A_1340, %dma_wait3A_1343, %dma_wait3A_1344] : memref<4x64x133xf32, #tpu.memory_space<vmem>> -> memref<1x8x128xf32, #tpu.memory_space<vmem>>
        %dma_wait3A_1346 = tpu.memref_squeeze %dma_wait3A_1345 : memref<1x8x128xf32, #tpu.memory_space<vmem>> -> memref<8x128xf32, #tpu.memory_space<vmem>>
        %dma_wait3A_1347 = arith.constant 0 : i32
        %dma_wait3A_1348 = arith.constant 0 : i32
        %dma_wait3A_1349 = tpu.memref_slice %arg4[%sub3A_1297, %dma_wait3A_1341, %add3A, %dma_wait3A_1347, %dma_wait3A_1348] : memref<200x8x32x8x128xf32, #tpu.memory_space<hbm>> -> memref<1x1x1x8x128xf32, #tpu.memory_space<hbm>>
        %dma_wait3A_1350 = tpu.memref_squeeze %dma_wait3A_1349 : memref<1x1x1x8x128xf32, #tpu.memory_space<hbm>> -> memref<8x128xf32, #tpu.memory_space<hbm>>
        %dma_wait3A_1351 = tpu.memref_slice %arg10[%dma_wait3A_1342] : memref<4x!tpu.dma_semaphore, #tpu.memory_space<semaphore_mem>> -> memref<1x!tpu.dma_semaphore, #tpu.memory_space<semaphore_mem>>
        %dma_wait3A_1352 = tpu.memref_squeeze %dma_wait3A_1351 : memref<1x!tpu.dma_semaphore, #tpu.memory_space<semaphore_mem>> -> memref<!tpu.dma_semaphore, #tpu.memory_space<semaphore_mem>>
        %dma_wait3A_1353 = arith.constant 0 : i32
        %dma_wait3A_1354 = arith.constant 0 : i32
        %dma_wait3A_1355 = tpu.memref_slice %arg4[%sub3A_1297, %dma_wait3A_1341, %add3A, %dma_wait3A_1353, %dma_wait3A_1354] : memref<200x8x32x8x128xf32, #tpu.memory_space<hbm>> -> memref<1x1x1x8x128xf32, #tpu.memory_space<hbm>>
        %dma_wait3A_1356 = tpu.memref_squeeze %dma_wait3A_1355 : memref<1x1x1x8x128xf32, #tpu.memory_space<hbm>> -> memref<8x128xf32, #tpu.memory_space<hbm>>
        %dma_wait3A_1357 = arith.constant 16 : i32
        %dma_wait3A_1358 = arith.constant 0 : i32
        %dma_wait3A_1359 = tpu.memref_slice %arg8[%dma_wait3A_1340, %dma_wait3A_1357, %dma_wait3A_1358] : memref<4x64x133xf32, #tpu.memory_space<vmem>> -> memref<1x8x128xf32, #tpu.memory_space<vmem>>
        %dma_wait3A_1360 = tpu.memref_squeeze %dma_wait3A_1359 : memref<1x8x128xf32, #tpu.memory_space<vmem>> -> memref<8x128xf32, #tpu.memory_space<vmem>>
        tpu.wait_dma2 semaphore(%dma_wait3A_1352 : memref<!tpu.dma_semaphore, #tpu.memory_space<semaphore_mem>>) src(%dma_wait3A_1360 : memref<8x128xf32, #tpu.memory_space<vmem>>) dst(%dma_wait3A_1356 : memref<8x128xf32, #tpu.memory_space<hbm>>)
        %dma_wait3A_1361 = arith.constant 2 : i32
        %dma_wait3A_1362 = arith.constant 3 : i32
        %dma_wait3A_1363 = arith.constant 2 : i32
        %dma_wait3A_1364 = arith.constant 24 : i32
        %dma_wait3A_1365 = arith.constant 0 : i32
        %dma_wait3A_1366 = tpu.memref_slice %arg8[%dma_wait3A_1361, %dma_wait3A_1364, %dma_wait3A_1365] : memref<4x64x133xf32, #tpu.memory_space<vmem>> -> memref<1x8x128xf32, #tpu.memory_space<vmem>>
        %dma_wait3A_1367 = tpu.memref_squeeze %dma_wait3A_1366 : memref<1x8x128xf32, #tpu.memory_space<vmem>> -> memref<8x128xf32, #tpu.memory_space<vmem>>
        %dma_wait3A_1368 = arith.constant 0 : i32
        %dma_wait3A_1369 = arith.constant 0 : i32
        %dma_wait3A_1370 = tpu.memref_slice %arg4[%sub3A_1297, %dma_wait3A_1362, %add3A, %dma_wait3A_1368, %dma_wait3A_1369] : memref<200x8x32x8x128xf32, #tpu.memory_space<hbm>> -> memref<1x1x1x8x128xf32, #tpu.memory_space<hbm>>
        %dma_wait3A_1371 = tpu.memref_squeeze %dma_wait3A_1370 : memref<1x1x1x8x128xf32, #tpu.memory_space<hbm>> -> memref<8x128xf32, #tpu.memory_space<hbm>>
        %dma_wait3A_1372 = tpu.memref_slice %arg10[%dma_wait3A_1363] : memref<4x!tpu.dma_semaphore, #tpu.memory_space<semaphore_mem>> -> memref<1x!tpu.dma_semaphore, #tpu.memory_space<semaphore_mem>>
        %dma_wait3A_1373 = tpu.memref_squeeze %dma_wait3A_1372 : memref<1x!tpu.dma_semaphore, #tpu.memory_space<semaphore_mem>> -> memref<!tpu.dma_semaphore, #tpu.memory_space<semaphore_mem>>
        %dma_wait3A_1374 = arith.constant 0 : i32
        %dma_wait3A_1375 = arith.constant 0 : i32
        %dma_wait3A_1376 = tpu.memref_slice %arg4[%sub3A_1297, %dma_wait3A_1362, %add3A, %dma_wait3A_1374, %dma_wait3A_1375] : memref<200x8x32x8x128xf32, #tpu.memory_space<hbm>> -> memref<1x1x1x8x128xf32, #tpu.memory_space<hbm>>
        %dma_wait3A_1377 = tpu.memref_squeeze %dma_wait3A_1376 : memref<1x1x1x8x128xf32, #tpu.memory_space<hbm>> -> memref<8x128xf32, #tpu.memory_space<hbm>>
        %dma_wait3A_1378 = arith.constant 24 : i32
        %dma_wait3A_1379 = arith.constant 0 : i32
        %dma_wait3A_1380 = tpu.memref_slice %arg8[%dma_wait3A_1361, %dma_wait3A_1378, %dma_wait3A_1379] : memref<4x64x133xf32, #tpu.memory_space<vmem>> -> memref<1x8x128xf32, #tpu.memory_space<vmem>>
        %dma_wait3A_1381 = tpu.memref_squeeze %dma_wait3A_1380 : memref<1x8x128xf32, #tpu.memory_space<vmem>> -> memref<8x128xf32, #tpu.memory_space<vmem>>
        tpu.wait_dma2 semaphore(%dma_wait3A_1373 : memref<!tpu.dma_semaphore, #tpu.memory_space<semaphore_mem>>) src(%dma_wait3A_1381 : memref<8x128xf32, #tpu.memory_space<vmem>>) dst(%dma_wait3A_1377 : memref<8x128xf32, #tpu.memory_space<hbm>>)
        %dma_wait3A_1382 = arith.constant 2 : i32
        %dma_wait3A_1383 = arith.constant 4 : i32
        %dma_wait3A_1384 = arith.constant 2 : i32
        %dma_wait3A_1385 = arith.constant 32 : i32
        %dma_wait3A_1386 = arith.constant 0 : i32
        %dma_wait3A_1387 = tpu.memref_slice %arg8[%dma_wait3A_1382, %dma_wait3A_1385, %dma_wait3A_1386] : memref<4x64x133xf32, #tpu.memory_space<vmem>> -> memref<1x8x128xf32, #tpu.memory_space<vmem>>
        %dma_wait3A_1388 = tpu.memref_squeeze %dma_wait3A_1387 : memref<1x8x128xf32, #tpu.memory_space<vmem>> -> memref<8x128xf32, #tpu.memory_space<vmem>>
        %dma_wait3A_1389 = arith.constant 0 : i32
        %dma_wait3A_1390 = arith.constant 0 : i32
        %dma_wait3A_1391 = tpu.memref_slice %arg4[%sub3A_1297, %dma_wait3A_1383, %add3A, %dma_wait3A_1389, %dma_wait3A_1390] : memref<200x8x32x8x128xf32, #tpu.memory_space<hbm>> -> memref<1x1x1x8x128xf32, #tpu.memory_space<hbm>>
        %dma_wait3A_1392 = tpu.memref_squeeze %dma_wait3A_1391 : memref<1x1x1x8x128xf32, #tpu.memory_space<hbm>> -> memref<8x128xf32, #tpu.memory_space<hbm>>
        %dma_wait3A_1393 = tpu.memref_slice %arg10[%dma_wait3A_1384] : memref<4x!tpu.dma_semaphore, #tpu.memory_space<semaphore_mem>> -> memref<1x!tpu.dma_semaphore, #tpu.memory_space<semaphore_mem>>
        %dma_wait3A_1394 = tpu.memref_squeeze %dma_wait3A_1393 : memref<1x!tpu.dma_semaphore, #tpu.memory_space<semaphore_mem>> -> memref<!tpu.dma_semaphore, #tpu.memory_space<semaphore_mem>>
        %dma_wait3A_1395 = arith.constant 0 : i32
        %dma_wait3A_1396 = arith.constant 0 : i32
        %dma_wait3A_1397 = tpu.memref_slice %arg4[%sub3A_1297, %dma_wait3A_1383, %add3A, %dma_wait3A_1395, %dma_wait3A_1396] : memref<200x8x32x8x128xf32, #tpu.memory_space<hbm>> -> memref<1x1x1x8x128xf32, #tpu.memory_space<hbm>>
        %dma_wait3A_1398 = tpu.memref_squeeze %dma_wait3A_1397 : memref<1x1x1x8x128xf32, #tpu.memory_space<hbm>> -> memref<8x128xf32, #tpu.memory_space<hbm>>
        %dma_wait3A_1399 = arith.constant 32 : i32
        %dma_wait3A_1400 = arith.constant 0 : i32
        %dma_wait3A_1401 = tpu.memref_slice %arg8[%dma_wait3A_1382, %dma_wait3A_1399, %dma_wait3A_1400] : memref<4x64x133xf32, #tpu.memory_space<vmem>> -> memref<1x8x128xf32, #tpu.memory_space<vmem>>
        %dma_wait3A_1402 = tpu.memref_squeeze %dma_wait3A_1401 : memref<1x8x128xf32, #tpu.memory_space<vmem>> -> memref<8x128xf32, #tpu.memory_space<vmem>>
        tpu.wait_dma2 semaphore(%dma_wait3A_1394 : memref<!tpu.dma_semaphore, #tpu.memory_space<semaphore_mem>>) src(%dma_wait3A_1402 : memref<8x128xf32, #tpu.memory_space<vmem>>) dst(%dma_wait3A_1398 : memref<8x128xf32, #tpu.memory_space<hbm>>)
        %dma_wait3A_1403 = arith.constant 2 : i32
        %dma_wait3A_1404 = arith.constant 5 : i32
        %dma_wait3A_1405 = arith.constant 2 : i32
        %dma_wait3A_1406 = arith.constant 40 : i32
        %dma_wait3A_1407 = arith.constant 0 : i32
        %dma_wait3A_1408 = tpu.memref_slice %arg8[%dma_wait3A_1403, %dma_wait3A_1406, %dma_wait3A_1407] : memref<4x64x133xf32, #tpu.memory_space<vmem>> -> memref<1x8x128xf32, #tpu.memory_space<vmem>>
        %dma_wait3A_1409 = tpu.memref_squeeze %dma_wait3A_1408 : memref<1x8x128xf32, #tpu.memory_space<vmem>> -> memref<8x128xf32, #tpu.memory_space<vmem>>
        %dma_wait3A_1410 = arith.constant 0 : i32
        %dma_wait3A_1411 = arith.constant 0 : i32
        %dma_wait3A_1412 = tpu.memref_slice %arg4[%sub3A_1297, %dma_wait3A_1404, %add3A, %dma_wait3A_1410, %dma_wait3A_1411] : memref<200x8x32x8x128xf32, #tpu.memory_space<hbm>> -> memref<1x1x1x8x128xf32, #tpu.memory_space<hbm>>
        %dma_wait3A_1413 = tpu.memref_squeeze %dma_wait3A_1412 : memref<1x1x1x8x128xf32, #tpu.memory_space<hbm>> -> memref<8x128xf32, #tpu.memory_space<hbm>>
        %dma_wait3A_1414 = tpu.memref_slice %arg10[%dma_wait3A_1405] : memref<4x!tpu.dma_semaphore, #tpu.memory_space<semaphore_mem>> -> memref<1x!tpu.dma_semaphore, #tpu.memory_space<semaphore_mem>>
        %dma_wait3A_1415 = tpu.memref_squeeze %dma_wait3A_1414 : memref<1x!tpu.dma_semaphore, #tpu.memory_space<semaphore_mem>> -> memref<!tpu.dma_semaphore, #tpu.memory_space<semaphore_mem>>
        %dma_wait3A_1416 = arith.constant 0 : i32
        %dma_wait3A_1417 = arith.constant 0 : i32
        %dma_wait3A_1418 = tpu.memref_slice %arg4[%sub3A_1297, %dma_wait3A_1404, %add3A, %dma_wait3A_1416, %dma_wait3A_1417] : memref<200x8x32x8x128xf32, #tpu.memory_space<hbm>> -> memref<1x1x1x8x128xf32, #tpu.memory_space<hbm>>
        %dma_wait3A_1419 = tpu.memref_squeeze %dma_wait3A_1418 : memref<1x1x1x8x128xf32, #tpu.memory_space<hbm>> -> memref<8x128xf32, #tpu.memory_space<hbm>>
        %dma_wait3A_1420 = arith.constant 40 : i32
        %dma_wait3A_1421 = arith.constant 0 : i32
        %dma_wait3A_1422 = tpu.memref_slice %arg8[%dma_wait3A_1403, %dma_wait3A_1420, %dma_wait3A_1421] : memref<4x64x133xf32, #tpu.memory_space<vmem>> -> memref<1x8x128xf32, #tpu.memory_space<vmem>>
        %dma_wait3A_1423 = tpu.memref_squeeze %dma_wait3A_1422 : memref<1x8x128xf32, #tpu.memory_space<vmem>> -> memref<8x128xf32, #tpu.memory_space<vmem>>
        tpu.wait_dma2 semaphore(%dma_wait3A_1415 : memref<!tpu.dma_semaphore, #tpu.memory_space<semaphore_mem>>) src(%dma_wait3A_1423 : memref<8x128xf32, #tpu.memory_space<vmem>>) dst(%dma_wait3A_1419 : memref<8x128xf32, #tpu.memory_space<hbm>>)
        %dma_wait3A_1424 = arith.constant 2 : i32
        %dma_wait3A_1425 = arith.constant 6 : i32
        %dma_wait3A_1426 = arith.constant 2 : i32
        %dma_wait3A_1427 = arith.constant 48 : i32
        %dma_wait3A_1428 = arith.constant 0 : i32
        %dma_wait3A_1429 = tpu.memref_slice %arg8[%dma_wait3A_1424, %dma_wait3A_1427, %dma_wait3A_1428] : memref<4x64x133xf32, #tpu.memory_space<vmem>> -> memref<1x8x128xf32, #tpu.memory_space<vmem>>
        %dma_wait3A_1430 = tpu.memref_squeeze %dma_wait3A_1429 : memref<1x8x128xf32, #tpu.memory_space<vmem>> -> memref<8x128xf32, #tpu.memory_space<vmem>>
        %dma_wait3A_1431 = arith.constant 0 : i32
        %dma_wait3A_1432 = arith.constant 0 : i32
        %dma_wait3A_1433 = tpu.memref_slice %arg4[%sub3A_1297, %dma_wait3A_1425, %add3A, %dma_wait3A_1431, %dma_wait3A_1432] : memref<200x8x32x8x128xf32, #tpu.memory_space<hbm>> -> memref<1x1x1x8x128xf32, #tpu.memory_space<hbm>>
        %dma_wait3A_1434 = tpu.memref_squeeze %dma_wait3A_1433 : memref<1x1x1x8x128xf32, #tpu.memory_space<hbm>> -> memref<8x128xf32, #tpu.memory_space<hbm>>
        %dma_wait3A_1435 = tpu.memref_slice %arg10[%dma_wait3A_1426] : memref<4x!tpu.dma_semaphore, #tpu.memory_space<semaphore_mem>> -> memref<1x!tpu.dma_semaphore, #tpu.memory_space<semaphore_mem>>
        %dma_wait3A_1436 = tpu.memref_squeeze %dma_wait3A_1435 : memref<1x!tpu.dma_semaphore, #tpu.memory_space<semaphore_mem>> -> memref<!tpu.dma_semaphore, #tpu.memory_space<semaphore_mem>>
        %dma_wait3A_1437 = arith.constant 0 : i32
        %dma_wait3A_1438 = arith.constant 0 : i32
        %dma_wait3A_1439 = tpu.memref_slice %arg4[%sub3A_1297, %dma_wait3A_1425, %add3A, %dma_wait3A_1437, %dma_wait3A_1438] : memref<200x8x32x8x128xf32, #tpu.memory_space<hbm>> -> memref<1x1x1x8x128xf32, #tpu.memory_space<hbm>>
        %dma_wait3A_1440 = tpu.memref_squeeze %dma_wait3A_1439 : memref<1x1x1x8x128xf32, #tpu.memory_space<hbm>> -> memref<8x128xf32, #tpu.memory_space<hbm>>
        %dma_wait3A_1441 = arith.constant 48 : i32
        %dma_wait3A_1442 = arith.constant 0 : i32
        %dma_wait3A_1443 = tpu.memref_slice %arg8[%dma_wait3A_1424, %dma_wait3A_1441, %dma_wait3A_1442] : memref<4x64x133xf32, #tpu.memory_space<vmem>> -> memref<1x8x128xf32, #tpu.memory_space<vmem>>
        %dma_wait3A_1444 = tpu.memref_squeeze %dma_wait3A_1443 : memref<1x8x128xf32, #tpu.memory_space<vmem>> -> memref<8x128xf32, #tpu.memory_space<vmem>>
        tpu.wait_dma2 semaphore(%dma_wait3A_1436 : memref<!tpu.dma_semaphore, #tpu.memory_space<semaphore_mem>>) src(%dma_wait3A_1444 : memref<8x128xf32, #tpu.memory_space<vmem>>) dst(%dma_wait3A_1440 : memref<8x128xf32, #tpu.memory_space<hbm>>)
        %dma_wait3A_1445 = arith.constant 2 : i32
        %dma_wait3A_1446 = arith.constant 7 : i32
        %dma_wait3A_1447 = arith.constant 2 : i32
        %dma_wait3A_1448 = arith.constant 56 : i32
        %dma_wait3A_1449 = arith.constant 0 : i32
        %dma_wait3A_1450 = tpu.memref_slice %arg8[%dma_wait3A_1445, %dma_wait3A_1448, %dma_wait3A_1449] : memref<4x64x133xf32, #tpu.memory_space<vmem>> -> memref<1x8x128xf32, #tpu.memory_space<vmem>>
        %dma_wait3A_1451 = tpu.memref_squeeze %dma_wait3A_1450 : memref<1x8x128xf32, #tpu.memory_space<vmem>> -> memref<8x128xf32, #tpu.memory_space<vmem>>
        %dma_wait3A_1452 = arith.constant 0 : i32
        %dma_wait3A_1453 = arith.constant 0 : i32
        %dma_wait3A_1454 = tpu.memref_slice %arg4[%sub3A_1297, %dma_wait3A_1446, %add3A, %dma_wait3A_1452, %dma_wait3A_1453] : memref<200x8x32x8x128xf32, #tpu.memory_space<hbm>> -> memref<1x1x1x8x128xf32, #tpu.memory_space<hbm>>
        %dma_wait3A_1455 = tpu.memref_squeeze %dma_wait3A_1454 : memref<1x1x1x8x128xf32, #tpu.memory_space<hbm>> -> memref<8x128xf32, #tpu.memory_space<hbm>>
        %dma_wait3A_1456 = tpu.memref_slice %arg10[%dma_wait3A_1447] : memref<4x!tpu.dma_semaphore, #tpu.memory_space<semaphore_mem>> -> memref<1x!tpu.dma_semaphore, #tpu.memory_space<semaphore_mem>>
        %dma_wait3A_1457 = tpu.memref_squeeze %dma_wait3A_1456 : memref<1x!tpu.dma_semaphore, #tpu.memory_space<semaphore_mem>> -> memref<!tpu.dma_semaphore, #tpu.memory_space<semaphore_mem>>
        %dma_wait3A_1458 = arith.constant 0 : i32
        %dma_wait3A_1459 = arith.constant 0 : i32
        %dma_wait3A_1460 = tpu.memref_slice %arg4[%sub3A_1297, %dma_wait3A_1446, %add3A, %dma_wait3A_1458, %dma_wait3A_1459] : memref<200x8x32x8x128xf32, #tpu.memory_space<hbm>> -> memref<1x1x1x8x128xf32, #tpu.memory_space<hbm>>
        %dma_wait3A_1461 = tpu.memref_squeeze %dma_wait3A_1460 : memref<1x1x1x8x128xf32, #tpu.memory_space<hbm>> -> memref<8x128xf32, #tpu.memory_space<hbm>>
        %dma_wait3A_1462 = arith.constant 56 : i32
        %dma_wait3A_1463 = arith.constant 0 : i32
        %dma_wait3A_1464 = tpu.memref_slice %arg8[%dma_wait3A_1445, %dma_wait3A_1462, %dma_wait3A_1463] : memref<4x64x133xf32, #tpu.memory_space<vmem>> -> memref<1x8x128xf32, #tpu.memory_space<vmem>>
        %dma_wait3A_1465 = tpu.memref_squeeze %dma_wait3A_1464 : memref<1x8x128xf32, #tpu.memory_space<vmem>> -> memref<8x128xf32, #tpu.memory_space<vmem>>
        tpu.wait_dma2 semaphore(%dma_wait3A_1457 : memref<!tpu.dma_semaphore, #tpu.memory_space<semaphore_mem>>) src(%dma_wait3A_1465 : memref<8x128xf32, #tpu.memory_space<vmem>>) dst(%dma_wait3A_1461 : memref<8x128xf32, #tpu.memory_space<hbm>>)
      } else {
      }
      %add3A_679 = arith.constant 4 : i32
      %add3A_680 = arith.addi %add3A_488, %add3A_679 : i32
      %lt3A = arith.constant 200 : i32
      %lt3A_681 = arith.cmpi slt, %add3A_680, %lt3A : i32
      %convert_element_type3A_682 = arith.extui %lt3A_681 : i1 to i32
      %cond3A_683 = arith.constant 0 : i32
      %cond3A_684 = arith.cmpi ne, %convert_element_type3A_682, %cond3A_683 : i32
      scf.if %cond3A_684 {
        %add3A_1297 = arith.constant 4 : i32
        %add3A_1298 = arith.addi %add3A_488, %add3A_1297 : i32
        %dma_start3A_1299 = arith.constant 0 : i32
        %dma_start3A_1300 = arith.constant 0 : i32
        %dma_start3A_1301 = arith.constant 0 : i32
        %dma_start3A_1302 = arith.constant 0 : i32
        %dma_start3A_1303 = tpu.memref_slice %arg7[%dma_start3A_1299, %dma_start3A_1301, %dma_start3A_1302] : memref<4x128x64xf32, #tpu.memory_space<vmem>> -> memref<1x128x64xf32, #tpu.memory_space<vmem>>
        %dma_start3A_1304 = tpu.memref_squeeze %dma_start3A_1303 : memref<1x128x64xf32, #tpu.memory_space<vmem>> -> memref<128x64xf32, #tpu.memory_space<vmem>>
        %dma_start3A_1305 = arith.constant 0 : i32
        %dma_start3A_1306 = tpu.memref_slice %arg6[%add3A_1298, %dma_start3A_1305] : memref<200x128xi32, #tpu.memory_space<vmem>> -> memref<1x128xi32, #tpu.memory_space<vmem>>
        %dma_start3A_1307 = tpu.memref_squeeze %dma_start3A_1306 : memref<1x128xi32, #tpu.memory_space<vmem>> -> memref<128xi32, #tpu.memory_space<vmem>>
        %dma_start3A_1308 = arith.constant 0 : i32
        %dma_start3A_1309 = arith.constant 0 : i32
        %dma_start3A_1310 = tpu.memref_slice %arg2[%dma_start3A_1308, %dma_start3A_1309] : memref<100000x64xf32, #tpu.memory_space<hbm>> -> memref<100000x64xf32, #tpu.memory_space<hbm>>
        %dma_start3A_1311 = tpu.memref_slice %arg9[%dma_start3A_1300] : memref<4x!tpu.dma_semaphore, #tpu.memory_space<semaphore_mem>> -> memref<1x!tpu.dma_semaphore, #tpu.memory_space<semaphore_mem>>
        %dma_start3A_1312 = tpu.memref_squeeze %dma_start3A_1311 : memref<1x!tpu.dma_semaphore, #tpu.memory_space<semaphore_mem>> -> memref<!tpu.dma_semaphore, #tpu.memory_space<semaphore_mem>>
        tpu.enqueue_indirect_dma source(%dma_start3A_1310 : memref<100000x64xf32, #tpu.memory_space<hbm>>) target(%dma_start3A_1304 : memref<128x64xf32, #tpu.memory_space<vmem>>) offsets(%dma_start3A_1307 : memref<128xi32, #tpu.memory_space<vmem>>) semaphore(%dma_start3A_1312 : memref<!tpu.dma_semaphore, #tpu.memory_space<semaphore_mem>>)
      } else {
      }
      %mul3A_685 = arith.constant 4 : i32
      %mul3A_686 = arith.muli %scan3A_484, %mul3A_685 : i32
      %add3A_687 = arith.constant 1 : i32
      %add3A_688 = arith.addi %mul3A_686, %add3A_687 : i32
      %dma_wait3A_689 = arith.constant 1 : i32
      %dma_wait3A_690 = arith.constant 1 : i32
      %dma_wait3A_691 = arith.constant 0 : i32
      %dma_wait3A_692 = arith.constant 0 : i32
      %dma_wait3A_693 = tpu.memref_slice %arg7[%dma_wait3A_689, %dma_wait3A_691, %dma_wait3A_692] : memref<4x128x64xf32, #tpu.memory_space<vmem>> -> memref<1x128x64xf32, #tpu.memory_space<vmem>>
      %dma_wait3A_694 = tpu.memref_squeeze %dma_wait3A_693 : memref<1x128x64xf32, #tpu.memory_space<vmem>> -> memref<128x64xf32, #tpu.memory_space<vmem>>
      %dma_wait3A_695 = arith.constant 0 : i32
      %dma_wait3A_696 = tpu.memref_slice %arg6[%add3A_688, %dma_wait3A_695] : memref<200x128xi32, #tpu.memory_space<vmem>> -> memref<1x128xi32, #tpu.memory_space<vmem>>
      %dma_wait3A_697 = tpu.memref_squeeze %dma_wait3A_696 : memref<1x128xi32, #tpu.memory_space<vmem>> -> memref<128xi32, #tpu.memory_space<vmem>>
      %dma_wait3A_698 = arith.constant 0 : i32
      %dma_wait3A_699 = arith.constant 0 : i32
      %dma_wait3A_700 = tpu.memref_slice %arg2[%dma_wait3A_698, %dma_wait3A_699] : memref<100000x64xf32, #tpu.memory_space<hbm>> -> memref<100000x64xf32, #tpu.memory_space<hbm>>
      %dma_wait3A_701 = tpu.memref_slice %arg9[%dma_wait3A_690] : memref<4x!tpu.dma_semaphore, #tpu.memory_space<semaphore_mem>> -> memref<1x!tpu.dma_semaphore, #tpu.memory_space<semaphore_mem>>
      %dma_wait3A_702 = tpu.memref_squeeze %dma_wait3A_701 : memref<1x!tpu.dma_semaphore, #tpu.memory_space<semaphore_mem>> -> memref<!tpu.dma_semaphore, #tpu.memory_space<semaphore_mem>>
      tpu.wait_indirect_dma semaphore(%dma_wait3A_702 : memref<!tpu.dma_semaphore, #tpu.memory_space<semaphore_mem>>) src(%dma_wait3A_700 : memref<100000x64xf32, #tpu.memory_space<hbm>>) dst(%dma_wait3A_694 : memref<128x64xf32, #tpu.memory_space<vmem>>)
      %scan3A_703 = arith.constant 0 : i32
      %scan3A_704 = arith.constant 0 : i32
      %scan3A_705 = arith.constant 32 : i32
      %scan3A_706 = arith.addi %scan3A_704, %scan3A_705 : i32
      %scan3A_707 = arith.constant 1 : i32
      scf.for %scan3A_1297 = %scan3A_704 to %scan3A_706 step %scan3A_707  : i32 {
        %mul3A_1298 = arith.constant 4 : i32
        %mul3A_1299 = arith.muli %scan3A_1297, %mul3A_1298 : i32
        %add3A_1300 = arith.constant 0 : i32
        %add3A_1301 = arith.addi %mul3A_1299, %add3A_1300 : i32
        %broadcast_in_dim3A = vector.broadcast %add3A_1301 : i32 to vector<16xi32>
        %get3A = arith.constant 1 : i32
        %get3A_1302 = arith.index_cast %get3A : i32 to index
        %get3A_1303 = arith.index_cast %add3A_1301 : i32 to index
        %get3A_1304 = arith.constant 0 : index
        %get3A_1305 = tpu.vector_load %arg7[%get3A_1302, %get3A_1303, %get3A_1304] {strides = array<i32>} : memref<4x128x64xf32, #tpu.memory_space<vmem>>, vector<16xf32>,
        %scatter3A = arith.constant 1 : i32
        %scatter3A_1306 = arith.constant 0 : i32
        %scatter3A_1307 = arith.constant 0 : i32
        %scatter3A_1308 = tpu.memref_slice %arg8[%scatter3A, %scatter3A_1306, %scatter3A_1307] : memref<4x64x133xf32, #tpu.memory_space<vmem>> -> memref<1x64x133xf32, #tpu.memory_space<vmem>>
        %scatter3A_1309 = tpu.memref_squeeze %scatter3A_1308 : memref<1x64x133xf32, #tpu.memory_space<vmem>> -> memref<64x133xf32, #tpu.memory_space<vmem>>
        tpu.vector_store_idx %scatter3A_1309[%add3A_58, %broadcast_in_dim3A], %get3A_1305 : memref<64x133xf32, #tpu.memory_space<vmem>>[vector<16xi32>, vector<16xi32>], vector<16xf32>,
        %get3A_1310 = arith.constant 1 : i32
        %get3A_1311 = arith.index_cast %get3A_1310 : i32 to index
        %get3A_1312 = arith.index_cast %add3A_1301 : i32 to index
        %get3A_1313 = arith.constant 16 : index
        %get3A_1314 = tpu.vector_load %arg7[%get3A_1311, %get3A_1312, %get3A_1313] {strides = array<i32>} : memref<4x128x64xf32, #tpu.memory_space<vmem>>, vector<16xf32>,
        %scatter3A_1315 = arith.constant 1 : i32
        %scatter3A_1316 = arith.constant 0 : i32
        %scatter3A_1317 = arith.constant 0 : i32
        %scatter3A_1318 = tpu.memref_slice %arg8[%scatter3A_1315, %scatter3A_1316, %scatter3A_1317] : memref<4x64x133xf32, #tpu.memory_space<vmem>> -> memref<1x64x133xf32, #tpu.memory_space<vmem>>
        %scatter3A_1319 = tpu.memref_squeeze %scatter3A_1318 : memref<1x64x133xf32, #tpu.memory_space<vmem>> -> memref<64x133xf32, #tpu.memory_space<vmem>>
        tpu.vector_store_idx %scatter3A_1319[%add3A_61, %broadcast_in_dim3A], %get3A_1314 : memref<64x133xf32, #tpu.memory_space<vmem>>[vector<16xi32>, vector<16xi32>], vector<16xf32>,
        %get3A_1320 = arith.constant 1 : i32
        %get3A_1321 = arith.index_cast %get3A_1320 : i32 to index
        %get3A_1322 = arith.index_cast %add3A_1301 : i32 to index
        %get3A_1323 = arith.constant 32 : index
        %get3A_1324 = tpu.vector_load %arg7[%get3A_1321, %get3A_1322, %get3A_1323] {strides = array<i32>} : memref<4x128x64xf32, #tpu.memory_space<vmem>>, vector<16xf32>,
        %scatter3A_1325 = arith.constant 1 : i32
        %scatter3A_1326 = arith.constant 0 : i32
        %scatter3A_1327 = arith.constant 0 : i32
        %scatter3A_1328 = tpu.memref_slice %arg8[%scatter3A_1325, %scatter3A_1326, %scatter3A_1327] : memref<4x64x133xf32, #tpu.memory_space<vmem>> -> memref<1x64x133xf32, #tpu.memory_space<vmem>>
        %scatter3A_1329 = tpu.memref_squeeze %scatter3A_1328 : memref<1x64x133xf32, #tpu.memory_space<vmem>> -> memref<64x133xf32, #tpu.memory_space<vmem>>
        tpu.vector_store_idx %scatter3A_1329[%add3A_64, %broadcast_in_dim3A], %get3A_1324 : memref<64x133xf32, #tpu.memory_space<vmem>>[vector<16xi32>, vector<16xi32>], vector<16xf32>,
        %get3A_1330 = arith.constant 1 : i32
        %get3A_1331 = arith.index_cast %get3A_1330 : i32 to index
        %get3A_1332 = arith.index_cast %add3A_1301 : i32 to index
        %get3A_1333 = arith.constant 48 : index
        %get3A_1334 = tpu.vector_load %arg7[%get3A_1331, %get3A_1332, %get3A_1333] {strides = array<i32>} : memref<4x128x64xf32, #tpu.memory_space<vmem>>, vector<16xf32>,
        %scatter3A_1335 = arith.constant 1 : i32
        %scatter3A_1336 = arith.constant 0 : i32
        %scatter3A_1337 = arith.constant 0 : i32
        %scatter3A_1338 = tpu.memref_slice %arg8[%scatter3A_1335, %scatter3A_1336, %scatter3A_1337] : memref<4x64x133xf32, #tpu.memory_space<vmem>> -> memref<1x64x133xf32, #tpu.memory_space<vmem>>
        %scatter3A_1339 = tpu.memref_squeeze %scatter3A_1338 : memref<1x64x133xf32, #tpu.memory_space<vmem>> -> memref<64x133xf32, #tpu.memory_space<vmem>>
        tpu.vector_store_idx %scatter3A_1339[%add3A_67, %broadcast_in_dim3A], %get3A_1334 : memref<64x133xf32, #tpu.memory_space<vmem>>[vector<16xi32>, vector<16xi32>], vector<16xf32>,
        %mul3A_1340 = arith.constant 4 : i32
        %mul3A_1341 = arith.muli %scan3A_1297, %mul3A_1340 : i32
        %add3A_1342 = arith.constant 1 : i32
        %add3A_1343 = arith.addi %mul3A_1341, %add3A_1342 : i32
        %broadcast_in_dim3A_1344 = vector.broadcast %add3A_1343 : i32 to vector<16xi32>
        %get3A_1345 = arith.constant 1 : i32
        %get3A_1346 = arith.index_cast %get3A_1345 : i32 to index
        %get3A_1347 = arith.index_cast %add3A_1343 : i32 to index
        %get3A_1348 = arith.constant 0 : index
        %get3A_1349 = tpu.vector_load %arg7[%get3A_1346, %get3A_1347, %get3A_1348] {strides = array<i32>} : memref<4x128x64xf32, #tpu.memory_space<vmem>>, vector<16xf32>,
        %scatter3A_1350 = arith.constant 1 : i32
        %scatter3A_1351 = arith.constant 0 : i32
        %scatter3A_1352 = arith.constant 0 : i32
        %scatter3A_1353 = tpu.memref_slice %arg8[%scatter3A_1350, %scatter3A_1351, %scatter3A_1352] : memref<4x64x133xf32, #tpu.memory_space<vmem>> -> memref<1x64x133xf32, #tpu.memory_space<vmem>>
        %scatter3A_1354 = tpu.memref_squeeze %scatter3A_1353 : memref<1x64x133xf32, #tpu.memory_space<vmem>> -> memref<64x133xf32, #tpu.memory_space<vmem>>
        tpu.vector_store_idx %scatter3A_1354[%add3A_58, %broadcast_in_dim3A_1344], %get3A_1349 : memref<64x133xf32, #tpu.memory_space<vmem>>[vector<16xi32>, vector<16xi32>], vector<16xf32>,
        %get3A_1355 = arith.constant 1 : i32
        %get3A_1356 = arith.index_cast %get3A_1355 : i32 to index
        %get3A_1357 = arith.index_cast %add3A_1343 : i32 to index
        %get3A_1358 = arith.constant 16 : index
        %get3A_1359 = tpu.vector_load %arg7[%get3A_1356, %get3A_1357, %get3A_1358] {strides = array<i32>} : memref<4x128x64xf32, #tpu.memory_space<vmem>>, vector<16xf32>,
        %scatter3A_1360 = arith.constant 1 : i32
        %scatter3A_1361 = arith.constant 0 : i32
        %scatter3A_1362 = arith.constant 0 : i32
        %scatter3A_1363 = tpu.memref_slice %arg8[%scatter3A_1360, %scatter3A_1361, %scatter3A_1362] : memref<4x64x133xf32, #tpu.memory_space<vmem>> -> memref<1x64x133xf32, #tpu.memory_space<vmem>>
        %scatter3A_1364 = tpu.memref_squeeze %scatter3A_1363 : memref<1x64x133xf32, #tpu.memory_space<vmem>> -> memref<64x133xf32, #tpu.memory_space<vmem>>
        tpu.vector_store_idx %scatter3A_1364[%add3A_61, %broadcast_in_dim3A_1344], %get3A_1359 : memref<64x133xf32, #tpu.memory_space<vmem>>[vector<16xi32>, vector<16xi32>], vector<16xf32>,
        %get3A_1365 = arith.constant 1 : i32
        %get3A_1366 = arith.index_cast %get3A_1365 : i32 to index
        %get3A_1367 = arith.index_cast %add3A_1343 : i32 to index
        %get3A_1368 = arith.constant 32 : index
        %get3A_1369 = tpu.vector_load %arg7[%get3A_1366, %get3A_1367, %get3A_1368] {strides = array<i32>} : memref<4x128x64xf32, #tpu.memory_space<vmem>>, vector<16xf32>,
        %scatter3A_1370 = arith.constant 1 : i32
        %scatter3A_1371 = arith.constant 0 : i32
        %scatter3A_1372 = arith.constant 0 : i32
        %scatter3A_1373 = tpu.memref_slice %arg8[%scatter3A_1370, %scatter3A_1371, %scatter3A_1372] : memref<4x64x133xf32, #tpu.memory_space<vmem>> -> memref<1x64x133xf32, #tpu.memory_space<vmem>>
        %scatter3A_1374 = tpu.memref_squeeze %scatter3A_1373 : memref<1x64x133xf32, #tpu.memory_space<vmem>> -> memref<64x133xf32, #tpu.memory_space<vmem>>
        tpu.vector_store_idx %scatter3A_1374[%add3A_64, %broadcast_in_dim3A_1344], %get3A_1369 : memref<64x133xf32, #tpu.memory_space<vmem>>[vector<16xi32>, vector<16xi32>], vector<16xf32>,
        %get3A_1375 = arith.constant 1 : i32
        %get3A_1376 = arith.index_cast %get3A_1375 : i32 to index
        %get3A_1377 = arith.index_cast %add3A_1343 : i32 to index
        %get3A_1378 = arith.constant 48 : index
        %get3A_1379 = tpu.vector_load %arg7[%get3A_1376, %get3A_1377, %get3A_1378] {strides = array<i32>} : memref<4x128x64xf32, #tpu.memory_space<vmem>>, vector<16xf32>,
        %scatter3A_1380 = arith.constant 1 : i32
        %scatter3A_1381 = arith.constant 0 : i32
        %scatter3A_1382 = arith.constant 0 : i32
        %scatter3A_1383 = tpu.memref_slice %arg8[%scatter3A_1380, %scatter3A_1381, %scatter3A_1382] : memref<4x64x133xf32, #tpu.memory_space<vmem>> -> memref<1x64x133xf32, #tpu.memory_space<vmem>>
        %scatter3A_1384 = tpu.memref_squeeze %scatter3A_1383 : memref<1x64x133xf32, #tpu.memory_space<vmem>> -> memref<64x133xf32, #tpu.memory_space<vmem>>
        tpu.vector_store_idx %scatter3A_1384[%add3A_67, %broadcast_in_dim3A_1344], %get3A_1379 : memref<64x133xf32, #tpu.memory_space<vmem>>[vector<16xi32>, vector<16xi32>], vector<16xf32>,
        %mul3A_1385 = arith.constant 4 : i32
        %mul3A_1386 = arith.muli %scan3A_1297, %mul3A_1385 : i32
        %add3A_1387 = arith.constant 2 : i32
        %add3A_1388 = arith.addi %mul3A_1386, %add3A_1387 : i32
        %broadcast_in_dim3A_1389 = vector.broadcast %add3A_1388 : i32 to vector<16xi32>
        %get3A_1390 = arith.constant 1 : i32
        %get3A_1391 = arith.index_cast %get3A_1390 : i32 to index
        %get3A_1392 = arith.index_cast %add3A_1388 : i32 to index
        %get3A_1393 = arith.constant 0 : index
        %get3A_1394 = tpu.vector_load %arg7[%get3A_1391, %get3A_1392, %get3A_1393] {strides = array<i32>} : memref<4x128x64xf32, #tpu.memory_space<vmem>>, vector<16xf32>,
        %scatter3A_1395 = arith.constant 1 : i32
        %scatter3A_1396 = arith.constant 0 : i32
        %scatter3A_1397 = arith.constant 0 : i32
        %scatter3A_1398 = tpu.memref_slice %arg8[%scatter3A_1395, %scatter3A_1396, %scatter3A_1397] : memref<4x64x133xf32, #tpu.memory_space<vmem>> -> memref<1x64x133xf32, #tpu.memory_space<vmem>>
        %scatter3A_1399 = tpu.memref_squeeze %scatter3A_1398 : memref<1x64x133xf32, #tpu.memory_space<vmem>> -> memref<64x133xf32, #tpu.memory_space<vmem>>
        tpu.vector_store_idx %scatter3A_1399[%add3A_58, %broadcast_in_dim3A_1389], %get3A_1394 : memref<64x133xf32, #tpu.memory_space<vmem>>[vector<16xi32>, vector<16xi32>], vector<16xf32>,
        %get3A_1400 = arith.constant 1 : i32
        %get3A_1401 = arith.index_cast %get3A_1400 : i32 to index
        %get3A_1402 = arith.index_cast %add3A_1388 : i32 to index
        %get3A_1403 = arith.constant 16 : index
        %get3A_1404 = tpu.vector_load %arg7[%get3A_1401, %get3A_1402, %get3A_1403] {strides = array<i32>} : memref<4x128x64xf32, #tpu.memory_space<vmem>>, vector<16xf32>,
        %scatter3A_1405 = arith.constant 1 : i32
        %scatter3A_1406 = arith.constant 0 : i32
        %scatter3A_1407 = arith.constant 0 : i32
        %scatter3A_1408 = tpu.memref_slice %arg8[%scatter3A_1405, %scatter3A_1406, %scatter3A_1407] : memref<4x64x133xf32, #tpu.memory_space<vmem>> -> memref<1x64x133xf32, #tpu.memory_space<vmem>>
        %scatter3A_1409 = tpu.memref_squeeze %scatter3A_1408 : memref<1x64x133xf32, #tpu.memory_space<vmem>> -> memref<64x133xf32, #tpu.memory_space<vmem>>
        tpu.vector_store_idx %scatter3A_1409[%add3A_61, %broadcast_in_dim3A_1389], %get3A_1404 : memref<64x133xf32, #tpu.memory_space<vmem>>[vector<16xi32>, vector<16xi32>], vector<16xf32>,
        %get3A_1410 = arith.constant 1 : i32
        %get3A_1411 = arith.index_cast %get3A_1410 : i32 to index
        %get3A_1412 = arith.index_cast %add3A_1388 : i32 to index
        %get3A_1413 = arith.constant 32 : index
        %get3A_1414 = tpu.vector_load %arg7[%get3A_1411, %get3A_1412, %get3A_1413] {strides = array<i32>} : memref<4x128x64xf32, #tpu.memory_space<vmem>>, vector<16xf32>,
        %scatter3A_1415 = arith.constant 1 : i32
        %scatter3A_1416 = arith.constant 0 : i32
        %scatter3A_1417 = arith.constant 0 : i32
        %scatter3A_1418 = tpu.memref_slice %arg8[%scatter3A_1415, %scatter3A_1416, %scatter3A_1417] : memref<4x64x133xf32, #tpu.memory_space<vmem>> -> memref<1x64x133xf32, #tpu.memory_space<vmem>>
        %scatter3A_1419 = tpu.memref_squeeze %scatter3A_1418 : memref<1x64x133xf32, #tpu.memory_space<vmem>> -> memref<64x133xf32, #tpu.memory_space<vmem>>
        tpu.vector_store_idx %scatter3A_1419[%add3A_64, %broadcast_in_dim3A_1389], %get3A_1414 : memref<64x133xf32, #tpu.memory_space<vmem>>[vector<16xi32>, vector<16xi32>], vector<16xf32>,
        %get3A_1420 = arith.constant 1 : i32
        %get3A_1421 = arith.index_cast %get3A_1420 : i32 to index
        %get3A_1422 = arith.index_cast %add3A_1388 : i32 to index
        %get3A_1423 = arith.constant 48 : index
        %get3A_1424 = tpu.vector_load %arg7[%get3A_1421, %get3A_1422, %get3A_1423] {strides = array<i32>} : memref<4x128x64xf32, #tpu.memory_space<vmem>>, vector<16xf32>,
        %scatter3A_1425 = arith.constant 1 : i32
        %scatter3A_1426 = arith.constant 0 : i32
        %scatter3A_1427 = arith.constant 0 : i32
        %scatter3A_1428 = tpu.memref_slice %arg8[%scatter3A_1425, %scatter3A_1426, %scatter3A_1427] : memref<4x64x133xf32, #tpu.memory_space<vmem>> -> memref<1x64x133xf32, #tpu.memory_space<vmem>>
        %scatter3A_1429 = tpu.memref_squeeze %scatter3A_1428 : memref<1x64x133xf32, #tpu.memory_space<vmem>> -> memref<64x133xf32, #tpu.memory_space<vmem>>
        tpu.vector_store_idx %scatter3A_1429[%add3A_67, %broadcast_in_dim3A_1389], %get3A_1424 : memref<64x133xf32, #tpu.memory_space<vmem>>[vector<16xi32>, vector<16xi32>], vector<16xf32>,
        %mul3A_1430 = arith.constant 4 : i32
        %mul3A_1431 = arith.muli %scan3A_1297, %mul3A_1430 : i32
        %add3A_1432 = arith.constant 3 : i32
        %add3A_1433 = arith.addi %mul3A_1431, %add3A_1432 : i32
        %broadcast_in_dim3A_1434 = vector.broadcast %add3A_1433 : i32 to vector<16xi32>
        %get3A_1435 = arith.constant 1 : i32
        %get3A_1436 = arith.index_cast %get3A_1435 : i32 to index
        %get3A_1437 = arith.index_cast %add3A_1433 : i32 to index
        %get3A_1438 = arith.constant 0 : index
        %get3A_1439 = tpu.vector_load %arg7[%get3A_1436, %get3A_1437, %get3A_1438] {strides = array<i32>} : memref<4x128x64xf32, #tpu.memory_space<vmem>>, vector<16xf32>,
        %scatter3A_1440 = arith.constant 1 : i32
        %scatter3A_1441 = arith.constant 0 : i32
        %scatter3A_1442 = arith.constant 0 : i32
        %scatter3A_1443 = tpu.memref_slice %arg8[%scatter3A_1440, %scatter3A_1441, %scatter3A_1442] : memref<4x64x133xf32, #tpu.memory_space<vmem>> -> memref<1x64x133xf32, #tpu.memory_space<vmem>>
        %scatter3A_1444 = tpu.memref_squeeze %scatter3A_1443 : memref<1x64x133xf32, #tpu.memory_space<vmem>> -> memref<64x133xf32, #tpu.memory_space<vmem>>
        tpu.vector_store_idx %scatter3A_1444[%add3A_58, %broadcast_in_dim3A_1434], %get3A_1439 : memref<64x133xf32, #tpu.memory_space<vmem>>[vector<16xi32>, vector<16xi32>], vector<16xf32>,
        %get3A_1445 = arith.constant 1 : i32
        %get3A_1446 = arith.index_cast %get3A_1445 : i32 to index
        %get3A_1447 = arith.index_cast %add3A_1433 : i32 to index
        %get3A_1448 = arith.constant 16 : index
        %get3A_1449 = tpu.vector_load %arg7[%get3A_1446, %get3A_1447, %get3A_1448] {strides = array<i32>} : memref<4x128x64xf32, #tpu.memory_space<vmem>>, vector<16xf32>,
        %scatter3A_1450 = arith.constant 1 : i32
        %scatter3A_1451 = arith.constant 0 : i32
        %scatter3A_1452 = arith.constant 0 : i32
        %scatter3A_1453 = tpu.memref_slice %arg8[%scatter3A_1450, %scatter3A_1451, %scatter3A_1452] : memref<4x64x133xf32, #tpu.memory_space<vmem>> -> memref<1x64x133xf32, #tpu.memory_space<vmem>>
        %scatter3A_1454 = tpu.memref_squeeze %scatter3A_1453 : memref<1x64x133xf32, #tpu.memory_space<vmem>> -> memref<64x133xf32, #tpu.memory_space<vmem>>
        tpu.vector_store_idx %scatter3A_1454[%add3A_61, %broadcast_in_dim3A_1434], %get3A_1449 : memref<64x133xf32, #tpu.memory_space<vmem>>[vector<16xi32>, vector<16xi32>], vector<16xf32>,
        %get3A_1455 = arith.constant 1 : i32
        %get3A_1456 = arith.index_cast %get3A_1455 : i32 to index
        %get3A_1457 = arith.index_cast %add3A_1433 : i32 to index
        %get3A_1458 = arith.constant 32 : index
        %get3A_1459 = tpu.vector_load %arg7[%get3A_1456, %get3A_1457, %get3A_1458] {strides = array<i32>} : memref<4x128x64xf32, #tpu.memory_space<vmem>>, vector<16xf32>,
        %scatter3A_1460 = arith.constant 1 : i32
        %scatter3A_1461 = arith.constant 0 : i32
        %scatter3A_1462 = arith.constant 0 : i32
        %scatter3A_1463 = tpu.memref_slice %arg8[%scatter3A_1460, %scatter3A_1461, %scatter3A_1462] : memref<4x64x133xf32, #tpu.memory_space<vmem>> -> memref<1x64x133xf32, #tpu.memory_space<vmem>>
        %scatter3A_1464 = tpu.memref_squeeze %scatter3A_1463 : memref<1x64x133xf32, #tpu.memory_space<vmem>> -> memref<64x133xf32, #tpu.memory_space<vmem>>
        tpu.vector_store_idx %scatter3A_1464[%add3A_64, %broadcast_in_dim3A_1434], %get3A_1459 : memref<64x133xf32, #tpu.memory_space<vmem>>[vector<16xi32>, vector<16xi32>], vector<16xf32>,
        %get3A_1465 = arith.constant 1 : i32
        %get3A_1466 = arith.index_cast %get3A_1465 : i32 to index
        %get3A_1467 = arith.index_cast %add3A_1433 : i32 to index
        %get3A_1468 = arith.constant 48 : index
        %get3A_1469 = tpu.vector_load %arg7[%get3A_1466, %get3A_1467, %get3A_1468] {strides = array<i32>} : memref<4x128x64xf32, #tpu.memory_space<vmem>>, vector<16xf32>,
        %scatter3A_1470 = arith.constant 1 : i32
        %scatter3A_1471 = arith.constant 0 : i32
        %scatter3A_1472 = arith.constant 0 : i32
        %scatter3A_1473 = tpu.memref_slice %arg8[%scatter3A_1470, %scatter3A_1471, %scatter3A_1472] : memref<4x64x133xf32, #tpu.memory_space<vmem>> -> memref<1x64x133xf32, #tpu.memory_space<vmem>>
        %scatter3A_1474 = tpu.memref_squeeze %scatter3A_1473 : memref<1x64x133xf32, #tpu.memory_space<vmem>> -> memref<64x133xf32, #tpu.memory_space<vmem>>
        tpu.vector_store_idx %scatter3A_1474[%add3A_67, %broadcast_in_dim3A_1434], %get3A_1469 : memref<64x133xf32, #tpu.memory_space<vmem>>[vector<16xi32>, vector<16xi32>], vector<16xf32>,
      }
      %scan3A_708 = arith.constant 32 : i32
      %dma_start3A_709 = arith.constant 1 : i32
      %dma_start3A_710 = arith.constant 0 : i32
      %dma_start3A_711 = arith.constant 1 : i32
      %dma_start3A_712 = arith.constant 0 : i32
      %dma_start3A_713 = arith.constant 0 : i32
      %dma_start3A_714 = tpu.memref_slice %arg8[%dma_start3A_709, %dma_start3A_712, %dma_start3A_713] : memref<4x64x133xf32, #tpu.memory_space<vmem>> -> memref<1x8x128xf32, #tpu.memory_space<vmem>>
      %dma_start3A_715 = tpu.memref_squeeze %dma_start3A_714 : memref<1x8x128xf32, #tpu.memory_space<vmem>> -> memref<8x128xf32, #tpu.memory_space<vmem>>
      %dma_start3A_716 = arith.constant 0 : i32
      %dma_start3A_717 = arith.constant 0 : i32
      %dma_start3A_718 = tpu.memref_slice %arg4[%add3A_688, %dma_start3A_710, %add3A, %dma_start3A_716, %dma_start3A_717] : memref<200x8x32x8x128xf32, #tpu.memory_space<hbm>> -> memref<1x1x1x8x128xf32, #tpu.memory_space<hbm>>
      %dma_start3A_719 = tpu.memref_squeeze %dma_start3A_718 : memref<1x1x1x8x128xf32, #tpu.memory_space<hbm>> -> memref<8x128xf32, #tpu.memory_space<hbm>>
      %dma_start3A_720 = tpu.memref_slice %arg10[%dma_start3A_711] : memref<4x!tpu.dma_semaphore, #tpu.memory_space<semaphore_mem>> -> memref<1x!tpu.dma_semaphore, #tpu.memory_space<semaphore_mem>>
      %dma_start3A_721 = tpu.memref_squeeze %dma_start3A_720 : memref<1x!tpu.dma_semaphore, #tpu.memory_space<semaphore_mem>> -> memref<!tpu.dma_semaphore, #tpu.memory_space<semaphore_mem>>
      %dma_start3A_722 = arith.constant 0 : i32
      %dma_start3A_723 = arith.constant 0 : i32
      %dma_start3A_724 = tpu.memref_slice %arg4[%add3A_688, %dma_start3A_710, %add3A, %dma_start3A_722, %dma_start3A_723] : memref<200x8x32x8x128xf32, #tpu.memory_space<hbm>> -> memref<1x1x1x8x128xf32, #tpu.memory_space<hbm>>
      %dma_start3A_725 = tpu.memref_squeeze %dma_start3A_724 : memref<1x1x1x8x128xf32, #tpu.memory_space<hbm>> -> memref<8x128xf32, #tpu.memory_space<hbm>>
      %dma_start3A_726 = arith.constant 0 : i32
      %dma_start3A_727 = arith.constant 0 : i32
      %dma_start3A_728 = tpu.memref_slice %arg8[%dma_start3A_709, %dma_start3A_726, %dma_start3A_727] : memref<4x64x133xf32, #tpu.memory_space<vmem>> -> memref<1x8x128xf32, #tpu.memory_space<vmem>>
      %dma_start3A_729 = tpu.memref_squeeze %dma_start3A_728 : memref<1x8x128xf32, #tpu.memory_space<vmem>> -> memref<8x128xf32, #tpu.memory_space<vmem>>
      tpu.enqueue_dma source(%dma_start3A_729 : memref<8x128xf32, #tpu.memory_space<vmem>>) target(%dma_start3A_725 : memref<8x128xf32, #tpu.memory_space<hbm>>) target_semaphore(%dma_start3A_721 : memref<!tpu.dma_semaphore, #tpu.memory_space<semaphore_mem>>)
      %dma_start3A_730 = arith.constant 1 : i32
      %dma_start3A_731 = arith.constant 1 : i32
      %dma_start3A_732 = arith.constant 1 : i32
      %dma_start3A_733 = arith.constant 8 : i32
      %dma_start3A_734 = arith.constant 0 : i32
      %dma_start3A_735 = tpu.memref_slice %arg8[%dma_start3A_730, %dma_start3A_733, %dma_start3A_734] : memref<4x64x133xf32, #tpu.memory_space<vmem>> -> memref<1x8x128xf32, #tpu.memory_space<vmem>>
      %dma_start3A_736 = tpu.memref_squeeze %dma_start3A_735 : memref<1x8x128xf32, #tpu.memory_space<vmem>> -> memref<8x128xf32, #tpu.memory_space<vmem>>
      %dma_start3A_737 = arith.constant 0 : i32
      %dma_start3A_738 = arith.constant 0 : i32
      %dma_start3A_739 = tpu.memref_slice %arg4[%add3A_688, %dma_start3A_731, %add3A, %dma_start3A_737, %dma_start3A_738] : memref<200x8x32x8x128xf32, #tpu.memory_space<hbm>> -> memref<1x1x1x8x128xf32, #tpu.memory_space<hbm>>
      %dma_start3A_740 = tpu.memref_squeeze %dma_start3A_739 : memref<1x1x1x8x128xf32, #tpu.memory_space<hbm>> -> memref<8x128xf32, #tpu.memory_space<hbm>>
      %dma_start3A_741 = tpu.memref_slice %arg10[%dma_start3A_732] : memref<4x!tpu.dma_semaphore, #tpu.memory_space<semaphore_mem>> -> memref<1x!tpu.dma_semaphore, #tpu.memory_space<semaphore_mem>>
      %dma_start3A_742 = tpu.memref_squeeze %dma_start3A_741 : memref<1x!tpu.dma_semaphore, #tpu.memory_space<semaphore_mem>> -> memref<!tpu.dma_semaphore, #tpu.memory_space<semaphore_mem>>
      %dma_start3A_743 = arith.constant 0 : i32
      %dma_start3A_744 = arith.constant 0 : i32
      %dma_start3A_745 = tpu.memref_slice %arg4[%add3A_688, %dma_start3A_731, %add3A, %dma_start3A_743, %dma_start3A_744] : memref<200x8x32x8x128xf32, #tpu.memory_space<hbm>> -> memref<1x1x1x8x128xf32, #tpu.memory_space<hbm>>
      %dma_start3A_746 = tpu.memref_squeeze %dma_start3A_745 : memref<1x1x1x8x128xf32, #tpu.memory_space<hbm>> -> memref<8x128xf32, #tpu.memory_space<hbm>>
      %dma_start3A_747 = arith.constant 8 : i32
      %dma_start3A_748 = arith.constant 0 : i32
      %dma_start3A_749 = tpu.memref_slice %arg8[%dma_start3A_730, %dma_start3A_747, %dma_start3A_748] : memref<4x64x133xf32, #tpu.memory_space<vmem>> -> memref<1x8x128xf32, #tpu.memory_space<vmem>>
      %dma_start3A_750 = tpu.memref_squeeze %dma_start3A_749 : memref<1x8x128xf32, #tpu.memory_space<vmem>> -> memref<8x128xf32, #tpu.memory_space<vmem>>
      tpu.enqueue_dma source(%dma_start3A_750 : memref<8x128xf32, #tpu.memory_space<vmem>>) target(%dma_start3A_746 : memref<8x128xf32, #tpu.memory_space<hbm>>) target_semaphore(%dma_start3A_742 : memref<!tpu.dma_semaphore, #tpu.memory_space<semaphore_mem>>)
      %dma_start3A_751 = arith.constant 1 : i32
      %dma_start3A_752 = arith.constant 2 : i32
      %dma_start3A_753 = arith.constant 1 : i32
      %dma_start3A_754 = arith.constant 16 : i32
      %dma_start3A_755 = arith.constant 0 : i32
      %dma_start3A_756 = tpu.memref_slice %arg8[%dma_start3A_751, %dma_start3A_754, %dma_start3A_755] : memref<4x64x133xf32, #tpu.memory_space<vmem>> -> memref<1x8x128xf32, #tpu.memory_space<vmem>>
      %dma_start3A_757 = tpu.memref_squeeze %dma_start3A_756 : memref<1x8x128xf32, #tpu.memory_space<vmem>> -> memref<8x128xf32, #tpu.memory_space<vmem>>
      %dma_start3A_758 = arith.constant 0 : i32
      %dma_start3A_759 = arith.constant 0 : i32
      %dma_start3A_760 = tpu.memref_slice %arg4[%add3A_688, %dma_start3A_752, %add3A, %dma_start3A_758, %dma_start3A_759] : memref<200x8x32x8x128xf32, #tpu.memory_space<hbm>> -> memref<1x1x1x8x128xf32, #tpu.memory_space<hbm>>
      %dma_start3A_761 = tpu.memref_squeeze %dma_start3A_760 : memref<1x1x1x8x128xf32, #tpu.memory_space<hbm>> -> memref<8x128xf32, #tpu.memory_space<hbm>>
      %dma_start3A_762 = tpu.memref_slice %arg10[%dma_start3A_753] : memref<4x!tpu.dma_semaphore, #tpu.memory_space<semaphore_mem>> -> memref<1x!tpu.dma_semaphore, #tpu.memory_space<semaphore_mem>>
      %dma_start3A_763 = tpu.memref_squeeze %dma_start3A_762 : memref<1x!tpu.dma_semaphore, #tpu.memory_space<semaphore_mem>> -> memref<!tpu.dma_semaphore, #tpu.memory_space<semaphore_mem>>
      %dma_start3A_764 = arith.constant 0 : i32
      %dma_start3A_765 = arith.constant 0 : i32
      %dma_start3A_766 = tpu.memref_slice %arg4[%add3A_688, %dma_start3A_752, %add3A, %dma_start3A_764, %dma_start3A_765] : memref<200x8x32x8x128xf32, #tpu.memory_space<hbm>> -> memref<1x1x1x8x128xf32, #tpu.memory_space<hbm>>
      %dma_start3A_767 = tpu.memref_squeeze %dma_start3A_766 : memref<1x1x1x8x128xf32, #tpu.memory_space<hbm>> -> memref<8x128xf32, #tpu.memory_space<hbm>>
      %dma_start3A_768 = arith.constant 16 : i32
      %dma_start3A_769 = arith.constant 0 : i32
      %dma_start3A_770 = tpu.memref_slice %arg8[%dma_start3A_751, %dma_start3A_768, %dma_start3A_769] : memref<4x64x133xf32, #tpu.memory_space<vmem>> -> memref<1x8x128xf32, #tpu.memory_space<vmem>>
      %dma_start3A_771 = tpu.memref_squeeze %dma_start3A_770 : memref<1x8x128xf32, #tpu.memory_space<vmem>> -> memref<8x128xf32, #tpu.memory_space<vmem>>
      tpu.enqueue_dma source(%dma_start3A_771 : memref<8x128xf32, #tpu.memory_space<vmem>>) target(%dma_start3A_767 : memref<8x128xf32, #tpu.memory_space<hbm>>) target_semaphore(%dma_start3A_763 : memref<!tpu.dma_semaphore, #tpu.memory_space<semaphore_mem>>)
      %dma_start3A_772 = arith.constant 1 : i32
      %dma_start3A_773 = arith.constant 3 : i32
      %dma_start3A_774 = arith.constant 1 : i32
      %dma_start3A_775 = arith.constant 24 : i32
      %dma_start3A_776 = arith.constant 0 : i32
      %dma_start3A_777 = tpu.memref_slice %arg8[%dma_start3A_772, %dma_start3A_775, %dma_start3A_776] : memref<4x64x133xf32, #tpu.memory_space<vmem>> -> memref<1x8x128xf32, #tpu.memory_space<vmem>>
      %dma_start3A_778 = tpu.memref_squeeze %dma_start3A_777 : memref<1x8x128xf32, #tpu.memory_space<vmem>> -> memref<8x128xf32, #tpu.memory_space<vmem>>
      %dma_start3A_779 = arith.constant 0 : i32
      %dma_start3A_780 = arith.constant 0 : i32
      %dma_start3A_781 = tpu.memref_slice %arg4[%add3A_688, %dma_start3A_773, %add3A, %dma_start3A_779, %dma_start3A_780] : memref<200x8x32x8x128xf32, #tpu.memory_space<hbm>> -> memref<1x1x1x8x128xf32, #tpu.memory_space<hbm>>
      %dma_start3A_782 = tpu.memref_squeeze %dma_start3A_781 : memref<1x1x1x8x128xf32, #tpu.memory_space<hbm>> -> memref<8x128xf32, #tpu.memory_space<hbm>>
      %dma_start3A_783 = tpu.memref_slice %arg10[%dma_start3A_774] : memref<4x!tpu.dma_semaphore, #tpu.memory_space<semaphore_mem>> -> memref<1x!tpu.dma_semaphore, #tpu.memory_space<semaphore_mem>>
      %dma_start3A_784 = tpu.memref_squeeze %dma_start3A_783 : memref<1x!tpu.dma_semaphore, #tpu.memory_space<semaphore_mem>> -> memref<!tpu.dma_semaphore, #tpu.memory_space<semaphore_mem>>
      %dma_start3A_785 = arith.constant 0 : i32
      %dma_start3A_786 = arith.constant 0 : i32
      %dma_start3A_787 = tpu.memref_slice %arg4[%add3A_688, %dma_start3A_773, %add3A, %dma_start3A_785, %dma_start3A_786] : memref<200x8x32x8x128xf32, #tpu.memory_space<hbm>> -> memref<1x1x1x8x128xf32, #tpu.memory_space<hbm>>
      %dma_start3A_788 = tpu.memref_squeeze %dma_start3A_787 : memref<1x1x1x8x128xf32, #tpu.memory_space<hbm>> -> memref<8x128xf32, #tpu.memory_space<hbm>>
      %dma_start3A_789 = arith.constant 24 : i32
      %dma_start3A_790 = arith.constant 0 : i32
      %dma_start3A_791 = tpu.memref_slice %arg8[%dma_start3A_772, %dma_start3A_789, %dma_start3A_790] : memref<4x64x133xf32, #tpu.memory_space<vmem>> -> memref<1x8x128xf32, #tpu.memory_space<vmem>>
      %dma_start3A_792 = tpu.memref_squeeze %dma_start3A_791 : memref<1x8x128xf32, #tpu.memory_space<vmem>> -> memref<8x128xf32, #tpu.memory_space<vmem>>
      tpu.enqueue_dma source(%dma_start3A_792 : memref<8x128xf32, #tpu.memory_space<vmem>>) target(%dma_start3A_788 : memref<8x128xf32, #tpu.memory_space<hbm>>) target_semaphore(%dma_start3A_784 : memref<!tpu.dma_semaphore, #tpu.memory_space<semaphore_mem>>)
      %dma_start3A_793 = arith.constant 1 : i32
      %dma_start3A_794 = arith.constant 4 : i32
      %dma_start3A_795 = arith.constant 1 : i32
      %dma_start3A_796 = arith.constant 32 : i32
      %dma_start3A_797 = arith.constant 0 : i32
      %dma_start3A_798 = tpu.memref_slice %arg8[%dma_start3A_793, %dma_start3A_796, %dma_start3A_797] : memref<4x64x133xf32, #tpu.memory_space<vmem>> -> memref<1x8x128xf32, #tpu.memory_space<vmem>>
      %dma_start3A_799 = tpu.memref_squeeze %dma_start3A_798 : memref<1x8x128xf32, #tpu.memory_space<vmem>> -> memref<8x128xf32, #tpu.memory_space<vmem>>
      %dma_start3A_800 = arith.constant 0 : i32
      %dma_start3A_801 = arith.constant 0 : i32
      %dma_start3A_802 = tpu.memref_slice %arg4[%add3A_688, %dma_start3A_794, %add3A, %dma_start3A_800, %dma_start3A_801] : memref<200x8x32x8x128xf32, #tpu.memory_space<hbm>> -> memref<1x1x1x8x128xf32, #tpu.memory_space<hbm>>
      %dma_start3A_803 = tpu.memref_squeeze %dma_start3A_802 : memref<1x1x1x8x128xf32, #tpu.memory_space<hbm>> -> memref<8x128xf32, #tpu.memory_space<hbm>>
      %dma_start3A_804 = tpu.memref_slice %arg10[%dma_start3A_795] : memref<4x!tpu.dma_semaphore, #tpu.memory_space<semaphore_mem>> -> memref<1x!tpu.dma_semaphore, #tpu.memory_space<semaphore_mem>>
      %dma_start3A_805 = tpu.memref_squeeze %dma_start3A_804 : memref<1x!tpu.dma_semaphore, #tpu.memory_space<semaphore_mem>> -> memref<!tpu.dma_semaphore, #tpu.memory_space<semaphore_mem>>
      %dma_start3A_806 = arith.constant 0 : i32
      %dma_start3A_807 = arith.constant 0 : i32
      %dma_start3A_808 = tpu.memref_slice %arg4[%add3A_688, %dma_start3A_794, %add3A, %dma_start3A_806, %dma_start3A_807] : memref<200x8x32x8x128xf32, #tpu.memory_space<hbm>> -> memref<1x1x1x8x128xf32, #tpu.memory_space<hbm>>
      %dma_start3A_809 = tpu.memref_squeeze %dma_start3A_808 : memref<1x1x1x8x128xf32, #tpu.memory_space<hbm>> -> memref<8x128xf32, #tpu.memory_space<hbm>>
      %dma_start3A_810 = arith.constant 32 : i32
      %dma_start3A_811 = arith.constant 0 : i32
      %dma_start3A_812 = tpu.memref_slice %arg8[%dma_start3A_793, %dma_start3A_810, %dma_start3A_811] : memref<4x64x133xf32, #tpu.memory_space<vmem>> -> memref<1x8x128xf32, #tpu.memory_space<vmem>>
      %dma_start3A_813 = tpu.memref_squeeze %dma_start3A_812 : memref<1x8x128xf32, #tpu.memory_space<vmem>> -> memref<8x128xf32, #tpu.memory_space<vmem>>
      tpu.enqueue_dma source(%dma_start3A_813 : memref<8x128xf32, #tpu.memory_space<vmem>>) target(%dma_start3A_809 : memref<8x128xf32, #tpu.memory_space<hbm>>) target_semaphore(%dma_start3A_805 : memref<!tpu.dma_semaphore, #tpu.memory_space<semaphore_mem>>)
      %dma_start3A_814 = arith.constant 1 : i32
      %dma_start3A_815 = arith.constant 5 : i32
      %dma_start3A_816 = arith.constant 1 : i32
      %dma_start3A_817 = arith.constant 40 : i32
      %dma_start3A_818 = arith.constant 0 : i32
      %dma_start3A_819 = tpu.memref_slice %arg8[%dma_start3A_814, %dma_start3A_817, %dma_start3A_818] : memref<4x64x133xf32, #tpu.memory_space<vmem>> -> memref<1x8x128xf32, #tpu.memory_space<vmem>>
      %dma_start3A_820 = tpu.memref_squeeze %dma_start3A_819 : memref<1x8x128xf32, #tpu.memory_space<vmem>> -> memref<8x128xf32, #tpu.memory_space<vmem>>
      %dma_start3A_821 = arith.constant 0 : i32
      %dma_start3A_822 = arith.constant 0 : i32
      %dma_start3A_823 = tpu.memref_slice %arg4[%add3A_688, %dma_start3A_815, %add3A, %dma_start3A_821, %dma_start3A_822] : memref<200x8x32x8x128xf32, #tpu.memory_space<hbm>> -> memref<1x1x1x8x128xf32, #tpu.memory_space<hbm>>
      %dma_start3A_824 = tpu.memref_squeeze %dma_start3A_823 : memref<1x1x1x8x128xf32, #tpu.memory_space<hbm>> -> memref<8x128xf32, #tpu.memory_space<hbm>>
      %dma_start3A_825 = tpu.memref_slice %arg10[%dma_start3A_816] : memref<4x!tpu.dma_semaphore, #tpu.memory_space<semaphore_mem>> -> memref<1x!tpu.dma_semaphore, #tpu.memory_space<semaphore_mem>>
      %dma_start3A_826 = tpu.memref_squeeze %dma_start3A_825 : memref<1x!tpu.dma_semaphore, #tpu.memory_space<semaphore_mem>> -> memref<!tpu.dma_semaphore, #tpu.memory_space<semaphore_mem>>
      %dma_start3A_827 = arith.constant 0 : i32
      %dma_start3A_828 = arith.constant 0 : i32
      %dma_start3A_829 = tpu.memref_slice %arg4[%add3A_688, %dma_start3A_815, %add3A, %dma_start3A_827, %dma_start3A_828] : memref<200x8x32x8x128xf32, #tpu.memory_space<hbm>> -> memref<1x1x1x8x128xf32, #tpu.memory_space<hbm>>
      %dma_start3A_830 = tpu.memref_squeeze %dma_start3A_829 : memref<1x1x1x8x128xf32, #tpu.memory_space<hbm>> -> memref<8x128xf32, #tpu.memory_space<hbm>>
      %dma_start3A_831 = arith.constant 40 : i32
      %dma_start3A_832 = arith.constant 0 : i32
      %dma_start3A_833 = tpu.memref_slice %arg8[%dma_start3A_814, %dma_start3A_831, %dma_start3A_832] : memref<4x64x133xf32, #tpu.memory_space<vmem>> -> memref<1x8x128xf32, #tpu.memory_space<vmem>>
      %dma_start3A_834 = tpu.memref_squeeze %dma_start3A_833 : memref<1x8x128xf32, #tpu.memory_space<vmem>> -> memref<8x128xf32, #tpu.memory_space<vmem>>
      tpu.enqueue_dma source(%dma_start3A_834 : memref<8x128xf32, #tpu.memory_space<vmem>>) target(%dma_start3A_830 : memref<8x128xf32, #tpu.memory_space<hbm>>) target_semaphore(%dma_start3A_826 : memref<!tpu.dma_semaphore, #tpu.memory_space<semaphore_mem>>)
      %dma_start3A_835 = arith.constant 1 : i32
      %dma_start3A_836 = arith.constant 6 : i32
      %dma_start3A_837 = arith.constant 1 : i32
      %dma_start3A_838 = arith.constant 48 : i32
      %dma_start3A_839 = arith.constant 0 : i32
      %dma_start3A_840 = tpu.memref_slice %arg8[%dma_start3A_835, %dma_start3A_838, %dma_start3A_839] : memref<4x64x133xf32, #tpu.memory_space<vmem>> -> memref<1x8x128xf32, #tpu.memory_space<vmem>>
      %dma_start3A_841 = tpu.memref_squeeze %dma_start3A_840 : memref<1x8x128xf32, #tpu.memory_space<vmem>> -> memref<8x128xf32, #tpu.memory_space<vmem>>
      %dma_start3A_842 = arith.constant 0 : i32
      %dma_start3A_843 = arith.constant 0 : i32
      %dma_start3A_844 = tpu.memref_slice %arg4[%add3A_688, %dma_start3A_836, %add3A, %dma_start3A_842, %dma_start3A_843] : memref<200x8x32x8x128xf32, #tpu.memory_space<hbm>> -> memref<1x1x1x8x128xf32, #tpu.memory_space<hbm>>
      %dma_start3A_845 = tpu.memref_squeeze %dma_start3A_844 : memref<1x1x1x8x128xf32, #tpu.memory_space<hbm>> -> memref<8x128xf32, #tpu.memory_space<hbm>>
      %dma_start3A_846 = tpu.memref_slice %arg10[%dma_start3A_837] : memref<4x!tpu.dma_semaphore, #tpu.memory_space<semaphore_mem>> -> memref<1x!tpu.dma_semaphore, #tpu.memory_space<semaphore_mem>>
      %dma_start3A_847 = tpu.memref_squeeze %dma_start3A_846 : memref<1x!tpu.dma_semaphore, #tpu.memory_space<semaphore_mem>> -> memref<!tpu.dma_semaphore, #tpu.memory_space<semaphore_mem>>
      %dma_start3A_848 = arith.constant 0 : i32
      %dma_start3A_849 = arith.constant 0 : i32
      %dma_start3A_850 = tpu.memref_slice %arg4[%add3A_688, %dma_start3A_836, %add3A, %dma_start3A_848, %dma_start3A_849] : memref<200x8x32x8x128xf32, #tpu.memory_space<hbm>> -> memref<1x1x1x8x128xf32, #tpu.memory_space<hbm>>
      %dma_start3A_851 = tpu.memref_squeeze %dma_start3A_850 : memref<1x1x1x8x128xf32, #tpu.memory_space<hbm>> -> memref<8x128xf32, #tpu.memory_space<hbm>>
      %dma_start3A_852 = arith.constant 48 : i32
      %dma_start3A_853 = arith.constant 0 : i32
      %dma_start3A_854 = tpu.memref_slice %arg8[%dma_start3A_835, %dma_start3A_852, %dma_start3A_853] : memref<4x64x133xf32, #tpu.memory_space<vmem>> -> memref<1x8x128xf32, #tpu.memory_space<vmem>>
      %dma_start3A_855 = tpu.memref_squeeze %dma_start3A_854 : memref<1x8x128xf32, #tpu.memory_space<vmem>> -> memref<8x128xf32, #tpu.memory_space<vmem>>
      tpu.enqueue_dma source(%dma_start3A_855 : memref<8x128xf32, #tpu.memory_space<vmem>>) target(%dma_start3A_851 : memref<8x128xf32, #tpu.memory_space<hbm>>) target_semaphore(%dma_start3A_847 : memref<!tpu.dma_semaphore, #tpu.memory_space<semaphore_mem>>)
      %dma_start3A_856 = arith.constant 1 : i32
      %dma_start3A_857 = arith.constant 7 : i32
      %dma_start3A_858 = arith.constant 1 : i32
      %dma_start3A_859 = arith.constant 56 : i32
      %dma_start3A_860 = arith.constant 0 : i32
      %dma_start3A_861 = tpu.memref_slice %arg8[%dma_start3A_856, %dma_start3A_859, %dma_start3A_860] : memref<4x64x133xf32, #tpu.memory_space<vmem>> -> memref<1x8x128xf32, #tpu.memory_space<vmem>>
      %dma_start3A_862 = tpu.memref_squeeze %dma_start3A_861 : memref<1x8x128xf32, #tpu.memory_space<vmem>> -> memref<8x128xf32, #tpu.memory_space<vmem>>
      %dma_start3A_863 = arith.constant 0 : i32
      %dma_start3A_864 = arith.constant 0 : i32
      %dma_start3A_865 = tpu.memref_slice %arg4[%add3A_688, %dma_start3A_857, %add3A, %dma_start3A_863, %dma_start3A_864] : memref<200x8x32x8x128xf32, #tpu.memory_space<hbm>> -> memref<1x1x1x8x128xf32, #tpu.memory_space<hbm>>
      %dma_start3A_866 = tpu.memref_squeeze %dma_start3A_865 : memref<1x1x1x8x128xf32, #tpu.memory_space<hbm>> -> memref<8x128xf32, #tpu.memory_space<hbm>>
      %dma_start3A_867 = tpu.memref_slice %arg10[%dma_start3A_858] : memref<4x!tpu.dma_semaphore, #tpu.memory_space<semaphore_mem>> -> memref<1x!tpu.dma_semaphore, #tpu.memory_space<semaphore_mem>>
      %dma_start3A_868 = tpu.memref_squeeze %dma_start3A_867 : memref<1x!tpu.dma_semaphore, #tpu.memory_space<semaphore_mem>> -> memref<!tpu.dma_semaphore, #tpu.memory_space<semaphore_mem>>
      %dma_start3A_869 = arith.constant 0 : i32
      %dma_start3A_870 = arith.constant 0 : i32
      %dma_start3A_871 = tpu.memref_slice %arg4[%add3A_688, %dma_start3A_857, %add3A, %dma_start3A_869, %dma_start3A_870] : memref<200x8x32x8x128xf32, #tpu.memory_space<hbm>> -> memref<1x1x1x8x128xf32, #tpu.memory_space<hbm>>
      %dma_start3A_872 = tpu.memref_squeeze %dma_start3A_871 : memref<1x1x1x8x128xf32, #tpu.memory_space<hbm>> -> memref<8x128xf32, #tpu.memory_space<hbm>>
      %dma_start3A_873 = arith.constant 56 : i32
      %dma_start3A_874 = arith.constant 0 : i32
      %dma_start3A_875 = tpu.memref_slice %arg8[%dma_start3A_856, %dma_start3A_873, %dma_start3A_874] : memref<4x64x133xf32, #tpu.memory_space<vmem>> -> memref<1x8x128xf32, #tpu.memory_space<vmem>>
      %dma_start3A_876 = tpu.memref_squeeze %dma_start3A_875 : memref<1x8x128xf32, #tpu.memory_space<vmem>> -> memref<8x128xf32, #tpu.memory_space<vmem>>
      tpu.enqueue_dma source(%dma_start3A_876 : memref<8x128xf32, #tpu.memory_space<vmem>>) target(%dma_start3A_872 : memref<8x128xf32, #tpu.memory_space<hbm>>) target_semaphore(%dma_start3A_868 : memref<!tpu.dma_semaphore, #tpu.memory_space<semaphore_mem>>)
      %ge3A_877 = arith.constant 2 : i32
      %ge3A_878 = arith.cmpi sge, %add3A_688, %ge3A_877 : i32
      %convert_element_type3A_879 = arith.extui %ge3A_878 : i1 to i32
      %cond3A_880 = arith.constant 0 : i32
      %cond3A_881 = arith.cmpi ne, %convert_element_type3A_879, %cond3A_880 : i32
      scf.if %cond3A_881 {
        %sub3A = arith.constant 2 : i32
        %sub3A_1297 = arith.subi %add3A_688, %sub3A : i32
        %dma_wait3A_1298 = arith.constant 3 : i32
        %dma_wait3A_1299 = arith.constant 0 : i32
        %dma_wait3A_1300 = arith.constant 3 : i32
        %dma_wait3A_1301 = arith.constant 0 : i32
        %dma_wait3A_1302 = arith.constant 0 : i32
        %dma_wait3A_1303 = tpu.memref_slice %arg8[%dma_wait3A_1298, %dma_wait3A_1301, %dma_wait3A_1302] : memref<4x64x133xf32, #tpu.memory_space<vmem>> -> memref<1x8x128xf32, #tpu.memory_space<vmem>>
        %dma_wait3A_1304 = tpu.memref_squeeze %dma_wait3A_1303 : memref<1x8x128xf32, #tpu.memory_space<vmem>> -> memref<8x128xf32, #tpu.memory_space<vmem>>
        %dma_wait3A_1305 = arith.constant 0 : i32
        %dma_wait3A_1306 = arith.constant 0 : i32
        %dma_wait3A_1307 = tpu.memref_slice %arg4[%sub3A_1297, %dma_wait3A_1299, %add3A, %dma_wait3A_1305, %dma_wait3A_1306] : memref<200x8x32x8x128xf32, #tpu.memory_space<hbm>> -> memref<1x1x1x8x128xf32, #tpu.memory_space<hbm>>
        %dma_wait3A_1308 = tpu.memref_squeeze %dma_wait3A_1307 : memref<1x1x1x8x128xf32, #tpu.memory_space<hbm>> -> memref<8x128xf32, #tpu.memory_space<hbm>>
        %dma_wait3A_1309 = tpu.memref_slice %arg10[%dma_wait3A_1300] : memref<4x!tpu.dma_semaphore, #tpu.memory_space<semaphore_mem>> -> memref<1x!tpu.dma_semaphore, #tpu.memory_space<semaphore_mem>>
        %dma_wait3A_1310 = tpu.memref_squeeze %dma_wait3A_1309 : memref<1x!tpu.dma_semaphore, #tpu.memory_space<semaphore_mem>> -> memref<!tpu.dma_semaphore, #tpu.memory_space<semaphore_mem>>
        %dma_wait3A_1311 = arith.constant 0 : i32
        %dma_wait3A_1312 = arith.constant 0 : i32
        %dma_wait3A_1313 = tpu.memref_slice %arg4[%sub3A_1297, %dma_wait3A_1299, %add3A, %dma_wait3A_1311, %dma_wait3A_1312] : memref<200x8x32x8x128xf32, #tpu.memory_space<hbm>> -> memref<1x1x1x8x128xf32, #tpu.memory_space<hbm>>
        %dma_wait3A_1314 = tpu.memref_squeeze %dma_wait3A_1313 : memref<1x1x1x8x128xf32, #tpu.memory_space<hbm>> -> memref<8x128xf32, #tpu.memory_space<hbm>>
        %dma_wait3A_1315 = arith.constant 0 : i32
        %dma_wait3A_1316 = arith.constant 0 : i32
        %dma_wait3A_1317 = tpu.memref_slice %arg8[%dma_wait3A_1298, %dma_wait3A_1315, %dma_wait3A_1316] : memref<4x64x133xf32, #tpu.memory_space<vmem>> -> memref<1x8x128xf32, #tpu.memory_space<vmem>>
        %dma_wait3A_1318 = tpu.memref_squeeze %dma_wait3A_1317 : memref<1x8x128xf32, #tpu.memory_space<vmem>> -> memref<8x128xf32, #tpu.memory_space<vmem>>
        tpu.wait_dma2 semaphore(%dma_wait3A_1310 : memref<!tpu.dma_semaphore, #tpu.memory_space<semaphore_mem>>) src(%dma_wait3A_1318 : memref<8x128xf32, #tpu.memory_space<vmem>>) dst(%dma_wait3A_1314 : memref<8x128xf32, #tpu.memory_space<hbm>>)
        %dma_wait3A_1319 = arith.constant 3 : i32
        %dma_wait3A_1320 = arith.constant 1 : i32
        %dma_wait3A_1321 = arith.constant 3 : i32
        %dma_wait3A_1322 = arith.constant 8 : i32
        %dma_wait3A_1323 = arith.constant 0 : i32
        %dma_wait3A_1324 = tpu.memref_slice %arg8[%dma_wait3A_1319, %dma_wait3A_1322, %dma_wait3A_1323] : memref<4x64x133xf32, #tpu.memory_space<vmem>> -> memref<1x8x128xf32, #tpu.memory_space<vmem>>
        %dma_wait3A_1325 = tpu.memref_squeeze %dma_wait3A_1324 : memref<1x8x128xf32, #tpu.memory_space<vmem>> -> memref<8x128xf32, #tpu.memory_space<vmem>>
        %dma_wait3A_1326 = arith.constant 0 : i32
        %dma_wait3A_1327 = arith.constant 0 : i32
        %dma_wait3A_1328 = tpu.memref_slice %arg4[%sub3A_1297, %dma_wait3A_1320, %add3A, %dma_wait3A_1326, %dma_wait3A_1327] : memref<200x8x32x8x128xf32, #tpu.memory_space<hbm>> -> memref<1x1x1x8x128xf32, #tpu.memory_space<hbm>>
        %dma_wait3A_1329 = tpu.memref_squeeze %dma_wait3A_1328 : memref<1x1x1x8x128xf32, #tpu.memory_space<hbm>> -> memref<8x128xf32, #tpu.memory_space<hbm>>
        %dma_wait3A_1330 = tpu.memref_slice %arg10[%dma_wait3A_1321] : memref<4x!tpu.dma_semaphore, #tpu.memory_space<semaphore_mem>> -> memref<1x!tpu.dma_semaphore, #tpu.memory_space<semaphore_mem>>
        %dma_wait3A_1331 = tpu.memref_squeeze %dma_wait3A_1330 : memref<1x!tpu.dma_semaphore, #tpu.memory_space<semaphore_mem>> -> memref<!tpu.dma_semaphore, #tpu.memory_space<semaphore_mem>>
        %dma_wait3A_1332 = arith.constant 0 : i32
        %dma_wait3A_1333 = arith.constant 0 : i32
        %dma_wait3A_1334 = tpu.memref_slice %arg4[%sub3A_1297, %dma_wait3A_1320, %add3A, %dma_wait3A_1332, %dma_wait3A_1333] : memref<200x8x32x8x128xf32, #tpu.memory_space<hbm>> -> memref<1x1x1x8x128xf32, #tpu.memory_space<hbm>>
        %dma_wait3A_1335 = tpu.memref_squeeze %dma_wait3A_1334 : memref<1x1x1x8x128xf32, #tpu.memory_space<hbm>> -> memref<8x128xf32, #tpu.memory_space<hbm>>
        %dma_wait3A_1336 = arith.constant 8 : i32
        %dma_wait3A_1337 = arith.constant 0 : i32
        %dma_wait3A_1338 = tpu.memref_slice %arg8[%dma_wait3A_1319, %dma_wait3A_1336, %dma_wait3A_1337] : memref<4x64x133xf32, #tpu.memory_space<vmem>> -> memref<1x8x128xf32, #tpu.memory_space<vmem>>
        %dma_wait3A_1339 = tpu.memref_squeeze %dma_wait3A_1338 : memref<1x8x128xf32, #tpu.memory_space<vmem>> -> memref<8x128xf32, #tpu.memory_space<vmem>>
        tpu.wait_dma2 semaphore(%dma_wait3A_1331 : memref<!tpu.dma_semaphore, #tpu.memory_space<semaphore_mem>>) src(%dma_wait3A_1339 : memref<8x128xf32, #tpu.memory_space<vmem>>) dst(%dma_wait3A_1335 : memref<8x128xf32, #tpu.memory_space<hbm>>)
        %dma_wait3A_1340 = arith.constant 3 : i32
        %dma_wait3A_1341 = arith.constant 2 : i32
        %dma_wait3A_1342 = arith.constant 3 : i32
        %dma_wait3A_1343 = arith.constant 16 : i32
        %dma_wait3A_1344 = arith.constant 0 : i32
        %dma_wait3A_1345 = tpu.memref_slice %arg8[%dma_wait3A_1340, %dma_wait3A_1343, %dma_wait3A_1344] : memref<4x64x133xf32, #tpu.memory_space<vmem>> -> memref<1x8x128xf32, #tpu.memory_space<vmem>>
        %dma_wait3A_1346 = tpu.memref_squeeze %dma_wait3A_1345 : memref<1x8x128xf32, #tpu.memory_space<vmem>> -> memref<8x128xf32, #tpu.memory_space<vmem>>
        %dma_wait3A_1347 = arith.constant 0 : i32
        %dma_wait3A_1348 = arith.constant 0 : i32
        %dma_wait3A_1349 = tpu.memref_slice %arg4[%sub3A_1297, %dma_wait3A_1341, %add3A, %dma_wait3A_1347, %dma_wait3A_1348] : memref<200x8x32x8x128xf32, #tpu.memory_space<hbm>> -> memref<1x1x1x8x128xf32, #tpu.memory_space<hbm>>
        %dma_wait3A_1350 = tpu.memref_squeeze %dma_wait3A_1349 : memref<1x1x1x8x128xf32, #tpu.memory_space<hbm>> -> memref<8x128xf32, #tpu.memory_space<hbm>>
        %dma_wait3A_1351 = tpu.memref_slice %arg10[%dma_wait3A_1342] : memref<4x!tpu.dma_semaphore, #tpu.memory_space<semaphore_mem>> -> memref<1x!tpu.dma_semaphore, #tpu.memory_space<semaphore_mem>>
        %dma_wait3A_1352 = tpu.memref_squeeze %dma_wait3A_1351 : memref<1x!tpu.dma_semaphore, #tpu.memory_space<semaphore_mem>> -> memref<!tpu.dma_semaphore, #tpu.memory_space<semaphore_mem>>
        %dma_wait3A_1353 = arith.constant 0 : i32
        %dma_wait3A_1354 = arith.constant 0 : i32
        %dma_wait3A_1355 = tpu.memref_slice %arg4[%sub3A_1297, %dma_wait3A_1341, %add3A, %dma_wait3A_1353, %dma_wait3A_1354] : memref<200x8x32x8x128xf32, #tpu.memory_space<hbm>> -> memref<1x1x1x8x128xf32, #tpu.memory_space<hbm>>
        %dma_wait3A_1356 = tpu.memref_squeeze %dma_wait3A_1355 : memref<1x1x1x8x128xf32, #tpu.memory_space<hbm>> -> memref<8x128xf32, #tpu.memory_space<hbm>>
        %dma_wait3A_1357 = arith.constant 16 : i32
        %dma_wait3A_1358 = arith.constant 0 : i32
        %dma_wait3A_1359 = tpu.memref_slice %arg8[%dma_wait3A_1340, %dma_wait3A_1357, %dma_wait3A_1358] : memref<4x64x133xf32, #tpu.memory_space<vmem>> -> memref<1x8x128xf32, #tpu.memory_space<vmem>>
        %dma_wait3A_1360 = tpu.memref_squeeze %dma_wait3A_1359 : memref<1x8x128xf32, #tpu.memory_space<vmem>> -> memref<8x128xf32, #tpu.memory_space<vmem>>
        tpu.wait_dma2 semaphore(%dma_wait3A_1352 : memref<!tpu.dma_semaphore, #tpu.memory_space<semaphore_mem>>) src(%dma_wait3A_1360 : memref<8x128xf32, #tpu.memory_space<vmem>>) dst(%dma_wait3A_1356 : memref<8x128xf32, #tpu.memory_space<hbm>>)
        %dma_wait3A_1361 = arith.constant 3 : i32
        %dma_wait3A_1362 = arith.constant 3 : i32
        %dma_wait3A_1363 = arith.constant 3 : i32
        %dma_wait3A_1364 = arith.constant 24 : i32
        %dma_wait3A_1365 = arith.constant 0 : i32
        %dma_wait3A_1366 = tpu.memref_slice %arg8[%dma_wait3A_1361, %dma_wait3A_1364, %dma_wait3A_1365] : memref<4x64x133xf32, #tpu.memory_space<vmem>> -> memref<1x8x128xf32, #tpu.memory_space<vmem>>
        %dma_wait3A_1367 = tpu.memref_squeeze %dma_wait3A_1366 : memref<1x8x128xf32, #tpu.memory_space<vmem>> -> memref<8x128xf32, #tpu.memory_space<vmem>>
        %dma_wait3A_1368 = arith.constant 0 : i32
        %dma_wait3A_1369 = arith.constant 0 : i32
        %dma_wait3A_1370 = tpu.memref_slice %arg4[%sub3A_1297, %dma_wait3A_1362, %add3A, %dma_wait3A_1368, %dma_wait3A_1369] : memref<200x8x32x8x128xf32, #tpu.memory_space<hbm>> -> memref<1x1x1x8x128xf32, #tpu.memory_space<hbm>>
        %dma_wait3A_1371 = tpu.memref_squeeze %dma_wait3A_1370 : memref<1x1x1x8x128xf32, #tpu.memory_space<hbm>> -> memref<8x128xf32, #tpu.memory_space<hbm>>
        %dma_wait3A_1372 = tpu.memref_slice %arg10[%dma_wait3A_1363] : memref<4x!tpu.dma_semaphore, #tpu.memory_space<semaphore_mem>> -> memref<1x!tpu.dma_semaphore, #tpu.memory_space<semaphore_mem>>
        %dma_wait3A_1373 = tpu.memref_squeeze %dma_wait3A_1372 : memref<1x!tpu.dma_semaphore, #tpu.memory_space<semaphore_mem>> -> memref<!tpu.dma_semaphore, #tpu.memory_space<semaphore_mem>>
        %dma_wait3A_1374 = arith.constant 0 : i32
        %dma_wait3A_1375 = arith.constant 0 : i32
        %dma_wait3A_1376 = tpu.memref_slice %arg4[%sub3A_1297, %dma_wait3A_1362, %add3A, %dma_wait3A_1374, %dma_wait3A_1375] : memref<200x8x32x8x128xf32, #tpu.memory_space<hbm>> -> memref<1x1x1x8x128xf32, #tpu.memory_space<hbm>>
        %dma_wait3A_1377 = tpu.memref_squeeze %dma_wait3A_1376 : memref<1x1x1x8x128xf32, #tpu.memory_space<hbm>> -> memref<8x128xf32, #tpu.memory_space<hbm>>
        %dma_wait3A_1378 = arith.constant 24 : i32
        %dma_wait3A_1379 = arith.constant 0 : i32
        %dma_wait3A_1380 = tpu.memref_slice %arg8[%dma_wait3A_1361, %dma_wait3A_1378, %dma_wait3A_1379] : memref<4x64x133xf32, #tpu.memory_space<vmem>> -> memref<1x8x128xf32, #tpu.memory_space<vmem>>
        %dma_wait3A_1381 = tpu.memref_squeeze %dma_wait3A_1380 : memref<1x8x128xf32, #tpu.memory_space<vmem>> -> memref<8x128xf32, #tpu.memory_space<vmem>>
        tpu.wait_dma2 semaphore(%dma_wait3A_1373 : memref<!tpu.dma_semaphore, #tpu.memory_space<semaphore_mem>>) src(%dma_wait3A_1381 : memref<8x128xf32, #tpu.memory_space<vmem>>) dst(%dma_wait3A_1377 : memref<8x128xf32, #tpu.memory_space<hbm>>)
        %dma_wait3A_1382 = arith.constant 3 : i32
        %dma_wait3A_1383 = arith.constant 4 : i32
        %dma_wait3A_1384 = arith.constant 3 : i32
        %dma_wait3A_1385 = arith.constant 32 : i32
        %dma_wait3A_1386 = arith.constant 0 : i32
        %dma_wait3A_1387 = tpu.memref_slice %arg8[%dma_wait3A_1382, %dma_wait3A_1385, %dma_wait3A_1386] : memref<4x64x133xf32, #tpu.memory_space<vmem>> -> memref<1x8x128xf32, #tpu.memory_space<vmem>>
        %dma_wait3A_1388 = tpu.memref_squeeze %dma_wait3A_1387 : memref<1x8x128xf32, #tpu.memory_space<vmem>> -> memref<8x128xf32, #tpu.memory_space<vmem>>
        %dma_wait3A_1389 = arith.constant 0 : i32
        %dma_wait3A_1390 = arith.constant 0 : i32
        %dma_wait3A_1391 = tpu.memref_slice %arg4[%sub3A_1297, %dma_wait3A_1383, %add3A, %dma_wait3A_1389, %dma_wait3A_1390] : memref<200x8x32x8x128xf32, #tpu.memory_space<hbm>> -> memref<1x1x1x8x128xf32, #tpu.memory_space<hbm>>
        %dma_wait3A_1392 = tpu.memref_squeeze %dma_wait3A_1391 : memref<1x1x1x8x128xf32, #tpu.memory_space<hbm>> -> memref<8x128xf32, #tpu.memory_space<hbm>>
        %dma_wait3A_1393 = tpu.memref_slice %arg10[%dma_wait3A_1384] : memref<4x!tpu.dma_semaphore, #tpu.memory_space<semaphore_mem>> -> memref<1x!tpu.dma_semaphore, #tpu.memory_space<semaphore_mem>>
        %dma_wait3A_1394 = tpu.memref_squeeze %dma_wait3A_1393 : memref<1x!tpu.dma_semaphore, #tpu.memory_space<semaphore_mem>> -> memref<!tpu.dma_semaphore, #tpu.memory_space<semaphore_mem>>
        %dma_wait3A_1395 = arith.constant 0 : i32
        %dma_wait3A_1396 = arith.constant 0 : i32
        %dma_wait3A_1397 = tpu.memref_slice %arg4[%sub3A_1297, %dma_wait3A_1383, %add3A, %dma_wait3A_1395, %dma_wait3A_1396] : memref<200x8x32x8x128xf32, #tpu.memory_space<hbm>> -> memref<1x1x1x8x128xf32, #tpu.memory_space<hbm>>
        %dma_wait3A_1398 = tpu.memref_squeeze %dma_wait3A_1397 : memref<1x1x1x8x128xf32, #tpu.memory_space<hbm>> -> memref<8x128xf32, #tpu.memory_space<hbm>>
        %dma_wait3A_1399 = arith.constant 32 : i32
        %dma_wait3A_1400 = arith.constant 0 : i32
        %dma_wait3A_1401 = tpu.memref_slice %arg8[%dma_wait3A_1382, %dma_wait3A_1399, %dma_wait3A_1400] : memref<4x64x133xf32, #tpu.memory_space<vmem>> -> memref<1x8x128xf32, #tpu.memory_space<vmem>>
        %dma_wait3A_1402 = tpu.memref_squeeze %dma_wait3A_1401 : memref<1x8x128xf32, #tpu.memory_space<vmem>> -> memref<8x128xf32, #tpu.memory_space<vmem>>
        tpu.wait_dma2 semaphore(%dma_wait3A_1394 : memref<!tpu.dma_semaphore, #tpu.memory_space<semaphore_mem>>) src(%dma_wait3A_1402 : memref<8x128xf32, #tpu.memory_space<vmem>>) dst(%dma_wait3A_1398 : memref<8x128xf32, #tpu.memory_space<hbm>>)
        %dma_wait3A_1403 = arith.constant 3 : i32
        %dma_wait3A_1404 = arith.constant 5 : i32
        %dma_wait3A_1405 = arith.constant 3 : i32
        %dma_wait3A_1406 = arith.constant 40 : i32
        %dma_wait3A_1407 = arith.constant 0 : i32
        %dma_wait3A_1408 = tpu.memref_slice %arg8[%dma_wait3A_1403, %dma_wait3A_1406, %dma_wait3A_1407] : memref<4x64x133xf32, #tpu.memory_space<vmem>> -> memref<1x8x128xf32, #tpu.memory_space<vmem>>
        %dma_wait3A_1409 = tpu.memref_squeeze %dma_wait3A_1408 : memref<1x8x128xf32, #tpu.memory_space<vmem>> -> memref<8x128xf32, #tpu.memory_space<vmem>>
        %dma_wait3A_1410 = arith.constant 0 : i32
        %dma_wait3A_1411 = arith.constant 0 : i32
        %dma_wait3A_1412 = tpu.memref_slice %arg4[%sub3A_1297, %dma_wait3A_1404, %add3A, %dma_wait3A_1410, %dma_wait3A_1411] : memref<200x8x32x8x128xf32, #tpu.memory_space<hbm>> -> memref<1x1x1x8x128xf32, #tpu.memory_space<hbm>>
        %dma_wait3A_1413 = tpu.memref_squeeze %dma_wait3A_1412 : memref<1x1x1x8x128xf32, #tpu.memory_space<hbm>> -> memref<8x128xf32, #tpu.memory_space<hbm>>
        %dma_wait3A_1414 = tpu.memref_slice %arg10[%dma_wait3A_1405] : memref<4x!tpu.dma_semaphore, #tpu.memory_space<semaphore_mem>> -> memref<1x!tpu.dma_semaphore, #tpu.memory_space<semaphore_mem>>
        %dma_wait3A_1415 = tpu.memref_squeeze %dma_wait3A_1414 : memref<1x!tpu.dma_semaphore, #tpu.memory_space<semaphore_mem>> -> memref<!tpu.dma_semaphore, #tpu.memory_space<semaphore_mem>>
        %dma_wait3A_1416 = arith.constant 0 : i32
        %dma_wait3A_1417 = arith.constant 0 : i32
        %dma_wait3A_1418 = tpu.memref_slice %arg4[%sub3A_1297, %dma_wait3A_1404, %add3A, %dma_wait3A_1416, %dma_wait3A_1417] : memref<200x8x32x8x128xf32, #tpu.memory_space<hbm>> -> memref<1x1x1x8x128xf32, #tpu.memory_space<hbm>>
        %dma_wait3A_1419 = tpu.memref_squeeze %dma_wait3A_1418 : memref<1x1x1x8x128xf32, #tpu.memory_space<hbm>> -> memref<8x128xf32, #tpu.memory_space<hbm>>
        %dma_wait3A_1420 = arith.constant 40 : i32
        %dma_wait3A_1421 = arith.constant 0 : i32
        %dma_wait3A_1422 = tpu.memref_slice %arg8[%dma_wait3A_1403, %dma_wait3A_1420, %dma_wait3A_1421] : memref<4x64x133xf32, #tpu.memory_space<vmem>> -> memref<1x8x128xf32, #tpu.memory_space<vmem>>
        %dma_wait3A_1423 = tpu.memref_squeeze %dma_wait3A_1422 : memref<1x8x128xf32, #tpu.memory_space<vmem>> -> memref<8x128xf32, #tpu.memory_space<vmem>>
        tpu.wait_dma2 semaphore(%dma_wait3A_1415 : memref<!tpu.dma_semaphore, #tpu.memory_space<semaphore_mem>>) src(%dma_wait3A_1423 : memref<8x128xf32, #tpu.memory_space<vmem>>) dst(%dma_wait3A_1419 : memref<8x128xf32, #tpu.memory_space<hbm>>)
        %dma_wait3A_1424 = arith.constant 3 : i32
        %dma_wait3A_1425 = arith.constant 6 : i32
        %dma_wait3A_1426 = arith.constant 3 : i32
        %dma_wait3A_1427 = arith.constant 48 : i32
        %dma_wait3A_1428 = arith.constant 0 : i32
        %dma_wait3A_1429 = tpu.memref_slice %arg8[%dma_wait3A_1424, %dma_wait3A_1427, %dma_wait3A_1428] : memref<4x64x133xf32, #tpu.memory_space<vmem>> -> memref<1x8x128xf32, #tpu.memory_space<vmem>>
        %dma_wait3A_1430 = tpu.memref_squeeze %dma_wait3A_1429 : memref<1x8x128xf32, #tpu.memory_space<vmem>> -> memref<8x128xf32, #tpu.memory_space<vmem>>
        %dma_wait3A_1431 = arith.constant 0 : i32
        %dma_wait3A_1432 = arith.constant 0 : i32
        %dma_wait3A_1433 = tpu.memref_slice %arg4[%sub3A_1297, %dma_wait3A_1425, %add3A, %dma_wait3A_1431, %dma_wait3A_1432] : memref<200x8x32x8x128xf32, #tpu.memory_space<hbm>> -> memref<1x1x1x8x128xf32, #tpu.memory_space<hbm>>
        %dma_wait3A_1434 = tpu.memref_squeeze %dma_wait3A_1433 : memref<1x1x1x8x128xf32, #tpu.memory_space<hbm>> -> memref<8x128xf32, #tpu.memory_space<hbm>>
        %dma_wait3A_1435 = tpu.memref_slice %arg10[%dma_wait3A_1426] : memref<4x!tpu.dma_semaphore, #tpu.memory_space<semaphore_mem>> -> memref<1x!tpu.dma_semaphore, #tpu.memory_space<semaphore_mem>>
        %dma_wait3A_1436 = tpu.memref_squeeze %dma_wait3A_1435 : memref<1x!tpu.dma_semaphore, #tpu.memory_space<semaphore_mem>> -> memref<!tpu.dma_semaphore, #tpu.memory_space<semaphore_mem>>
        %dma_wait3A_1437 = arith.constant 0 : i32
        %dma_wait3A_1438 = arith.constant 0 : i32
        %dma_wait3A_1439 = tpu.memref_slice %arg4[%sub3A_1297, %dma_wait3A_1425, %add3A, %dma_wait3A_1437, %dma_wait3A_1438] : memref<200x8x32x8x128xf32, #tpu.memory_space<hbm>> -> memref<1x1x1x8x128xf32, #tpu.memory_space<hbm>>
        %dma_wait3A_1440 = tpu.memref_squeeze %dma_wait3A_1439 : memref<1x1x1x8x128xf32, #tpu.memory_space<hbm>> -> memref<8x128xf32, #tpu.memory_space<hbm>>
        %dma_wait3A_1441 = arith.constant 48 : i32
        %dma_wait3A_1442 = arith.constant 0 : i32
        %dma_wait3A_1443 = tpu.memref_slice %arg8[%dma_wait3A_1424, %dma_wait3A_1441, %dma_wait3A_1442] : memref<4x64x133xf32, #tpu.memory_space<vmem>> -> memref<1x8x128xf32, #tpu.memory_space<vmem>>
        %dma_wait3A_1444 = tpu.memref_squeeze %dma_wait3A_1443 : memref<1x8x128xf32, #tpu.memory_space<vmem>> -> memref<8x128xf32, #tpu.memory_space<vmem>>
        tpu.wait_dma2 semaphore(%dma_wait3A_1436 : memref<!tpu.dma_semaphore, #tpu.memory_space<semaphore_mem>>) src(%dma_wait3A_1444 : memref<8x128xf32, #tpu.memory_space<vmem>>) dst(%dma_wait3A_1440 : memref<8x128xf32, #tpu.memory_space<hbm>>)
        %dma_wait3A_1445 = arith.constant 3 : i32
        %dma_wait3A_1446 = arith.constant 7 : i32
        %dma_wait3A_1447 = arith.constant 3 : i32
        %dma_wait3A_1448 = arith.constant 56 : i32
        %dma_wait3A_1449 = arith.constant 0 : i32
        %dma_wait3A_1450 = tpu.memref_slice %arg8[%dma_wait3A_1445, %dma_wait3A_1448, %dma_wait3A_1449] : memref<4x64x133xf32, #tpu.memory_space<vmem>> -> memref<1x8x128xf32, #tpu.memory_space<vmem>>
        %dma_wait3A_1451 = tpu.memref_squeeze %dma_wait3A_1450 : memref<1x8x128xf32, #tpu.memory_space<vmem>> -> memref<8x128xf32, #tpu.memory_space<vmem>>
        %dma_wait3A_1452 = arith.constant 0 : i32
        %dma_wait3A_1453 = arith.constant 0 : i32
        %dma_wait3A_1454 = tpu.memref_slice %arg4[%sub3A_1297, %dma_wait3A_1446, %add3A, %dma_wait3A_1452, %dma_wait3A_1453] : memref<200x8x32x8x128xf32, #tpu.memory_space<hbm>> -> memref<1x1x1x8x128xf32, #tpu.memory_space<hbm>>
        %dma_wait3A_1455 = tpu.memref_squeeze %dma_wait3A_1454 : memref<1x1x1x8x128xf32, #tpu.memory_space<hbm>> -> memref<8x128xf32, #tpu.memory_space<hbm>>
        %dma_wait3A_1456 = tpu.memref_slice %arg10[%dma_wait3A_1447] : memref<4x!tpu.dma_semaphore, #tpu.memory_space<semaphore_mem>> -> memref<1x!tpu.dma_semaphore, #tpu.memory_space<semaphore_mem>>
        %dma_wait3A_1457 = tpu.memref_squeeze %dma_wait3A_1456 : memref<1x!tpu.dma_semaphore, #tpu.memory_space<semaphore_mem>> -> memref<!tpu.dma_semaphore, #tpu.memory_space<semaphore_mem>>
        %dma_wait3A_1458 = arith.constant 0 : i32
        %dma_wait3A_1459 = arith.constant 0 : i32
        %dma_wait3A_1460 = tpu.memref_slice %arg4[%sub3A_1297, %dma_wait3A_1446, %add3A, %dma_wait3A_1458, %dma_wait3A_1459] : memref<200x8x32x8x128xf32, #tpu.memory_space<hbm>> -> memref<1x1x1x8x128xf32, #tpu.memory_space<hbm>>
        %dma_wait3A_1461 = tpu.memref_squeeze %dma_wait3A_1460 : memref<1x1x1x8x128xf32, #tpu.memory_space<hbm>> -> memref<8x128xf32, #tpu.memory_space<hbm>>
        %dma_wait3A_1462 = arith.constant 56 : i32
        %dma_wait3A_1463 = arith.constant 0 : i32
        %dma_wait3A_1464 = tpu.memref_slice %arg8[%dma_wait3A_1445, %dma_wait3A_1462, %dma_wait3A_1463] : memref<4x64x133xf32, #tpu.memory_space<vmem>> -> memref<1x8x128xf32, #tpu.memory_space<vmem>>
        %dma_wait3A_1465 = tpu.memref_squeeze %dma_wait3A_1464 : memref<1x8x128xf32, #tpu.memory_space<vmem>> -> memref<8x128xf32, #tpu.memory_space<vmem>>
        tpu.wait_dma2 semaphore(%dma_wait3A_1457 : memref<!tpu.dma_semaphore, #tpu.memory_space<semaphore_mem>>) src(%dma_wait3A_1465 : memref<8x128xf32, #tpu.memory_space<vmem>>) dst(%dma_wait3A_1461 : memref<8x128xf32, #tpu.memory_space<hbm>>)
      } else {
      }
      %add3A_882 = arith.constant 4 : i32
      %add3A_883 = arith.addi %add3A_688, %add3A_882 : i32
      %lt3A_884 = arith.constant 200 : i32
      %lt3A_885 = arith.cmpi slt, %add3A_883, %lt3A_884 : i32
      %convert_element_type3A_886 = arith.extui %lt3A_885 : i1 to i32
      %cond3A_887 = arith.constant 0 : i32
      %cond3A_888 = arith.cmpi ne, %convert_element_type3A_886, %cond3A_887 : i32
      scf.if %cond3A_888 {
        %add3A_1297 = arith.constant 4 : i32
        %add3A_1298 = arith.addi %add3A_688, %add3A_1297 : i32
        %dma_start3A_1299 = arith.constant 1 : i32
        %dma_start3A_1300 = arith.constant 1 : i32
        %dma_start3A_1301 = arith.constant 0 : i32
        %dma_start3A_1302 = arith.constant 0 : i32
        %dma_start3A_1303 = tpu.memref_slice %arg7[%dma_start3A_1299, %dma_start3A_1301, %dma_start3A_1302] : memref<4x128x64xf32, #tpu.memory_space<vmem>> -> memref<1x128x64xf32, #tpu.memory_space<vmem>>
        %dma_start3A_1304 = tpu.memref_squeeze %dma_start3A_1303 : memref<1x128x64xf32, #tpu.memory_space<vmem>> -> memref<128x64xf32, #tpu.memory_space<vmem>>
        %dma_start3A_1305 = arith.constant 0 : i32
        %dma_start3A_1306 = tpu.memref_slice %arg6[%add3A_1298, %dma_start3A_1305] : memref<200x128xi32, #tpu.memory_space<vmem>> -> memref<1x128xi32, #tpu.memory_space<vmem>>
        %dma_start3A_1307 = tpu.memref_squeeze %dma_start3A_1306 : memref<1x128xi32, #tpu.memory_space<vmem>> -> memref<128xi32, #tpu.memory_space<vmem>>
        %dma_start3A_1308 = arith.constant 0 : i32
        %dma_start3A_1309 = arith.constant 0 : i32
        %dma_start3A_1310 = tpu.memref_slice %arg2[%dma_start3A_1308, %dma_start3A_1309] : memref<100000x64xf32, #tpu.memory_space<hbm>> -> memref<100000x64xf32, #tpu.memory_space<hbm>>
        %dma_start3A_1311 = tpu.memref_slice %arg9[%dma_start3A_1300] : memref<4x!tpu.dma_semaphore, #tpu.memory_space<semaphore_mem>> -> memref<1x!tpu.dma_semaphore, #tpu.memory_space<semaphore_mem>>
        %dma_start3A_1312 = tpu.memref_squeeze %dma_start3A_1311 : memref<1x!tpu.dma_semaphore, #tpu.memory_space<semaphore_mem>> -> memref<!tpu.dma_semaphore, #tpu.memory_space<semaphore_mem>>
        tpu.enqueue_indirect_dma source(%dma_start3A_1310 : memref<100000x64xf32, #tpu.memory_space<hbm>>) target(%dma_start3A_1304 : memref<128x64xf32, #tpu.memory_space<vmem>>) offsets(%dma_start3A_1307 : memref<128xi32, #tpu.memory_space<vmem>>) semaphore(%dma_start3A_1312 : memref<!tpu.dma_semaphore, #tpu.memory_space<semaphore_mem>>)
      } else {
      }
      %mul3A_889 = arith.constant 4 : i32
      %mul3A_890 = arith.muli %scan3A_484, %mul3A_889 : i32
      %add3A_891 = arith.constant 2 : i32
      %add3A_892 = arith.addi %mul3A_890, %add3A_891 : i32
      %dma_wait3A_893 = arith.constant 2 : i32
      %dma_wait3A_894 = arith.constant 2 : i32
      %dma_wait3A_895 = arith.constant 0 : i32
      %dma_wait3A_896 = arith.constant 0 : i32
      %dma_wait3A_897 = tpu.memref_slice %arg7[%dma_wait3A_893, %dma_wait3A_895, %dma_wait3A_896] : memref<4x128x64xf32, #tpu.memory_space<vmem>> -> memref<1x128x64xf32, #tpu.memory_space<vmem>>
      %dma_wait3A_898 = tpu.memref_squeeze %dma_wait3A_897 : memref<1x128x64xf32, #tpu.memory_space<vmem>> -> memref<128x64xf32, #tpu.memory_space<vmem>>
      %dma_wait3A_899 = arith.constant 0 : i32
      %dma_wait3A_900 = tpu.memref_slice %arg6[%add3A_892, %dma_wait3A_899] : memref<200x128xi32, #tpu.memory_space<vmem>> -> memref<1x128xi32, #tpu.memory_space<vmem>>
      %dma_wait3A_901 = tpu.memref_squeeze %dma_wait3A_900 : memref<1x128xi32, #tpu.memory_space<vmem>> -> memref<128xi32, #tpu.memory_space<vmem>>
      %dma_wait3A_902 = arith.constant 0 : i32
      %dma_wait3A_903 = arith.constant 0 : i32
      %dma_wait3A_904 = tpu.memref_slice %arg2[%dma_wait3A_902, %dma_wait3A_903] : memref<100000x64xf32, #tpu.memory_space<hbm>> -> memref<100000x64xf32, #tpu.memory_space<hbm>>
      %dma_wait3A_905 = tpu.memref_slice %arg9[%dma_wait3A_894] : memref<4x!tpu.dma_semaphore, #tpu.memory_space<semaphore_mem>> -> memref<1x!tpu.dma_semaphore, #tpu.memory_space<semaphore_mem>>
      %dma_wait3A_906 = tpu.memref_squeeze %dma_wait3A_905 : memref<1x!tpu.dma_semaphore, #tpu.memory_space<semaphore_mem>> -> memref<!tpu.dma_semaphore, #tpu.memory_space<semaphore_mem>>
      tpu.wait_indirect_dma semaphore(%dma_wait3A_906 : memref<!tpu.dma_semaphore, #tpu.memory_space<semaphore_mem>>) src(%dma_wait3A_904 : memref<100000x64xf32, #tpu.memory_space<hbm>>) dst(%dma_wait3A_898 : memref<128x64xf32, #tpu.memory_space<vmem>>)
      %scan3A_907 = arith.constant 0 : i32
      %scan3A_908 = arith.constant 0 : i32
      %scan3A_909 = arith.constant 32 : i32
      %scan3A_910 = arith.addi %scan3A_908, %scan3A_909 : i32
      %scan3A_911 = arith.constant 1 : i32
      scf.for %scan3A_1297 = %scan3A_908 to %scan3A_910 step %scan3A_911  : i32 {
        %mul3A_1298 = arith.constant 4 : i32
        %mul3A_1299 = arith.muli %scan3A_1297, %mul3A_1298 : i32
        %add3A_1300 = arith.constant 0 : i32
        %add3A_1301 = arith.addi %mul3A_1299, %add3A_1300 : i32
        %broadcast_in_dim3A = vector.broadcast %add3A_1301 : i32 to vector<16xi32>
        %get3A = arith.constant 2 : i32
        %get3A_1302 = arith.index_cast %get3A : i32 to index
        %get3A_1303 = arith.index_cast %add3A_1301 : i32 to index
        %get3A_1304 = arith.constant 0 : index
        %get3A_1305 = tpu.vector_load %arg7[%get3A_1302, %get3A_1303, %get3A_1304] {strides = array<i32>} : memref<4x128x64xf32, #tpu.memory_space<vmem>>, vector<16xf32>,
        %scatter3A = arith.constant 2 : i32
        %scatter3A_1306 = arith.constant 0 : i32
        %scatter3A_1307 = arith.constant 0 : i32
        %scatter3A_1308 = tpu.memref_slice %arg8[%scatter3A, %scatter3A_1306, %scatter3A_1307] : memref<4x64x133xf32, #tpu.memory_space<vmem>> -> memref<1x64x133xf32, #tpu.memory_space<vmem>>
        %scatter3A_1309 = tpu.memref_squeeze %scatter3A_1308 : memref<1x64x133xf32, #tpu.memory_space<vmem>> -> memref<64x133xf32, #tpu.memory_space<vmem>>
        tpu.vector_store_idx %scatter3A_1309[%add3A_58, %broadcast_in_dim3A], %get3A_1305 : memref<64x133xf32, #tpu.memory_space<vmem>>[vector<16xi32>, vector<16xi32>], vector<16xf32>,
        %get3A_1310 = arith.constant 2 : i32
        %get3A_1311 = arith.index_cast %get3A_1310 : i32 to index
        %get3A_1312 = arith.index_cast %add3A_1301 : i32 to index
        %get3A_1313 = arith.constant 16 : index
        %get3A_1314 = tpu.vector_load %arg7[%get3A_1311, %get3A_1312, %get3A_1313] {strides = array<i32>} : memref<4x128x64xf32, #tpu.memory_space<vmem>>, vector<16xf32>,
        %scatter3A_1315 = arith.constant 2 : i32
        %scatter3A_1316 = arith.constant 0 : i32
        %scatter3A_1317 = arith.constant 0 : i32
        %scatter3A_1318 = tpu.memref_slice %arg8[%scatter3A_1315, %scatter3A_1316, %scatter3A_1317] : memref<4x64x133xf32, #tpu.memory_space<vmem>> -> memref<1x64x133xf32, #tpu.memory_space<vmem>>
        %scatter3A_1319 = tpu.memref_squeeze %scatter3A_1318 : memref<1x64x133xf32, #tpu.memory_space<vmem>> -> memref<64x133xf32, #tpu.memory_space<vmem>>
        tpu.vector_store_idx %scatter3A_1319[%add3A_61, %broadcast_in_dim3A], %get3A_1314 : memref<64x133xf32, #tpu.memory_space<vmem>>[vector<16xi32>, vector<16xi32>], vector<16xf32>,
        %get3A_1320 = arith.constant 2 : i32
        %get3A_1321 = arith.index_cast %get3A_1320 : i32 to index
        %get3A_1322 = arith.index_cast %add3A_1301 : i32 to index
        %get3A_1323 = arith.constant 32 : index
        %get3A_1324 = tpu.vector_load %arg7[%get3A_1321, %get3A_1322, %get3A_1323] {strides = array<i32>} : memref<4x128x64xf32, #tpu.memory_space<vmem>>, vector<16xf32>,
        %scatter3A_1325 = arith.constant 2 : i32
        %scatter3A_1326 = arith.constant 0 : i32
        %scatter3A_1327 = arith.constant 0 : i32
        %scatter3A_1328 = tpu.memref_slice %arg8[%scatter3A_1325, %scatter3A_1326, %scatter3A_1327] : memref<4x64x133xf32, #tpu.memory_space<vmem>> -> memref<1x64x133xf32, #tpu.memory_space<vmem>>
        %scatter3A_1329 = tpu.memref_squeeze %scatter3A_1328 : memref<1x64x133xf32, #tpu.memory_space<vmem>> -> memref<64x133xf32, #tpu.memory_space<vmem>>
        tpu.vector_store_idx %scatter3A_1329[%add3A_64, %broadcast_in_dim3A], %get3A_1324 : memref<64x133xf32, #tpu.memory_space<vmem>>[vector<16xi32>, vector<16xi32>], vector<16xf32>,
        %get3A_1330 = arith.constant 2 : i32
        %get3A_1331 = arith.index_cast %get3A_1330 : i32 to index
        %get3A_1332 = arith.index_cast %add3A_1301 : i32 to index
        %get3A_1333 = arith.constant 48 : index
        %get3A_1334 = tpu.vector_load %arg7[%get3A_1331, %get3A_1332, %get3A_1333] {strides = array<i32>} : memref<4x128x64xf32, #tpu.memory_space<vmem>>, vector<16xf32>,
        %scatter3A_1335 = arith.constant 2 : i32
        %scatter3A_1336 = arith.constant 0 : i32
        %scatter3A_1337 = arith.constant 0 : i32
        %scatter3A_1338 = tpu.memref_slice %arg8[%scatter3A_1335, %scatter3A_1336, %scatter3A_1337] : memref<4x64x133xf32, #tpu.memory_space<vmem>> -> memref<1x64x133xf32, #tpu.memory_space<vmem>>
        %scatter3A_1339 = tpu.memref_squeeze %scatter3A_1338 : memref<1x64x133xf32, #tpu.memory_space<vmem>> -> memref<64x133xf32, #tpu.memory_space<vmem>>
        tpu.vector_store_idx %scatter3A_1339[%add3A_67, %broadcast_in_dim3A], %get3A_1334 : memref<64x133xf32, #tpu.memory_space<vmem>>[vector<16xi32>, vector<16xi32>], vector<16xf32>,
        %mul3A_1340 = arith.constant 4 : i32
        %mul3A_1341 = arith.muli %scan3A_1297, %mul3A_1340 : i32
        %add3A_1342 = arith.constant 1 : i32
        %add3A_1343 = arith.addi %mul3A_1341, %add3A_1342 : i32
        %broadcast_in_dim3A_1344 = vector.broadcast %add3A_1343 : i32 to vector<16xi32>
        %get3A_1345 = arith.constant 2 : i32
        %get3A_1346 = arith.index_cast %get3A_1345 : i32 to index
        %get3A_1347 = arith.index_cast %add3A_1343 : i32 to index
        %get3A_1348 = arith.constant 0 : index
        %get3A_1349 = tpu.vector_load %arg7[%get3A_1346, %get3A_1347, %get3A_1348] {strides = array<i32>} : memref<4x128x64xf32, #tpu.memory_space<vmem>>, vector<16xf32>,
        %scatter3A_1350 = arith.constant 2 : i32
        %scatter3A_1351 = arith.constant 0 : i32
        %scatter3A_1352 = arith.constant 0 : i32
        %scatter3A_1353 = tpu.memref_slice %arg8[%scatter3A_1350, %scatter3A_1351, %scatter3A_1352] : memref<4x64x133xf32, #tpu.memory_space<vmem>> -> memref<1x64x133xf32, #tpu.memory_space<vmem>>
        %scatter3A_1354 = tpu.memref_squeeze %scatter3A_1353 : memref<1x64x133xf32, #tpu.memory_space<vmem>> -> memref<64x133xf32, #tpu.memory_space<vmem>>
        tpu.vector_store_idx %scatter3A_1354[%add3A_58, %broadcast_in_dim3A_1344], %get3A_1349 : memref<64x133xf32, #tpu.memory_space<vmem>>[vector<16xi32>, vector<16xi32>], vector<16xf32>,
        %get3A_1355 = arith.constant 2 : i32
        %get3A_1356 = arith.index_cast %get3A_1355 : i32 to index
        %get3A_1357 = arith.index_cast %add3A_1343 : i32 to index
        %get3A_1358 = arith.constant 16 : index
        %get3A_1359 = tpu.vector_load %arg7[%get3A_1356, %get3A_1357, %get3A_1358] {strides = array<i32>} : memref<4x128x64xf32, #tpu.memory_space<vmem>>, vector<16xf32>,
        %scatter3A_1360 = arith.constant 2 : i32
        %scatter3A_1361 = arith.constant 0 : i32
        %scatter3A_1362 = arith.constant 0 : i32
        %scatter3A_1363 = tpu.memref_slice %arg8[%scatter3A_1360, %scatter3A_1361, %scatter3A_1362] : memref<4x64x133xf32, #tpu.memory_space<vmem>> -> memref<1x64x133xf32, #tpu.memory_space<vmem>>
        %scatter3A_1364 = tpu.memref_squeeze %scatter3A_1363 : memref<1x64x133xf32, #tpu.memory_space<vmem>> -> memref<64x133xf32, #tpu.memory_space<vmem>>
        tpu.vector_store_idx %scatter3A_1364[%add3A_61, %broadcast_in_dim3A_1344], %get3A_1359 : memref<64x133xf32, #tpu.memory_space<vmem>>[vector<16xi32>, vector<16xi32>], vector<16xf32>,
        %get3A_1365 = arith.constant 2 : i32
        %get3A_1366 = arith.index_cast %get3A_1365 : i32 to index
        %get3A_1367 = arith.index_cast %add3A_1343 : i32 to index
        %get3A_1368 = arith.constant 32 : index
        %get3A_1369 = tpu.vector_load %arg7[%get3A_1366, %get3A_1367, %get3A_1368] {strides = array<i32>} : memref<4x128x64xf32, #tpu.memory_space<vmem>>, vector<16xf32>,
        %scatter3A_1370 = arith.constant 2 : i32
        %scatter3A_1371 = arith.constant 0 : i32
        %scatter3A_1372 = arith.constant 0 : i32
        %scatter3A_1373 = tpu.memref_slice %arg8[%scatter3A_1370, %scatter3A_1371, %scatter3A_1372] : memref<4x64x133xf32, #tpu.memory_space<vmem>> -> memref<1x64x133xf32, #tpu.memory_space<vmem>>
        %scatter3A_1374 = tpu.memref_squeeze %scatter3A_1373 : memref<1x64x133xf32, #tpu.memory_space<vmem>> -> memref<64x133xf32, #tpu.memory_space<vmem>>
        tpu.vector_store_idx %scatter3A_1374[%add3A_64, %broadcast_in_dim3A_1344], %get3A_1369 : memref<64x133xf32, #tpu.memory_space<vmem>>[vector<16xi32>, vector<16xi32>], vector<16xf32>,
        %get3A_1375 = arith.constant 2 : i32
        %get3A_1376 = arith.index_cast %get3A_1375 : i32 to index
        %get3A_1377 = arith.index_cast %add3A_1343 : i32 to index
        %get3A_1378 = arith.constant 48 : index
        %get3A_1379 = tpu.vector_load %arg7[%get3A_1376, %get3A_1377, %get3A_1378] {strides = array<i32>} : memref<4x128x64xf32, #tpu.memory_space<vmem>>, vector<16xf32>,
        %scatter3A_1380 = arith.constant 2 : i32
        %scatter3A_1381 = arith.constant 0 : i32
        %scatter3A_1382 = arith.constant 0 : i32
        %scatter3A_1383 = tpu.memref_slice %arg8[%scatter3A_1380, %scatter3A_1381, %scatter3A_1382] : memref<4x64x133xf32, #tpu.memory_space<vmem>> -> memref<1x64x133xf32, #tpu.memory_space<vmem>>
        %scatter3A_1384 = tpu.memref_squeeze %scatter3A_1383 : memref<1x64x133xf32, #tpu.memory_space<vmem>> -> memref<64x133xf32, #tpu.memory_space<vmem>>
        tpu.vector_store_idx %scatter3A_1384[%add3A_67, %broadcast_in_dim3A_1344], %get3A_1379 : memref<64x133xf32, #tpu.memory_space<vmem>>[vector<16xi32>, vector<16xi32>], vector<16xf32>,
        %mul3A_1385 = arith.constant 4 : i32
        %mul3A_1386 = arith.muli %scan3A_1297, %mul3A_1385 : i32
        %add3A_1387 = arith.constant 2 : i32
        %add3A_1388 = arith.addi %mul3A_1386, %add3A_1387 : i32
        %broadcast_in_dim3A_1389 = vector.broadcast %add3A_1388 : i32 to vector<16xi32>
        %get3A_1390 = arith.constant 2 : i32
        %get3A_1391 = arith.index_cast %get3A_1390 : i32 to index
        %get3A_1392 = arith.index_cast %add3A_1388 : i32 to index
        %get3A_1393 = arith.constant 0 : index
        %get3A_1394 = tpu.vector_load %arg7[%get3A_1391, %get3A_1392, %get3A_1393] {strides = array<i32>} : memref<4x128x64xf32, #tpu.memory_space<vmem>>, vector<16xf32>,
        %scatter3A_1395 = arith.constant 2 : i32
        %scatter3A_1396 = arith.constant 0 : i32
        %scatter3A_1397 = arith.constant 0 : i32
        %scatter3A_1398 = tpu.memref_slice %arg8[%scatter3A_1395, %scatter3A_1396, %scatter3A_1397] : memref<4x64x133xf32, #tpu.memory_space<vmem>> -> memref<1x64x133xf32, #tpu.memory_space<vmem>>
        %scatter3A_1399 = tpu.memref_squeeze %scatter3A_1398 : memref<1x64x133xf32, #tpu.memory_space<vmem>> -> memref<64x133xf32, #tpu.memory_space<vmem>>
        tpu.vector_store_idx %scatter3A_1399[%add3A_58, %broadcast_in_dim3A_1389], %get3A_1394 : memref<64x133xf32, #tpu.memory_space<vmem>>[vector<16xi32>, vector<16xi32>], vector<16xf32>,
        %get3A_1400 = arith.constant 2 : i32
        %get3A_1401 = arith.index_cast %get3A_1400 : i32 to index
        %get3A_1402 = arith.index_cast %add3A_1388 : i32 to index
        %get3A_1403 = arith.constant 16 : index
        %get3A_1404 = tpu.vector_load %arg7[%get3A_1401, %get3A_1402, %get3A_1403] {strides = array<i32>} : memref<4x128x64xf32, #tpu.memory_space<vmem>>, vector<16xf32>,
        %scatter3A_1405 = arith.constant 2 : i32
        %scatter3A_1406 = arith.constant 0 : i32
        %scatter3A_1407 = arith.constant 0 : i32
        %scatter3A_1408 = tpu.memref_slice %arg8[%scatter3A_1405, %scatter3A_1406, %scatter3A_1407] : memref<4x64x133xf32, #tpu.memory_space<vmem>> -> memref<1x64x133xf32, #tpu.memory_space<vmem>>
        %scatter3A_1409 = tpu.memref_squeeze %scatter3A_1408 : memref<1x64x133xf32, #tpu.memory_space<vmem>> -> memref<64x133xf32, #tpu.memory_space<vmem>>
        tpu.vector_store_idx %scatter3A_1409[%add3A_61, %broadcast_in_dim3A_1389], %get3A_1404 : memref<64x133xf32, #tpu.memory_space<vmem>>[vector<16xi32>, vector<16xi32>], vector<16xf32>,
        %get3A_1410 = arith.constant 2 : i32
        %get3A_1411 = arith.index_cast %get3A_1410 : i32 to index
        %get3A_1412 = arith.index_cast %add3A_1388 : i32 to index
        %get3A_1413 = arith.constant 32 : index
        %get3A_1414 = tpu.vector_load %arg7[%get3A_1411, %get3A_1412, %get3A_1413] {strides = array<i32>} : memref<4x128x64xf32, #tpu.memory_space<vmem>>, vector<16xf32>,
        %scatter3A_1415 = arith.constant 2 : i32
        %scatter3A_1416 = arith.constant 0 : i32
        %scatter3A_1417 = arith.constant 0 : i32
        %scatter3A_1418 = tpu.memref_slice %arg8[%scatter3A_1415, %scatter3A_1416, %scatter3A_1417] : memref<4x64x133xf32, #tpu.memory_space<vmem>> -> memref<1x64x133xf32, #tpu.memory_space<vmem>>
        %scatter3A_1419 = tpu.memref_squeeze %scatter3A_1418 : memref<1x64x133xf32, #tpu.memory_space<vmem>> -> memref<64x133xf32, #tpu.memory_space<vmem>>
        tpu.vector_store_idx %scatter3A_1419[%add3A_64, %broadcast_in_dim3A_1389], %get3A_1414 : memref<64x133xf32, #tpu.memory_space<vmem>>[vector<16xi32>, vector<16xi32>], vector<16xf32>,
        %get3A_1420 = arith.constant 2 : i32
        %get3A_1421 = arith.index_cast %get3A_1420 : i32 to index
        %get3A_1422 = arith.index_cast %add3A_1388 : i32 to index
        %get3A_1423 = arith.constant 48 : index
        %get3A_1424 = tpu.vector_load %arg7[%get3A_1421, %get3A_1422, %get3A_1423] {strides = array<i32>} : memref<4x128x64xf32, #tpu.memory_space<vmem>>, vector<16xf32>,
        %scatter3A_1425 = arith.constant 2 : i32
        %scatter3A_1426 = arith.constant 0 : i32
        %scatter3A_1427 = arith.constant 0 : i32
        %scatter3A_1428 = tpu.memref_slice %arg8[%scatter3A_1425, %scatter3A_1426, %scatter3A_1427] : memref<4x64x133xf32, #tpu.memory_space<vmem>> -> memref<1x64x133xf32, #tpu.memory_space<vmem>>
        %scatter3A_1429 = tpu.memref_squeeze %scatter3A_1428 : memref<1x64x133xf32, #tpu.memory_space<vmem>> -> memref<64x133xf32, #tpu.memory_space<vmem>>
        tpu.vector_store_idx %scatter3A_1429[%add3A_67, %broadcast_in_dim3A_1389], %get3A_1424 : memref<64x133xf32, #tpu.memory_space<vmem>>[vector<16xi32>, vector<16xi32>], vector<16xf32>,
        %mul3A_1430 = arith.constant 4 : i32
        %mul3A_1431 = arith.muli %scan3A_1297, %mul3A_1430 : i32
        %add3A_1432 = arith.constant 3 : i32
        %add3A_1433 = arith.addi %mul3A_1431, %add3A_1432 : i32
        %broadcast_in_dim3A_1434 = vector.broadcast %add3A_1433 : i32 to vector<16xi32>
        %get3A_1435 = arith.constant 2 : i32
        %get3A_1436 = arith.index_cast %get3A_1435 : i32 to index
        %get3A_1437 = arith.index_cast %add3A_1433 : i32 to index
        %get3A_1438 = arith.constant 0 : index
        %get3A_1439 = tpu.vector_load %arg7[%get3A_1436, %get3A_1437, %get3A_1438] {strides = array<i32>} : memref<4x128x64xf32, #tpu.memory_space<vmem>>, vector<16xf32>,
        %scatter3A_1440 = arith.constant 2 : i32
        %scatter3A_1441 = arith.constant 0 : i32
        %scatter3A_1442 = arith.constant 0 : i32
        %scatter3A_1443 = tpu.memref_slice %arg8[%scatter3A_1440, %scatter3A_1441, %scatter3A_1442] : memref<4x64x133xf32, #tpu.memory_space<vmem>> -> memref<1x64x133xf32, #tpu.memory_space<vmem>>
        %scatter3A_1444 = tpu.memref_squeeze %scatter3A_1443 : memref<1x64x133xf32, #tpu.memory_space<vmem>> -> memref<64x133xf32, #tpu.memory_space<vmem>>
        tpu.vector_store_idx %scatter3A_1444[%add3A_58, %broadcast_in_dim3A_1434], %get3A_1439 : memref<64x133xf32, #tpu.memory_space<vmem>>[vector<16xi32>, vector<16xi32>], vector<16xf32>,
        %get3A_1445 = arith.constant 2 : i32
        %get3A_1446 = arith.index_cast %get3A_1445 : i32 to index
        %get3A_1447 = arith.index_cast %add3A_1433 : i32 to index
        %get3A_1448 = arith.constant 16 : index
        %get3A_1449 = tpu.vector_load %arg7[%get3A_1446, %get3A_1447, %get3A_1448] {strides = array<i32>} : memref<4x128x64xf32, #tpu.memory_space<vmem>>, vector<16xf32>,
        %scatter3A_1450 = arith.constant 2 : i32
        %scatter3A_1451 = arith.constant 0 : i32
        %scatter3A_1452 = arith.constant 0 : i32
        %scatter3A_1453 = tpu.memref_slice %arg8[%scatter3A_1450, %scatter3A_1451, %scatter3A_1452] : memref<4x64x133xf32, #tpu.memory_space<vmem>> -> memref<1x64x133xf32, #tpu.memory_space<vmem>>
        %scatter3A_1454 = tpu.memref_squeeze %scatter3A_1453 : memref<1x64x133xf32, #tpu.memory_space<vmem>> -> memref<64x133xf32, #tpu.memory_space<vmem>>
        tpu.vector_store_idx %scatter3A_1454[%add3A_61, %broadcast_in_dim3A_1434], %get3A_1449 : memref<64x133xf32, #tpu.memory_space<vmem>>[vector<16xi32>, vector<16xi32>], vector<16xf32>,
        %get3A_1455 = arith.constant 2 : i32
        %get3A_1456 = arith.index_cast %get3A_1455 : i32 to index
        %get3A_1457 = arith.index_cast %add3A_1433 : i32 to index
        %get3A_1458 = arith.constant 32 : index
        %get3A_1459 = tpu.vector_load %arg7[%get3A_1456, %get3A_1457, %get3A_1458] {strides = array<i32>} : memref<4x128x64xf32, #tpu.memory_space<vmem>>, vector<16xf32>,
        %scatter3A_1460 = arith.constant 2 : i32
        %scatter3A_1461 = arith.constant 0 : i32
        %scatter3A_1462 = arith.constant 0 : i32
        %scatter3A_1463 = tpu.memref_slice %arg8[%scatter3A_1460, %scatter3A_1461, %scatter3A_1462] : memref<4x64x133xf32, #tpu.memory_space<vmem>> -> memref<1x64x133xf32, #tpu.memory_space<vmem>>
        %scatter3A_1464 = tpu.memref_squeeze %scatter3A_1463 : memref<1x64x133xf32, #tpu.memory_space<vmem>> -> memref<64x133xf32, #tpu.memory_space<vmem>>
        tpu.vector_store_idx %scatter3A_1464[%add3A_64, %broadcast_in_dim3A_1434], %get3A_1459 : memref<64x133xf32, #tpu.memory_space<vmem>>[vector<16xi32>, vector<16xi32>], vector<16xf32>,
        %get3A_1465 = arith.constant 2 : i32
        %get3A_1466 = arith.index_cast %get3A_1465 : i32 to index
        %get3A_1467 = arith.index_cast %add3A_1433 : i32 to index
        %get3A_1468 = arith.constant 48 : index
        %get3A_1469 = tpu.vector_load %arg7[%get3A_1466, %get3A_1467, %get3A_1468] {strides = array<i32>} : memref<4x128x64xf32, #tpu.memory_space<vmem>>, vector<16xf32>,
        %scatter3A_1470 = arith.constant 2 : i32
        %scatter3A_1471 = arith.constant 0 : i32
        %scatter3A_1472 = arith.constant 0 : i32
        %scatter3A_1473 = tpu.memref_slice %arg8[%scatter3A_1470, %scatter3A_1471, %scatter3A_1472] : memref<4x64x133xf32, #tpu.memory_space<vmem>> -> memref<1x64x133xf32, #tpu.memory_space<vmem>>
        %scatter3A_1474 = tpu.memref_squeeze %scatter3A_1473 : memref<1x64x133xf32, #tpu.memory_space<vmem>> -> memref<64x133xf32, #tpu.memory_space<vmem>>
        tpu.vector_store_idx %scatter3A_1474[%add3A_67, %broadcast_in_dim3A_1434], %get3A_1469 : memref<64x133xf32, #tpu.memory_space<vmem>>[vector<16xi32>, vector<16xi32>], vector<16xf32>,
      }
      %scan3A_912 = arith.constant 32 : i32
      %dma_start3A_913 = arith.constant 2 : i32
      %dma_start3A_914 = arith.constant 0 : i32
      %dma_start3A_915 = arith.constant 2 : i32
      %dma_start3A_916 = arith.constant 0 : i32
      %dma_start3A_917 = arith.constant 0 : i32
      %dma_start3A_918 = tpu.memref_slice %arg8[%dma_start3A_913, %dma_start3A_916, %dma_start3A_917] : memref<4x64x133xf32, #tpu.memory_space<vmem>> -> memref<1x8x128xf32, #tpu.memory_space<vmem>>
      %dma_start3A_919 = tpu.memref_squeeze %dma_start3A_918 : memref<1x8x128xf32, #tpu.memory_space<vmem>> -> memref<8x128xf32, #tpu.memory_space<vmem>>
      %dma_start3A_920 = arith.constant 0 : i32
      %dma_start3A_921 = arith.constant 0 : i32
      %dma_start3A_922 = tpu.memref_slice %arg4[%add3A_892, %dma_start3A_914, %add3A, %dma_start3A_920, %dma_start3A_921] : memref<200x8x32x8x128xf32, #tpu.memory_space<hbm>> -> memref<1x1x1x8x128xf32, #tpu.memory_space<hbm>>
      %dma_start3A_923 = tpu.memref_squeeze %dma_start3A_922 : memref<1x1x1x8x128xf32, #tpu.memory_space<hbm>> -> memref<8x128xf32, #tpu.memory_space<hbm>>
      %dma_start3A_924 = tpu.memref_slice %arg10[%dma_start3A_915] : memref<4x!tpu.dma_semaphore, #tpu.memory_space<semaphore_mem>> -> memref<1x!tpu.dma_semaphore, #tpu.memory_space<semaphore_mem>>
      %dma_start3A_925 = tpu.memref_squeeze %dma_start3A_924 : memref<1x!tpu.dma_semaphore, #tpu.memory_space<semaphore_mem>> -> memref<!tpu.dma_semaphore, #tpu.memory_space<semaphore_mem>>
      %dma_start3A_926 = arith.constant 0 : i32
      %dma_start3A_927 = arith.constant 0 : i32
      %dma_start3A_928 = tpu.memref_slice %arg4[%add3A_892, %dma_start3A_914, %add3A, %dma_start3A_926, %dma_start3A_927] : memref<200x8x32x8x128xf32, #tpu.memory_space<hbm>> -> memref<1x1x1x8x128xf32, #tpu.memory_space<hbm>>
      %dma_start3A_929 = tpu.memref_squeeze %dma_start3A_928 : memref<1x1x1x8x128xf32, #tpu.memory_space<hbm>> -> memref<8x128xf32, #tpu.memory_space<hbm>>
      %dma_start3A_930 = arith.constant 0 : i32
      %dma_start3A_931 = arith.constant 0 : i32
      %dma_start3A_932 = tpu.memref_slice %arg8[%dma_start3A_913, %dma_start3A_930, %dma_start3A_931] : memref<4x64x133xf32, #tpu.memory_space<vmem>> -> memref<1x8x128xf32, #tpu.memory_space<vmem>>
      %dma_start3A_933 = tpu.memref_squeeze %dma_start3A_932 : memref<1x8x128xf32, #tpu.memory_space<vmem>> -> memref<8x128xf32, #tpu.memory_space<vmem>>
      tpu.enqueue_dma source(%dma_start3A_933 : memref<8x128xf32, #tpu.memory_space<vmem>>) target(%dma_start3A_929 : memref<8x128xf32, #tpu.memory_space<hbm>>) target_semaphore(%dma_start3A_925 : memref<!tpu.dma_semaphore, #tpu.memory_space<semaphore_mem>>)
      %dma_start3A_934 = arith.constant 2 : i32
      %dma_start3A_935 = arith.constant 1 : i32
      %dma_start3A_936 = arith.constant 2 : i32
      %dma_start3A_937 = arith.constant 8 : i32
      %dma_start3A_938 = arith.constant 0 : i32
      %dma_start3A_939 = tpu.memref_slice %arg8[%dma_start3A_934, %dma_start3A_937, %dma_start3A_938] : memref<4x64x133xf32, #tpu.memory_space<vmem>> -> memref<1x8x128xf32, #tpu.memory_space<vmem>>
      %dma_start3A_940 = tpu.memref_squeeze %dma_start3A_939 : memref<1x8x128xf32, #tpu.memory_space<vmem>> -> memref<8x128xf32, #tpu.memory_space<vmem>>
      %dma_start3A_941 = arith.constant 0 : i32
      %dma_start3A_942 = arith.constant 0 : i32
      %dma_start3A_943 = tpu.memref_slice %arg4[%add3A_892, %dma_start3A_935, %add3A, %dma_start3A_941, %dma_start3A_942] : memref<200x8x32x8x128xf32, #tpu.memory_space<hbm>> -> memref<1x1x1x8x128xf32, #tpu.memory_space<hbm>>
      %dma_start3A_944 = tpu.memref_squeeze %dma_start3A_943 : memref<1x1x1x8x128xf32, #tpu.memory_space<hbm>> -> memref<8x128xf32, #tpu.memory_space<hbm>>
      %dma_start3A_945 = tpu.memref_slice %arg10[%dma_start3A_936] : memref<4x!tpu.dma_semaphore, #tpu.memory_space<semaphore_mem>> -> memref<1x!tpu.dma_semaphore, #tpu.memory_space<semaphore_mem>>
      %dma_start3A_946 = tpu.memref_squeeze %dma_start3A_945 : memref<1x!tpu.dma_semaphore, #tpu.memory_space<semaphore_mem>> -> memref<!tpu.dma_semaphore, #tpu.memory_space<semaphore_mem>>
      %dma_start3A_947 = arith.constant 0 : i32
      %dma_start3A_948 = arith.constant 0 : i32
      %dma_start3A_949 = tpu.memref_slice %arg4[%add3A_892, %dma_start3A_935, %add3A, %dma_start3A_947, %dma_start3A_948] : memref<200x8x32x8x128xf32, #tpu.memory_space<hbm>> -> memref<1x1x1x8x128xf32, #tpu.memory_space<hbm>>
      %dma_start3A_950 = tpu.memref_squeeze %dma_start3A_949 : memref<1x1x1x8x128xf32, #tpu.memory_space<hbm>> -> memref<8x128xf32, #tpu.memory_space<hbm>>
      %dma_start3A_951 = arith.constant 8 : i32
      %dma_start3A_952 = arith.constant 0 : i32
      %dma_start3A_953 = tpu.memref_slice %arg8[%dma_start3A_934, %dma_start3A_951, %dma_start3A_952] : memref<4x64x133xf32, #tpu.memory_space<vmem>> -> memref<1x8x128xf32, #tpu.memory_space<vmem>>
      %dma_start3A_954 = tpu.memref_squeeze %dma_start3A_953 : memref<1x8x128xf32, #tpu.memory_space<vmem>> -> memref<8x128xf32, #tpu.memory_space<vmem>>
      tpu.enqueue_dma source(%dma_start3A_954 : memref<8x128xf32, #tpu.memory_space<vmem>>) target(%dma_start3A_950 : memref<8x128xf32, #tpu.memory_space<hbm>>) target_semaphore(%dma_start3A_946 : memref<!tpu.dma_semaphore, #tpu.memory_space<semaphore_mem>>)
      %dma_start3A_955 = arith.constant 2 : i32
      %dma_start3A_956 = arith.constant 2 : i32
      %dma_start3A_957 = arith.constant 2 : i32
      %dma_start3A_958 = arith.constant 16 : i32
      %dma_start3A_959 = arith.constant 0 : i32
      %dma_start3A_960 = tpu.memref_slice %arg8[%dma_start3A_955, %dma_start3A_958, %dma_start3A_959] : memref<4x64x133xf32, #tpu.memory_space<vmem>> -> memref<1x8x128xf32, #tpu.memory_space<vmem>>
      %dma_start3A_961 = tpu.memref_squeeze %dma_start3A_960 : memref<1x8x128xf32, #tpu.memory_space<vmem>> -> memref<8x128xf32, #tpu.memory_space<vmem>>
      %dma_start3A_962 = arith.constant 0 : i32
      %dma_start3A_963 = arith.constant 0 : i32
      %dma_start3A_964 = tpu.memref_slice %arg4[%add3A_892, %dma_start3A_956, %add3A, %dma_start3A_962, %dma_start3A_963] : memref<200x8x32x8x128xf32, #tpu.memory_space<hbm>> -> memref<1x1x1x8x128xf32, #tpu.memory_space<hbm>>
      %dma_start3A_965 = tpu.memref_squeeze %dma_start3A_964 : memref<1x1x1x8x128xf32, #tpu.memory_space<hbm>> -> memref<8x128xf32, #tpu.memory_space<hbm>>
      %dma_start3A_966 = tpu.memref_slice %arg10[%dma_start3A_957] : memref<4x!tpu.dma_semaphore, #tpu.memory_space<semaphore_mem>> -> memref<1x!tpu.dma_semaphore, #tpu.memory_space<semaphore_mem>>
      %dma_start3A_967 = tpu.memref_squeeze %dma_start3A_966 : memref<1x!tpu.dma_semaphore, #tpu.memory_space<semaphore_mem>> -> memref<!tpu.dma_semaphore, #tpu.memory_space<semaphore_mem>>
      %dma_start3A_968 = arith.constant 0 : i32
      %dma_start3A_969 = arith.constant 0 : i32
      %dma_start3A_970 = tpu.memref_slice %arg4[%add3A_892, %dma_start3A_956, %add3A, %dma_start3A_968, %dma_start3A_969] : memref<200x8x32x8x128xf32, #tpu.memory_space<hbm>> -> memref<1x1x1x8x128xf32, #tpu.memory_space<hbm>>
      %dma_start3A_971 = tpu.memref_squeeze %dma_start3A_970 : memref<1x1x1x8x128xf32, #tpu.memory_space<hbm>> -> memref<8x128xf32, #tpu.memory_space<hbm>>
      %dma_start3A_972 = arith.constant 16 : i32
      %dma_start3A_973 = arith.constant 0 : i32
      %dma_start3A_974 = tpu.memref_slice %arg8[%dma_start3A_955, %dma_start3A_972, %dma_start3A_973] : memref<4x64x133xf32, #tpu.memory_space<vmem>> -> memref<1x8x128xf32, #tpu.memory_space<vmem>>
      %dma_start3A_975 = tpu.memref_squeeze %dma_start3A_974 : memref<1x8x128xf32, #tpu.memory_space<vmem>> -> memref<8x128xf32, #tpu.memory_space<vmem>>
      tpu.enqueue_dma source(%dma_start3A_975 : memref<8x128xf32, #tpu.memory_space<vmem>>) target(%dma_start3A_971 : memref<8x128xf32, #tpu.memory_space<hbm>>) target_semaphore(%dma_start3A_967 : memref<!tpu.dma_semaphore, #tpu.memory_space<semaphore_mem>>)
      %dma_start3A_976 = arith.constant 2 : i32
      %dma_start3A_977 = arith.constant 3 : i32
      %dma_start3A_978 = arith.constant 2 : i32
      %dma_start3A_979 = arith.constant 24 : i32
      %dma_start3A_980 = arith.constant 0 : i32
      %dma_start3A_981 = tpu.memref_slice %arg8[%dma_start3A_976, %dma_start3A_979, %dma_start3A_980] : memref<4x64x133xf32, #tpu.memory_space<vmem>> -> memref<1x8x128xf32, #tpu.memory_space<vmem>>
      %dma_start3A_982 = tpu.memref_squeeze %dma_start3A_981 : memref<1x8x128xf32, #tpu.memory_space<vmem>> -> memref<8x128xf32, #tpu.memory_space<vmem>>
      %dma_start3A_983 = arith.constant 0 : i32
      %dma_start3A_984 = arith.constant 0 : i32
      %dma_start3A_985 = tpu.memref_slice %arg4[%add3A_892, %dma_start3A_977, %add3A, %dma_start3A_983, %dma_start3A_984] : memref<200x8x32x8x128xf32, #tpu.memory_space<hbm>> -> memref<1x1x1x8x128xf32, #tpu.memory_space<hbm>>
      %dma_start3A_986 = tpu.memref_squeeze %dma_start3A_985 : memref<1x1x1x8x128xf32, #tpu.memory_space<hbm>> -> memref<8x128xf32, #tpu.memory_space<hbm>>
      %dma_start3A_987 = tpu.memref_slice %arg10[%dma_start3A_978] : memref<4x!tpu.dma_semaphore, #tpu.memory_space<semaphore_mem>> -> memref<1x!tpu.dma_semaphore, #tpu.memory_space<semaphore_mem>>
      %dma_start3A_988 = tpu.memref_squeeze %dma_start3A_987 : memref<1x!tpu.dma_semaphore, #tpu.memory_space<semaphore_mem>> -> memref<!tpu.dma_semaphore, #tpu.memory_space<semaphore_mem>>
      %dma_start3A_989 = arith.constant 0 : i32
      %dma_start3A_990 = arith.constant 0 : i32
      %dma_start3A_991 = tpu.memref_slice %arg4[%add3A_892, %dma_start3A_977, %add3A, %dma_start3A_989, %dma_start3A_990] : memref<200x8x32x8x128xf32, #tpu.memory_space<hbm>> -> memref<1x1x1x8x128xf32, #tpu.memory_space<hbm>>
      %dma_start3A_992 = tpu.memref_squeeze %dma_start3A_991 : memref<1x1x1x8x128xf32, #tpu.memory_space<hbm>> -> memref<8x128xf32, #tpu.memory_space<hbm>>
      %dma_start3A_993 = arith.constant 24 : i32
      %dma_start3A_994 = arith.constant 0 : i32
      %dma_start3A_995 = tpu.memref_slice %arg8[%dma_start3A_976, %dma_start3A_993, %dma_start3A_994] : memref<4x64x133xf32, #tpu.memory_space<vmem>> -> memref<1x8x128xf32, #tpu.memory_space<vmem>>
      %dma_start3A_996 = tpu.memref_squeeze %dma_start3A_995 : memref<1x8x128xf32, #tpu.memory_space<vmem>> -> memref<8x128xf32, #tpu.memory_space<vmem>>
      tpu.enqueue_dma source(%dma_start3A_996 : memref<8x128xf32, #tpu.memory_space<vmem>>) target(%dma_start3A_992 : memref<8x128xf32, #tpu.memory_space<hbm>>) target_semaphore(%dma_start3A_988 : memref<!tpu.dma_semaphore, #tpu.memory_space<semaphore_mem>>)
      %dma_start3A_997 = arith.constant 2 : i32
      %dma_start3A_998 = arith.constant 4 : i32
      %dma_start3A_999 = arith.constant 2 : i32
      %dma_start3A_1000 = arith.constant 32 : i32
      %dma_start3A_1001 = arith.constant 0 : i32
      %dma_start3A_1002 = tpu.memref_slice %arg8[%dma_start3A_997, %dma_start3A_1000, %dma_start3A_1001] : memref<4x64x133xf32, #tpu.memory_space<vmem>> -> memref<1x8x128xf32, #tpu.memory_space<vmem>>
      %dma_start3A_1003 = tpu.memref_squeeze %dma_start3A_1002 : memref<1x8x128xf32, #tpu.memory_space<vmem>> -> memref<8x128xf32, #tpu.memory_space<vmem>>
      %dma_start3A_1004 = arith.constant 0 : i32
      %dma_start3A_1005 = arith.constant 0 : i32
      %dma_start3A_1006 = tpu.memref_slice %arg4[%add3A_892, %dma_start3A_998, %add3A, %dma_start3A_1004, %dma_start3A_1005] : memref<200x8x32x8x128xf32, #tpu.memory_space<hbm>> -> memref<1x1x1x8x128xf32, #tpu.memory_space<hbm>>
      %dma_start3A_1007 = tpu.memref_squeeze %dma_start3A_1006 : memref<1x1x1x8x128xf32, #tpu.memory_space<hbm>> -> memref<8x128xf32, #tpu.memory_space<hbm>>
      %dma_start3A_1008 = tpu.memref_slice %arg10[%dma_start3A_999] : memref<4x!tpu.dma_semaphore, #tpu.memory_space<semaphore_mem>> -> memref<1x!tpu.dma_semaphore, #tpu.memory_space<semaphore_mem>>
      %dma_start3A_1009 = tpu.memref_squeeze %dma_start3A_1008 : memref<1x!tpu.dma_semaphore, #tpu.memory_space<semaphore_mem>> -> memref<!tpu.dma_semaphore, #tpu.memory_space<semaphore_mem>>
      %dma_start3A_1010 = arith.constant 0 : i32
      %dma_start3A_1011 = arith.constant 0 : i32
      %dma_start3A_1012 = tpu.memref_slice %arg4[%add3A_892, %dma_start3A_998, %add3A, %dma_start3A_1010, %dma_start3A_1011] : memref<200x8x32x8x128xf32, #tpu.memory_space<hbm>> -> memref<1x1x1x8x128xf32, #tpu.memory_space<hbm>>
      %dma_start3A_1013 = tpu.memref_squeeze %dma_start3A_1012 : memref<1x1x1x8x128xf32, #tpu.memory_space<hbm>> -> memref<8x128xf32, #tpu.memory_space<hbm>>
      %dma_start3A_1014 = arith.constant 32 : i32
      %dma_start3A_1015 = arith.constant 0 : i32
      %dma_start3A_1016 = tpu.memref_slice %arg8[%dma_start3A_997, %dma_start3A_1014, %dma_start3A_1015] : memref<4x64x133xf32, #tpu.memory_space<vmem>> -> memref<1x8x128xf32, #tpu.memory_space<vmem>>
      %dma_start3A_1017 = tpu.memref_squeeze %dma_start3A_1016 : memref<1x8x128xf32, #tpu.memory_space<vmem>> -> memref<8x128xf32, #tpu.memory_space<vmem>>
      tpu.enqueue_dma source(%dma_start3A_1017 : memref<8x128xf32, #tpu.memory_space<vmem>>) target(%dma_start3A_1013 : memref<8x128xf32, #tpu.memory_space<hbm>>) target_semaphore(%dma_start3A_1009 : memref<!tpu.dma_semaphore, #tpu.memory_space<semaphore_mem>>)
      %dma_start3A_1018 = arith.constant 2 : i32
      %dma_start3A_1019 = arith.constant 5 : i32
      %dma_start3A_1020 = arith.constant 2 : i32
      %dma_start3A_1021 = arith.constant 40 : i32
      %dma_start3A_1022 = arith.constant 0 : i32
      %dma_start3A_1023 = tpu.memref_slice %arg8[%dma_start3A_1018, %dma_start3A_1021, %dma_start3A_1022] : memref<4x64x133xf32, #tpu.memory_space<vmem>> -> memref<1x8x128xf32, #tpu.memory_space<vmem>>
      %dma_start3A_1024 = tpu.memref_squeeze %dma_start3A_1023 : memref<1x8x128xf32, #tpu.memory_space<vmem>> -> memref<8x128xf32, #tpu.memory_space<vmem>>
      %dma_start3A_1025 = arith.constant 0 : i32
      %dma_start3A_1026 = arith.constant 0 : i32
      %dma_start3A_1027 = tpu.memref_slice %arg4[%add3A_892, %dma_start3A_1019, %add3A, %dma_start3A_1025, %dma_start3A_1026] : memref<200x8x32x8x128xf32, #tpu.memory_space<hbm>> -> memref<1x1x1x8x128xf32, #tpu.memory_space<hbm>>
      %dma_start3A_1028 = tpu.memref_squeeze %dma_start3A_1027 : memref<1x1x1x8x128xf32, #tpu.memory_space<hbm>> -> memref<8x128xf32, #tpu.memory_space<hbm>>
      %dma_start3A_1029 = tpu.memref_slice %arg10[%dma_start3A_1020] : memref<4x!tpu.dma_semaphore, #tpu.memory_space<semaphore_mem>> -> memref<1x!tpu.dma_semaphore, #tpu.memory_space<semaphore_mem>>
      %dma_start3A_1030 = tpu.memref_squeeze %dma_start3A_1029 : memref<1x!tpu.dma_semaphore, #tpu.memory_space<semaphore_mem>> -> memref<!tpu.dma_semaphore, #tpu.memory_space<semaphore_mem>>
      %dma_start3A_1031 = arith.constant 0 : i32
      %dma_start3A_1032 = arith.constant 0 : i32
      %dma_start3A_1033 = tpu.memref_slice %arg4[%add3A_892, %dma_start3A_1019, %add3A, %dma_start3A_1031, %dma_start3A_1032] : memref<200x8x32x8x128xf32, #tpu.memory_space<hbm>> -> memref<1x1x1x8x128xf32, #tpu.memory_space<hbm>>
      %dma_start3A_1034 = tpu.memref_squeeze %dma_start3A_1033 : memref<1x1x1x8x128xf32, #tpu.memory_space<hbm>> -> memref<8x128xf32, #tpu.memory_space<hbm>>
      %dma_start3A_1035 = arith.constant 40 : i32
      %dma_start3A_1036 = arith.constant 0 : i32
      %dma_start3A_1037 = tpu.memref_slice %arg8[%dma_start3A_1018, %dma_start3A_1035, %dma_start3A_1036] : memref<4x64x133xf32, #tpu.memory_space<vmem>> -> memref<1x8x128xf32, #tpu.memory_space<vmem>>
      %dma_start3A_1038 = tpu.memref_squeeze %dma_start3A_1037 : memref<1x8x128xf32, #tpu.memory_space<vmem>> -> memref<8x128xf32, #tpu.memory_space<vmem>>
      tpu.enqueue_dma source(%dma_start3A_1038 : memref<8x128xf32, #tpu.memory_space<vmem>>) target(%dma_start3A_1034 : memref<8x128xf32, #tpu.memory_space<hbm>>) target_semaphore(%dma_start3A_1030 : memref<!tpu.dma_semaphore, #tpu.memory_space<semaphore_mem>>)
      %dma_start3A_1039 = arith.constant 2 : i32
      %dma_start3A_1040 = arith.constant 6 : i32
      %dma_start3A_1041 = arith.constant 2 : i32
      %dma_start3A_1042 = arith.constant 48 : i32
      %dma_start3A_1043 = arith.constant 0 : i32
      %dma_start3A_1044 = tpu.memref_slice %arg8[%dma_start3A_1039, %dma_start3A_1042, %dma_start3A_1043] : memref<4x64x133xf32, #tpu.memory_space<vmem>> -> memref<1x8x128xf32, #tpu.memory_space<vmem>>
      %dma_start3A_1045 = tpu.memref_squeeze %dma_start3A_1044 : memref<1x8x128xf32, #tpu.memory_space<vmem>> -> memref<8x128xf32, #tpu.memory_space<vmem>>
      %dma_start3A_1046 = arith.constant 0 : i32
      %dma_start3A_1047 = arith.constant 0 : i32
      %dma_start3A_1048 = tpu.memref_slice %arg4[%add3A_892, %dma_start3A_1040, %add3A, %dma_start3A_1046, %dma_start3A_1047] : memref<200x8x32x8x128xf32, #tpu.memory_space<hbm>> -> memref<1x1x1x8x128xf32, #tpu.memory_space<hbm>>
      %dma_start3A_1049 = tpu.memref_squeeze %dma_start3A_1048 : memref<1x1x1x8x128xf32, #tpu.memory_space<hbm>> -> memref<8x128xf32, #tpu.memory_space<hbm>>
      %dma_start3A_1050 = tpu.memref_slice %arg10[%dma_start3A_1041] : memref<4x!tpu.dma_semaphore, #tpu.memory_space<semaphore_mem>> -> memref<1x!tpu.dma_semaphore, #tpu.memory_space<semaphore_mem>>
      %dma_start3A_1051 = tpu.memref_squeeze %dma_start3A_1050 : memref<1x!tpu.dma_semaphore, #tpu.memory_space<semaphore_mem>> -> memref<!tpu.dma_semaphore, #tpu.memory_space<semaphore_mem>>
      %dma_start3A_1052 = arith.constant 0 : i32
      %dma_start3A_1053 = arith.constant 0 : i32
      %dma_start3A_1054 = tpu.memref_slice %arg4[%add3A_892, %dma_start3A_1040, %add3A, %dma_start3A_1052, %dma_start3A_1053] : memref<200x8x32x8x128xf32, #tpu.memory_space<hbm>> -> memref<1x1x1x8x128xf32, #tpu.memory_space<hbm>>
      %dma_start3A_1055 = tpu.memref_squeeze %dma_start3A_1054 : memref<1x1x1x8x128xf32, #tpu.memory_space<hbm>> -> memref<8x128xf32, #tpu.memory_space<hbm>>
      %dma_start3A_1056 = arith.constant 48 : i32
      %dma_start3A_1057 = arith.constant 0 : i32
      %dma_start3A_1058 = tpu.memref_slice %arg8[%dma_start3A_1039, %dma_start3A_1056, %dma_start3A_1057] : memref<4x64x133xf32, #tpu.memory_space<vmem>> -> memref<1x8x128xf32, #tpu.memory_space<vmem>>
      %dma_start3A_1059 = tpu.memref_squeeze %dma_start3A_1058 : memref<1x8x128xf32, #tpu.memory_space<vmem>> -> memref<8x128xf32, #tpu.memory_space<vmem>>
      tpu.enqueue_dma source(%dma_start3A_1059 : memref<8x128xf32, #tpu.memory_space<vmem>>) target(%dma_start3A_1055 : memref<8x128xf32, #tpu.memory_space<hbm>>) target_semaphore(%dma_start3A_1051 : memref<!tpu.dma_semaphore, #tpu.memory_space<semaphore_mem>>)
      %dma_start3A_1060 = arith.constant 2 : i32
      %dma_start3A_1061 = arith.constant 7 : i32
      %dma_start3A_1062 = arith.constant 2 : i32
      %dma_start3A_1063 = arith.constant 56 : i32
      %dma_start3A_1064 = arith.constant 0 : i32
      %dma_start3A_1065 = tpu.memref_slice %arg8[%dma_start3A_1060, %dma_start3A_1063, %dma_start3A_1064] : memref<4x64x133xf32, #tpu.memory_space<vmem>> -> memref<1x8x128xf32, #tpu.memory_space<vmem>>
      %dma_start3A_1066 = tpu.memref_squeeze %dma_start3A_1065 : memref<1x8x128xf32, #tpu.memory_space<vmem>> -> memref<8x128xf32, #tpu.memory_space<vmem>>
      %dma_start3A_1067 = arith.constant 0 : i32
      %dma_start3A_1068 = arith.constant 0 : i32
      %dma_start3A_1069 = tpu.memref_slice %arg4[%add3A_892, %dma_start3A_1061, %add3A, %dma_start3A_1067, %dma_start3A_1068] : memref<200x8x32x8x128xf32, #tpu.memory_space<hbm>> -> memref<1x1x1x8x128xf32, #tpu.memory_space<hbm>>
      %dma_start3A_1070 = tpu.memref_squeeze %dma_start3A_1069 : memref<1x1x1x8x128xf32, #tpu.memory_space<hbm>> -> memref<8x128xf32, #tpu.memory_space<hbm>>
      %dma_start3A_1071 = tpu.memref_slice %arg10[%dma_start3A_1062] : memref<4x!tpu.dma_semaphore, #tpu.memory_space<semaphore_mem>> -> memref<1x!tpu.dma_semaphore, #tpu.memory_space<semaphore_mem>>
      %dma_start3A_1072 = tpu.memref_squeeze %dma_start3A_1071 : memref<1x!tpu.dma_semaphore, #tpu.memory_space<semaphore_mem>> -> memref<!tpu.dma_semaphore, #tpu.memory_space<semaphore_mem>>
      %dma_start3A_1073 = arith.constant 0 : i32
      %dma_start3A_1074 = arith.constant 0 : i32
      %dma_start3A_1075 = tpu.memref_slice %arg4[%add3A_892, %dma_start3A_1061, %add3A, %dma_start3A_1073, %dma_start3A_1074] : memref<200x8x32x8x128xf32, #tpu.memory_space<hbm>> -> memref<1x1x1x8x128xf32, #tpu.memory_space<hbm>>
      %dma_start3A_1076 = tpu.memref_squeeze %dma_start3A_1075 : memref<1x1x1x8x128xf32, #tpu.memory_space<hbm>> -> memref<8x128xf32, #tpu.memory_space<hbm>>
      %dma_start3A_1077 = arith.constant 56 : i32
      %dma_start3A_1078 = arith.constant 0 : i32
      %dma_start3A_1079 = tpu.memref_slice %arg8[%dma_start3A_1060, %dma_start3A_1077, %dma_start3A_1078] : memref<4x64x133xf32, #tpu.memory_space<vmem>> -> memref<1x8x128xf32, #tpu.memory_space<vmem>>
      %dma_start3A_1080 = tpu.memref_squeeze %dma_start3A_1079 : memref<1x8x128xf32, #tpu.memory_space<vmem>> -> memref<8x128xf32, #tpu.memory_space<vmem>>
      tpu.enqueue_dma source(%dma_start3A_1080 : memref<8x128xf32, #tpu.memory_space<vmem>>) target(%dma_start3A_1076 : memref<8x128xf32, #tpu.memory_space<hbm>>) target_semaphore(%dma_start3A_1072 : memref<!tpu.dma_semaphore, #tpu.memory_space<semaphore_mem>>)
      %ge3A_1081 = arith.constant 2 : i32
      %ge3A_1082 = arith.cmpi sge, %add3A_892, %ge3A_1081 : i32
      %convert_element_type3A_1083 = arith.extui %ge3A_1082 : i1 to i32
      %cond3A_1084 = arith.constant 0 : i32
      %cond3A_1085 = arith.cmpi ne, %convert_element_type3A_1083, %cond3A_1084 : i32
      scf.if %cond3A_1085 {
        %sub3A = arith.constant 2 : i32
        %sub3A_1297 = arith.subi %add3A_892, %sub3A : i32
        %dma_wait3A_1298 = arith.constant 0 : i32
        %dma_wait3A_1299 = arith.constant 0 : i32
        %dma_wait3A_1300 = arith.constant 0 : i32
        %dma_wait3A_1301 = arith.constant 0 : i32
        %dma_wait3A_1302 = arith.constant 0 : i32
        %dma_wait3A_1303 = tpu.memref_slice %arg8[%dma_wait3A_1298, %dma_wait3A_1301, %dma_wait3A_1302] : memref<4x64x133xf32, #tpu.memory_space<vmem>> -> memref<1x8x128xf32, #tpu.memory_space<vmem>>
        %dma_wait3A_1304 = tpu.memref_squeeze %dma_wait3A_1303 : memref<1x8x128xf32, #tpu.memory_space<vmem>> -> memref<8x128xf32, #tpu.memory_space<vmem>>
        %dma_wait3A_1305 = arith.constant 0 : i32
        %dma_wait3A_1306 = arith.constant 0 : i32
        %dma_wait3A_1307 = tpu.memref_slice %arg4[%sub3A_1297, %dma_wait3A_1299, %add3A, %dma_wait3A_1305, %dma_wait3A_1306] : memref<200x8x32x8x128xf32, #tpu.memory_space<hbm>> -> memref<1x1x1x8x128xf32, #tpu.memory_space<hbm>>
        %dma_wait3A_1308 = tpu.memref_squeeze %dma_wait3A_1307 : memref<1x1x1x8x128xf32, #tpu.memory_space<hbm>> -> memref<8x128xf32, #tpu.memory_space<hbm>>
        %dma_wait3A_1309 = tpu.memref_slice %arg10[%dma_wait3A_1300] : memref<4x!tpu.dma_semaphore, #tpu.memory_space<semaphore_mem>> -> memref<1x!tpu.dma_semaphore, #tpu.memory_space<semaphore_mem>>
        %dma_wait3A_1310 = tpu.memref_squeeze %dma_wait3A_1309 : memref<1x!tpu.dma_semaphore, #tpu.memory_space<semaphore_mem>> -> memref<!tpu.dma_semaphore, #tpu.memory_space<semaphore_mem>>
        %dma_wait3A_1311 = arith.constant 0 : i32
        %dma_wait3A_1312 = arith.constant 0 : i32
        %dma_wait3A_1313 = tpu.memref_slice %arg4[%sub3A_1297, %dma_wait3A_1299, %add3A, %dma_wait3A_1311, %dma_wait3A_1312] : memref<200x8x32x8x128xf32, #tpu.memory_space<hbm>> -> memref<1x1x1x8x128xf32, #tpu.memory_space<hbm>>
        %dma_wait3A_1314 = tpu.memref_squeeze %dma_wait3A_1313 : memref<1x1x1x8x128xf32, #tpu.memory_space<hbm>> -> memref<8x128xf32, #tpu.memory_space<hbm>>
        %dma_wait3A_1315 = arith.constant 0 : i32
        %dma_wait3A_1316 = arith.constant 0 : i32
        %dma_wait3A_1317 = tpu.memref_slice %arg8[%dma_wait3A_1298, %dma_wait3A_1315, %dma_wait3A_1316] : memref<4x64x133xf32, #tpu.memory_space<vmem>> -> memref<1x8x128xf32, #tpu.memory_space<vmem>>
        %dma_wait3A_1318 = tpu.memref_squeeze %dma_wait3A_1317 : memref<1x8x128xf32, #tpu.memory_space<vmem>> -> memref<8x128xf32, #tpu.memory_space<vmem>>
        tpu.wait_dma2 semaphore(%dma_wait3A_1310 : memref<!tpu.dma_semaphore, #tpu.memory_space<semaphore_mem>>) src(%dma_wait3A_1318 : memref<8x128xf32, #tpu.memory_space<vmem>>) dst(%dma_wait3A_1314 : memref<8x128xf32, #tpu.memory_space<hbm>>)
        %dma_wait3A_1319 = arith.constant 0 : i32
        %dma_wait3A_1320 = arith.constant 1 : i32
        %dma_wait3A_1321 = arith.constant 0 : i32
        %dma_wait3A_1322 = arith.constant 8 : i32
        %dma_wait3A_1323 = arith.constant 0 : i32
        %dma_wait3A_1324 = tpu.memref_slice %arg8[%dma_wait3A_1319, %dma_wait3A_1322, %dma_wait3A_1323] : memref<4x64x133xf32, #tpu.memory_space<vmem>> -> memref<1x8x128xf32, #tpu.memory_space<vmem>>
        %dma_wait3A_1325 = tpu.memref_squeeze %dma_wait3A_1324 : memref<1x8x128xf32, #tpu.memory_space<vmem>> -> memref<8x128xf32, #tpu.memory_space<vmem>>
        %dma_wait3A_1326 = arith.constant 0 : i32
        %dma_wait3A_1327 = arith.constant 0 : i32
        %dma_wait3A_1328 = tpu.memref_slice %arg4[%sub3A_1297, %dma_wait3A_1320, %add3A, %dma_wait3A_1326, %dma_wait3A_1327] : memref<200x8x32x8x128xf32, #tpu.memory_space<hbm>> -> memref<1x1x1x8x128xf32, #tpu.memory_space<hbm>>
        %dma_wait3A_1329 = tpu.memref_squeeze %dma_wait3A_1328 : memref<1x1x1x8x128xf32, #tpu.memory_space<hbm>> -> memref<8x128xf32, #tpu.memory_space<hbm>>
        %dma_wait3A_1330 = tpu.memref_slice %arg10[%dma_wait3A_1321] : memref<4x!tpu.dma_semaphore, #tpu.memory_space<semaphore_mem>> -> memref<1x!tpu.dma_semaphore, #tpu.memory_space<semaphore_mem>>
        %dma_wait3A_1331 = tpu.memref_squeeze %dma_wait3A_1330 : memref<1x!tpu.dma_semaphore, #tpu.memory_space<semaphore_mem>> -> memref<!tpu.dma_semaphore, #tpu.memory_space<semaphore_mem>>
        %dma_wait3A_1332 = arith.constant 0 : i32
        %dma_wait3A_1333 = arith.constant 0 : i32
        %dma_wait3A_1334 = tpu.memref_slice %arg4[%sub3A_1297, %dma_wait3A_1320, %add3A, %dma_wait3A_1332, %dma_wait3A_1333] : memref<200x8x32x8x128xf32, #tpu.memory_space<hbm>> -> memref<1x1x1x8x128xf32, #tpu.memory_space<hbm>>
        %dma_wait3A_1335 = tpu.memref_squeeze %dma_wait3A_1334 : memref<1x1x1x8x128xf32, #tpu.memory_space<hbm>> -> memref<8x128xf32, #tpu.memory_space<hbm>>
        %dma_wait3A_1336 = arith.constant 8 : i32
        %dma_wait3A_1337 = arith.constant 0 : i32
        %dma_wait3A_1338 = tpu.memref_slice %arg8[%dma_wait3A_1319, %dma_wait3A_1336, %dma_wait3A_1337] : memref<4x64x133xf32, #tpu.memory_space<vmem>> -> memref<1x8x128xf32, #tpu.memory_space<vmem>>
        %dma_wait3A_1339 = tpu.memref_squeeze %dma_wait3A_1338 : memref<1x8x128xf32, #tpu.memory_space<vmem>> -> memref<8x128xf32, #tpu.memory_space<vmem>>
        tpu.wait_dma2 semaphore(%dma_wait3A_1331 : memref<!tpu.dma_semaphore, #tpu.memory_space<semaphore_mem>>) src(%dma_wait3A_1339 : memref<8x128xf32, #tpu.memory_space<vmem>>) dst(%dma_wait3A_1335 : memref<8x128xf32, #tpu.memory_space<hbm>>)
        %dma_wait3A_1340 = arith.constant 0 : i32
        %dma_wait3A_1341 = arith.constant 2 : i32
        %dma_wait3A_1342 = arith.constant 0 : i32
        %dma_wait3A_1343 = arith.constant 16 : i32
        %dma_wait3A_1344 = arith.constant 0 : i32
        %dma_wait3A_1345 = tpu.memref_slice %arg8[%dma_wait3A_1340, %dma_wait3A_1343, %dma_wait3A_1344] : memref<4x64x133xf32, #tpu.memory_space<vmem>> -> memref<1x8x128xf32, #tpu.memory_space<vmem>>
        %dma_wait3A_1346 = tpu.memref_squeeze %dma_wait3A_1345 : memref<1x8x128xf32, #tpu.memory_space<vmem>> -> memref<8x128xf32, #tpu.memory_space<vmem>>
        %dma_wait3A_1347 = arith.constant 0 : i32
        %dma_wait3A_1348 = arith.constant 0 : i32
        %dma_wait3A_1349 = tpu.memref_slice %arg4[%sub3A_1297, %dma_wait3A_1341, %add3A, %dma_wait3A_1347, %dma_wait3A_1348] : memref<200x8x32x8x128xf32, #tpu.memory_space<hbm>> -> memref<1x1x1x8x128xf32, #tpu.memory_space<hbm>>
        %dma_wait3A_1350 = tpu.memref_squeeze %dma_wait3A_1349 : memref<1x1x1x8x128xf32, #tpu.memory_space<hbm>> -> memref<8x128xf32, #tpu.memory_space<hbm>>
        %dma_wait3A_1351 = tpu.memref_slice %arg10[%dma_wait3A_1342] : memref<4x!tpu.dma_semaphore, #tpu.memory_space<semaphore_mem>> -> memref<1x!tpu.dma_semaphore, #tpu.memory_space<semaphore_mem>>
        %dma_wait3A_1352 = tpu.memref_squeeze %dma_wait3A_1351 : memref<1x!tpu.dma_semaphore, #tpu.memory_space<semaphore_mem>> -> memref<!tpu.dma_semaphore, #tpu.memory_space<semaphore_mem>>
        %dma_wait3A_1353 = arith.constant 0 : i32
        %dma_wait3A_1354 = arith.constant 0 : i32
        %dma_wait3A_1355 = tpu.memref_slice %arg4[%sub3A_1297, %dma_wait3A_1341, %add3A, %dma_wait3A_1353, %dma_wait3A_1354] : memref<200x8x32x8x128xf32, #tpu.memory_space<hbm>> -> memref<1x1x1x8x128xf32, #tpu.memory_space<hbm>>
        %dma_wait3A_1356 = tpu.memref_squeeze %dma_wait3A_1355 : memref<1x1x1x8x128xf32, #tpu.memory_space<hbm>> -> memref<8x128xf32, #tpu.memory_space<hbm>>
        %dma_wait3A_1357 = arith.constant 16 : i32
        %dma_wait3A_1358 = arith.constant 0 : i32
        %dma_wait3A_1359 = tpu.memref_slice %arg8[%dma_wait3A_1340, %dma_wait3A_1357, %dma_wait3A_1358] : memref<4x64x133xf32, #tpu.memory_space<vmem>> -> memref<1x8x128xf32, #tpu.memory_space<vmem>>
        %dma_wait3A_1360 = tpu.memref_squeeze %dma_wait3A_1359 : memref<1x8x128xf32, #tpu.memory_space<vmem>> -> memref<8x128xf32, #tpu.memory_space<vmem>>
        tpu.wait_dma2 semaphore(%dma_wait3A_1352 : memref<!tpu.dma_semaphore, #tpu.memory_space<semaphore_mem>>) src(%dma_wait3A_1360 : memref<8x128xf32, #tpu.memory_space<vmem>>) dst(%dma_wait3A_1356 : memref<8x128xf32, #tpu.memory_space<hbm>>)
        %dma_wait3A_1361 = arith.constant 0 : i32
        %dma_wait3A_1362 = arith.constant 3 : i32
        %dma_wait3A_1363 = arith.constant 0 : i32
        %dma_wait3A_1364 = arith.constant 24 : i32
        %dma_wait3A_1365 = arith.constant 0 : i32
        %dma_wait3A_1366 = tpu.memref_slice %arg8[%dma_wait3A_1361, %dma_wait3A_1364, %dma_wait3A_1365] : memref<4x64x133xf32, #tpu.memory_space<vmem>> -> memref<1x8x128xf32, #tpu.memory_space<vmem>>
        %dma_wait3A_1367 = tpu.memref_squeeze %dma_wait3A_1366 : memref<1x8x128xf32, #tpu.memory_space<vmem>> -> memref<8x128xf32, #tpu.memory_space<vmem>>
        %dma_wait3A_1368 = arith.constant 0 : i32
        %dma_wait3A_1369 = arith.constant 0 : i32
        %dma_wait3A_1370 = tpu.memref_slice %arg4[%sub3A_1297, %dma_wait3A_1362, %add3A, %dma_wait3A_1368, %dma_wait3A_1369] : memref<200x8x32x8x128xf32, #tpu.memory_space<hbm>> -> memref<1x1x1x8x128xf32, #tpu.memory_space<hbm>>
        %dma_wait3A_1371 = tpu.memref_squeeze %dma_wait3A_1370 : memref<1x1x1x8x128xf32, #tpu.memory_space<hbm>> -> memref<8x128xf32, #tpu.memory_space<hbm>>
        %dma_wait3A_1372 = tpu.memref_slice %arg10[%dma_wait3A_1363] : memref<4x!tpu.dma_semaphore, #tpu.memory_space<semaphore_mem>> -> memref<1x!tpu.dma_semaphore, #tpu.memory_space<semaphore_mem>>
        %dma_wait3A_1373 = tpu.memref_squeeze %dma_wait3A_1372 : memref<1x!tpu.dma_semaphore, #tpu.memory_space<semaphore_mem>> -> memref<!tpu.dma_semaphore, #tpu.memory_space<semaphore_mem>>
        %dma_wait3A_1374 = arith.constant 0 : i32
        %dma_wait3A_1375 = arith.constant 0 : i32
        %dma_wait3A_1376 = tpu.memref_slice %arg4[%sub3A_1297, %dma_wait3A_1362, %add3A, %dma_wait3A_1374, %dma_wait3A_1375] : memref<200x8x32x8x128xf32, #tpu.memory_space<hbm>> -> memref<1x1x1x8x128xf32, #tpu.memory_space<hbm>>
        %dma_wait3A_1377 = tpu.memref_squeeze %dma_wait3A_1376 : memref<1x1x1x8x128xf32, #tpu.memory_space<hbm>> -> memref<8x128xf32, #tpu.memory_space<hbm>>
        %dma_wait3A_1378 = arith.constant 24 : i32
        %dma_wait3A_1379 = arith.constant 0 : i32
        %dma_wait3A_1380 = tpu.memref_slice %arg8[%dma_wait3A_1361, %dma_wait3A_1378, %dma_wait3A_1379] : memref<4x64x133xf32, #tpu.memory_space<vmem>> -> memref<1x8x128xf32, #tpu.memory_space<vmem>>
        %dma_wait3A_1381 = tpu.memref_squeeze %dma_wait3A_1380 : memref<1x8x128xf32, #tpu.memory_space<vmem>> -> memref<8x128xf32, #tpu.memory_space<vmem>>
        tpu.wait_dma2 semaphore(%dma_wait3A_1373 : memref<!tpu.dma_semaphore, #tpu.memory_space<semaphore_mem>>) src(%dma_wait3A_1381 : memref<8x128xf32, #tpu.memory_space<vmem>>) dst(%dma_wait3A_1377 : memref<8x128xf32, #tpu.memory_space<hbm>>)
        %dma_wait3A_1382 = arith.constant 0 : i32
        %dma_wait3A_1383 = arith.constant 4 : i32
        %dma_wait3A_1384 = arith.constant 0 : i32
        %dma_wait3A_1385 = arith.constant 32 : i32
        %dma_wait3A_1386 = arith.constant 0 : i32
        %dma_wait3A_1387 = tpu.memref_slice %arg8[%dma_wait3A_1382, %dma_wait3A_1385, %dma_wait3A_1386] : memref<4x64x133xf32, #tpu.memory_space<vmem>> -> memref<1x8x128xf32, #tpu.memory_space<vmem>>
        %dma_wait3A_1388 = tpu.memref_squeeze %dma_wait3A_1387 : memref<1x8x128xf32, #tpu.memory_space<vmem>> -> memref<8x128xf32, #tpu.memory_space<vmem>>
        %dma_wait3A_1389 = arith.constant 0 : i32
        %dma_wait3A_1390 = arith.constant 0 : i32
        %dma_wait3A_1391 = tpu.memref_slice %arg4[%sub3A_1297, %dma_wait3A_1383, %add3A, %dma_wait3A_1389, %dma_wait3A_1390] : memref<200x8x32x8x128xf32, #tpu.memory_space<hbm>> -> memref<1x1x1x8x128xf32, #tpu.memory_space<hbm>>
        %dma_wait3A_1392 = tpu.memref_squeeze %dma_wait3A_1391 : memref<1x1x1x8x128xf32, #tpu.memory_space<hbm>> -> memref<8x128xf32, #tpu.memory_space<hbm>>
        %dma_wait3A_1393 = tpu.memref_slice %arg10[%dma_wait3A_1384] : memref<4x!tpu.dma_semaphore, #tpu.memory_space<semaphore_mem>> -> memref<1x!tpu.dma_semaphore, #tpu.memory_space<semaphore_mem>>
        %dma_wait3A_1394 = tpu.memref_squeeze %dma_wait3A_1393 : memref<1x!tpu.dma_semaphore, #tpu.memory_space<semaphore_mem>> -> memref<!tpu.dma_semaphore, #tpu.memory_space<semaphore_mem>>
        %dma_wait3A_1395 = arith.constant 0 : i32
        %dma_wait3A_1396 = arith.constant 0 : i32
        %dma_wait3A_1397 = tpu.memref_slice %arg4[%sub3A_1297, %dma_wait3A_1383, %add3A, %dma_wait3A_1395, %dma_wait3A_1396] : memref<200x8x32x8x128xf32, #tpu.memory_space<hbm>> -> memref<1x1x1x8x128xf32, #tpu.memory_space<hbm>>
        %dma_wait3A_1398 = tpu.memref_squeeze %dma_wait3A_1397 : memref<1x1x1x8x128xf32, #tpu.memory_space<hbm>> -> memref<8x128xf32, #tpu.memory_space<hbm>>
        %dma_wait3A_1399 = arith.constant 32 : i32
        %dma_wait3A_1400 = arith.constant 0 : i32
        %dma_wait3A_1401 = tpu.memref_slice %arg8[%dma_wait3A_1382, %dma_wait3A_1399, %dma_wait3A_1400] : memref<4x64x133xf32, #tpu.memory_space<vmem>> -> memref<1x8x128xf32, #tpu.memory_space<vmem>>
        %dma_wait3A_1402 = tpu.memref_squeeze %dma_wait3A_1401 : memref<1x8x128xf32, #tpu.memory_space<vmem>> -> memref<8x128xf32, #tpu.memory_space<vmem>>
        tpu.wait_dma2 semaphore(%dma_wait3A_1394 : memref<!tpu.dma_semaphore, #tpu.memory_space<semaphore_mem>>) src(%dma_wait3A_1402 : memref<8x128xf32, #tpu.memory_space<vmem>>) dst(%dma_wait3A_1398 : memref<8x128xf32, #tpu.memory_space<hbm>>)
        %dma_wait3A_1403 = arith.constant 0 : i32
        %dma_wait3A_1404 = arith.constant 5 : i32
        %dma_wait3A_1405 = arith.constant 0 : i32
        %dma_wait3A_1406 = arith.constant 40 : i32
        %dma_wait3A_1407 = arith.constant 0 : i32
        %dma_wait3A_1408 = tpu.memref_slice %arg8[%dma_wait3A_1403, %dma_wait3A_1406, %dma_wait3A_1407] : memref<4x64x133xf32, #tpu.memory_space<vmem>> -> memref<1x8x128xf32, #tpu.memory_space<vmem>>
        %dma_wait3A_1409 = tpu.memref_squeeze %dma_wait3A_1408 : memref<1x8x128xf32, #tpu.memory_space<vmem>> -> memref<8x128xf32, #tpu.memory_space<vmem>>
        %dma_wait3A_1410 = arith.constant 0 : i32
        %dma_wait3A_1411 = arith.constant 0 : i32
        %dma_wait3A_1412 = tpu.memref_slice %arg4[%sub3A_1297, %dma_wait3A_1404, %add3A, %dma_wait3A_1410, %dma_wait3A_1411] : memref<200x8x32x8x128xf32, #tpu.memory_space<hbm>> -> memref<1x1x1x8x128xf32, #tpu.memory_space<hbm>>
        %dma_wait3A_1413 = tpu.memref_squeeze %dma_wait3A_1412 : memref<1x1x1x8x128xf32, #tpu.memory_space<hbm>> -> memref<8x128xf32, #tpu.memory_space<hbm>>
        %dma_wait3A_1414 = tpu.memref_slice %arg10[%dma_wait3A_1405] : memref<4x!tpu.dma_semaphore, #tpu.memory_space<semaphore_mem>> -> memref<1x!tpu.dma_semaphore, #tpu.memory_space<semaphore_mem>>
        %dma_wait3A_1415 = tpu.memref_squeeze %dma_wait3A_1414 : memref<1x!tpu.dma_semaphore, #tpu.memory_space<semaphore_mem>> -> memref<!tpu.dma_semaphore, #tpu.memory_space<semaphore_mem>>
        %dma_wait3A_1416 = arith.constant 0 : i32
        %dma_wait3A_1417 = arith.constant 0 : i32
        %dma_wait3A_1418 = tpu.memref_slice %arg4[%sub3A_1297, %dma_wait3A_1404, %add3A, %dma_wait3A_1416, %dma_wait3A_1417] : memref<200x8x32x8x128xf32, #tpu.memory_space<hbm>> -> memref<1x1x1x8x128xf32, #tpu.memory_space<hbm>>
        %dma_wait3A_1419 = tpu.memref_squeeze %dma_wait3A_1418 : memref<1x1x1x8x128xf32, #tpu.memory_space<hbm>> -> memref<8x128xf32, #tpu.memory_space<hbm>>
        %dma_wait3A_1420 = arith.constant 40 : i32
        %dma_wait3A_1421 = arith.constant 0 : i32
        %dma_wait3A_1422 = tpu.memref_slice %arg8[%dma_wait3A_1403, %dma_wait3A_1420, %dma_wait3A_1421] : memref<4x64x133xf32, #tpu.memory_space<vmem>> -> memref<1x8x128xf32, #tpu.memory_space<vmem>>
        %dma_wait3A_1423 = tpu.memref_squeeze %dma_wait3A_1422 : memref<1x8x128xf32, #tpu.memory_space<vmem>> -> memref<8x128xf32, #tpu.memory_space<vmem>>
        tpu.wait_dma2 semaphore(%dma_wait3A_1415 : memref<!tpu.dma_semaphore, #tpu.memory_space<semaphore_mem>>) src(%dma_wait3A_1423 : memref<8x128xf32, #tpu.memory_space<vmem>>) dst(%dma_wait3A_1419 : memref<8x128xf32, #tpu.memory_space<hbm>>)
        %dma_wait3A_1424 = arith.constant 0 : i32
        %dma_wait3A_1425 = arith.constant 6 : i32
        %dma_wait3A_1426 = arith.constant 0 : i32
        %dma_wait3A_1427 = arith.constant 48 : i32
        %dma_wait3A_1428 = arith.constant 0 : i32
        %dma_wait3A_1429 = tpu.memref_slice %arg8[%dma_wait3A_1424, %dma_wait3A_1427, %dma_wait3A_1428] : memref<4x64x133xf32, #tpu.memory_space<vmem>> -> memref<1x8x128xf32, #tpu.memory_space<vmem>>
        %dma_wait3A_1430 = tpu.memref_squeeze %dma_wait3A_1429 : memref<1x8x128xf32, #tpu.memory_space<vmem>> -> memref<8x128xf32, #tpu.memory_space<vmem>>
        %dma_wait3A_1431 = arith.constant 0 : i32
        %dma_wait3A_1432 = arith.constant 0 : i32
        %dma_wait3A_1433 = tpu.memref_slice %arg4[%sub3A_1297, %dma_wait3A_1425, %add3A, %dma_wait3A_1431, %dma_wait3A_1432] : memref<200x8x32x8x128xf32, #tpu.memory_space<hbm>> -> memref<1x1x1x8x128xf32, #tpu.memory_space<hbm>>
        %dma_wait3A_1434 = tpu.memref_squeeze %dma_wait3A_1433 : memref<1x1x1x8x128xf32, #tpu.memory_space<hbm>> -> memref<8x128xf32, #tpu.memory_space<hbm>>
        %dma_wait3A_1435 = tpu.memref_slice %arg10[%dma_wait3A_1426] : memref<4x!tpu.dma_semaphore, #tpu.memory_space<semaphore_mem>> -> memref<1x!tpu.dma_semaphore, #tpu.memory_space<semaphore_mem>>
        %dma_wait3A_1436 = tpu.memref_squeeze %dma_wait3A_1435 : memref<1x!tpu.dma_semaphore, #tpu.memory_space<semaphore_mem>> -> memref<!tpu.dma_semaphore, #tpu.memory_space<semaphore_mem>>
        %dma_wait3A_1437 = arith.constant 0 : i32
        %dma_wait3A_1438 = arith.constant 0 : i32
        %dma_wait3A_1439 = tpu.memref_slice %arg4[%sub3A_1297, %dma_wait3A_1425, %add3A, %dma_wait3A_1437, %dma_wait3A_1438] : memref<200x8x32x8x128xf32, #tpu.memory_space<hbm>> -> memref<1x1x1x8x128xf32, #tpu.memory_space<hbm>>
        %dma_wait3A_1440 = tpu.memref_squeeze %dma_wait3A_1439 : memref<1x1x1x8x128xf32, #tpu.memory_space<hbm>> -> memref<8x128xf32, #tpu.memory_space<hbm>>
        %dma_wait3A_1441 = arith.constant 48 : i32
        %dma_wait3A_1442 = arith.constant 0 : i32
        %dma_wait3A_1443 = tpu.memref_slice %arg8[%dma_wait3A_1424, %dma_wait3A_1441, %dma_wait3A_1442] : memref<4x64x133xf32, #tpu.memory_space<vmem>> -> memref<1x8x128xf32, #tpu.memory_space<vmem>>
        %dma_wait3A_1444 = tpu.memref_squeeze %dma_wait3A_1443 : memref<1x8x128xf32, #tpu.memory_space<vmem>> -> memref<8x128xf32, #tpu.memory_space<vmem>>
        tpu.wait_dma2 semaphore(%dma_wait3A_1436 : memref<!tpu.dma_semaphore, #tpu.memory_space<semaphore_mem>>) src(%dma_wait3A_1444 : memref<8x128xf32, #tpu.memory_space<vmem>>) dst(%dma_wait3A_1440 : memref<8x128xf32, #tpu.memory_space<hbm>>)
        %dma_wait3A_1445 = arith.constant 0 : i32
        %dma_wait3A_1446 = arith.constant 7 : i32
        %dma_wait3A_1447 = arith.constant 0 : i32
        %dma_wait3A_1448 = arith.constant 56 : i32
        %dma_wait3A_1449 = arith.constant 0 : i32
        %dma_wait3A_1450 = tpu.memref_slice %arg8[%dma_wait3A_1445, %dma_wait3A_1448, %dma_wait3A_1449] : memref<4x64x133xf32, #tpu.memory_space<vmem>> -> memref<1x8x128xf32, #tpu.memory_space<vmem>>
        %dma_wait3A_1451 = tpu.memref_squeeze %dma_wait3A_1450 : memref<1x8x128xf32, #tpu.memory_space<vmem>> -> memref<8x128xf32, #tpu.memory_space<vmem>>
        %dma_wait3A_1452 = arith.constant 0 : i32
        %dma_wait3A_1453 = arith.constant 0 : i32
        %dma_wait3A_1454 = tpu.memref_slice %arg4[%sub3A_1297, %dma_wait3A_1446, %add3A, %dma_wait3A_1452, %dma_wait3A_1453] : memref<200x8x32x8x128xf32, #tpu.memory_space<hbm>> -> memref<1x1x1x8x128xf32, #tpu.memory_space<hbm>>
        %dma_wait3A_1455 = tpu.memref_squeeze %dma_wait3A_1454 : memref<1x1x1x8x128xf32, #tpu.memory_space<hbm>> -> memref<8x128xf32, #tpu.memory_space<hbm>>
        %dma_wait3A_1456 = tpu.memref_slice %arg10[%dma_wait3A_1447] : memref<4x!tpu.dma_semaphore, #tpu.memory_space<semaphore_mem>> -> memref<1x!tpu.dma_semaphore, #tpu.memory_space<semaphore_mem>>
        %dma_wait3A_1457 = tpu.memref_squeeze %dma_wait3A_1456 : memref<1x!tpu.dma_semaphore, #tpu.memory_space<semaphore_mem>> -> memref<!tpu.dma_semaphore, #tpu.memory_space<semaphore_mem>>
        %dma_wait3A_1458 = arith.constant 0 : i32
        %dma_wait3A_1459 = arith.constant 0 : i32
        %dma_wait3A_1460 = tpu.memref_slice %arg4[%sub3A_1297, %dma_wait3A_1446, %add3A, %dma_wait3A_1458, %dma_wait3A_1459] : memref<200x8x32x8x128xf32, #tpu.memory_space<hbm>> -> memref<1x1x1x8x128xf32, #tpu.memory_space<hbm>>
        %dma_wait3A_1461 = tpu.memref_squeeze %dma_wait3A_1460 : memref<1x1x1x8x128xf32, #tpu.memory_space<hbm>> -> memref<8x128xf32, #tpu.memory_space<hbm>>
        %dma_wait3A_1462 = arith.constant 56 : i32
        %dma_wait3A_1463 = arith.constant 0 : i32
        %dma_wait3A_1464 = tpu.memref_slice %arg8[%dma_wait3A_1445, %dma_wait3A_1462, %dma_wait3A_1463] : memref<4x64x133xf32, #tpu.memory_space<vmem>> -> memref<1x8x128xf32, #tpu.memory_space<vmem>>
        %dma_wait3A_1465 = tpu.memref_squeeze %dma_wait3A_1464 : memref<1x8x128xf32, #tpu.memory_space<vmem>> -> memref<8x128xf32, #tpu.memory_space<vmem>>
        tpu.wait_dma2 semaphore(%dma_wait3A_1457 : memref<!tpu.dma_semaphore, #tpu.memory_space<semaphore_mem>>) src(%dma_wait3A_1465 : memref<8x128xf32, #tpu.memory_space<vmem>>) dst(%dma_wait3A_1461 : memref<8x128xf32, #tpu.memory_space<hbm>>)
      } else {
      }
      %add3A_1086 = arith.constant 4 : i32
      %add3A_1087 = arith.addi %add3A_892, %add3A_1086 : i32
      %lt3A_1088 = arith.constant 200 : i32
      %lt3A_1089 = arith.cmpi slt, %add3A_1087, %lt3A_1088 : i32
      %convert_element_type3A_1090 = arith.extui %lt3A_1089 : i1 to i32
      %cond3A_1091 = arith.constant 0 : i32
      %cond3A_1092 = arith.cmpi ne, %convert_element_type3A_1090, %cond3A_1091 : i32
      scf.if %cond3A_1092 {
        %add3A_1297 = arith.constant 4 : i32
        %add3A_1298 = arith.addi %add3A_892, %add3A_1297 : i32
        %dma_start3A_1299 = arith.constant 2 : i32
        %dma_start3A_1300 = arith.constant 2 : i32
        %dma_start3A_1301 = arith.constant 0 : i32
        %dma_start3A_1302 = arith.constant 0 : i32
        %dma_start3A_1303 = tpu.memref_slice %arg7[%dma_start3A_1299, %dma_start3A_1301, %dma_start3A_1302] : memref<4x128x64xf32, #tpu.memory_space<vmem>> -> memref<1x128x64xf32, #tpu.memory_space<vmem>>
        %dma_start3A_1304 = tpu.memref_squeeze %dma_start3A_1303 : memref<1x128x64xf32, #tpu.memory_space<vmem>> -> memref<128x64xf32, #tpu.memory_space<vmem>>
        %dma_start3A_1305 = arith.constant 0 : i32
        %dma_start3A_1306 = tpu.memref_slice %arg6[%add3A_1298, %dma_start3A_1305] : memref<200x128xi32, #tpu.memory_space<vmem>> -> memref<1x128xi32, #tpu.memory_space<vmem>>
        %dma_start3A_1307 = tpu.memref_squeeze %dma_start3A_1306 : memref<1x128xi32, #tpu.memory_space<vmem>> -> memref<128xi32, #tpu.memory_space<vmem>>
        %dma_start3A_1308 = arith.constant 0 : i32
        %dma_start3A_1309 = arith.constant 0 : i32
        %dma_start3A_1310 = tpu.memref_slice %arg2[%dma_start3A_1308, %dma_start3A_1309] : memref<100000x64xf32, #tpu.memory_space<hbm>> -> memref<100000x64xf32, #tpu.memory_space<hbm>>
        %dma_start3A_1311 = tpu.memref_slice %arg9[%dma_start3A_1300] : memref<4x!tpu.dma_semaphore, #tpu.memory_space<semaphore_mem>> -> memref<1x!tpu.dma_semaphore, #tpu.memory_space<semaphore_mem>>
        %dma_start3A_1312 = tpu.memref_squeeze %dma_start3A_1311 : memref<1x!tpu.dma_semaphore, #tpu.memory_space<semaphore_mem>> -> memref<!tpu.dma_semaphore, #tpu.memory_space<semaphore_mem>>
        tpu.enqueue_indirect_dma source(%dma_start3A_1310 : memref<100000x64xf32, #tpu.memory_space<hbm>>) target(%dma_start3A_1304 : memref<128x64xf32, #tpu.memory_space<vmem>>) offsets(%dma_start3A_1307 : memref<128xi32, #tpu.memory_space<vmem>>) semaphore(%dma_start3A_1312 : memref<!tpu.dma_semaphore, #tpu.memory_space<semaphore_mem>>)
      } else {
      }
      %mul3A_1093 = arith.constant 4 : i32
      %mul3A_1094 = arith.muli %scan3A_484, %mul3A_1093 : i32
      %add3A_1095 = arith.constant 3 : i32
      %add3A_1096 = arith.addi %mul3A_1094, %add3A_1095 : i32
      %dma_wait3A_1097 = arith.constant 3 : i32
      %dma_wait3A_1098 = arith.constant 3 : i32
      %dma_wait3A_1099 = arith.constant 0 : i32
      %dma_wait3A_1100 = arith.constant 0 : i32
      %dma_wait3A_1101 = tpu.memref_slice %arg7[%dma_wait3A_1097, %dma_wait3A_1099, %dma_wait3A_1100] : memref<4x128x64xf32, #tpu.memory_space<vmem>> -> memref<1x128x64xf32, #tpu.memory_space<vmem>>
      %dma_wait3A_1102 = tpu.memref_squeeze %dma_wait3A_1101 : memref<1x128x64xf32, #tpu.memory_space<vmem>> -> memref<128x64xf32, #tpu.memory_space<vmem>>
      %dma_wait3A_1103 = arith.constant 0 : i32
      %dma_wait3A_1104 = tpu.memref_slice %arg6[%add3A_1096, %dma_wait3A_1103] : memref<200x128xi32, #tpu.memory_space<vmem>> -> memref<1x128xi32, #tpu.memory_space<vmem>>
      %dma_wait3A_1105 = tpu.memref_squeeze %dma_wait3A_1104 : memref<1x128xi32, #tpu.memory_space<vmem>> -> memref<128xi32, #tpu.memory_space<vmem>>
      %dma_wait3A_1106 = arith.constant 0 : i32
      %dma_wait3A_1107 = arith.constant 0 : i32
      %dma_wait3A_1108 = tpu.memref_slice %arg2[%dma_wait3A_1106, %dma_wait3A_1107] : memref<100000x64xf32, #tpu.memory_space<hbm>> -> memref<100000x64xf32, #tpu.memory_space<hbm>>
      %dma_wait3A_1109 = tpu.memref_slice %arg9[%dma_wait3A_1098] : memref<4x!tpu.dma_semaphore, #tpu.memory_space<semaphore_mem>> -> memref<1x!tpu.dma_semaphore, #tpu.memory_space<semaphore_mem>>
      %dma_wait3A_1110 = tpu.memref_squeeze %dma_wait3A_1109 : memref<1x!tpu.dma_semaphore, #tpu.memory_space<semaphore_mem>> -> memref<!tpu.dma_semaphore, #tpu.memory_space<semaphore_mem>>
      tpu.wait_indirect_dma semaphore(%dma_wait3A_1110 : memref<!tpu.dma_semaphore, #tpu.memory_space<semaphore_mem>>) src(%dma_wait3A_1108 : memref<100000x64xf32, #tpu.memory_space<hbm>>) dst(%dma_wait3A_1102 : memref<128x64xf32, #tpu.memory_space<vmem>>)
      %scan3A_1111 = arith.constant 0 : i32
      %scan3A_1112 = arith.constant 0 : i32
      %scan3A_1113 = arith.constant 32 : i32
      %scan3A_1114 = arith.addi %scan3A_1112, %scan3A_1113 : i32
      %scan3A_1115 = arith.constant 1 : i32
      scf.for %scan3A_1297 = %scan3A_1112 to %scan3A_1114 step %scan3A_1115  : i32 {
        %mul3A_1298 = arith.constant 4 : i32
        %mul3A_1299 = arith.muli %scan3A_1297, %mul3A_1298 : i32
        %add3A_1300 = arith.constant 0 : i32
        %add3A_1301 = arith.addi %mul3A_1299, %add3A_1300 : i32
        %broadcast_in_dim3A = vector.broadcast %add3A_1301 : i32 to vector<16xi32>
        %get3A = arith.constant 3 : i32
        %get3A_1302 = arith.index_cast %get3A : i32 to index
        %get3A_1303 = arith.index_cast %add3A_1301 : i32 to index
        %get3A_1304 = arith.constant 0 : index
        %get3A_1305 = tpu.vector_load %arg7[%get3A_1302, %get3A_1303, %get3A_1304] {strides = array<i32>} : memref<4x128x64xf32, #tpu.memory_space<vmem>>, vector<16xf32>,
        %scatter3A = arith.constant 3 : i32
        %scatter3A_1306 = arith.constant 0 : i32
        %scatter3A_1307 = arith.constant 0 : i32
        %scatter3A_1308 = tpu.memref_slice %arg8[%scatter3A, %scatter3A_1306, %scatter3A_1307] : memref<4x64x133xf32, #tpu.memory_space<vmem>> -> memref<1x64x133xf32, #tpu.memory_space<vmem>>
        %scatter3A_1309 = tpu.memref_squeeze %scatter3A_1308 : memref<1x64x133xf32, #tpu.memory_space<vmem>> -> memref<64x133xf32, #tpu.memory_space<vmem>>
        tpu.vector_store_idx %scatter3A_1309[%add3A_58, %broadcast_in_dim3A], %get3A_1305 : memref<64x133xf32, #tpu.memory_space<vmem>>[vector<16xi32>, vector<16xi32>], vector<16xf32>,
        %get3A_1310 = arith.constant 3 : i32
        %get3A_1311 = arith.index_cast %get3A_1310 : i32 to index
        %get3A_1312 = arith.index_cast %add3A_1301 : i32 to index
        %get3A_1313 = arith.constant 16 : index
        %get3A_1314 = tpu.vector_load %arg7[%get3A_1311, %get3A_1312, %get3A_1313] {strides = array<i32>} : memref<4x128x64xf32, #tpu.memory_space<vmem>>, vector<16xf32>,
        %scatter3A_1315 = arith.constant 3 : i32
        %scatter3A_1316 = arith.constant 0 : i32
        %scatter3A_1317 = arith.constant 0 : i32
        %scatter3A_1318 = tpu.memref_slice %arg8[%scatter3A_1315, %scatter3A_1316, %scatter3A_1317] : memref<4x64x133xf32, #tpu.memory_space<vmem>> -> memref<1x64x133xf32, #tpu.memory_space<vmem>>
        %scatter3A_1319 = tpu.memref_squeeze %scatter3A_1318 : memref<1x64x133xf32, #tpu.memory_space<vmem>> -> memref<64x133xf32, #tpu.memory_space<vmem>>
        tpu.vector_store_idx %scatter3A_1319[%add3A_61, %broadcast_in_dim3A], %get3A_1314 : memref<64x133xf32, #tpu.memory_space<vmem>>[vector<16xi32>, vector<16xi32>], vector<16xf32>,
        %get3A_1320 = arith.constant 3 : i32
        %get3A_1321 = arith.index_cast %get3A_1320 : i32 to index
        %get3A_1322 = arith.index_cast %add3A_1301 : i32 to index
        %get3A_1323 = arith.constant 32 : index
        %get3A_1324 = tpu.vector_load %arg7[%get3A_1321, %get3A_1322, %get3A_1323] {strides = array<i32>} : memref<4x128x64xf32, #tpu.memory_space<vmem>>, vector<16xf32>,
        %scatter3A_1325 = arith.constant 3 : i32
        %scatter3A_1326 = arith.constant 0 : i32
        %scatter3A_1327 = arith.constant 0 : i32
        %scatter3A_1328 = tpu.memref_slice %arg8[%scatter3A_1325, %scatter3A_1326, %scatter3A_1327] : memref<4x64x133xf32, #tpu.memory_space<vmem>> -> memref<1x64x133xf32, #tpu.memory_space<vmem>>
        %scatter3A_1329 = tpu.memref_squeeze %scatter3A_1328 : memref<1x64x133xf32, #tpu.memory_space<vmem>> -> memref<64x133xf32, #tpu.memory_space<vmem>>
        tpu.vector_store_idx %scatter3A_1329[%add3A_64, %broadcast_in_dim3A], %get3A_1324 : memref<64x133xf32, #tpu.memory_space<vmem>>[vector<16xi32>, vector<16xi32>], vector<16xf32>,
        %get3A_1330 = arith.constant 3 : i32
        %get3A_1331 = arith.index_cast %get3A_1330 : i32 to index
        %get3A_1332 = arith.index_cast %add3A_1301 : i32 to index
        %get3A_1333 = arith.constant 48 : index
        %get3A_1334 = tpu.vector_load %arg7[%get3A_1331, %get3A_1332, %get3A_1333] {strides = array<i32>} : memref<4x128x64xf32, #tpu.memory_space<vmem>>, vector<16xf32>,
        %scatter3A_1335 = arith.constant 3 : i32
        %scatter3A_1336 = arith.constant 0 : i32
        %scatter3A_1337 = arith.constant 0 : i32
        %scatter3A_1338 = tpu.memref_slice %arg8[%scatter3A_1335, %scatter3A_1336, %scatter3A_1337] : memref<4x64x133xf32, #tpu.memory_space<vmem>> -> memref<1x64x133xf32, #tpu.memory_space<vmem>>
        %scatter3A_1339 = tpu.memref_squeeze %scatter3A_1338 : memref<1x64x133xf32, #tpu.memory_space<vmem>> -> memref<64x133xf32, #tpu.memory_space<vmem>>
        tpu.vector_store_idx %scatter3A_1339[%add3A_67, %broadcast_in_dim3A], %get3A_1334 : memref<64x133xf32, #tpu.memory_space<vmem>>[vector<16xi32>, vector<16xi32>], vector<16xf32>,
        %mul3A_1340 = arith.constant 4 : i32
        %mul3A_1341 = arith.muli %scan3A_1297, %mul3A_1340 : i32
        %add3A_1342 = arith.constant 1 : i32
        %add3A_1343 = arith.addi %mul3A_1341, %add3A_1342 : i32
        %broadcast_in_dim3A_1344 = vector.broadcast %add3A_1343 : i32 to vector<16xi32>
        %get3A_1345 = arith.constant 3 : i32
        %get3A_1346 = arith.index_cast %get3A_1345 : i32 to index
        %get3A_1347 = arith.index_cast %add3A_1343 : i32 to index
        %get3A_1348 = arith.constant 0 : index
        %get3A_1349 = tpu.vector_load %arg7[%get3A_1346, %get3A_1347, %get3A_1348] {strides = array<i32>} : memref<4x128x64xf32, #tpu.memory_space<vmem>>, vector<16xf32>,
        %scatter3A_1350 = arith.constant 3 : i32
        %scatter3A_1351 = arith.constant 0 : i32
        %scatter3A_1352 = arith.constant 0 : i32
        %scatter3A_1353 = tpu.memref_slice %arg8[%scatter3A_1350, %scatter3A_1351, %scatter3A_1352] : memref<4x64x133xf32, #tpu.memory_space<vmem>> -> memref<1x64x133xf32, #tpu.memory_space<vmem>>
        %scatter3A_1354 = tpu.memref_squeeze %scatter3A_1353 : memref<1x64x133xf32, #tpu.memory_space<vmem>> -> memref<64x133xf32, #tpu.memory_space<vmem>>
        tpu.vector_store_idx %scatter3A_1354[%add3A_58, %broadcast_in_dim3A_1344], %get3A_1349 : memref<64x133xf32, #tpu.memory_space<vmem>>[vector<16xi32>, vector<16xi32>], vector<16xf32>,
        %get3A_1355 = arith.constant 3 : i32
        %get3A_1356 = arith.index_cast %get3A_1355 : i32 to index
        %get3A_1357 = arith.index_cast %add3A_1343 : i32 to index
        %get3A_1358 = arith.constant 16 : index
        %get3A_1359 = tpu.vector_load %arg7[%get3A_1356, %get3A_1357, %get3A_1358] {strides = array<i32>} : memref<4x128x64xf32, #tpu.memory_space<vmem>>, vector<16xf32>,
        %scatter3A_1360 = arith.constant 3 : i32
        %scatter3A_1361 = arith.constant 0 : i32
        %scatter3A_1362 = arith.constant 0 : i32
        %scatter3A_1363 = tpu.memref_slice %arg8[%scatter3A_1360, %scatter3A_1361, %scatter3A_1362] : memref<4x64x133xf32, #tpu.memory_space<vmem>> -> memref<1x64x133xf32, #tpu.memory_space<vmem>>
        %scatter3A_1364 = tpu.memref_squeeze %scatter3A_1363 : memref<1x64x133xf32, #tpu.memory_space<vmem>> -> memref<64x133xf32, #tpu.memory_space<vmem>>
        tpu.vector_store_idx %scatter3A_1364[%add3A_61, %broadcast_in_dim3A_1344], %get3A_1359 : memref<64x133xf32, #tpu.memory_space<vmem>>[vector<16xi32>, vector<16xi32>], vector<16xf32>,
        %get3A_1365 = arith.constant 3 : i32
        %get3A_1366 = arith.index_cast %get3A_1365 : i32 to index
        %get3A_1367 = arith.index_cast %add3A_1343 : i32 to index
        %get3A_1368 = arith.constant 32 : index
        %get3A_1369 = tpu.vector_load %arg7[%get3A_1366, %get3A_1367, %get3A_1368] {strides = array<i32>} : memref<4x128x64xf32, #tpu.memory_space<vmem>>, vector<16xf32>,
        %scatter3A_1370 = arith.constant 3 : i32
        %scatter3A_1371 = arith.constant 0 : i32
        %scatter3A_1372 = arith.constant 0 : i32
        %scatter3A_1373 = tpu.memref_slice %arg8[%scatter3A_1370, %scatter3A_1371, %scatter3A_1372] : memref<4x64x133xf32, #tpu.memory_space<vmem>> -> memref<1x64x133xf32, #tpu.memory_space<vmem>>
        %scatter3A_1374 = tpu.memref_squeeze %scatter3A_1373 : memref<1x64x133xf32, #tpu.memory_space<vmem>> -> memref<64x133xf32, #tpu.memory_space<vmem>>
        tpu.vector_store_idx %scatter3A_1374[%add3A_64, %broadcast_in_dim3A_1344], %get3A_1369 : memref<64x133xf32, #tpu.memory_space<vmem>>[vector<16xi32>, vector<16xi32>], vector<16xf32>,
        %get3A_1375 = arith.constant 3 : i32
        %get3A_1376 = arith.index_cast %get3A_1375 : i32 to index
        %get3A_1377 = arith.index_cast %add3A_1343 : i32 to index
        %get3A_1378 = arith.constant 48 : index
        %get3A_1379 = tpu.vector_load %arg7[%get3A_1376, %get3A_1377, %get3A_1378] {strides = array<i32>} : memref<4x128x64xf32, #tpu.memory_space<vmem>>, vector<16xf32>,
        %scatter3A_1380 = arith.constant 3 : i32
        %scatter3A_1381 = arith.constant 0 : i32
        %scatter3A_1382 = arith.constant 0 : i32
        %scatter3A_1383 = tpu.memref_slice %arg8[%scatter3A_1380, %scatter3A_1381, %scatter3A_1382] : memref<4x64x133xf32, #tpu.memory_space<vmem>> -> memref<1x64x133xf32, #tpu.memory_space<vmem>>
        %scatter3A_1384 = tpu.memref_squeeze %scatter3A_1383 : memref<1x64x133xf32, #tpu.memory_space<vmem>> -> memref<64x133xf32, #tpu.memory_space<vmem>>
        tpu.vector_store_idx %scatter3A_1384[%add3A_67, %broadcast_in_dim3A_1344], %get3A_1379 : memref<64x133xf32, #tpu.memory_space<vmem>>[vector<16xi32>, vector<16xi32>], vector<16xf32>,
        %mul3A_1385 = arith.constant 4 : i32
        %mul3A_1386 = arith.muli %scan3A_1297, %mul3A_1385 : i32
        %add3A_1387 = arith.constant 2 : i32
        %add3A_1388 = arith.addi %mul3A_1386, %add3A_1387 : i32
        %broadcast_in_dim3A_1389 = vector.broadcast %add3A_1388 : i32 to vector<16xi32>
        %get3A_1390 = arith.constant 3 : i32
        %get3A_1391 = arith.index_cast %get3A_1390 : i32 to index
        %get3A_1392 = arith.index_cast %add3A_1388 : i32 to index
        %get3A_1393 = arith.constant 0 : index
        %get3A_1394 = tpu.vector_load %arg7[%get3A_1391, %get3A_1392, %get3A_1393] {strides = array<i32>} : memref<4x128x64xf32, #tpu.memory_space<vmem>>, vector<16xf32>,
        %scatter3A_1395 = arith.constant 3 : i32
        %scatter3A_1396 = arith.constant 0 : i32
        %scatter3A_1397 = arith.constant 0 : i32
        %scatter3A_1398 = tpu.memref_slice %arg8[%scatter3A_1395, %scatter3A_1396, %scatter3A_1397] : memref<4x64x133xf32, #tpu.memory_space<vmem>> -> memref<1x64x133xf32, #tpu.memory_space<vmem>>
        %scatter3A_1399 = tpu.memref_squeeze %scatter3A_1398 : memref<1x64x133xf32, #tpu.memory_space<vmem>> -> memref<64x133xf32, #tpu.memory_space<vmem>>
        tpu.vector_store_idx %scatter3A_1399[%add3A_58, %broadcast_in_dim3A_1389], %get3A_1394 : memref<64x133xf32, #tpu.memory_space<vmem>>[vector<16xi32>, vector<16xi32>], vector<16xf32>,
        %get3A_1400 = arith.constant 3 : i32
        %get3A_1401 = arith.index_cast %get3A_1400 : i32 to index
        %get3A_1402 = arith.index_cast %add3A_1388 : i32 to index
        %get3A_1403 = arith.constant 16 : index
        %get3A_1404 = tpu.vector_load %arg7[%get3A_1401, %get3A_1402, %get3A_1403] {strides = array<i32>} : memref<4x128x64xf32, #tpu.memory_space<vmem>>, vector<16xf32>,
        %scatter3A_1405 = arith.constant 3 : i32
        %scatter3A_1406 = arith.constant 0 : i32
        %scatter3A_1407 = arith.constant 0 : i32
        %scatter3A_1408 = tpu.memref_slice %arg8[%scatter3A_1405, %scatter3A_1406, %scatter3A_1407] : memref<4x64x133xf32, #tpu.memory_space<vmem>> -> memref<1x64x133xf32, #tpu.memory_space<vmem>>
        %scatter3A_1409 = tpu.memref_squeeze %scatter3A_1408 : memref<1x64x133xf32, #tpu.memory_space<vmem>> -> memref<64x133xf32, #tpu.memory_space<vmem>>
        tpu.vector_store_idx %scatter3A_1409[%add3A_61, %broadcast_in_dim3A_1389], %get3A_1404 : memref<64x133xf32, #tpu.memory_space<vmem>>[vector<16xi32>, vector<16xi32>], vector<16xf32>,
        %get3A_1410 = arith.constant 3 : i32
        %get3A_1411 = arith.index_cast %get3A_1410 : i32 to index
        %get3A_1412 = arith.index_cast %add3A_1388 : i32 to index
        %get3A_1413 = arith.constant 32 : index
        %get3A_1414 = tpu.vector_load %arg7[%get3A_1411, %get3A_1412, %get3A_1413] {strides = array<i32>} : memref<4x128x64xf32, #tpu.memory_space<vmem>>, vector<16xf32>,
        %scatter3A_1415 = arith.constant 3 : i32
        %scatter3A_1416 = arith.constant 0 : i32
        %scatter3A_1417 = arith.constant 0 : i32
        %scatter3A_1418 = tpu.memref_slice %arg8[%scatter3A_1415, %scatter3A_1416, %scatter3A_1417] : memref<4x64x133xf32, #tpu.memory_space<vmem>> -> memref<1x64x133xf32, #tpu.memory_space<vmem>>
        %scatter3A_1419 = tpu.memref_squeeze %scatter3A_1418 : memref<1x64x133xf32, #tpu.memory_space<vmem>> -> memref<64x133xf32, #tpu.memory_space<vmem>>
        tpu.vector_store_idx %scatter3A_1419[%add3A_64, %broadcast_in_dim3A_1389], %get3A_1414 : memref<64x133xf32, #tpu.memory_space<vmem>>[vector<16xi32>, vector<16xi32>], vector<16xf32>,
        %get3A_1420 = arith.constant 3 : i32
        %get3A_1421 = arith.index_cast %get3A_1420 : i32 to index
        %get3A_1422 = arith.index_cast %add3A_1388 : i32 to index
        %get3A_1423 = arith.constant 48 : index
        %get3A_1424 = tpu.vector_load %arg7[%get3A_1421, %get3A_1422, %get3A_1423] {strides = array<i32>} : memref<4x128x64xf32, #tpu.memory_space<vmem>>, vector<16xf32>,
        %scatter3A_1425 = arith.constant 3 : i32
        %scatter3A_1426 = arith.constant 0 : i32
        %scatter3A_1427 = arith.constant 0 : i32
        %scatter3A_1428 = tpu.memref_slice %arg8[%scatter3A_1425, %scatter3A_1426, %scatter3A_1427] : memref<4x64x133xf32, #tpu.memory_space<vmem>> -> memref<1x64x133xf32, #tpu.memory_space<vmem>>
        %scatter3A_1429 = tpu.memref_squeeze %scatter3A_1428 : memref<1x64x133xf32, #tpu.memory_space<vmem>> -> memref<64x133xf32, #tpu.memory_space<vmem>>
        tpu.vector_store_idx %scatter3A_1429[%add3A_67, %broadcast_in_dim3A_1389], %get3A_1424 : memref<64x133xf32, #tpu.memory_space<vmem>>[vector<16xi32>, vector<16xi32>], vector<16xf32>,
        %mul3A_1430 = arith.constant 4 : i32
        %mul3A_1431 = arith.muli %scan3A_1297, %mul3A_1430 : i32
        %add3A_1432 = arith.constant 3 : i32
        %add3A_1433 = arith.addi %mul3A_1431, %add3A_1432 : i32
        %broadcast_in_dim3A_1434 = vector.broadcast %add3A_1433 : i32 to vector<16xi32>
        %get3A_1435 = arith.constant 3 : i32
        %get3A_1436 = arith.index_cast %get3A_1435 : i32 to index
        %get3A_1437 = arith.index_cast %add3A_1433 : i32 to index
        %get3A_1438 = arith.constant 0 : index
        %get3A_1439 = tpu.vector_load %arg7[%get3A_1436, %get3A_1437, %get3A_1438] {strides = array<i32>} : memref<4x128x64xf32, #tpu.memory_space<vmem>>, vector<16xf32>,
        %scatter3A_1440 = arith.constant 3 : i32
        %scatter3A_1441 = arith.constant 0 : i32
        %scatter3A_1442 = arith.constant 0 : i32
        %scatter3A_1443 = tpu.memref_slice %arg8[%scatter3A_1440, %scatter3A_1441, %scatter3A_1442] : memref<4x64x133xf32, #tpu.memory_space<vmem>> -> memref<1x64x133xf32, #tpu.memory_space<vmem>>
        %scatter3A_1444 = tpu.memref_squeeze %scatter3A_1443 : memref<1x64x133xf32, #tpu.memory_space<vmem>> -> memref<64x133xf32, #tpu.memory_space<vmem>>
        tpu.vector_store_idx %scatter3A_1444[%add3A_58, %broadcast_in_dim3A_1434], %get3A_1439 : memref<64x133xf32, #tpu.memory_space<vmem>>[vector<16xi32>, vector<16xi32>], vector<16xf32>,
        %get3A_1445 = arith.constant 3 : i32
        %get3A_1446 = arith.index_cast %get3A_1445 : i32 to index
        %get3A_1447 = arith.index_cast %add3A_1433 : i32 to index
        %get3A_1448 = arith.constant 16 : index
        %get3A_1449 = tpu.vector_load %arg7[%get3A_1446, %get3A_1447, %get3A_1448] {strides = array<i32>} : memref<4x128x64xf32, #tpu.memory_space<vmem>>, vector<16xf32>,
        %scatter3A_1450 = arith.constant 3 : i32
        %scatter3A_1451 = arith.constant 0 : i32
        %scatter3A_1452 = arith.constant 0 : i32
        %scatter3A_1453 = tpu.memref_slice %arg8[%scatter3A_1450, %scatter3A_1451, %scatter3A_1452] : memref<4x64x133xf32, #tpu.memory_space<vmem>> -> memref<1x64x133xf32, #tpu.memory_space<vmem>>
        %scatter3A_1454 = tpu.memref_squeeze %scatter3A_1453 : memref<1x64x133xf32, #tpu.memory_space<vmem>> -> memref<64x133xf32, #tpu.memory_space<vmem>>
        tpu.vector_store_idx %scatter3A_1454[%add3A_61, %broadcast_in_dim3A_1434], %get3A_1449 : memref<64x133xf32, #tpu.memory_space<vmem>>[vector<16xi32>, vector<16xi32>], vector<16xf32>,
        %get3A_1455 = arith.constant 3 : i32
        %get3A_1456 = arith.index_cast %get3A_1455 : i32 to index
        %get3A_1457 = arith.index_cast %add3A_1433 : i32 to index
        %get3A_1458 = arith.constant 32 : index
        %get3A_1459 = tpu.vector_load %arg7[%get3A_1456, %get3A_1457, %get3A_1458] {strides = array<i32>} : memref<4x128x64xf32, #tpu.memory_space<vmem>>, vector<16xf32>,
        %scatter3A_1460 = arith.constant 3 : i32
        %scatter3A_1461 = arith.constant 0 : i32
        %scatter3A_1462 = arith.constant 0 : i32
        %scatter3A_1463 = tpu.memref_slice %arg8[%scatter3A_1460, %scatter3A_1461, %scatter3A_1462] : memref<4x64x133xf32, #tpu.memory_space<vmem>> -> memref<1x64x133xf32, #tpu.memory_space<vmem>>
        %scatter3A_1464 = tpu.memref_squeeze %scatter3A_1463 : memref<1x64x133xf32, #tpu.memory_space<vmem>> -> memref<64x133xf32, #tpu.memory_space<vmem>>
        tpu.vector_store_idx %scatter3A_1464[%add3A_64, %broadcast_in_dim3A_1434], %get3A_1459 : memref<64x133xf32, #tpu.memory_space<vmem>>[vector<16xi32>, vector<16xi32>], vector<16xf32>,
        %get3A_1465 = arith.constant 3 : i32
        %get3A_1466 = arith.index_cast %get3A_1465 : i32 to index
        %get3A_1467 = arith.index_cast %add3A_1433 : i32 to index
        %get3A_1468 = arith.constant 48 : index
        %get3A_1469 = tpu.vector_load %arg7[%get3A_1466, %get3A_1467, %get3A_1468] {strides = array<i32>} : memref<4x128x64xf32, #tpu.memory_space<vmem>>, vector<16xf32>,
        %scatter3A_1470 = arith.constant 3 : i32
        %scatter3A_1471 = arith.constant 0 : i32
        %scatter3A_1472 = arith.constant 0 : i32
        %scatter3A_1473 = tpu.memref_slice %arg8[%scatter3A_1470, %scatter3A_1471, %scatter3A_1472] : memref<4x64x133xf32, #tpu.memory_space<vmem>> -> memref<1x64x133xf32, #tpu.memory_space<vmem>>
        %scatter3A_1474 = tpu.memref_squeeze %scatter3A_1473 : memref<1x64x133xf32, #tpu.memory_space<vmem>> -> memref<64x133xf32, #tpu.memory_space<vmem>>
        tpu.vector_store_idx %scatter3A_1474[%add3A_67, %broadcast_in_dim3A_1434], %get3A_1469 : memref<64x133xf32, #tpu.memory_space<vmem>>[vector<16xi32>, vector<16xi32>], vector<16xf32>,
      }
      %scan3A_1116 = arith.constant 32 : i32
      %dma_start3A_1117 = arith.constant 3 : i32
      %dma_start3A_1118 = arith.constant 0 : i32
      %dma_start3A_1119 = arith.constant 3 : i32
      %dma_start3A_1120 = arith.constant 0 : i32
      %dma_start3A_1121 = arith.constant 0 : i32
      %dma_start3A_1122 = tpu.memref_slice %arg8[%dma_start3A_1117, %dma_start3A_1120, %dma_start3A_1121] : memref<4x64x133xf32, #tpu.memory_space<vmem>> -> memref<1x8x128xf32, #tpu.memory_space<vmem>>
      %dma_start3A_1123 = tpu.memref_squeeze %dma_start3A_1122 : memref<1x8x128xf32, #tpu.memory_space<vmem>> -> memref<8x128xf32, #tpu.memory_space<vmem>>
      %dma_start3A_1124 = arith.constant 0 : i32
      %dma_start3A_1125 = arith.constant 0 : i32
      %dma_start3A_1126 = tpu.memref_slice %arg4[%add3A_1096, %dma_start3A_1118, %add3A, %dma_start3A_1124, %dma_start3A_1125] : memref<200x8x32x8x128xf32, #tpu.memory_space<hbm>> -> memref<1x1x1x8x128xf32, #tpu.memory_space<hbm>>
      %dma_start3A_1127 = tpu.memref_squeeze %dma_start3A_1126 : memref<1x1x1x8x128xf32, #tpu.memory_space<hbm>> -> memref<8x128xf32, #tpu.memory_space<hbm>>
      %dma_start3A_1128 = tpu.memref_slice %arg10[%dma_start3A_1119] : memref<4x!tpu.dma_semaphore, #tpu.memory_space<semaphore_mem>> -> memref<1x!tpu.dma_semaphore, #tpu.memory_space<semaphore_mem>>
      %dma_start3A_1129 = tpu.memref_squeeze %dma_start3A_1128 : memref<1x!tpu.dma_semaphore, #tpu.memory_space<semaphore_mem>> -> memref<!tpu.dma_semaphore, #tpu.memory_space<semaphore_mem>>
      %dma_start3A_1130 = arith.constant 0 : i32
      %dma_start3A_1131 = arith.constant 0 : i32
      %dma_start3A_1132 = tpu.memref_slice %arg4[%add3A_1096, %dma_start3A_1118, %add3A, %dma_start3A_1130, %dma_start3A_1131] : memref<200x8x32x8x128xf32, #tpu.memory_space<hbm>> -> memref<1x1x1x8x128xf32, #tpu.memory_space<hbm>>
      %dma_start3A_1133 = tpu.memref_squeeze %dma_start3A_1132 : memref<1x1x1x8x128xf32, #tpu.memory_space<hbm>> -> memref<8x128xf32, #tpu.memory_space<hbm>>
      %dma_start3A_1134 = arith.constant 0 : i32
      %dma_start3A_1135 = arith.constant 0 : i32
      %dma_start3A_1136 = tpu.memref_slice %arg8[%dma_start3A_1117, %dma_start3A_1134, %dma_start3A_1135] : memref<4x64x133xf32, #tpu.memory_space<vmem>> -> memref<1x8x128xf32, #tpu.memory_space<vmem>>
      %dma_start3A_1137 = tpu.memref_squeeze %dma_start3A_1136 : memref<1x8x128xf32, #tpu.memory_space<vmem>> -> memref<8x128xf32, #tpu.memory_space<vmem>>
      tpu.enqueue_dma source(%dma_start3A_1137 : memref<8x128xf32, #tpu.memory_space<vmem>>) target(%dma_start3A_1133 : memref<8x128xf32, #tpu.memory_space<hbm>>) target_semaphore(%dma_start3A_1129 : memref<!tpu.dma_semaphore, #tpu.memory_space<semaphore_mem>>)
      %dma_start3A_1138 = arith.constant 3 : i32
      %dma_start3A_1139 = arith.constant 1 : i32
      %dma_start3A_1140 = arith.constant 3 : i32
      %dma_start3A_1141 = arith.constant 8 : i32
      %dma_start3A_1142 = arith.constant 0 : i32
      %dma_start3A_1143 = tpu.memref_slice %arg8[%dma_start3A_1138, %dma_start3A_1141, %dma_start3A_1142] : memref<4x64x133xf32, #tpu.memory_space<vmem>> -> memref<1x8x128xf32, #tpu.memory_space<vmem>>
      %dma_start3A_1144 = tpu.memref_squeeze %dma_start3A_1143 : memref<1x8x128xf32, #tpu.memory_space<vmem>> -> memref<8x128xf32, #tpu.memory_space<vmem>>
      %dma_start3A_1145 = arith.constant 0 : i32
      %dma_start3A_1146 = arith.constant 0 : i32
      %dma_start3A_1147 = tpu.memref_slice %arg4[%add3A_1096, %dma_start3A_1139, %add3A, %dma_start3A_1145, %dma_start3A_1146] : memref<200x8x32x8x128xf32, #tpu.memory_space<hbm>> -> memref<1x1x1x8x128xf32, #tpu.memory_space<hbm>>
      %dma_start3A_1148 = tpu.memref_squeeze %dma_start3A_1147 : memref<1x1x1x8x128xf32, #tpu.memory_space<hbm>> -> memref<8x128xf32, #tpu.memory_space<hbm>>
      %dma_start3A_1149 = tpu.memref_slice %arg10[%dma_start3A_1140] : memref<4x!tpu.dma_semaphore, #tpu.memory_space<semaphore_mem>> -> memref<1x!tpu.dma_semaphore, #tpu.memory_space<semaphore_mem>>
      %dma_start3A_1150 = tpu.memref_squeeze %dma_start3A_1149 : memref<1x!tpu.dma_semaphore, #tpu.memory_space<semaphore_mem>> -> memref<!tpu.dma_semaphore, #tpu.memory_space<semaphore_mem>>
      %dma_start3A_1151 = arith.constant 0 : i32
      %dma_start3A_1152 = arith.constant 0 : i32
      %dma_start3A_1153 = tpu.memref_slice %arg4[%add3A_1096, %dma_start3A_1139, %add3A, %dma_start3A_1151, %dma_start3A_1152] : memref<200x8x32x8x128xf32, #tpu.memory_space<hbm>> -> memref<1x1x1x8x128xf32, #tpu.memory_space<hbm>>
      %dma_start3A_1154 = tpu.memref_squeeze %dma_start3A_1153 : memref<1x1x1x8x128xf32, #tpu.memory_space<hbm>> -> memref<8x128xf32, #tpu.memory_space<hbm>>
      %dma_start3A_1155 = arith.constant 8 : i32
      %dma_start3A_1156 = arith.constant 0 : i32
      %dma_start3A_1157 = tpu.memref_slice %arg8[%dma_start3A_1138, %dma_start3A_1155, %dma_start3A_1156] : memref<4x64x133xf32, #tpu.memory_space<vmem>> -> memref<1x8x128xf32, #tpu.memory_space<vmem>>
      %dma_start3A_1158 = tpu.memref_squeeze %dma_start3A_1157 : memref<1x8x128xf32, #tpu.memory_space<vmem>> -> memref<8x128xf32, #tpu.memory_space<vmem>>
      tpu.enqueue_dma source(%dma_start3A_1158 : memref<8x128xf32, #tpu.memory_space<vmem>>) target(%dma_start3A_1154 : memref<8x128xf32, #tpu.memory_space<hbm>>) target_semaphore(%dma_start3A_1150 : memref<!tpu.dma_semaphore, #tpu.memory_space<semaphore_mem>>)
      %dma_start3A_1159 = arith.constant 3 : i32
      %dma_start3A_1160 = arith.constant 2 : i32
      %dma_start3A_1161 = arith.constant 3 : i32
      %dma_start3A_1162 = arith.constant 16 : i32
      %dma_start3A_1163 = arith.constant 0 : i32
      %dma_start3A_1164 = tpu.memref_slice %arg8[%dma_start3A_1159, %dma_start3A_1162, %dma_start3A_1163] : memref<4x64x133xf32, #tpu.memory_space<vmem>> -> memref<1x8x128xf32, #tpu.memory_space<vmem>>
      %dma_start3A_1165 = tpu.memref_squeeze %dma_start3A_1164 : memref<1x8x128xf32, #tpu.memory_space<vmem>> -> memref<8x128xf32, #tpu.memory_space<vmem>>
      %dma_start3A_1166 = arith.constant 0 : i32
      %dma_start3A_1167 = arith.constant 0 : i32
      %dma_start3A_1168 = tpu.memref_slice %arg4[%add3A_1096, %dma_start3A_1160, %add3A, %dma_start3A_1166, %dma_start3A_1167] : memref<200x8x32x8x128xf32, #tpu.memory_space<hbm>> -> memref<1x1x1x8x128xf32, #tpu.memory_space<hbm>>
      %dma_start3A_1169 = tpu.memref_squeeze %dma_start3A_1168 : memref<1x1x1x8x128xf32, #tpu.memory_space<hbm>> -> memref<8x128xf32, #tpu.memory_space<hbm>>
      %dma_start3A_1170 = tpu.memref_slice %arg10[%dma_start3A_1161] : memref<4x!tpu.dma_semaphore, #tpu.memory_space<semaphore_mem>> -> memref<1x!tpu.dma_semaphore, #tpu.memory_space<semaphore_mem>>
      %dma_start3A_1171 = tpu.memref_squeeze %dma_start3A_1170 : memref<1x!tpu.dma_semaphore, #tpu.memory_space<semaphore_mem>> -> memref<!tpu.dma_semaphore, #tpu.memory_space<semaphore_mem>>
      %dma_start3A_1172 = arith.constant 0 : i32
      %dma_start3A_1173 = arith.constant 0 : i32
      %dma_start3A_1174 = tpu.memref_slice %arg4[%add3A_1096, %dma_start3A_1160, %add3A, %dma_start3A_1172, %dma_start3A_1173] : memref<200x8x32x8x128xf32, #tpu.memory_space<hbm>> -> memref<1x1x1x8x128xf32, #tpu.memory_space<hbm>>
      %dma_start3A_1175 = tpu.memref_squeeze %dma_start3A_1174 : memref<1x1x1x8x128xf32, #tpu.memory_space<hbm>> -> memref<8x128xf32, #tpu.memory_space<hbm>>
      %dma_start3A_1176 = arith.constant 16 : i32
      %dma_start3A_1177 = arith.constant 0 : i32
      %dma_start3A_1178 = tpu.memref_slice %arg8[%dma_start3A_1159, %dma_start3A_1176, %dma_start3A_1177] : memref<4x64x133xf32, #tpu.memory_space<vmem>> -> memref<1x8x128xf32, #tpu.memory_space<vmem>>
      %dma_start3A_1179 = tpu.memref_squeeze %dma_start3A_1178 : memref<1x8x128xf32, #tpu.memory_space<vmem>> -> memref<8x128xf32, #tpu.memory_space<vmem>>
      tpu.enqueue_dma source(%dma_start3A_1179 : memref<8x128xf32, #tpu.memory_space<vmem>>) target(%dma_start3A_1175 : memref<8x128xf32, #tpu.memory_space<hbm>>) target_semaphore(%dma_start3A_1171 : memref<!tpu.dma_semaphore, #tpu.memory_space<semaphore_mem>>)
      %dma_start3A_1180 = arith.constant 3 : i32
      %dma_start3A_1181 = arith.constant 3 : i32
      %dma_start3A_1182 = arith.constant 3 : i32
      %dma_start3A_1183 = arith.constant 24 : i32
      %dma_start3A_1184 = arith.constant 0 : i32
      %dma_start3A_1185 = tpu.memref_slice %arg8[%dma_start3A_1180, %dma_start3A_1183, %dma_start3A_1184] : memref<4x64x133xf32, #tpu.memory_space<vmem>> -> memref<1x8x128xf32, #tpu.memory_space<vmem>>
      %dma_start3A_1186 = tpu.memref_squeeze %dma_start3A_1185 : memref<1x8x128xf32, #tpu.memory_space<vmem>> -> memref<8x128xf32, #tpu.memory_space<vmem>>
      %dma_start3A_1187 = arith.constant 0 : i32
      %dma_start3A_1188 = arith.constant 0 : i32
      %dma_start3A_1189 = tpu.memref_slice %arg4[%add3A_1096, %dma_start3A_1181, %add3A, %dma_start3A_1187, %dma_start3A_1188] : memref<200x8x32x8x128xf32, #tpu.memory_space<hbm>> -> memref<1x1x1x8x128xf32, #tpu.memory_space<hbm>>
      %dma_start3A_1190 = tpu.memref_squeeze %dma_start3A_1189 : memref<1x1x1x8x128xf32, #tpu.memory_space<hbm>> -> memref<8x128xf32, #tpu.memory_space<hbm>>
      %dma_start3A_1191 = tpu.memref_slice %arg10[%dma_start3A_1182] : memref<4x!tpu.dma_semaphore, #tpu.memory_space<semaphore_mem>> -> memref<1x!tpu.dma_semaphore, #tpu.memory_space<semaphore_mem>>
      %dma_start3A_1192 = tpu.memref_squeeze %dma_start3A_1191 : memref<1x!tpu.dma_semaphore, #tpu.memory_space<semaphore_mem>> -> memref<!tpu.dma_semaphore, #tpu.memory_space<semaphore_mem>>
      %dma_start3A_1193 = arith.constant 0 : i32
      %dma_start3A_1194 = arith.constant 0 : i32
      %dma_start3A_1195 = tpu.memref_slice %arg4[%add3A_1096, %dma_start3A_1181, %add3A, %dma_start3A_1193, %dma_start3A_1194] : memref<200x8x32x8x128xf32, #tpu.memory_space<hbm>> -> memref<1x1x1x8x128xf32, #tpu.memory_space<hbm>>
      %dma_start3A_1196 = tpu.memref_squeeze %dma_start3A_1195 : memref<1x1x1x8x128xf32, #tpu.memory_space<hbm>> -> memref<8x128xf32, #tpu.memory_space<hbm>>
      %dma_start3A_1197 = arith.constant 24 : i32
      %dma_start3A_1198 = arith.constant 0 : i32
      %dma_start3A_1199 = tpu.memref_slice %arg8[%dma_start3A_1180, %dma_start3A_1197, %dma_start3A_1198] : memref<4x64x133xf32, #tpu.memory_space<vmem>> -> memref<1x8x128xf32, #tpu.memory_space<vmem>>
      %dma_start3A_1200 = tpu.memref_squeeze %dma_start3A_1199 : memref<1x8x128xf32, #tpu.memory_space<vmem>> -> memref<8x128xf32, #tpu.memory_space<vmem>>
      tpu.enqueue_dma source(%dma_start3A_1200 : memref<8x128xf32, #tpu.memory_space<vmem>>) target(%dma_start3A_1196 : memref<8x128xf32, #tpu.memory_space<hbm>>) target_semaphore(%dma_start3A_1192 : memref<!tpu.dma_semaphore, #tpu.memory_space<semaphore_mem>>)
      %dma_start3A_1201 = arith.constant 3 : i32
      %dma_start3A_1202 = arith.constant 4 : i32
      %dma_start3A_1203 = arith.constant 3 : i32
      %dma_start3A_1204 = arith.constant 32 : i32
      %dma_start3A_1205 = arith.constant 0 : i32
      %dma_start3A_1206 = tpu.memref_slice %arg8[%dma_start3A_1201, %dma_start3A_1204, %dma_start3A_1205] : memref<4x64x133xf32, #tpu.memory_space<vmem>> -> memref<1x8x128xf32, #tpu.memory_space<vmem>>
      %dma_start3A_1207 = tpu.memref_squeeze %dma_start3A_1206 : memref<1x8x128xf32, #tpu.memory_space<vmem>> -> memref<8x128xf32, #tpu.memory_space<vmem>>
      %dma_start3A_1208 = arith.constant 0 : i32
      %dma_start3A_1209 = arith.constant 0 : i32
      %dma_start3A_1210 = tpu.memref_slice %arg4[%add3A_1096, %dma_start3A_1202, %add3A, %dma_start3A_1208, %dma_start3A_1209] : memref<200x8x32x8x128xf32, #tpu.memory_space<hbm>> -> memref<1x1x1x8x128xf32, #tpu.memory_space<hbm>>
      %dma_start3A_1211 = tpu.memref_squeeze %dma_start3A_1210 : memref<1x1x1x8x128xf32, #tpu.memory_space<hbm>> -> memref<8x128xf32, #tpu.memory_space<hbm>>
      %dma_start3A_1212 = tpu.memref_slice %arg10[%dma_start3A_1203] : memref<4x!tpu.dma_semaphore, #tpu.memory_space<semaphore_mem>> -> memref<1x!tpu.dma_semaphore, #tpu.memory_space<semaphore_mem>>
      %dma_start3A_1213 = tpu.memref_squeeze %dma_start3A_1212 : memref<1x!tpu.dma_semaphore, #tpu.memory_space<semaphore_mem>> -> memref<!tpu.dma_semaphore, #tpu.memory_space<semaphore_mem>>
      %dma_start3A_1214 = arith.constant 0 : i32
      %dma_start3A_1215 = arith.constant 0 : i32
      %dma_start3A_1216 = tpu.memref_slice %arg4[%add3A_1096, %dma_start3A_1202, %add3A, %dma_start3A_1214, %dma_start3A_1215] : memref<200x8x32x8x128xf32, #tpu.memory_space<hbm>> -> memref<1x1x1x8x128xf32, #tpu.memory_space<hbm>>
      %dma_start3A_1217 = tpu.memref_squeeze %dma_start3A_1216 : memref<1x1x1x8x128xf32, #tpu.memory_space<hbm>> -> memref<8x128xf32, #tpu.memory_space<hbm>>
      %dma_start3A_1218 = arith.constant 32 : i32
      %dma_start3A_1219 = arith.constant 0 : i32
      %dma_start3A_1220 = tpu.memref_slice %arg8[%dma_start3A_1201, %dma_start3A_1218, %dma_start3A_1219] : memref<4x64x133xf32, #tpu.memory_space<vmem>> -> memref<1x8x128xf32, #tpu.memory_space<vmem>>
      %dma_start3A_1221 = tpu.memref_squeeze %dma_start3A_1220 : memref<1x8x128xf32, #tpu.memory_space<vmem>> -> memref<8x128xf32, #tpu.memory_space<vmem>>
      tpu.enqueue_dma source(%dma_start3A_1221 : memref<8x128xf32, #tpu.memory_space<vmem>>) target(%dma_start3A_1217 : memref<8x128xf32, #tpu.memory_space<hbm>>) target_semaphore(%dma_start3A_1213 : memref<!tpu.dma_semaphore, #tpu.memory_space<semaphore_mem>>)
      %dma_start3A_1222 = arith.constant 3 : i32
      %dma_start3A_1223 = arith.constant 5 : i32
      %dma_start3A_1224 = arith.constant 3 : i32
      %dma_start3A_1225 = arith.constant 40 : i32
      %dma_start3A_1226 = arith.constant 0 : i32
      %dma_start3A_1227 = tpu.memref_slice %arg8[%dma_start3A_1222, %dma_start3A_1225, %dma_start3A_1226] : memref<4x64x133xf32, #tpu.memory_space<vmem>> -> memref<1x8x128xf32, #tpu.memory_space<vmem>>
      %dma_start3A_1228 = tpu.memref_squeeze %dma_start3A_1227 : memref<1x8x128xf32, #tpu.memory_space<vmem>> -> memref<8x128xf32, #tpu.memory_space<vmem>>
      %dma_start3A_1229 = arith.constant 0 : i32
      %dma_start3A_1230 = arith.constant 0 : i32
      %dma_start3A_1231 = tpu.memref_slice %arg4[%add3A_1096, %dma_start3A_1223, %add3A, %dma_start3A_1229, %dma_start3A_1230] : memref<200x8x32x8x128xf32, #tpu.memory_space<hbm>> -> memref<1x1x1x8x128xf32, #tpu.memory_space<hbm>>
      %dma_start3A_1232 = tpu.memref_squeeze %dma_start3A_1231 : memref<1x1x1x8x128xf32, #tpu.memory_space<hbm>> -> memref<8x128xf32, #tpu.memory_space<hbm>>
      %dma_start3A_1233 = tpu.memref_slice %arg10[%dma_start3A_1224] : memref<4x!tpu.dma_semaphore, #tpu.memory_space<semaphore_mem>> -> memref<1x!tpu.dma_semaphore, #tpu.memory_space<semaphore_mem>>
      %dma_start3A_1234 = tpu.memref_squeeze %dma_start3A_1233 : memref<1x!tpu.dma_semaphore, #tpu.memory_space<semaphore_mem>> -> memref<!tpu.dma_semaphore, #tpu.memory_space<semaphore_mem>>
      %dma_start3A_1235 = arith.constant 0 : i32
      %dma_start3A_1236 = arith.constant 0 : i32
      %dma_start3A_1237 = tpu.memref_slice %arg4[%add3A_1096, %dma_start3A_1223, %add3A, %dma_start3A_1235, %dma_start3A_1236] : memref<200x8x32x8x128xf32, #tpu.memory_space<hbm>> -> memref<1x1x1x8x128xf32, #tpu.memory_space<hbm>>
      %dma_start3A_1238 = tpu.memref_squeeze %dma_start3A_1237 : memref<1x1x1x8x128xf32, #tpu.memory_space<hbm>> -> memref<8x128xf32, #tpu.memory_space<hbm>>
      %dma_start3A_1239 = arith.constant 40 : i32
      %dma_start3A_1240 = arith.constant 0 : i32
      %dma_start3A_1241 = tpu.memref_slice %arg8[%dma_start3A_1222, %dma_start3A_1239, %dma_start3A_1240] : memref<4x64x133xf32, #tpu.memory_space<vmem>> -> memref<1x8x128xf32, #tpu.memory_space<vmem>>
      %dma_start3A_1242 = tpu.memref_squeeze %dma_start3A_1241 : memref<1x8x128xf32, #tpu.memory_space<vmem>> -> memref<8x128xf32, #tpu.memory_space<vmem>>
      tpu.enqueue_dma source(%dma_start3A_1242 : memref<8x128xf32, #tpu.memory_space<vmem>>) target(%dma_start3A_1238 : memref<8x128xf32, #tpu.memory_space<hbm>>) target_semaphore(%dma_start3A_1234 : memref<!tpu.dma_semaphore, #tpu.memory_space<semaphore_mem>>)
      %dma_start3A_1243 = arith.constant 3 : i32
      %dma_start3A_1244 = arith.constant 6 : i32
      %dma_start3A_1245 = arith.constant 3 : i32
      %dma_start3A_1246 = arith.constant 48 : i32
      %dma_start3A_1247 = arith.constant 0 : i32
      %dma_start3A_1248 = tpu.memref_slice %arg8[%dma_start3A_1243, %dma_start3A_1246, %dma_start3A_1247] : memref<4x64x133xf32, #tpu.memory_space<vmem>> -> memref<1x8x128xf32, #tpu.memory_space<vmem>>
      %dma_start3A_1249 = tpu.memref_squeeze %dma_start3A_1248 : memref<1x8x128xf32, #tpu.memory_space<vmem>> -> memref<8x128xf32, #tpu.memory_space<vmem>>
      %dma_start3A_1250 = arith.constant 0 : i32
      %dma_start3A_1251 = arith.constant 0 : i32
      %dma_start3A_1252 = tpu.memref_slice %arg4[%add3A_1096, %dma_start3A_1244, %add3A, %dma_start3A_1250, %dma_start3A_1251] : memref<200x8x32x8x128xf32, #tpu.memory_space<hbm>> -> memref<1x1x1x8x128xf32, #tpu.memory_space<hbm>>
      %dma_start3A_1253 = tpu.memref_squeeze %dma_start3A_1252 : memref<1x1x1x8x128xf32, #tpu.memory_space<hbm>> -> memref<8x128xf32, #tpu.memory_space<hbm>>
      %dma_start3A_1254 = tpu.memref_slice %arg10[%dma_start3A_1245] : memref<4x!tpu.dma_semaphore, #tpu.memory_space<semaphore_mem>> -> memref<1x!tpu.dma_semaphore, #tpu.memory_space<semaphore_mem>>
      %dma_start3A_1255 = tpu.memref_squeeze %dma_start3A_1254 : memref<1x!tpu.dma_semaphore, #tpu.memory_space<semaphore_mem>> -> memref<!tpu.dma_semaphore, #tpu.memory_space<semaphore_mem>>
      %dma_start3A_1256 = arith.constant 0 : i32
      %dma_start3A_1257 = arith.constant 0 : i32
      %dma_start3A_1258 = tpu.memref_slice %arg4[%add3A_1096, %dma_start3A_1244, %add3A, %dma_start3A_1256, %dma_start3A_1257] : memref<200x8x32x8x128xf32, #tpu.memory_space<hbm>> -> memref<1x1x1x8x128xf32, #tpu.memory_space<hbm>>
      %dma_start3A_1259 = tpu.memref_squeeze %dma_start3A_1258 : memref<1x1x1x8x128xf32, #tpu.memory_space<hbm>> -> memref<8x128xf32, #tpu.memory_space<hbm>>
      %dma_start3A_1260 = arith.constant 48 : i32
      %dma_start3A_1261 = arith.constant 0 : i32
      %dma_start3A_1262 = tpu.memref_slice %arg8[%dma_start3A_1243, %dma_start3A_1260, %dma_start3A_1261] : memref<4x64x133xf32, #tpu.memory_space<vmem>> -> memref<1x8x128xf32, #tpu.memory_space<vmem>>
      %dma_start3A_1263 = tpu.memref_squeeze %dma_start3A_1262 : memref<1x8x128xf32, #tpu.memory_space<vmem>> -> memref<8x128xf32, #tpu.memory_space<vmem>>
      tpu.enqueue_dma source(%dma_start3A_1263 : memref<8x128xf32, #tpu.memory_space<vmem>>) target(%dma_start3A_1259 : memref<8x128xf32, #tpu.memory_space<hbm>>) target_semaphore(%dma_start3A_1255 : memref<!tpu.dma_semaphore, #tpu.memory_space<semaphore_mem>>)
      %dma_start3A_1264 = arith.constant 3 : i32
      %dma_start3A_1265 = arith.constant 7 : i32
      %dma_start3A_1266 = arith.constant 3 : i32
      %dma_start3A_1267 = arith.constant 56 : i32
      %dma_start3A_1268 = arith.constant 0 : i32
      %dma_start3A_1269 = tpu.memref_slice %arg8[%dma_start3A_1264, %dma_start3A_1267, %dma_start3A_1268] : memref<4x64x133xf32, #tpu.memory_space<vmem>> -> memref<1x8x128xf32, #tpu.memory_space<vmem>>
      %dma_start3A_1270 = tpu.memref_squeeze %dma_start3A_1269 : memref<1x8x128xf32, #tpu.memory_space<vmem>> -> memref<8x128xf32, #tpu.memory_space<vmem>>
      %dma_start3A_1271 = arith.constant 0 : i32
      %dma_start3A_1272 = arith.constant 0 : i32
      %dma_start3A_1273 = tpu.memref_slice %arg4[%add3A_1096, %dma_start3A_1265, %add3A, %dma_start3A_1271, %dma_start3A_1272] : memref<200x8x32x8x128xf32, #tpu.memory_space<hbm>> -> memref<1x1x1x8x128xf32, #tpu.memory_space<hbm>>
      %dma_start3A_1274 = tpu.memref_squeeze %dma_start3A_1273 : memref<1x1x1x8x128xf32, #tpu.memory_space<hbm>> -> memref<8x128xf32, #tpu.memory_space<hbm>>
      %dma_start3A_1275 = tpu.memref_slice %arg10[%dma_start3A_1266] : memref<4x!tpu.dma_semaphore, #tpu.memory_space<semaphore_mem>> -> memref<1x!tpu.dma_semaphore, #tpu.memory_space<semaphore_mem>>
      %dma_start3A_1276 = tpu.memref_squeeze %dma_start3A_1275 : memref<1x!tpu.dma_semaphore, #tpu.memory_space<semaphore_mem>> -> memref<!tpu.dma_semaphore, #tpu.memory_space<semaphore_mem>>
      %dma_start3A_1277 = arith.constant 0 : i32
      %dma_start3A_1278 = arith.constant 0 : i32
      %dma_start3A_1279 = tpu.memref_slice %arg4[%add3A_1096, %dma_start3A_1265, %add3A, %dma_start3A_1277, %dma_start3A_1278] : memref<200x8x32x8x128xf32, #tpu.memory_space<hbm>> -> memref<1x1x1x8x128xf32, #tpu.memory_space<hbm>>
      %dma_start3A_1280 = tpu.memref_squeeze %dma_start3A_1279 : memref<1x1x1x8x128xf32, #tpu.memory_space<hbm>> -> memref<8x128xf32, #tpu.memory_space<hbm>>
      %dma_start3A_1281 = arith.constant 56 : i32
      %dma_start3A_1282 = arith.constant 0 : i32
      %dma_start3A_1283 = tpu.memref_slice %arg8[%dma_start3A_1264, %dma_start3A_1281, %dma_start3A_1282] : memref<4x64x133xf32, #tpu.memory_space<vmem>> -> memref<1x8x128xf32, #tpu.memory_space<vmem>>
      %dma_start3A_1284 = tpu.memref_squeeze %dma_start3A_1283 : memref<1x8x128xf32, #tpu.memory_space<vmem>> -> memref<8x128xf32, #tpu.memory_space<vmem>>
      tpu.enqueue_dma source(%dma_start3A_1284 : memref<8x128xf32, #tpu.memory_space<vmem>>) target(%dma_start3A_1280 : memref<8x128xf32, #tpu.memory_space<hbm>>) target_semaphore(%dma_start3A_1276 : memref<!tpu.dma_semaphore, #tpu.memory_space<semaphore_mem>>)
      %ge3A_1285 = arith.constant 2 : i32
      %ge3A_1286 = arith.cmpi sge, %add3A_1096, %ge3A_1285 : i32
      %convert_element_type3A_1287 = arith.extui %ge3A_1286 : i1 to i32
      %cond3A_1288 = arith.constant 0 : i32
      %cond3A_1289 = arith.cmpi ne, %convert_element_type3A_1287, %cond3A_1288 : i32
      scf.if %cond3A_1289 {
        %sub3A = arith.constant 2 : i32
        %sub3A_1297 = arith.subi %add3A_1096, %sub3A : i32
        %dma_wait3A_1298 = arith.constant 1 : i32
        %dma_wait3A_1299 = arith.constant 0 : i32
        %dma_wait3A_1300 = arith.constant 1 : i32
        %dma_wait3A_1301 = arith.constant 0 : i32
        %dma_wait3A_1302 = arith.constant 0 : i32
        %dma_wait3A_1303 = tpu.memref_slice %arg8[%dma_wait3A_1298, %dma_wait3A_1301, %dma_wait3A_1302] : memref<4x64x133xf32, #tpu.memory_space<vmem>> -> memref<1x8x128xf32, #tpu.memory_space<vmem>>
        %dma_wait3A_1304 = tpu.memref_squeeze %dma_wait3A_1303 : memref<1x8x128xf32, #tpu.memory_space<vmem>> -> memref<8x128xf32, #tpu.memory_space<vmem>>
        %dma_wait3A_1305 = arith.constant 0 : i32
        %dma_wait3A_1306 = arith.constant 0 : i32
        %dma_wait3A_1307 = tpu.memref_slice %arg4[%sub3A_1297, %dma_wait3A_1299, %add3A, %dma_wait3A_1305, %dma_wait3A_1306] : memref<200x8x32x8x128xf32, #tpu.memory_space<hbm>> -> memref<1x1x1x8x128xf32, #tpu.memory_space<hbm>>
        %dma_wait3A_1308 = tpu.memref_squeeze %dma_wait3A_1307 : memref<1x1x1x8x128xf32, #tpu.memory_space<hbm>> -> memref<8x128xf32, #tpu.memory_space<hbm>>
        %dma_wait3A_1309 = tpu.memref_slice %arg10[%dma_wait3A_1300] : memref<4x!tpu.dma_semaphore, #tpu.memory_space<semaphore_mem>> -> memref<1x!tpu.dma_semaphore, #tpu.memory_space<semaphore_mem>>
        %dma_wait3A_1310 = tpu.memref_squeeze %dma_wait3A_1309 : memref<1x!tpu.dma_semaphore, #tpu.memory_space<semaphore_mem>> -> memref<!tpu.dma_semaphore, #tpu.memory_space<semaphore_mem>>
        %dma_wait3A_1311 = arith.constant 0 : i32
        %dma_wait3A_1312 = arith.constant 0 : i32
        %dma_wait3A_1313 = tpu.memref_slice %arg4[%sub3A_1297, %dma_wait3A_1299, %add3A, %dma_wait3A_1311, %dma_wait3A_1312] : memref<200x8x32x8x128xf32, #tpu.memory_space<hbm>> -> memref<1x1x1x8x128xf32, #tpu.memory_space<hbm>>
        %dma_wait3A_1314 = tpu.memref_squeeze %dma_wait3A_1313 : memref<1x1x1x8x128xf32, #tpu.memory_space<hbm>> -> memref<8x128xf32, #tpu.memory_space<hbm>>
        %dma_wait3A_1315 = arith.constant 0 : i32
        %dma_wait3A_1316 = arith.constant 0 : i32
        %dma_wait3A_1317 = tpu.memref_slice %arg8[%dma_wait3A_1298, %dma_wait3A_1315, %dma_wait3A_1316] : memref<4x64x133xf32, #tpu.memory_space<vmem>> -> memref<1x8x128xf32, #tpu.memory_space<vmem>>
        %dma_wait3A_1318 = tpu.memref_squeeze %dma_wait3A_1317 : memref<1x8x128xf32, #tpu.memory_space<vmem>> -> memref<8x128xf32, #tpu.memory_space<vmem>>
        tpu.wait_dma2 semaphore(%dma_wait3A_1310 : memref<!tpu.dma_semaphore, #tpu.memory_space<semaphore_mem>>) src(%dma_wait3A_1318 : memref<8x128xf32, #tpu.memory_space<vmem>>) dst(%dma_wait3A_1314 : memref<8x128xf32, #tpu.memory_space<hbm>>)
        %dma_wait3A_1319 = arith.constant 1 : i32
        %dma_wait3A_1320 = arith.constant 1 : i32
        %dma_wait3A_1321 = arith.constant 1 : i32
        %dma_wait3A_1322 = arith.constant 8 : i32
        %dma_wait3A_1323 = arith.constant 0 : i32
        %dma_wait3A_1324 = tpu.memref_slice %arg8[%dma_wait3A_1319, %dma_wait3A_1322, %dma_wait3A_1323] : memref<4x64x133xf32, #tpu.memory_space<vmem>> -> memref<1x8x128xf32, #tpu.memory_space<vmem>>
        %dma_wait3A_1325 = tpu.memref_squeeze %dma_wait3A_1324 : memref<1x8x128xf32, #tpu.memory_space<vmem>> -> memref<8x128xf32, #tpu.memory_space<vmem>>
        %dma_wait3A_1326 = arith.constant 0 : i32
        %dma_wait3A_1327 = arith.constant 0 : i32
        %dma_wait3A_1328 = tpu.memref_slice %arg4[%sub3A_1297, %dma_wait3A_1320, %add3A, %dma_wait3A_1326, %dma_wait3A_1327] : memref<200x8x32x8x128xf32, #tpu.memory_space<hbm>> -> memref<1x1x1x8x128xf32, #tpu.memory_space<hbm>>
        %dma_wait3A_1329 = tpu.memref_squeeze %dma_wait3A_1328 : memref<1x1x1x8x128xf32, #tpu.memory_space<hbm>> -> memref<8x128xf32, #tpu.memory_space<hbm>>
        %dma_wait3A_1330 = tpu.memref_slice %arg10[%dma_wait3A_1321] : memref<4x!tpu.dma_semaphore, #tpu.memory_space<semaphore_mem>> -> memref<1x!tpu.dma_semaphore, #tpu.memory_space<semaphore_mem>>
        %dma_wait3A_1331 = tpu.memref_squeeze %dma_wait3A_1330 : memref<1x!tpu.dma_semaphore, #tpu.memory_space<semaphore_mem>> -> memref<!tpu.dma_semaphore, #tpu.memory_space<semaphore_mem>>
        %dma_wait3A_1332 = arith.constant 0 : i32
        %dma_wait3A_1333 = arith.constant 0 : i32
        %dma_wait3A_1334 = tpu.memref_slice %arg4[%sub3A_1297, %dma_wait3A_1320, %add3A, %dma_wait3A_1332, %dma_wait3A_1333] : memref<200x8x32x8x128xf32, #tpu.memory_space<hbm>> -> memref<1x1x1x8x128xf32, #tpu.memory_space<hbm>>
        %dma_wait3A_1335 = tpu.memref_squeeze %dma_wait3A_1334 : memref<1x1x1x8x128xf32, #tpu.memory_space<hbm>> -> memref<8x128xf32, #tpu.memory_space<hbm>>
        %dma_wait3A_1336 = arith.constant 8 : i32
        %dma_wait3A_1337 = arith.constant 0 : i32
        %dma_wait3A_1338 = tpu.memref_slice %arg8[%dma_wait3A_1319, %dma_wait3A_1336, %dma_wait3A_1337] : memref<4x64x133xf32, #tpu.memory_space<vmem>> -> memref<1x8x128xf32, #tpu.memory_space<vmem>>
        %dma_wait3A_1339 = tpu.memref_squeeze %dma_wait3A_1338 : memref<1x8x128xf32, #tpu.memory_space<vmem>> -> memref<8x128xf32, #tpu.memory_space<vmem>>
        tpu.wait_dma2 semaphore(%dma_wait3A_1331 : memref<!tpu.dma_semaphore, #tpu.memory_space<semaphore_mem>>) src(%dma_wait3A_1339 : memref<8x128xf32, #tpu.memory_space<vmem>>) dst(%dma_wait3A_1335 : memref<8x128xf32, #tpu.memory_space<hbm>>)
        %dma_wait3A_1340 = arith.constant 1 : i32
        %dma_wait3A_1341 = arith.constant 2 : i32
        %dma_wait3A_1342 = arith.constant 1 : i32
        %dma_wait3A_1343 = arith.constant 16 : i32
        %dma_wait3A_1344 = arith.constant 0 : i32
        %dma_wait3A_1345 = tpu.memref_slice %arg8[%dma_wait3A_1340, %dma_wait3A_1343, %dma_wait3A_1344] : memref<4x64x133xf32, #tpu.memory_space<vmem>> -> memref<1x8x128xf32, #tpu.memory_space<vmem>>
        %dma_wait3A_1346 = tpu.memref_squeeze %dma_wait3A_1345 : memref<1x8x128xf32, #tpu.memory_space<vmem>> -> memref<8x128xf32, #tpu.memory_space<vmem>>
        %dma_wait3A_1347 = arith.constant 0 : i32
        %dma_wait3A_1348 = arith.constant 0 : i32
        %dma_wait3A_1349 = tpu.memref_slice %arg4[%sub3A_1297, %dma_wait3A_1341, %add3A, %dma_wait3A_1347, %dma_wait3A_1348] : memref<200x8x32x8x128xf32, #tpu.memory_space<hbm>> -> memref<1x1x1x8x128xf32, #tpu.memory_space<hbm>>
        %dma_wait3A_1350 = tpu.memref_squeeze %dma_wait3A_1349 : memref<1x1x1x8x128xf32, #tpu.memory_space<hbm>> -> memref<8x128xf32, #tpu.memory_space<hbm>>
        %dma_wait3A_1351 = tpu.memref_slice %arg10[%dma_wait3A_1342] : memref<4x!tpu.dma_semaphore, #tpu.memory_space<semaphore_mem>> -> memref<1x!tpu.dma_semaphore, #tpu.memory_space<semaphore_mem>>
        %dma_wait3A_1352 = tpu.memref_squeeze %dma_wait3A_1351 : memref<1x!tpu.dma_semaphore, #tpu.memory_space<semaphore_mem>> -> memref<!tpu.dma_semaphore, #tpu.memory_space<semaphore_mem>>
        %dma_wait3A_1353 = arith.constant 0 : i32
        %dma_wait3A_1354 = arith.constant 0 : i32
        %dma_wait3A_1355 = tpu.memref_slice %arg4[%sub3A_1297, %dma_wait3A_1341, %add3A, %dma_wait3A_1353, %dma_wait3A_1354] : memref<200x8x32x8x128xf32, #tpu.memory_space<hbm>> -> memref<1x1x1x8x128xf32, #tpu.memory_space<hbm>>
        %dma_wait3A_1356 = tpu.memref_squeeze %dma_wait3A_1355 : memref<1x1x1x8x128xf32, #tpu.memory_space<hbm>> -> memref<8x128xf32, #tpu.memory_space<hbm>>
        %dma_wait3A_1357 = arith.constant 16 : i32
        %dma_wait3A_1358 = arith.constant 0 : i32
        %dma_wait3A_1359 = tpu.memref_slice %arg8[%dma_wait3A_1340, %dma_wait3A_1357, %dma_wait3A_1358] : memref<4x64x133xf32, #tpu.memory_space<vmem>> -> memref<1x8x128xf32, #tpu.memory_space<vmem>>
        %dma_wait3A_1360 = tpu.memref_squeeze %dma_wait3A_1359 : memref<1x8x128xf32, #tpu.memory_space<vmem>> -> memref<8x128xf32, #tpu.memory_space<vmem>>
        tpu.wait_dma2 semaphore(%dma_wait3A_1352 : memref<!tpu.dma_semaphore, #tpu.memory_space<semaphore_mem>>) src(%dma_wait3A_1360 : memref<8x128xf32, #tpu.memory_space<vmem>>) dst(%dma_wait3A_1356 : memref<8x128xf32, #tpu.memory_space<hbm>>)
        %dma_wait3A_1361 = arith.constant 1 : i32
        %dma_wait3A_1362 = arith.constant 3 : i32
        %dma_wait3A_1363 = arith.constant 1 : i32
        %dma_wait3A_1364 = arith.constant 24 : i32
        %dma_wait3A_1365 = arith.constant 0 : i32
        %dma_wait3A_1366 = tpu.memref_slice %arg8[%dma_wait3A_1361, %dma_wait3A_1364, %dma_wait3A_1365] : memref<4x64x133xf32, #tpu.memory_space<vmem>> -> memref<1x8x128xf32, #tpu.memory_space<vmem>>
        %dma_wait3A_1367 = tpu.memref_squeeze %dma_wait3A_1366 : memref<1x8x128xf32, #tpu.memory_space<vmem>> -> memref<8x128xf32, #tpu.memory_space<vmem>>
        %dma_wait3A_1368 = arith.constant 0 : i32
        %dma_wait3A_1369 = arith.constant 0 : i32
        %dma_wait3A_1370 = tpu.memref_slice %arg4[%sub3A_1297, %dma_wait3A_1362, %add3A, %dma_wait3A_1368, %dma_wait3A_1369] : memref<200x8x32x8x128xf32, #tpu.memory_space<hbm>> -> memref<1x1x1x8x128xf32, #tpu.memory_space<hbm>>
        %dma_wait3A_1371 = tpu.memref_squeeze %dma_wait3A_1370 : memref<1x1x1x8x128xf32, #tpu.memory_space<hbm>> -> memref<8x128xf32, #tpu.memory_space<hbm>>
        %dma_wait3A_1372 = tpu.memref_slice %arg10[%dma_wait3A_1363] : memref<4x!tpu.dma_semaphore, #tpu.memory_space<semaphore_mem>> -> memref<1x!tpu.dma_semaphore, #tpu.memory_space<semaphore_mem>>
        %dma_wait3A_1373 = tpu.memref_squeeze %dma_wait3A_1372 : memref<1x!tpu.dma_semaphore, #tpu.memory_space<semaphore_mem>> -> memref<!tpu.dma_semaphore, #tpu.memory_space<semaphore_mem>>
        %dma_wait3A_1374 = arith.constant 0 : i32
        %dma_wait3A_1375 = arith.constant 0 : i32
        %dma_wait3A_1376 = tpu.memref_slice %arg4[%sub3A_1297, %dma_wait3A_1362, %add3A, %dma_wait3A_1374, %dma_wait3A_1375] : memref<200x8x32x8x128xf32, #tpu.memory_space<hbm>> -> memref<1x1x1x8x128xf32, #tpu.memory_space<hbm>>
        %dma_wait3A_1377 = tpu.memref_squeeze %dma_wait3A_1376 : memref<1x1x1x8x128xf32, #tpu.memory_space<hbm>> -> memref<8x128xf32, #tpu.memory_space<hbm>>
        %dma_wait3A_1378 = arith.constant 24 : i32
        %dma_wait3A_1379 = arith.constant 0 : i32
        %dma_wait3A_1380 = tpu.memref_slice %arg8[%dma_wait3A_1361, %dma_wait3A_1378, %dma_wait3A_1379] : memref<4x64x133xf32, #tpu.memory_space<vmem>> -> memref<1x8x128xf32, #tpu.memory_space<vmem>>
        %dma_wait3A_1381 = tpu.memref_squeeze %dma_wait3A_1380 : memref<1x8x128xf32, #tpu.memory_space<vmem>> -> memref<8x128xf32, #tpu.memory_space<vmem>>
        tpu.wait_dma2 semaphore(%dma_wait3A_1373 : memref<!tpu.dma_semaphore, #tpu.memory_space<semaphore_mem>>) src(%dma_wait3A_1381 : memref<8x128xf32, #tpu.memory_space<vmem>>) dst(%dma_wait3A_1377 : memref<8x128xf32, #tpu.memory_space<hbm>>)
        %dma_wait3A_1382 = arith.constant 1 : i32
        %dma_wait3A_1383 = arith.constant 4 : i32
        %dma_wait3A_1384 = arith.constant 1 : i32
        %dma_wait3A_1385 = arith.constant 32 : i32
        %dma_wait3A_1386 = arith.constant 0 : i32
        %dma_wait3A_1387 = tpu.memref_slice %arg8[%dma_wait3A_1382, %dma_wait3A_1385, %dma_wait3A_1386] : memref<4x64x133xf32, #tpu.memory_space<vmem>> -> memref<1x8x128xf32, #tpu.memory_space<vmem>>
        %dma_wait3A_1388 = tpu.memref_squeeze %dma_wait3A_1387 : memref<1x8x128xf32, #tpu.memory_space<vmem>> -> memref<8x128xf32, #tpu.memory_space<vmem>>
        %dma_wait3A_1389 = arith.constant 0 : i32
        %dma_wait3A_1390 = arith.constant 0 : i32
        %dma_wait3A_1391 = tpu.memref_slice %arg4[%sub3A_1297, %dma_wait3A_1383, %add3A, %dma_wait3A_1389, %dma_wait3A_1390] : memref<200x8x32x8x128xf32, #tpu.memory_space<hbm>> -> memref<1x1x1x8x128xf32, #tpu.memory_space<hbm>>
        %dma_wait3A_1392 = tpu.memref_squeeze %dma_wait3A_1391 : memref<1x1x1x8x128xf32, #tpu.memory_space<hbm>> -> memref<8x128xf32, #tpu.memory_space<hbm>>
        %dma_wait3A_1393 = tpu.memref_slice %arg10[%dma_wait3A_1384] : memref<4x!tpu.dma_semaphore, #tpu.memory_space<semaphore_mem>> -> memref<1x!tpu.dma_semaphore, #tpu.memory_space<semaphore_mem>>
        %dma_wait3A_1394 = tpu.memref_squeeze %dma_wait3A_1393 : memref<1x!tpu.dma_semaphore, #tpu.memory_space<semaphore_mem>> -> memref<!tpu.dma_semaphore, #tpu.memory_space<semaphore_mem>>
        %dma_wait3A_1395 = arith.constant 0 : i32
        %dma_wait3A_1396 = arith.constant 0 : i32
        %dma_wait3A_1397 = tpu.memref_slice %arg4[%sub3A_1297, %dma_wait3A_1383, %add3A, %dma_wait3A_1395, %dma_wait3A_1396] : memref<200x8x32x8x128xf32, #tpu.memory_space<hbm>> -> memref<1x1x1x8x128xf32, #tpu.memory_space<hbm>>
        %dma_wait3A_1398 = tpu.memref_squeeze %dma_wait3A_1397 : memref<1x1x1x8x128xf32, #tpu.memory_space<hbm>> -> memref<8x128xf32, #tpu.memory_space<hbm>>
        %dma_wait3A_1399 = arith.constant 32 : i32
        %dma_wait3A_1400 = arith.constant 0 : i32
        %dma_wait3A_1401 = tpu.memref_slice %arg8[%dma_wait3A_1382, %dma_wait3A_1399, %dma_wait3A_1400] : memref<4x64x133xf32, #tpu.memory_space<vmem>> -> memref<1x8x128xf32, #tpu.memory_space<vmem>>
        %dma_wait3A_1402 = tpu.memref_squeeze %dma_wait3A_1401 : memref<1x8x128xf32, #tpu.memory_space<vmem>> -> memref<8x128xf32, #tpu.memory_space<vmem>>
        tpu.wait_dma2 semaphore(%dma_wait3A_1394 : memref<!tpu.dma_semaphore, #tpu.memory_space<semaphore_mem>>) src(%dma_wait3A_1402 : memref<8x128xf32, #tpu.memory_space<vmem>>) dst(%dma_wait3A_1398 : memref<8x128xf32, #tpu.memory_space<hbm>>)
        %dma_wait3A_1403 = arith.constant 1 : i32
        %dma_wait3A_1404 = arith.constant 5 : i32
        %dma_wait3A_1405 = arith.constant 1 : i32
        %dma_wait3A_1406 = arith.constant 40 : i32
        %dma_wait3A_1407 = arith.constant 0 : i32
        %dma_wait3A_1408 = tpu.memref_slice %arg8[%dma_wait3A_1403, %dma_wait3A_1406, %dma_wait3A_1407] : memref<4x64x133xf32, #tpu.memory_space<vmem>> -> memref<1x8x128xf32, #tpu.memory_space<vmem>>
        %dma_wait3A_1409 = tpu.memref_squeeze %dma_wait3A_1408 : memref<1x8x128xf32, #tpu.memory_space<vmem>> -> memref<8x128xf32, #tpu.memory_space<vmem>>
        %dma_wait3A_1410 = arith.constant 0 : i32
        %dma_wait3A_1411 = arith.constant 0 : i32
        %dma_wait3A_1412 = tpu.memref_slice %arg4[%sub3A_1297, %dma_wait3A_1404, %add3A, %dma_wait3A_1410, %dma_wait3A_1411] : memref<200x8x32x8x128xf32, #tpu.memory_space<hbm>> -> memref<1x1x1x8x128xf32, #tpu.memory_space<hbm>>
        %dma_wait3A_1413 = tpu.memref_squeeze %dma_wait3A_1412 : memref<1x1x1x8x128xf32, #tpu.memory_space<hbm>> -> memref<8x128xf32, #tpu.memory_space<hbm>>
        %dma_wait3A_1414 = tpu.memref_slice %arg10[%dma_wait3A_1405] : memref<4x!tpu.dma_semaphore, #tpu.memory_space<semaphore_mem>> -> memref<1x!tpu.dma_semaphore, #tpu.memory_space<semaphore_mem>>
        %dma_wait3A_1415 = tpu.memref_squeeze %dma_wait3A_1414 : memref<1x!tpu.dma_semaphore, #tpu.memory_space<semaphore_mem>> -> memref<!tpu.dma_semaphore, #tpu.memory_space<semaphore_mem>>
        %dma_wait3A_1416 = arith.constant 0 : i32
        %dma_wait3A_1417 = arith.constant 0 : i32
        %dma_wait3A_1418 = tpu.memref_slice %arg4[%sub3A_1297, %dma_wait3A_1404, %add3A, %dma_wait3A_1416, %dma_wait3A_1417] : memref<200x8x32x8x128xf32, #tpu.memory_space<hbm>> -> memref<1x1x1x8x128xf32, #tpu.memory_space<hbm>>
        %dma_wait3A_1419 = tpu.memref_squeeze %dma_wait3A_1418 : memref<1x1x1x8x128xf32, #tpu.memory_space<hbm>> -> memref<8x128xf32, #tpu.memory_space<hbm>>
        %dma_wait3A_1420 = arith.constant 40 : i32
        %dma_wait3A_1421 = arith.constant 0 : i32
        %dma_wait3A_1422 = tpu.memref_slice %arg8[%dma_wait3A_1403, %dma_wait3A_1420, %dma_wait3A_1421] : memref<4x64x133xf32, #tpu.memory_space<vmem>> -> memref<1x8x128xf32, #tpu.memory_space<vmem>>
        %dma_wait3A_1423 = tpu.memref_squeeze %dma_wait3A_1422 : memref<1x8x128xf32, #tpu.memory_space<vmem>> -> memref<8x128xf32, #tpu.memory_space<vmem>>
        tpu.wait_dma2 semaphore(%dma_wait3A_1415 : memref<!tpu.dma_semaphore, #tpu.memory_space<semaphore_mem>>) src(%dma_wait3A_1423 : memref<8x128xf32, #tpu.memory_space<vmem>>) dst(%dma_wait3A_1419 : memref<8x128xf32, #tpu.memory_space<hbm>>)
        %dma_wait3A_1424 = arith.constant 1 : i32
        %dma_wait3A_1425 = arith.constant 6 : i32
        %dma_wait3A_1426 = arith.constant 1 : i32
        %dma_wait3A_1427 = arith.constant 48 : i32
        %dma_wait3A_1428 = arith.constant 0 : i32
        %dma_wait3A_1429 = tpu.memref_slice %arg8[%dma_wait3A_1424, %dma_wait3A_1427, %dma_wait3A_1428] : memref<4x64x133xf32, #tpu.memory_space<vmem>> -> memref<1x8x128xf32, #tpu.memory_space<vmem>>
        %dma_wait3A_1430 = tpu.memref_squeeze %dma_wait3A_1429 : memref<1x8x128xf32, #tpu.memory_space<vmem>> -> memref<8x128xf32, #tpu.memory_space<vmem>>
        %dma_wait3A_1431 = arith.constant 0 : i32
        %dma_wait3A_1432 = arith.constant 0 : i32
        %dma_wait3A_1433 = tpu.memref_slice %arg4[%sub3A_1297, %dma_wait3A_1425, %add3A, %dma_wait3A_1431, %dma_wait3A_1432] : memref<200x8x32x8x128xf32, #tpu.memory_space<hbm>> -> memref<1x1x1x8x128xf32, #tpu.memory_space<hbm>>
        %dma_wait3A_1434 = tpu.memref_squeeze %dma_wait3A_1433 : memref<1x1x1x8x128xf32, #tpu.memory_space<hbm>> -> memref<8x128xf32, #tpu.memory_space<hbm>>
        %dma_wait3A_1435 = tpu.memref_slice %arg10[%dma_wait3A_1426] : memref<4x!tpu.dma_semaphore, #tpu.memory_space<semaphore_mem>> -> memref<1x!tpu.dma_semaphore, #tpu.memory_space<semaphore_mem>>
        %dma_wait3A_1436 = tpu.memref_squeeze %dma_wait3A_1435 : memref<1x!tpu.dma_semaphore, #tpu.memory_space<semaphore_mem>> -> memref<!tpu.dma_semaphore, #tpu.memory_space<semaphore_mem>>
        %dma_wait3A_1437 = arith.constant 0 : i32
        %dma_wait3A_1438 = arith.constant 0 : i32
        %dma_wait3A_1439 = tpu.memref_slice %arg4[%sub3A_1297, %dma_wait3A_1425, %add3A, %dma_wait3A_1437, %dma_wait3A_1438] : memref<200x8x32x8x128xf32, #tpu.memory_space<hbm>> -> memref<1x1x1x8x128xf32, #tpu.memory_space<hbm>>
        %dma_wait3A_1440 = tpu.memref_squeeze %dma_wait3A_1439 : memref<1x1x1x8x128xf32, #tpu.memory_space<hbm>> -> memref<8x128xf32, #tpu.memory_space<hbm>>
        %dma_wait3A_1441 = arith.constant 48 : i32
        %dma_wait3A_1442 = arith.constant 0 : i32
        %dma_wait3A_1443 = tpu.memref_slice %arg8[%dma_wait3A_1424, %dma_wait3A_1441, %dma_wait3A_1442] : memref<4x64x133xf32, #tpu.memory_space<vmem>> -> memref<1x8x128xf32, #tpu.memory_space<vmem>>
        %dma_wait3A_1444 = tpu.memref_squeeze %dma_wait3A_1443 : memref<1x8x128xf32, #tpu.memory_space<vmem>> -> memref<8x128xf32, #tpu.memory_space<vmem>>
        tpu.wait_dma2 semaphore(%dma_wait3A_1436 : memref<!tpu.dma_semaphore, #tpu.memory_space<semaphore_mem>>) src(%dma_wait3A_1444 : memref<8x128xf32, #tpu.memory_space<vmem>>) dst(%dma_wait3A_1440 : memref<8x128xf32, #tpu.memory_space<hbm>>)
        %dma_wait3A_1445 = arith.constant 1 : i32
        %dma_wait3A_1446 = arith.constant 7 : i32
        %dma_wait3A_1447 = arith.constant 1 : i32
        %dma_wait3A_1448 = arith.constant 56 : i32
        %dma_wait3A_1449 = arith.constant 0 : i32
        %dma_wait3A_1450 = tpu.memref_slice %arg8[%dma_wait3A_1445, %dma_wait3A_1448, %dma_wait3A_1449] : memref<4x64x133xf32, #tpu.memory_space<vmem>> -> memref<1x8x128xf32, #tpu.memory_space<vmem>>
        %dma_wait3A_1451 = tpu.memref_squeeze %dma_wait3A_1450 : memref<1x8x128xf32, #tpu.memory_space<vmem>> -> memref<8x128xf32, #tpu.memory_space<vmem>>
        %dma_wait3A_1452 = arith.constant 0 : i32
        %dma_wait3A_1453 = arith.constant 0 : i32
        %dma_wait3A_1454 = tpu.memref_slice %arg4[%sub3A_1297, %dma_wait3A_1446, %add3A, %dma_wait3A_1452, %dma_wait3A_1453] : memref<200x8x32x8x128xf32, #tpu.memory_space<hbm>> -> memref<1x1x1x8x128xf32, #tpu.memory_space<hbm>>
        %dma_wait3A_1455 = tpu.memref_squeeze %dma_wait3A_1454 : memref<1x1x1x8x128xf32, #tpu.memory_space<hbm>> -> memref<8x128xf32, #tpu.memory_space<hbm>>
        %dma_wait3A_1456 = tpu.memref_slice %arg10[%dma_wait3A_1447] : memref<4x!tpu.dma_semaphore, #tpu.memory_space<semaphore_mem>> -> memref<1x!tpu.dma_semaphore, #tpu.memory_space<semaphore_mem>>
        %dma_wait3A_1457 = tpu.memref_squeeze %dma_wait3A_1456 : memref<1x!tpu.dma_semaphore, #tpu.memory_space<semaphore_mem>> -> memref<!tpu.dma_semaphore, #tpu.memory_space<semaphore_mem>>
        %dma_wait3A_1458 = arith.constant 0 : i32
        %dma_wait3A_1459 = arith.constant 0 : i32
        %dma_wait3A_1460 = tpu.memref_slice %arg4[%sub3A_1297, %dma_wait3A_1446, %add3A, %dma_wait3A_1458, %dma_wait3A_1459] : memref<200x8x32x8x128xf32, #tpu.memory_space<hbm>> -> memref<1x1x1x8x128xf32, #tpu.memory_space<hbm>>
        %dma_wait3A_1461 = tpu.memref_squeeze %dma_wait3A_1460 : memref<1x1x1x8x128xf32, #tpu.memory_space<hbm>> -> memref<8x128xf32, #tpu.memory_space<hbm>>
        %dma_wait3A_1462 = arith.constant 56 : i32
        %dma_wait3A_1463 = arith.constant 0 : i32
        %dma_wait3A_1464 = tpu.memref_slice %arg8[%dma_wait3A_1445, %dma_wait3A_1462, %dma_wait3A_1463] : memref<4x64x133xf32, #tpu.memory_space<vmem>> -> memref<1x8x128xf32, #tpu.memory_space<vmem>>
        %dma_wait3A_1465 = tpu.memref_squeeze %dma_wait3A_1464 : memref<1x8x128xf32, #tpu.memory_space<vmem>> -> memref<8x128xf32, #tpu.memory_space<vmem>>
        tpu.wait_dma2 semaphore(%dma_wait3A_1457 : memref<!tpu.dma_semaphore, #tpu.memory_space<semaphore_mem>>) src(%dma_wait3A_1465 : memref<8x128xf32, #tpu.memory_space<vmem>>) dst(%dma_wait3A_1461 : memref<8x128xf32, #tpu.memory_space<hbm>>)
      } else {
      }
      %add3A_1290 = arith.constant 4 : i32
      %add3A_1291 = arith.addi %add3A_1096, %add3A_1290 : i32
      %lt3A_1292 = arith.constant 200 : i32
      %lt3A_1293 = arith.cmpi slt, %add3A_1291, %lt3A_1292 : i32
      %convert_element_type3A_1294 = arith.extui %lt3A_1293 : i1 to i32
      %cond3A_1295 = arith.constant 0 : i32
      %cond3A_1296 = arith.cmpi ne, %convert_element_type3A_1294, %cond3A_1295 : i32
      scf.if %cond3A_1296 {
        %add3A_1297 = arith.constant 4 : i32
        %add3A_1298 = arith.addi %add3A_1096, %add3A_1297 : i32
        %dma_start3A_1299 = arith.constant 3 : i32
        %dma_start3A_1300 = arith.constant 3 : i32
        %dma_start3A_1301 = arith.constant 0 : i32
        %dma_start3A_1302 = arith.constant 0 : i32
        %dma_start3A_1303 = tpu.memref_slice %arg7[%dma_start3A_1299, %dma_start3A_1301, %dma_start3A_1302] : memref<4x128x64xf32, #tpu.memory_space<vmem>> -> memref<1x128x64xf32, #tpu.memory_space<vmem>>
        %dma_start3A_1304 = tpu.memref_squeeze %dma_start3A_1303 : memref<1x128x64xf32, #tpu.memory_space<vmem>> -> memref<128x64xf32, #tpu.memory_space<vmem>>
        %dma_start3A_1305 = arith.constant 0 : i32
        %dma_start3A_1306 = tpu.memref_slice %arg6[%add3A_1298, %dma_start3A_1305] : memref<200x128xi32, #tpu.memory_space<vmem>> -> memref<1x128xi32, #tpu.memory_space<vmem>>
        %dma_start3A_1307 = tpu.memref_squeeze %dma_start3A_1306 : memref<1x128xi32, #tpu.memory_space<vmem>> -> memref<128xi32, #tpu.memory_space<vmem>>
        %dma_start3A_1308 = arith.constant 0 : i32
        %dma_start3A_1309 = arith.constant 0 : i32
        %dma_start3A_1310 = tpu.memref_slice %arg2[%dma_start3A_1308, %dma_start3A_1309] : memref<100000x64xf32, #tpu.memory_space<hbm>> -> memref<100000x64xf32, #tpu.memory_space<hbm>>
        %dma_start3A_1311 = tpu.memref_slice %arg9[%dma_start3A_1300] : memref<4x!tpu.dma_semaphore, #tpu.memory_space<semaphore_mem>> -> memref<1x!tpu.dma_semaphore, #tpu.memory_space<semaphore_mem>>
        %dma_start3A_1312 = tpu.memref_squeeze %dma_start3A_1311 : memref<1x!tpu.dma_semaphore, #tpu.memory_space<semaphore_mem>> -> memref<!tpu.dma_semaphore, #tpu.memory_space<semaphore_mem>>
        tpu.enqueue_indirect_dma source(%dma_start3A_1310 : memref<100000x64xf32, #tpu.memory_space<hbm>>) target(%dma_start3A_1304 : memref<128x64xf32, #tpu.memory_space<vmem>>) offsets(%dma_start3A_1307 : memref<128xi32, #tpu.memory_space<vmem>>) semaphore(%dma_start3A_1312 : memref<!tpu.dma_semaphore, #tpu.memory_space<semaphore_mem>>)
      } else {
      }
    }
    %scan3A_132 = arith.constant 50 : i32
    %dma_wait3A = arith.constant 2 : i32
    %dma_wait3A_133 = arith.constant 198 : i32
    %dma_wait3A_134 = arith.constant 0 : i32
    %dma_wait3A_135 = arith.constant 2 : i32
    %dma_wait3A_136 = arith.constant 0 : i32
    %dma_wait3A_137 = arith.constant 0 : i32
    %dma_wait3A_138 = tpu.memref_slice %arg8[%dma_wait3A, %dma_wait3A_136, %dma_wait3A_137] : memref<4x64x133xf32, #tpu.memory_space<vmem>> -> memref<1x8x128xf32, #tpu.memory_space<vmem>>
    %dma_wait3A_139 = tpu.memref_squeeze %dma_wait3A_138 : memref<1x8x128xf32, #tpu.memory_space<vmem>> -> memref<8x128xf32, #tpu.memory_space<vmem>>
    %dma_wait3A_140 = arith.constant 0 : i32
    %dma_wait3A_141 = arith.constant 0 : i32
    %dma_wait3A_142 = tpu.memref_slice %arg4[%dma_wait3A_133, %dma_wait3A_134, %add3A, %dma_wait3A_140, %dma_wait3A_141] : memref<200x8x32x8x128xf32, #tpu.memory_space<hbm>> -> memref<1x1x1x8x128xf32, #tpu.memory_space<hbm>>
    %dma_wait3A_143 = tpu.memref_squeeze %dma_wait3A_142 : memref<1x1x1x8x128xf32, #tpu.memory_space<hbm>> -> memref<8x128xf32, #tpu.memory_space<hbm>>
    %dma_wait3A_144 = tpu.memref_slice %arg10[%dma_wait3A_135] : memref<4x!tpu.dma_semaphore, #tpu.memory_space<semaphore_mem>> -> memref<1x!tpu.dma_semaphore, #tpu.memory_space<semaphore_mem>>
    %dma_wait3A_145 = tpu.memref_squeeze %dma_wait3A_144 : memref<1x!tpu.dma_semaphore, #tpu.memory_space<semaphore_mem>> -> memref<!tpu.dma_semaphore, #tpu.memory_space<semaphore_mem>>
    %dma_wait3A_146 = arith.constant 0 : i32
    %dma_wait3A_147 = arith.constant 0 : i32
    %dma_wait3A_148 = tpu.memref_slice %arg4[%dma_wait3A_133, %dma_wait3A_134, %add3A, %dma_wait3A_146, %dma_wait3A_147] : memref<200x8x32x8x128xf32, #tpu.memory_space<hbm>> -> memref<1x1x1x8x128xf32, #tpu.memory_space<hbm>>
    %dma_wait3A_149 = tpu.memref_squeeze %dma_wait3A_148 : memref<1x1x1x8x128xf32, #tpu.memory_space<hbm>> -> memref<8x128xf32, #tpu.memory_space<hbm>>
    %dma_wait3A_150 = arith.constant 0 : i32
    %dma_wait3A_151 = arith.constant 0 : i32
    %dma_wait3A_152 = tpu.memref_slice %arg8[%dma_wait3A, %dma_wait3A_150, %dma_wait3A_151] : memref<4x64x133xf32, #tpu.memory_space<vmem>> -> memref<1x8x128xf32, #tpu.memory_space<vmem>>
    %dma_wait3A_153 = tpu.memref_squeeze %dma_wait3A_152 : memref<1x8x128xf32, #tpu.memory_space<vmem>> -> memref<8x128xf32, #tpu.memory_space<vmem>>
    tpu.wait_dma2 semaphore(%dma_wait3A_145 : memref<!tpu.dma_semaphore, #tpu.memory_space<semaphore_mem>>) src(%dma_wait3A_153 : memref<8x128xf32, #tpu.memory_space<vmem>>) dst(%dma_wait3A_149 : memref<8x128xf32, #tpu.memory_space<hbm>>)
    %dma_wait3A_154 = arith.constant 2 : i32
    %dma_wait3A_155 = arith.constant 198 : i32
    %dma_wait3A_156 = arith.constant 1 : i32
    %dma_wait3A_157 = arith.constant 2 : i32
    %dma_wait3A_158 = arith.constant 8 : i32
    %dma_wait3A_159 = arith.constant 0 : i32
    %dma_wait3A_160 = tpu.memref_slice %arg8[%dma_wait3A_154, %dma_wait3A_158, %dma_wait3A_159] : memref<4x64x133xf32, #tpu.memory_space<vmem>> -> memref<1x8x128xf32, #tpu.memory_space<vmem>>
    %dma_wait3A_161 = tpu.memref_squeeze %dma_wait3A_160 : memref<1x8x128xf32, #tpu.memory_space<vmem>> -> memref<8x128xf32, #tpu.memory_space<vmem>>
    %dma_wait3A_162 = arith.constant 0 : i32
    %dma_wait3A_163 = arith.constant 0 : i32
    %dma_wait3A_164 = tpu.memref_slice %arg4[%dma_wait3A_155, %dma_wait3A_156, %add3A, %dma_wait3A_162, %dma_wait3A_163] : memref<200x8x32x8x128xf32, #tpu.memory_space<hbm>> -> memref<1x1x1x8x128xf32, #tpu.memory_space<hbm>>
    %dma_wait3A_165 = tpu.memref_squeeze %dma_wait3A_164 : memref<1x1x1x8x128xf32, #tpu.memory_space<hbm>> -> memref<8x128xf32, #tpu.memory_space<hbm>>
    %dma_wait3A_166 = tpu.memref_slice %arg10[%dma_wait3A_157] : memref<4x!tpu.dma_semaphore, #tpu.memory_space<semaphore_mem>> -> memref<1x!tpu.dma_semaphore, #tpu.memory_space<semaphore_mem>>
    %dma_wait3A_167 = tpu.memref_squeeze %dma_wait3A_166 : memref<1x!tpu.dma_semaphore, #tpu.memory_space<semaphore_mem>> -> memref<!tpu.dma_semaphore, #tpu.memory_space<semaphore_mem>>
    %dma_wait3A_168 = arith.constant 0 : i32
    %dma_wait3A_169 = arith.constant 0 : i32
    %dma_wait3A_170 = tpu.memref_slice %arg4[%dma_wait3A_155, %dma_wait3A_156, %add3A, %dma_wait3A_168, %dma_wait3A_169] : memref<200x8x32x8x128xf32, #tpu.memory_space<hbm>> -> memref<1x1x1x8x128xf32, #tpu.memory_space<hbm>>
    %dma_wait3A_171 = tpu.memref_squeeze %dma_wait3A_170 : memref<1x1x1x8x128xf32, #tpu.memory_space<hbm>> -> memref<8x128xf32, #tpu.memory_space<hbm>>
    %dma_wait3A_172 = arith.constant 8 : i32
    %dma_wait3A_173 = arith.constant 0 : i32
    %dma_wait3A_174 = tpu.memref_slice %arg8[%dma_wait3A_154, %dma_wait3A_172, %dma_wait3A_173] : memref<4x64x133xf32, #tpu.memory_space<vmem>> -> memref<1x8x128xf32, #tpu.memory_space<vmem>>
    %dma_wait3A_175 = tpu.memref_squeeze %dma_wait3A_174 : memref<1x8x128xf32, #tpu.memory_space<vmem>> -> memref<8x128xf32, #tpu.memory_space<vmem>>
    tpu.wait_dma2 semaphore(%dma_wait3A_167 : memref<!tpu.dma_semaphore, #tpu.memory_space<semaphore_mem>>) src(%dma_wait3A_175 : memref<8x128xf32, #tpu.memory_space<vmem>>) dst(%dma_wait3A_171 : memref<8x128xf32, #tpu.memory_space<hbm>>)
    %dma_wait3A_176 = arith.constant 2 : i32
    %dma_wait3A_177 = arith.constant 198 : i32
    %dma_wait3A_178 = arith.constant 2 : i32
    %dma_wait3A_179 = arith.constant 2 : i32
    %dma_wait3A_180 = arith.constant 16 : i32
    %dma_wait3A_181 = arith.constant 0 : i32
    %dma_wait3A_182 = tpu.memref_slice %arg8[%dma_wait3A_176, %dma_wait3A_180, %dma_wait3A_181] : memref<4x64x133xf32, #tpu.memory_space<vmem>> -> memref<1x8x128xf32, #tpu.memory_space<vmem>>
    %dma_wait3A_183 = tpu.memref_squeeze %dma_wait3A_182 : memref<1x8x128xf32, #tpu.memory_space<vmem>> -> memref<8x128xf32, #tpu.memory_space<vmem>>
    %dma_wait3A_184 = arith.constant 0 : i32
    %dma_wait3A_185 = arith.constant 0 : i32
    %dma_wait3A_186 = tpu.memref_slice %arg4[%dma_wait3A_177, %dma_wait3A_178, %add3A, %dma_wait3A_184, %dma_wait3A_185] : memref<200x8x32x8x128xf32, #tpu.memory_space<hbm>> -> memref<1x1x1x8x128xf32, #tpu.memory_space<hbm>>
    %dma_wait3A_187 = tpu.memref_squeeze %dma_wait3A_186 : memref<1x1x1x8x128xf32, #tpu.memory_space<hbm>> -> memref<8x128xf32, #tpu.memory_space<hbm>>
    %dma_wait3A_188 = tpu.memref_slice %arg10[%dma_wait3A_179] : memref<4x!tpu.dma_semaphore, #tpu.memory_space<semaphore_mem>> -> memref<1x!tpu.dma_semaphore, #tpu.memory_space<semaphore_mem>>
    %dma_wait3A_189 = tpu.memref_squeeze %dma_wait3A_188 : memref<1x!tpu.dma_semaphore, #tpu.memory_space<semaphore_mem>> -> memref<!tpu.dma_semaphore, #tpu.memory_space<semaphore_mem>>
    %dma_wait3A_190 = arith.constant 0 : i32
    %dma_wait3A_191 = arith.constant 0 : i32
    %dma_wait3A_192 = tpu.memref_slice %arg4[%dma_wait3A_177, %dma_wait3A_178, %add3A, %dma_wait3A_190, %dma_wait3A_191] : memref<200x8x32x8x128xf32, #tpu.memory_space<hbm>> -> memref<1x1x1x8x128xf32, #tpu.memory_space<hbm>>
    %dma_wait3A_193 = tpu.memref_squeeze %dma_wait3A_192 : memref<1x1x1x8x128xf32, #tpu.memory_space<hbm>> -> memref<8x128xf32, #tpu.memory_space<hbm>>
    %dma_wait3A_194 = arith.constant 16 : i32
    %dma_wait3A_195 = arith.constant 0 : i32
    %dma_wait3A_196 = tpu.memref_slice %arg8[%dma_wait3A_176, %dma_wait3A_194, %dma_wait3A_195] : memref<4x64x133xf32, #tpu.memory_space<vmem>> -> memref<1x8x128xf32, #tpu.memory_space<vmem>>
    %dma_wait3A_197 = tpu.memref_squeeze %dma_wait3A_196 : memref<1x8x128xf32, #tpu.memory_space<vmem>> -> memref<8x128xf32, #tpu.memory_space<vmem>>
    tpu.wait_dma2 semaphore(%dma_wait3A_189 : memref<!tpu.dma_semaphore, #tpu.memory_space<semaphore_mem>>) src(%dma_wait3A_197 : memref<8x128xf32, #tpu.memory_space<vmem>>) dst(%dma_wait3A_193 : memref<8x128xf32, #tpu.memory_space<hbm>>)
    %dma_wait3A_198 = arith.constant 2 : i32
    %dma_wait3A_199 = arith.constant 198 : i32
    %dma_wait3A_200 = arith.constant 3 : i32
    %dma_wait3A_201 = arith.constant 2 : i32
    %dma_wait3A_202 = arith.constant 24 : i32
    %dma_wait3A_203 = arith.constant 0 : i32
    %dma_wait3A_204 = tpu.memref_slice %arg8[%dma_wait3A_198, %dma_wait3A_202, %dma_wait3A_203] : memref<4x64x133xf32, #tpu.memory_space<vmem>> -> memref<1x8x128xf32, #tpu.memory_space<vmem>>
    %dma_wait3A_205 = tpu.memref_squeeze %dma_wait3A_204 : memref<1x8x128xf32, #tpu.memory_space<vmem>> -> memref<8x128xf32, #tpu.memory_space<vmem>>
    %dma_wait3A_206 = arith.constant 0 : i32
    %dma_wait3A_207 = arith.constant 0 : i32
    %dma_wait3A_208 = tpu.memref_slice %arg4[%dma_wait3A_199, %dma_wait3A_200, %add3A, %dma_wait3A_206, %dma_wait3A_207] : memref<200x8x32x8x128xf32, #tpu.memory_space<hbm>> -> memref<1x1x1x8x128xf32, #tpu.memory_space<hbm>>
    %dma_wait3A_209 = tpu.memref_squeeze %dma_wait3A_208 : memref<1x1x1x8x128xf32, #tpu.memory_space<hbm>> -> memref<8x128xf32, #tpu.memory_space<hbm>>
    %dma_wait3A_210 = tpu.memref_slice %arg10[%dma_wait3A_201] : memref<4x!tpu.dma_semaphore, #tpu.memory_space<semaphore_mem>> -> memref<1x!tpu.dma_semaphore, #tpu.memory_space<semaphore_mem>>
    %dma_wait3A_211 = tpu.memref_squeeze %dma_wait3A_210 : memref<1x!tpu.dma_semaphore, #tpu.memory_space<semaphore_mem>> -> memref<!tpu.dma_semaphore, #tpu.memory_space<semaphore_mem>>
    %dma_wait3A_212 = arith.constant 0 : i32
    %dma_wait3A_213 = arith.constant 0 : i32
    %dma_wait3A_214 = tpu.memref_slice %arg4[%dma_wait3A_199, %dma_wait3A_200, %add3A, %dma_wait3A_212, %dma_wait3A_213] : memref<200x8x32x8x128xf32, #tpu.memory_space<hbm>> -> memref<1x1x1x8x128xf32, #tpu.memory_space<hbm>>
    %dma_wait3A_215 = tpu.memref_squeeze %dma_wait3A_214 : memref<1x1x1x8x128xf32, #tpu.memory_space<hbm>> -> memref<8x128xf32, #tpu.memory_space<hbm>>
    %dma_wait3A_216 = arith.constant 24 : i32
    %dma_wait3A_217 = arith.constant 0 : i32
    %dma_wait3A_218 = tpu.memref_slice %arg8[%dma_wait3A_198, %dma_wait3A_216, %dma_wait3A_217] : memref<4x64x133xf32, #tpu.memory_space<vmem>> -> memref<1x8x128xf32, #tpu.memory_space<vmem>>
    %dma_wait3A_219 = tpu.memref_squeeze %dma_wait3A_218 : memref<1x8x128xf32, #tpu.memory_space<vmem>> -> memref<8x128xf32, #tpu.memory_space<vmem>>
    tpu.wait_dma2 semaphore(%dma_wait3A_211 : memref<!tpu.dma_semaphore, #tpu.memory_space<semaphore_mem>>) src(%dma_wait3A_219 : memref<8x128xf32, #tpu.memory_space<vmem>>) dst(%dma_wait3A_215 : memref<8x128xf32, #tpu.memory_space<hbm>>)
    %dma_wait3A_220 = arith.constant 2 : i32
    %dma_wait3A_221 = arith.constant 198 : i32
    %dma_wait3A_222 = arith.constant 4 : i32
    %dma_wait3A_223 = arith.constant 2 : i32
    %dma_wait3A_224 = arith.constant 32 : i32
    %dma_wait3A_225 = arith.constant 0 : i32
    %dma_wait3A_226 = tpu.memref_slice %arg8[%dma_wait3A_220, %dma_wait3A_224, %dma_wait3A_225] : memref<4x64x133xf32, #tpu.memory_space<vmem>> -> memref<1x8x128xf32, #tpu.memory_space<vmem>>
    %dma_wait3A_227 = tpu.memref_squeeze %dma_wait3A_226 : memref<1x8x128xf32, #tpu.memory_space<vmem>> -> memref<8x128xf32, #tpu.memory_space<vmem>>
    %dma_wait3A_228 = arith.constant 0 : i32
    %dma_wait3A_229 = arith.constant 0 : i32
    %dma_wait3A_230 = tpu.memref_slice %arg4[%dma_wait3A_221, %dma_wait3A_222, %add3A, %dma_wait3A_228, %dma_wait3A_229] : memref<200x8x32x8x128xf32, #tpu.memory_space<hbm>> -> memref<1x1x1x8x128xf32, #tpu.memory_space<hbm>>
    %dma_wait3A_231 = tpu.memref_squeeze %dma_wait3A_230 : memref<1x1x1x8x128xf32, #tpu.memory_space<hbm>> -> memref<8x128xf32, #tpu.memory_space<hbm>>
    %dma_wait3A_232 = tpu.memref_slice %arg10[%dma_wait3A_223] : memref<4x!tpu.dma_semaphore, #tpu.memory_space<semaphore_mem>> -> memref<1x!tpu.dma_semaphore, #tpu.memory_space<semaphore_mem>>
    %dma_wait3A_233 = tpu.memref_squeeze %dma_wait3A_232 : memref<1x!tpu.dma_semaphore, #tpu.memory_space<semaphore_mem>> -> memref<!tpu.dma_semaphore, #tpu.memory_space<semaphore_mem>>
    %dma_wait3A_234 = arith.constant 0 : i32
    %dma_wait3A_235 = arith.constant 0 : i32
    %dma_wait3A_236 = tpu.memref_slice %arg4[%dma_wait3A_221, %dma_wait3A_222, %add3A, %dma_wait3A_234, %dma_wait3A_235] : memref<200x8x32x8x128xf32, #tpu.memory_space<hbm>> -> memref<1x1x1x8x128xf32, #tpu.memory_space<hbm>>
    %dma_wait3A_237 = tpu.memref_squeeze %dma_wait3A_236 : memref<1x1x1x8x128xf32, #tpu.memory_space<hbm>> -> memref<8x128xf32, #tpu.memory_space<hbm>>
    %dma_wait3A_238 = arith.constant 32 : i32
    %dma_wait3A_239 = arith.constant 0 : i32
    %dma_wait3A_240 = tpu.memref_slice %arg8[%dma_wait3A_220, %dma_wait3A_238, %dma_wait3A_239] : memref<4x64x133xf32, #tpu.memory_space<vmem>> -> memref<1x8x128xf32, #tpu.memory_space<vmem>>
    %dma_wait3A_241 = tpu.memref_squeeze %dma_wait3A_240 : memref<1x8x128xf32, #tpu.memory_space<vmem>> -> memref<8x128xf32, #tpu.memory_space<vmem>>
    tpu.wait_dma2 semaphore(%dma_wait3A_233 : memref<!tpu.dma_semaphore, #tpu.memory_space<semaphore_mem>>) src(%dma_wait3A_241 : memref<8x128xf32, #tpu.memory_space<vmem>>) dst(%dma_wait3A_237 : memref<8x128xf32, #tpu.memory_space<hbm>>)
    %dma_wait3A_242 = arith.constant 2 : i32
    %dma_wait3A_243 = arith.constant 198 : i32
    %dma_wait3A_244 = arith.constant 5 : i32
    %dma_wait3A_245 = arith.constant 2 : i32
    %dma_wait3A_246 = arith.constant 40 : i32
    %dma_wait3A_247 = arith.constant 0 : i32
    %dma_wait3A_248 = tpu.memref_slice %arg8[%dma_wait3A_242, %dma_wait3A_246, %dma_wait3A_247] : memref<4x64x133xf32, #tpu.memory_space<vmem>> -> memref<1x8x128xf32, #tpu.memory_space<vmem>>
    %dma_wait3A_249 = tpu.memref_squeeze %dma_wait3A_248 : memref<1x8x128xf32, #tpu.memory_space<vmem>> -> memref<8x128xf32, #tpu.memory_space<vmem>>
    %dma_wait3A_250 = arith.constant 0 : i32
    %dma_wait3A_251 = arith.constant 0 : i32
    %dma_wait3A_252 = tpu.memref_slice %arg4[%dma_wait3A_243, %dma_wait3A_244, %add3A, %dma_wait3A_250, %dma_wait3A_251] : memref<200x8x32x8x128xf32, #tpu.memory_space<hbm>> -> memref<1x1x1x8x128xf32, #tpu.memory_space<hbm>>
    %dma_wait3A_253 = tpu.memref_squeeze %dma_wait3A_252 : memref<1x1x1x8x128xf32, #tpu.memory_space<hbm>> -> memref<8x128xf32, #tpu.memory_space<hbm>>
    %dma_wait3A_254 = tpu.memref_slice %arg10[%dma_wait3A_245] : memref<4x!tpu.dma_semaphore, #tpu.memory_space<semaphore_mem>> -> memref<1x!tpu.dma_semaphore, #tpu.memory_space<semaphore_mem>>
    %dma_wait3A_255 = tpu.memref_squeeze %dma_wait3A_254 : memref<1x!tpu.dma_semaphore, #tpu.memory_space<semaphore_mem>> -> memref<!tpu.dma_semaphore, #tpu.memory_space<semaphore_mem>>
    %dma_wait3A_256 = arith.constant 0 : i32
    %dma_wait3A_257 = arith.constant 0 : i32
    %dma_wait3A_258 = tpu.memref_slice %arg4[%dma_wait3A_243, %dma_wait3A_244, %add3A, %dma_wait3A_256, %dma_wait3A_257] : memref<200x8x32x8x128xf32, #tpu.memory_space<hbm>> -> memref<1x1x1x8x128xf32, #tpu.memory_space<hbm>>
    %dma_wait3A_259 = tpu.memref_squeeze %dma_wait3A_258 : memref<1x1x1x8x128xf32, #tpu.memory_space<hbm>> -> memref<8x128xf32, #tpu.memory_space<hbm>>
    %dma_wait3A_260 = arith.constant 40 : i32
    %dma_wait3A_261 = arith.constant 0 : i32
    %dma_wait3A_262 = tpu.memref_slice %arg8[%dma_wait3A_242, %dma_wait3A_260, %dma_wait3A_261] : memref<4x64x133xf32, #tpu.memory_space<vmem>> -> memref<1x8x128xf32, #tpu.memory_space<vmem>>
    %dma_wait3A_263 = tpu.memref_squeeze %dma_wait3A_262 : memref<1x8x128xf32, #tpu.memory_space<vmem>> -> memref<8x128xf32, #tpu.memory_space<vmem>>
    tpu.wait_dma2 semaphore(%dma_wait3A_255 : memref<!tpu.dma_semaphore, #tpu.memory_space<semaphore_mem>>) src(%dma_wait3A_263 : memref<8x128xf32, #tpu.memory_space<vmem>>) dst(%dma_wait3A_259 : memref<8x128xf32, #tpu.memory_space<hbm>>)
    %dma_wait3A_264 = arith.constant 2 : i32
    %dma_wait3A_265 = arith.constant 198 : i32
    %dma_wait3A_266 = arith.constant 6 : i32
    %dma_wait3A_267 = arith.constant 2 : i32
    %dma_wait3A_268 = arith.constant 48 : i32
    %dma_wait3A_269 = arith.constant 0 : i32
    %dma_wait3A_270 = tpu.memref_slice %arg8[%dma_wait3A_264, %dma_wait3A_268, %dma_wait3A_269] : memref<4x64x133xf32, #tpu.memory_space<vmem>> -> memref<1x8x128xf32, #tpu.memory_space<vmem>>
    %dma_wait3A_271 = tpu.memref_squeeze %dma_wait3A_270 : memref<1x8x128xf32, #tpu.memory_space<vmem>> -> memref<8x128xf32, #tpu.memory_space<vmem>>
    %dma_wait3A_272 = arith.constant 0 : i32
    %dma_wait3A_273 = arith.constant 0 : i32
    %dma_wait3A_274 = tpu.memref_slice %arg4[%dma_wait3A_265, %dma_wait3A_266, %add3A, %dma_wait3A_272, %dma_wait3A_273] : memref<200x8x32x8x128xf32, #tpu.memory_space<hbm>> -> memref<1x1x1x8x128xf32, #tpu.memory_space<hbm>>
    %dma_wait3A_275 = tpu.memref_squeeze %dma_wait3A_274 : memref<1x1x1x8x128xf32, #tpu.memory_space<hbm>> -> memref<8x128xf32, #tpu.memory_space<hbm>>
    %dma_wait3A_276 = tpu.memref_slice %arg10[%dma_wait3A_267] : memref<4x!tpu.dma_semaphore, #tpu.memory_space<semaphore_mem>> -> memref<1x!tpu.dma_semaphore, #tpu.memory_space<semaphore_mem>>
    %dma_wait3A_277 = tpu.memref_squeeze %dma_wait3A_276 : memref<1x!tpu.dma_semaphore, #tpu.memory_space<semaphore_mem>> -> memref<!tpu.dma_semaphore, #tpu.memory_space<semaphore_mem>>
    %dma_wait3A_278 = arith.constant 0 : i32
    %dma_wait3A_279 = arith.constant 0 : i32
    %dma_wait3A_280 = tpu.memref_slice %arg4[%dma_wait3A_265, %dma_wait3A_266, %add3A, %dma_wait3A_278, %dma_wait3A_279] : memref<200x8x32x8x128xf32, #tpu.memory_space<hbm>> -> memref<1x1x1x8x128xf32, #tpu.memory_space<hbm>>
    %dma_wait3A_281 = tpu.memref_squeeze %dma_wait3A_280 : memref<1x1x1x8x128xf32, #tpu.memory_space<hbm>> -> memref<8x128xf32, #tpu.memory_space<hbm>>
    %dma_wait3A_282 = arith.constant 48 : i32
    %dma_wait3A_283 = arith.constant 0 : i32
    %dma_wait3A_284 = tpu.memref_slice %arg8[%dma_wait3A_264, %dma_wait3A_282, %dma_wait3A_283] : memref<4x64x133xf32, #tpu.memory_space<vmem>> -> memref<1x8x128xf32, #tpu.memory_space<vmem>>
    %dma_wait3A_285 = tpu.memref_squeeze %dma_wait3A_284 : memref<1x8x128xf32, #tpu.memory_space<vmem>> -> memref<8x128xf32, #tpu.memory_space<vmem>>
    tpu.wait_dma2 semaphore(%dma_wait3A_277 : memref<!tpu.dma_semaphore, #tpu.memory_space<semaphore_mem>>) src(%dma_wait3A_285 : memref<8x128xf32, #tpu.memory_space<vmem>>) dst(%dma_wait3A_281 : memref<8x128xf32, #tpu.memory_space<hbm>>)
    %dma_wait3A_286 = arith.constant 2 : i32
    %dma_wait3A_287 = arith.constant 198 : i32
    %dma_wait3A_288 = arith.constant 7 : i32
    %dma_wait3A_289 = arith.constant 2 : i32
    %dma_wait3A_290 = arith.constant 56 : i32
    %dma_wait3A_291 = arith.constant 0 : i32
    %dma_wait3A_292 = tpu.memref_slice %arg8[%dma_wait3A_286, %dma_wait3A_290, %dma_wait3A_291] : memref<4x64x133xf32, #tpu.memory_space<vmem>> -> memref<1x8x128xf32, #tpu.memory_space<vmem>>
    %dma_wait3A_293 = tpu.memref_squeeze %dma_wait3A_292 : memref<1x8x128xf32, #tpu.memory_space<vmem>> -> memref<8x128xf32, #tpu.memory_space<vmem>>
    %dma_wait3A_294 = arith.constant 0 : i32
    %dma_wait3A_295 = arith.constant 0 : i32
    %dma_wait3A_296 = tpu.memref_slice %arg4[%dma_wait3A_287, %dma_wait3A_288, %add3A, %dma_wait3A_294, %dma_wait3A_295] : memref<200x8x32x8x128xf32, #tpu.memory_space<hbm>> -> memref<1x1x1x8x128xf32, #tpu.memory_space<hbm>>
    %dma_wait3A_297 = tpu.memref_squeeze %dma_wait3A_296 : memref<1x1x1x8x128xf32, #tpu.memory_space<hbm>> -> memref<8x128xf32, #tpu.memory_space<hbm>>
    %dma_wait3A_298 = tpu.memref_slice %arg10[%dma_wait3A_289] : memref<4x!tpu.dma_semaphore, #tpu.memory_space<semaphore_mem>> -> memref<1x!tpu.dma_semaphore, #tpu.memory_space<semaphore_mem>>
    %dma_wait3A_299 = tpu.memref_squeeze %dma_wait3A_298 : memref<1x!tpu.dma_semaphore, #tpu.memory_space<semaphore_mem>> -> memref<!tpu.dma_semaphore, #tpu.memory_space<semaphore_mem>>
    %dma_wait3A_300 = arith.constant 0 : i32
    %dma_wait3A_301 = arith.constant 0 : i32
    %dma_wait3A_302 = tpu.memref_slice %arg4[%dma_wait3A_287, %dma_wait3A_288, %add3A, %dma_wait3A_300, %dma_wait3A_301] : memref<200x8x32x8x128xf32, #tpu.memory_space<hbm>> -> memref<1x1x1x8x128xf32, #tpu.memory_space<hbm>>
    %dma_wait3A_303 = tpu.memref_squeeze %dma_wait3A_302 : memref<1x1x1x8x128xf32, #tpu.memory_space<hbm>> -> memref<8x128xf32, #tpu.memory_space<hbm>>
    %dma_wait3A_304 = arith.constant 56 : i32
    %dma_wait3A_305 = arith.constant 0 : i32
    %dma_wait3A_306 = tpu.memref_slice %arg8[%dma_wait3A_286, %dma_wait3A_304, %dma_wait3A_305] : memref<4x64x133xf32, #tpu.memory_space<vmem>> -> memref<1x8x128xf32, #tpu.memory_space<vmem>>
    %dma_wait3A_307 = tpu.memref_squeeze %dma_wait3A_306 : memref<1x8x128xf32, #tpu.memory_space<vmem>> -> memref<8x128xf32, #tpu.memory_space<vmem>>
    tpu.wait_dma2 semaphore(%dma_wait3A_299 : memref<!tpu.dma_semaphore, #tpu.memory_space<semaphore_mem>>) src(%dma_wait3A_307 : memref<8x128xf32, #tpu.memory_space<vmem>>) dst(%dma_wait3A_303 : memref<8x128xf32, #tpu.memory_space<hbm>>)
    %dma_wait3A_308 = arith.constant 3 : i32
    %dma_wait3A_309 = arith.constant 199 : i32
    %dma_wait3A_310 = arith.constant 0 : i32
    %dma_wait3A_311 = arith.constant 3 : i32
    %dma_wait3A_312 = arith.constant 0 : i32
    %dma_wait3A_313 = arith.constant 0 : i32
    %dma_wait3A_314 = tpu.memref_slice %arg8[%dma_wait3A_308, %dma_wait3A_312, %dma_wait3A_313] : memref<4x64x133xf32, #tpu.memory_space<vmem>> -> memref<1x8x128xf32, #tpu.memory_space<vmem>>
    %dma_wait3A_315 = tpu.memref_squeeze %dma_wait3A_314 : memref<1x8x128xf32, #tpu.memory_space<vmem>> -> memref<8x128xf32, #tpu.memory_space<vmem>>
    %dma_wait3A_316 = arith.constant 0 : i32
    %dma_wait3A_317 = arith.constant 0 : i32
    %dma_wait3A_318 = tpu.memref_slice %arg4[%dma_wait3A_309, %dma_wait3A_310, %add3A, %dma_wait3A_316, %dma_wait3A_317] : memref<200x8x32x8x128xf32, #tpu.memory_space<hbm>> -> memref<1x1x1x8x128xf32, #tpu.memory_space<hbm>>
    %dma_wait3A_319 = tpu.memref_squeeze %dma_wait3A_318 : memref<1x1x1x8x128xf32, #tpu.memory_space<hbm>> -> memref<8x128xf32, #tpu.memory_space<hbm>>
    %dma_wait3A_320 = tpu.memref_slice %arg10[%dma_wait3A_311] : memref<4x!tpu.dma_semaphore, #tpu.memory_space<semaphore_mem>> -> memref<1x!tpu.dma_semaphore, #tpu.memory_space<semaphore_mem>>
    %dma_wait3A_321 = tpu.memref_squeeze %dma_wait3A_320 : memref<1x!tpu.dma_semaphore, #tpu.memory_space<semaphore_mem>> -> memref<!tpu.dma_semaphore, #tpu.memory_space<semaphore_mem>>
    %dma_wait3A_322 = arith.constant 0 : i32
    %dma_wait3A_323 = arith.constant 0 : i32
    %dma_wait3A_324 = tpu.memref_slice %arg4[%dma_wait3A_309, %dma_wait3A_310, %add3A, %dma_wait3A_322, %dma_wait3A_323] : memref<200x8x32x8x128xf32, #tpu.memory_space<hbm>> -> memref<1x1x1x8x128xf32, #tpu.memory_space<hbm>>
    %dma_wait3A_325 = tpu.memref_squeeze %dma_wait3A_324 : memref<1x1x1x8x128xf32, #tpu.memory_space<hbm>> -> memref<8x128xf32, #tpu.memory_space<hbm>>
    %dma_wait3A_326 = arith.constant 0 : i32
    %dma_wait3A_327 = arith.constant 0 : i32
    %dma_wait3A_328 = tpu.memref_slice %arg8[%dma_wait3A_308, %dma_wait3A_326, %dma_wait3A_327] : memref<4x64x133xf32, #tpu.memory_space<vmem>> -> memref<1x8x128xf32, #tpu.memory_space<vmem>>
    %dma_wait3A_329 = tpu.memref_squeeze %dma_wait3A_328 : memref<1x8x128xf32, #tpu.memory_space<vmem>> -> memref<8x128xf32, #tpu.memory_space<vmem>>
    tpu.wait_dma2 semaphore(%dma_wait3A_321 : memref<!tpu.dma_semaphore, #tpu.memory_space<semaphore_mem>>) src(%dma_wait3A_329 : memref<8x128xf32, #tpu.memory_space<vmem>>) dst(%dma_wait3A_325 : memref<8x128xf32, #tpu.memory_space<hbm>>)
    %dma_wait3A_330 = arith.constant 3 : i32
    %dma_wait3A_331 = arith.constant 199 : i32
    %dma_wait3A_332 = arith.constant 1 : i32
    %dma_wait3A_333 = arith.constant 3 : i32
    %dma_wait3A_334 = arith.constant 8 : i32
    %dma_wait3A_335 = arith.constant 0 : i32
    %dma_wait3A_336 = tpu.memref_slice %arg8[%dma_wait3A_330, %dma_wait3A_334, %dma_wait3A_335] : memref<4x64x133xf32, #tpu.memory_space<vmem>> -> memref<1x8x128xf32, #tpu.memory_space<vmem>>
    %dma_wait3A_337 = tpu.memref_squeeze %dma_wait3A_336 : memref<1x8x128xf32, #tpu.memory_space<vmem>> -> memref<8x128xf32, #tpu.memory_space<vmem>>
    %dma_wait3A_338 = arith.constant 0 : i32
    %dma_wait3A_339 = arith.constant 0 : i32
    %dma_wait3A_340 = tpu.memref_slice %arg4[%dma_wait3A_331, %dma_wait3A_332, %add3A, %dma_wait3A_338, %dma_wait3A_339] : memref<200x8x32x8x128xf32, #tpu.memory_space<hbm>> -> memref<1x1x1x8x128xf32, #tpu.memory_space<hbm>>
    %dma_wait3A_341 = tpu.memref_squeeze %dma_wait3A_340 : memref<1x1x1x8x128xf32, #tpu.memory_space<hbm>> -> memref<8x128xf32, #tpu.memory_space<hbm>>
    %dma_wait3A_342 = tpu.memref_slice %arg10[%dma_wait3A_333] : memref<4x!tpu.dma_semaphore, #tpu.memory_space<semaphore_mem>> -> memref<1x!tpu.dma_semaphore, #tpu.memory_space<semaphore_mem>>
    %dma_wait3A_343 = tpu.memref_squeeze %dma_wait3A_342 : memref<1x!tpu.dma_semaphore, #tpu.memory_space<semaphore_mem>> -> memref<!tpu.dma_semaphore, #tpu.memory_space<semaphore_mem>>
    %dma_wait3A_344 = arith.constant 0 : i32
    %dma_wait3A_345 = arith.constant 0 : i32
    %dma_wait3A_346 = tpu.memref_slice %arg4[%dma_wait3A_331, %dma_wait3A_332, %add3A, %dma_wait3A_344, %dma_wait3A_345] : memref<200x8x32x8x128xf32, #tpu.memory_space<hbm>> -> memref<1x1x1x8x128xf32, #tpu.memory_space<hbm>>
    %dma_wait3A_347 = tpu.memref_squeeze %dma_wait3A_346 : memref<1x1x1x8x128xf32, #tpu.memory_space<hbm>> -> memref<8x128xf32, #tpu.memory_space<hbm>>
    %dma_wait3A_348 = arith.constant 8 : i32
    %dma_wait3A_349 = arith.constant 0 : i32
    %dma_wait3A_350 = tpu.memref_slice %arg8[%dma_wait3A_330, %dma_wait3A_348, %dma_wait3A_349] : memref<4x64x133xf32, #tpu.memory_space<vmem>> -> memref<1x8x128xf32, #tpu.memory_space<vmem>>
    %dma_wait3A_351 = tpu.memref_squeeze %dma_wait3A_350 : memref<1x8x128xf32, #tpu.memory_space<vmem>> -> memref<8x128xf32, #tpu.memory_space<vmem>>
    tpu.wait_dma2 semaphore(%dma_wait3A_343 : memref<!tpu.dma_semaphore, #tpu.memory_space<semaphore_mem>>) src(%dma_wait3A_351 : memref<8x128xf32, #tpu.memory_space<vmem>>) dst(%dma_wait3A_347 : memref<8x128xf32, #tpu.memory_space<hbm>>)
    %dma_wait3A_352 = arith.constant 3 : i32
    %dma_wait3A_353 = arith.constant 199 : i32
    %dma_wait3A_354 = arith.constant 2 : i32
    %dma_wait3A_355 = arith.constant 3 : i32
    %dma_wait3A_356 = arith.constant 16 : i32
    %dma_wait3A_357 = arith.constant 0 : i32
    %dma_wait3A_358 = tpu.memref_slice %arg8[%dma_wait3A_352, %dma_wait3A_356, %dma_wait3A_357] : memref<4x64x133xf32, #tpu.memory_space<vmem>> -> memref<1x8x128xf32, #tpu.memory_space<vmem>>
    %dma_wait3A_359 = tpu.memref_squeeze %dma_wait3A_358 : memref<1x8x128xf32, #tpu.memory_space<vmem>> -> memref<8x128xf32, #tpu.memory_space<vmem>>
    %dma_wait3A_360 = arith.constant 0 : i32
    %dma_wait3A_361 = arith.constant 0 : i32
    %dma_wait3A_362 = tpu.memref_slice %arg4[%dma_wait3A_353, %dma_wait3A_354, %add3A, %dma_wait3A_360, %dma_wait3A_361] : memref<200x8x32x8x128xf32, #tpu.memory_space<hbm>> -> memref<1x1x1x8x128xf32, #tpu.memory_space<hbm>>
    %dma_wait3A_363 = tpu.memref_squeeze %dma_wait3A_362 : memref<1x1x1x8x128xf32, #tpu.memory_space<hbm>> -> memref<8x128xf32, #tpu.memory_space<hbm>>
    %dma_wait3A_364 = tpu.memref_slice %arg10[%dma_wait3A_355] : memref<4x!tpu.dma_semaphore, #tpu.memory_space<semaphore_mem>> -> memref<1x!tpu.dma_semaphore, #tpu.memory_space<semaphore_mem>>
    %dma_wait3A_365 = tpu.memref_squeeze %dma_wait3A_364 : memref<1x!tpu.dma_semaphore, #tpu.memory_space<semaphore_mem>> -> memref<!tpu.dma_semaphore, #tpu.memory_space<semaphore_mem>>
    %dma_wait3A_366 = arith.constant 0 : i32
    %dma_wait3A_367 = arith.constant 0 : i32
    %dma_wait3A_368 = tpu.memref_slice %arg4[%dma_wait3A_353, %dma_wait3A_354, %add3A, %dma_wait3A_366, %dma_wait3A_367] : memref<200x8x32x8x128xf32, #tpu.memory_space<hbm>> -> memref<1x1x1x8x128xf32, #tpu.memory_space<hbm>>
    %dma_wait3A_369 = tpu.memref_squeeze %dma_wait3A_368 : memref<1x1x1x8x128xf32, #tpu.memory_space<hbm>> -> memref<8x128xf32, #tpu.memory_space<hbm>>
    %dma_wait3A_370 = arith.constant 16 : i32
    %dma_wait3A_371 = arith.constant 0 : i32
    %dma_wait3A_372 = tpu.memref_slice %arg8[%dma_wait3A_352, %dma_wait3A_370, %dma_wait3A_371] : memref<4x64x133xf32, #tpu.memory_space<vmem>> -> memref<1x8x128xf32, #tpu.memory_space<vmem>>
    %dma_wait3A_373 = tpu.memref_squeeze %dma_wait3A_372 : memref<1x8x128xf32, #tpu.memory_space<vmem>> -> memref<8x128xf32, #tpu.memory_space<vmem>>
    tpu.wait_dma2 semaphore(%dma_wait3A_365 : memref<!tpu.dma_semaphore, #tpu.memory_space<semaphore_mem>>) src(%dma_wait3A_373 : memref<8x128xf32, #tpu.memory_space<vmem>>) dst(%dma_wait3A_369 : memref<8x128xf32, #tpu.memory_space<hbm>>)
    %dma_wait3A_374 = arith.constant 3 : i32
    %dma_wait3A_375 = arith.constant 199 : i32
    %dma_wait3A_376 = arith.constant 3 : i32
    %dma_wait3A_377 = arith.constant 3 : i32
    %dma_wait3A_378 = arith.constant 24 : i32
    %dma_wait3A_379 = arith.constant 0 : i32
    %dma_wait3A_380 = tpu.memref_slice %arg8[%dma_wait3A_374, %dma_wait3A_378, %dma_wait3A_379] : memref<4x64x133xf32, #tpu.memory_space<vmem>> -> memref<1x8x128xf32, #tpu.memory_space<vmem>>
    %dma_wait3A_381 = tpu.memref_squeeze %dma_wait3A_380 : memref<1x8x128xf32, #tpu.memory_space<vmem>> -> memref<8x128xf32, #tpu.memory_space<vmem>>
    %dma_wait3A_382 = arith.constant 0 : i32
    %dma_wait3A_383 = arith.constant 0 : i32
    %dma_wait3A_384 = tpu.memref_slice %arg4[%dma_wait3A_375, %dma_wait3A_376, %add3A, %dma_wait3A_382, %dma_wait3A_383] : memref<200x8x32x8x128xf32, #tpu.memory_space<hbm>> -> memref<1x1x1x8x128xf32, #tpu.memory_space<hbm>>
    %dma_wait3A_385 = tpu.memref_squeeze %dma_wait3A_384 : memref<1x1x1x8x128xf32, #tpu.memory_space<hbm>> -> memref<8x128xf32, #tpu.memory_space<hbm>>
    %dma_wait3A_386 = tpu.memref_slice %arg10[%dma_wait3A_377] : memref<4x!tpu.dma_semaphore, #tpu.memory_space<semaphore_mem>> -> memref<1x!tpu.dma_semaphore, #tpu.memory_space<semaphore_mem>>
    %dma_wait3A_387 = tpu.memref_squeeze %dma_wait3A_386 : memref<1x!tpu.dma_semaphore, #tpu.memory_space<semaphore_mem>> -> memref<!tpu.dma_semaphore, #tpu.memory_space<semaphore_mem>>
    %dma_wait3A_388 = arith.constant 0 : i32
    %dma_wait3A_389 = arith.constant 0 : i32
    %dma_wait3A_390 = tpu.memref_slice %arg4[%dma_wait3A_375, %dma_wait3A_376, %add3A, %dma_wait3A_388, %dma_wait3A_389] : memref<200x8x32x8x128xf32, #tpu.memory_space<hbm>> -> memref<1x1x1x8x128xf32, #tpu.memory_space<hbm>>
    %dma_wait3A_391 = tpu.memref_squeeze %dma_wait3A_390 : memref<1x1x1x8x128xf32, #tpu.memory_space<hbm>> -> memref<8x128xf32, #tpu.memory_space<hbm>>
    %dma_wait3A_392 = arith.constant 24 : i32
    %dma_wait3A_393 = arith.constant 0 : i32
    %dma_wait3A_394 = tpu.memref_slice %arg8[%dma_wait3A_374, %dma_wait3A_392, %dma_wait3A_393] : memref<4x64x133xf32, #tpu.memory_space<vmem>> -> memref<1x8x128xf32, #tpu.memory_space<vmem>>
    %dma_wait3A_395 = tpu.memref_squeeze %dma_wait3A_394 : memref<1x8x128xf32, #tpu.memory_space<vmem>> -> memref<8x128xf32, #tpu.memory_space<vmem>>
    tpu.wait_dma2 semaphore(%dma_wait3A_387 : memref<!tpu.dma_semaphore, #tpu.memory_space<semaphore_mem>>) src(%dma_wait3A_395 : memref<8x128xf32, #tpu.memory_space<vmem>>) dst(%dma_wait3A_391 : memref<8x128xf32, #tpu.memory_space<hbm>>)
    %dma_wait3A_396 = arith.constant 3 : i32
    %dma_wait3A_397 = arith.constant 199 : i32
    %dma_wait3A_398 = arith.constant 4 : i32
    %dma_wait3A_399 = arith.constant 3 : i32
    %dma_wait3A_400 = arith.constant 32 : i32
    %dma_wait3A_401 = arith.constant 0 : i32
    %dma_wait3A_402 = tpu.memref_slice %arg8[%dma_wait3A_396, %dma_wait3A_400, %dma_wait3A_401] : memref<4x64x133xf32, #tpu.memory_space<vmem>> -> memref<1x8x128xf32, #tpu.memory_space<vmem>>
    %dma_wait3A_403 = tpu.memref_squeeze %dma_wait3A_402 : memref<1x8x128xf32, #tpu.memory_space<vmem>> -> memref<8x128xf32, #tpu.memory_space<vmem>>
    %dma_wait3A_404 = arith.constant 0 : i32
    %dma_wait3A_405 = arith.constant 0 : i32
    %dma_wait3A_406 = tpu.memref_slice %arg4[%dma_wait3A_397, %dma_wait3A_398, %add3A, %dma_wait3A_404, %dma_wait3A_405] : memref<200x8x32x8x128xf32, #tpu.memory_space<hbm>> -> memref<1x1x1x8x128xf32, #tpu.memory_space<hbm>>
    %dma_wait3A_407 = tpu.memref_squeeze %dma_wait3A_406 : memref<1x1x1x8x128xf32, #tpu.memory_space<hbm>> -> memref<8x128xf32, #tpu.memory_space<hbm>>
    %dma_wait3A_408 = tpu.memref_slice %arg10[%dma_wait3A_399] : memref<4x!tpu.dma_semaphore, #tpu.memory_space<semaphore_mem>> -> memref<1x!tpu.dma_semaphore, #tpu.memory_space<semaphore_mem>>
    %dma_wait3A_409 = tpu.memref_squeeze %dma_wait3A_408 : memref<1x!tpu.dma_semaphore, #tpu.memory_space<semaphore_mem>> -> memref<!tpu.dma_semaphore, #tpu.memory_space<semaphore_mem>>
    %dma_wait3A_410 = arith.constant 0 : i32
    %dma_wait3A_411 = arith.constant 0 : i32
    %dma_wait3A_412 = tpu.memref_slice %arg4[%dma_wait3A_397, %dma_wait3A_398, %add3A, %dma_wait3A_410, %dma_wait3A_411] : memref<200x8x32x8x128xf32, #tpu.memory_space<hbm>> -> memref<1x1x1x8x128xf32, #tpu.memory_space<hbm>>
    %dma_wait3A_413 = tpu.memref_squeeze %dma_wait3A_412 : memref<1x1x1x8x128xf32, #tpu.memory_space<hbm>> -> memref<8x128xf32, #tpu.memory_space<hbm>>
    %dma_wait3A_414 = arith.constant 32 : i32
    %dma_wait3A_415 = arith.constant 0 : i32
    %dma_wait3A_416 = tpu.memref_slice %arg8[%dma_wait3A_396, %dma_wait3A_414, %dma_wait3A_415] : memref<4x64x133xf32, #tpu.memory_space<vmem>> -> memref<1x8x128xf32, #tpu.memory_space<vmem>>
    %dma_wait3A_417 = tpu.memref_squeeze %dma_wait3A_416 : memref<1x8x128xf32, #tpu.memory_space<vmem>> -> memref<8x128xf32, #tpu.memory_space<vmem>>
    tpu.wait_dma2 semaphore(%dma_wait3A_409 : memref<!tpu.dma_semaphore, #tpu.memory_space<semaphore_mem>>) src(%dma_wait3A_417 : memref<8x128xf32, #tpu.memory_space<vmem>>) dst(%dma_wait3A_413 : memref<8x128xf32, #tpu.memory_space<hbm>>)
    %dma_wait3A_418 = arith.constant 3 : i32
    %dma_wait3A_419 = arith.constant 199 : i32
    %dma_wait3A_420 = arith.constant 5 : i32
    %dma_wait3A_421 = arith.constant 3 : i32
    %dma_wait3A_422 = arith.constant 40 : i32
    %dma_wait3A_423 = arith.constant 0 : i32
    %dma_wait3A_424 = tpu.memref_slice %arg8[%dma_wait3A_418, %dma_wait3A_422, %dma_wait3A_423] : memref<4x64x133xf32, #tpu.memory_space<vmem>> -> memref<1x8x128xf32, #tpu.memory_space<vmem>>
    %dma_wait3A_425 = tpu.memref_squeeze %dma_wait3A_424 : memref<1x8x128xf32, #tpu.memory_space<vmem>> -> memref<8x128xf32, #tpu.memory_space<vmem>>
    %dma_wait3A_426 = arith.constant 0 : i32
    %dma_wait3A_427 = arith.constant 0 : i32
    %dma_wait3A_428 = tpu.memref_slice %arg4[%dma_wait3A_419, %dma_wait3A_420, %add3A, %dma_wait3A_426, %dma_wait3A_427] : memref<200x8x32x8x128xf32, #tpu.memory_space<hbm>> -> memref<1x1x1x8x128xf32, #tpu.memory_space<hbm>>
    %dma_wait3A_429 = tpu.memref_squeeze %dma_wait3A_428 : memref<1x1x1x8x128xf32, #tpu.memory_space<hbm>> -> memref<8x128xf32, #tpu.memory_space<hbm>>
    %dma_wait3A_430 = tpu.memref_slice %arg10[%dma_wait3A_421] : memref<4x!tpu.dma_semaphore, #tpu.memory_space<semaphore_mem>> -> memref<1x!tpu.dma_semaphore, #tpu.memory_space<semaphore_mem>>
    %dma_wait3A_431 = tpu.memref_squeeze %dma_wait3A_430 : memref<1x!tpu.dma_semaphore, #tpu.memory_space<semaphore_mem>> -> memref<!tpu.dma_semaphore, #tpu.memory_space<semaphore_mem>>
    %dma_wait3A_432 = arith.constant 0 : i32
    %dma_wait3A_433 = arith.constant 0 : i32
    %dma_wait3A_434 = tpu.memref_slice %arg4[%dma_wait3A_419, %dma_wait3A_420, %add3A, %dma_wait3A_432, %dma_wait3A_433] : memref<200x8x32x8x128xf32, #tpu.memory_space<hbm>> -> memref<1x1x1x8x128xf32, #tpu.memory_space<hbm>>
    %dma_wait3A_435 = tpu.memref_squeeze %dma_wait3A_434 : memref<1x1x1x8x128xf32, #tpu.memory_space<hbm>> -> memref<8x128xf32, #tpu.memory_space<hbm>>
    %dma_wait3A_436 = arith.constant 40 : i32
    %dma_wait3A_437 = arith.constant 0 : i32
    %dma_wait3A_438 = tpu.memref_slice %arg8[%dma_wait3A_418, %dma_wait3A_436, %dma_wait3A_437] : memref<4x64x133xf32, #tpu.memory_space<vmem>> -> memref<1x8x128xf32, #tpu.memory_space<vmem>>
    %dma_wait3A_439 = tpu.memref_squeeze %dma_wait3A_438 : memref<1x8x128xf32, #tpu.memory_space<vmem>> -> memref<8x128xf32, #tpu.memory_space<vmem>>
    tpu.wait_dma2 semaphore(%dma_wait3A_431 : memref<!tpu.dma_semaphore, #tpu.memory_space<semaphore_mem>>) src(%dma_wait3A_439 : memref<8x128xf32, #tpu.memory_space<vmem>>) dst(%dma_wait3A_435 : memref<8x128xf32, #tpu.memory_space<hbm>>)
    %dma_wait3A_440 = arith.constant 3 : i32
    %dma_wait3A_441 = arith.constant 199 : i32
    %dma_wait3A_442 = arith.constant 6 : i32
    %dma_wait3A_443 = arith.constant 3 : i32
    %dma_wait3A_444 = arith.constant 48 : i32
    %dma_wait3A_445 = arith.constant 0 : i32
    %dma_wait3A_446 = tpu.memref_slice %arg8[%dma_wait3A_440, %dma_wait3A_444, %dma_wait3A_445] : memref<4x64x133xf32, #tpu.memory_space<vmem>> -> memref<1x8x128xf32, #tpu.memory_space<vmem>>
    %dma_wait3A_447 = tpu.memref_squeeze %dma_wait3A_446 : memref<1x8x128xf32, #tpu.memory_space<vmem>> -> memref<8x128xf32, #tpu.memory_space<vmem>>
    %dma_wait3A_448 = arith.constant 0 : i32
    %dma_wait3A_449 = arith.constant 0 : i32
    %dma_wait3A_450 = tpu.memref_slice %arg4[%dma_wait3A_441, %dma_wait3A_442, %add3A, %dma_wait3A_448, %dma_wait3A_449] : memref<200x8x32x8x128xf32, #tpu.memory_space<hbm>> -> memref<1x1x1x8x128xf32, #tpu.memory_space<hbm>>
    %dma_wait3A_451 = tpu.memref_squeeze %dma_wait3A_450 : memref<1x1x1x8x128xf32, #tpu.memory_space<hbm>> -> memref<8x128xf32, #tpu.memory_space<hbm>>
    %dma_wait3A_452 = tpu.memref_slice %arg10[%dma_wait3A_443] : memref<4x!tpu.dma_semaphore, #tpu.memory_space<semaphore_mem>> -> memref<1x!tpu.dma_semaphore, #tpu.memory_space<semaphore_mem>>
    %dma_wait3A_453 = tpu.memref_squeeze %dma_wait3A_452 : memref<1x!tpu.dma_semaphore, #tpu.memory_space<semaphore_mem>> -> memref<!tpu.dma_semaphore, #tpu.memory_space<semaphore_mem>>
    %dma_wait3A_454 = arith.constant 0 : i32
    %dma_wait3A_455 = arith.constant 0 : i32
    %dma_wait3A_456 = tpu.memref_slice %arg4[%dma_wait3A_441, %dma_wait3A_442, %add3A, %dma_wait3A_454, %dma_wait3A_455] : memref<200x8x32x8x128xf32, #tpu.memory_space<hbm>> -> memref<1x1x1x8x128xf32, #tpu.memory_space<hbm>>
    %dma_wait3A_457 = tpu.memref_squeeze %dma_wait3A_456 : memref<1x1x1x8x128xf32, #tpu.memory_space<hbm>> -> memref<8x128xf32, #tpu.memory_space<hbm>>
    %dma_wait3A_458 = arith.constant 48 : i32
    %dma_wait3A_459 = arith.constant 0 : i32
    %dma_wait3A_460 = tpu.memref_slice %arg8[%dma_wait3A_440, %dma_wait3A_458, %dma_wait3A_459] : memref<4x64x133xf32, #tpu.memory_space<vmem>> -> memref<1x8x128xf32, #tpu.memory_space<vmem>>
    %dma_wait3A_461 = tpu.memref_squeeze %dma_wait3A_460 : memref<1x8x128xf32, #tpu.memory_space<vmem>> -> memref<8x128xf32, #tpu.memory_space<vmem>>
    tpu.wait_dma2 semaphore(%dma_wait3A_453 : memref<!tpu.dma_semaphore, #tpu.memory_space<semaphore_mem>>) src(%dma_wait3A_461 : memref<8x128xf32, #tpu.memory_space<vmem>>) dst(%dma_wait3A_457 : memref<8x128xf32, #tpu.memory_space<hbm>>)
    %dma_wait3A_462 = arith.constant 3 : i32
    %dma_wait3A_463 = arith.constant 199 : i32
    %dma_wait3A_464 = arith.constant 7 : i32
    %dma_wait3A_465 = arith.constant 3 : i32
    %dma_wait3A_466 = arith.constant 56 : i32
    %dma_wait3A_467 = arith.constant 0 : i32
    %dma_wait3A_468 = tpu.memref_slice %arg8[%dma_wait3A_462, %dma_wait3A_466, %dma_wait3A_467] : memref<4x64x133xf32, #tpu.memory_space<vmem>> -> memref<1x8x128xf32, #tpu.memory_space<vmem>>
    %dma_wait3A_469 = tpu.memref_squeeze %dma_wait3A_468 : memref<1x8x128xf32, #tpu.memory_space<vmem>> -> memref<8x128xf32, #tpu.memory_space<vmem>>
    %dma_wait3A_470 = arith.constant 0 : i32
    %dma_wait3A_471 = arith.constant 0 : i32
    %dma_wait3A_472 = tpu.memref_slice %arg4[%dma_wait3A_463, %dma_wait3A_464, %add3A, %dma_wait3A_470, %dma_wait3A_471] : memref<200x8x32x8x128xf32, #tpu.memory_space<hbm>> -> memref<1x1x1x8x128xf32, #tpu.memory_space<hbm>>
    %dma_wait3A_473 = tpu.memref_squeeze %dma_wait3A_472 : memref<1x1x1x8x128xf32, #tpu.memory_space<hbm>> -> memref<8x128xf32, #tpu.memory_space<hbm>>
    %dma_wait3A_474 = tpu.memref_slice %arg10[%dma_wait3A_465] : memref<4x!tpu.dma_semaphore, #tpu.memory_space<semaphore_mem>> -> memref<1x!tpu.dma_semaphore, #tpu.memory_space<semaphore_mem>>
    %dma_wait3A_475 = tpu.memref_squeeze %dma_wait3A_474 : memref<1x!tpu.dma_semaphore, #tpu.memory_space<semaphore_mem>> -> memref<!tpu.dma_semaphore, #tpu.memory_space<semaphore_mem>>
    %dma_wait3A_476 = arith.constant 0 : i32
    %dma_wait3A_477 = arith.constant 0 : i32
    %dma_wait3A_478 = tpu.memref_slice %arg4[%dma_wait3A_463, %dma_wait3A_464, %add3A, %dma_wait3A_476, %dma_wait3A_477] : memref<200x8x32x8x128xf32, #tpu.memory_space<hbm>> -> memref<1x1x1x8x128xf32, #tpu.memory_space<hbm>>
    %dma_wait3A_479 = tpu.memref_squeeze %dma_wait3A_478 : memref<1x1x1x8x128xf32, #tpu.memory_space<hbm>> -> memref<8x128xf32, #tpu.memory_space<hbm>>
    %dma_wait3A_480 = arith.constant 56 : i32
    %dma_wait3A_481 = arith.constant 0 : i32
    %dma_wait3A_482 = tpu.memref_slice %arg8[%dma_wait3A_462, %dma_wait3A_480, %dma_wait3A_481] : memref<4x64x133xf32, #tpu.memory_space<vmem>> -> memref<1x8x128xf32, #tpu.memory_space<vmem>>
    %dma_wait3A_483 = tpu.memref_squeeze %dma_wait3A_482 : memref<1x8x128xf32, #tpu.memory_space<vmem>> -> memref<8x128xf32, #tpu.memory_space<vmem>>
    tpu.wait_dma2 semaphore(%dma_wait3A_475 : memref<!tpu.dma_semaphore, #tpu.memory_space<semaphore_mem>>) src(%dma_wait3A_483 : memref<8x128xf32, #tpu.memory_space<vmem>>) dst(%dma_wait3A_479 : memref<8x128xf32, #tpu.memory_space<hbm>>)
    return
  }
}

</mosaic_0001>

<sc_bundles>
// kernel: kernel.3.cloned.1.call-start
scs
__scs_entry_jumppad:
0x0: {  	(pc) =	sbr.rel $0x88, $3  }
0x1: {  	(tag) =	ssettag $0x0;
	lr =	simm.s32 $0x1  }
0x2: {  	[smem:$0x3F9F] =	sst lr;
	_ =	strace $0xD0000000  }
0x3: {  	_ = 	snop  }
0x4: {  	_ = 	snop  }
0x5: {  	_ = 	snop  }
0x6: {  	_ = 	snop  }
0x7: {  	_ = 	snop  }
__scs_overlays_trampoline_lowered:
0x8: {  	[smem:$0x3FAE] =	sst s0  }
0x9: {  	[smem:$0x3FAF] =	sst s1  }
0xa: {  	[smem:$0x3FB0] =	sst s2  }
0xb: {  	[smem:$0x3FB1] =	sst s3  }
0xc: {  	[smem:$0x3FB2] =	sst s4  }
0xd: {  	[smem:$0x3FB3] =	sst s5  }
0xe: {  	[smem:$0x3FB4] =	sst s6  }
0xf: {  	[smem:$0x3FB5] =	sst s7  }
0x10: {  	[smem:$0x3FB6] =	sst s8  }
0x11: {  	[smem:$0x3FB7] =	sst s9;
	s0 =	simm.s32 @!p0 $0x0  }
0x12: {  	s1 =	sld [smem:$0x3F9D];
	s0 =	simm.s32 @p0 $0x1  }
0x13: {  	[smem:$0x3FB8] =	sst s0;
	s0 =	simm.s32 @!p1 $0x0  }
0x14: {  	s2 =	sld [smem:$0x3F9C];
	s0 =	simm.s32 @p1 $0x1  }
0x15: {  	[smem:$0x3FB9] =	sst s0;
	s0 =	simm.s32 @!p2 $0x0  }
0x16: {  	s3 =	sld [smem:$0x3FDB];
	s0 =	simm.s32 @p2 $0x1  }
0x17: {  	s4 =	simm.s32 $0x1BF5;
	[smem:$0x3FBB] =	sst s0  }
0x18: {  	s0 =	sld [smem:$0x3F9E];
	_ =	swait.ge [sflag:s4], $0x0  }
0x19: {  	s7 =	sld [smem:$0x3F9F]  }
0x1a: {  	s8 =	sadd.s32 $0xFFFFE003, lr  }
0x1b: {  	s9 =	sadd.s32 $0xFFFFFEF7, lr;
	s5 =	simm.s32 $0xFFFFFFFF;
	p2 =	slt.u32 s8, $0xFFFFF086  }
0x1c: {  	p1 =	slt.u32 s9, $0xF7A;
	s5 =	simm.s32 @!p2 $0x0  }
0x1d: {  	s5 =	simm.s32 @p1 $0x1;
	p0 =	seq.s32 s7, s2  }
0x1e: {  	s7 =	smul.u32 @!p0 $0xF7A, s2;
	p2 =	seq.s32 @!p0 s5, $0x0  }
0x1f: {  	s9 =	smul.u32 $0xF7A, s1;
	s8 =	simm.s32 @!p0 $0x1BF5;
	p2 =	por !p2, p0  }
0x20: {  	[sflag:s8] =	ssyncset.s32 @!p0 $0xFFFFF086;
	s6 =	sadd.s32 @!p0 s3, s7;
	s7 =	simm.s32 @!p0 $0x108  }
0x21: {  	s3 =	sadd.s32 s3, s9;
	s6 =	sadd.s32 @!p0 $0x88, s6;
	s7 =	simm.s32 @p2 $0x1082  }
0x22: {  	[simem:s7], [sflag:s8] =	dma.local @!p0 [hbm:s6], $0xF7A  }
0x23: {  	s9 =	sor.u32 $0xD0000000, s2;
	s6 =	simm.s32 $0x108;
	_ =	swait.ge @!p0 [sflag:s8], $0x0  }
0x24: {  	s3 =	sadd.s32 $0x88, s3;
	s6 =	simm.s32 @!p1 $0x1082;
	[sflag:s4] =	ssyncset.s32 $0xFFFFF086  }
0x25: {  	[simem:s6], [sflag:s4] =	dma.local [hbm:s3], $0xF7A  }
0x26: {  	[smem:$0x3F9F] =	sst s1;
	(tag) =	ssettag s2;
	_ =	strace s9  }
0x27: {  	s1 =	sld [smem:$0x3FAF]  }
0x28: {  	s2 =	sld [smem:$0x3FB0]  }
0x29: {  	s4 =	sld [smem:$0x3FB2]  }
0x2a: {  	p0 =	seq.s32 s5, $0x0;
	s5 =	sld [smem:$0x3FB3]  }
0x2b: {  	s6 =	sld [smem:$0x3FB4]  }
0x2c: {  	s7 =	sld [smem:$0x3FB5]  }
0x2d: {  	s3 =	simm.s32 $0x108;
	s8 =	sld [smem:$0x3FB6]  }
0x2e: {  	s3 =	simm.s32 @!p0 $0x1082;
	s9 =	sld [smem:$0x3FB7]  }
0x2f: {  	lr =	sadd.s32 s0, s3;
	s0 =	sld [smem:$0x3FAE]  }
0x30: {  	s3 =	sld [smem:$0x3FB1]  }
0x31: {  	[smem:$0x3FBA] =	sst s10  }
0x32: {  	s10 =	sld [smem:$0x3FB8];
	_ =	sdelay $0x3  }
0x33: {  	p0 =	seq.s32 s10, $0x1;
	s10 =	sld [smem:$0x3FBA];
	_ =	sdelay $0x3  }
0x34: {  	[smem:$0x3FBA] =	sst s10  }
0x35: {  	s10 =	sld [smem:$0x3FB9];
	_ =	sdelay $0x3  }
0x36: {  	p1 =	seq.s32 s10, $0x1;
	s10 =	sld [smem:$0x3FBA];
	_ =	sdelay $0x3  }
0x37: {  	[smem:$0x3FBA] =	sst s10  }
0x38: {  	s10 =	sld [smem:$0x3FBB]  }
0x39: {  	_ = 	snop;
	(pc) =	sbr.ind lr, $3  }
0x3a: {  	_ = 	snop  }
0x3b: {  	_ = 	snop  }
0x3c: {  	p2 =	seq.s32 s10, $0x1;
	s10 =	sld [smem:$0x3FBA]  }
0x3d: {  	_ =	shalt  }
0x3e: {  	_ =	shalt  }
0x3f: {  	_ =	shalt  }
0x40: {  	_ =	shalt  }
0x41: {  	_ =	shalt  }
0x42: {  	_ =	shalt  }
0x43: {  	_ =	shalt  }
0x44: {  	_ =	shalt  }
0x45: {  	_ =	shalt  }
0x46: {  	_ =	shalt  }
0x47: {  	_ =	shalt  }
0x48: {  	_ =	shalt  }
0x49: {  	_ =	shalt  }
0x4a: {  	_ =	shalt  }
0x4b: {  	_ =	shalt  }
0x4c: {  	_ =	shalt  }
0x4d: {  	_ =	shalt  }
0x4e: {  	_ =	shalt  }
0x4f: {  	_ =	shalt  }
0x50: {  	_ =	shalt  }
0x51: {  	_ =	shalt  }
0x52: {  	_ =	shalt  }
0x53: {  	_ =	shalt  }
0x54: {  	_ =	shalt  }
0x55: {  	_ =	shalt  }
0x56: {  	_ =	shalt  }
0x57: {  	_ =	shalt  }
0x58: {  	_ =	shalt  }
0x59: {  	_ =	shalt  }
0x5a: {  	_ =	shalt  }
0x5b: {  	_ =	shalt  }
0x5c: {  	_ =	shalt  }
0x5d: {  	_ =	shalt  }
0x5e: {  	_ =	shalt  }
0x5f: {  	_ =	shalt  }
0x60: {  	_ =	shalt  }
0x61: {  	_ =	shalt  }
0x62: {  	_ =	shalt  }
0x63: {  	_ =	shalt  }
0x64: {  	_ =	shalt  }
0x65: {  	_ =	shalt  }
0x66: {  	_ =	shalt  }
0x67: {  	_ =	shalt  }
0x68: {  	_ =	shalt  }
0x69: {  	_ =	shalt  }
0x6a: {  	_ =	shalt  }
0x6b: {  	_ =	shalt  }
0x6c: {  	_ =	shalt  }
0x6d: {  	_ =	shalt  }
0x6e: {  	_ =	shalt  }
0x6f: {  	_ =	shalt  }
0x70: {  	_ =	shalt  }
0x71: {  	_ =	shalt  }
0x72: {  	_ =	shalt  }
0x73: {  	_ =	shalt  }
0x74: {  	_ =	shalt  }
0x75: {  	_ =	shalt  }
0x76: {  	_ =	shalt  }
0x77: {  	_ =	shalt  }
0x78: {  	_ =	shalt  }
0x79: {  	_ =	shalt  }
0x7a: {  	_ =	shalt  }
0x7b: {  	_ =	shalt  }
0x7c: {  	_ =	shalt  }
0x7d: {  	_ =	shalt  }
0x7e: {  	_ =	shalt  }
0x7f: {  	_ =	shalt  }
0x80: {  	_ =	shalt  }
0x81: {  	_ =	shalt  }
0x82: {  	_ =	shalt  }
0x83: {  	_ =	shalt  }
0x84: {  	_ =	shalt  }
0x85: {  	_ =	shalt  }
0x86: {  	_ =	shalt  }
0x87: {  	_ =	shalt  }
.Lfunc_end0:
.L_simem_size_0:
called_computation_lowered:
.L_overlay_start_0:
0x88: {  	s2 =	sld [smem:$0x3FD9]  }
0x89: {  	s3 =	sld [smem:$0x3FFE];
	_ =	sdelay $0x1  }
0x8a: {  	s1 =	srdreg.scid  }
0x8b: {  	s0 =	sand.u32 $0x1, s1  }
0x8c: {  	s17 =	sshll.u32 s0, $0xA;
	s2 =	sadd.s32 s3, s2  }
0x8d: {  	s2 =	sadd.s32 s2, s17  }
0x8e: {  	[smem:$0x3FC6] =	sst s2  }
0x8f: {  	_ = 	snop  }
0x90: {  	s2 =	sld [smem:$0x3FD0];
	(tm) =	ssettm $0x1  }
0x91: {  	s18 =	sld [smem:$0x3FFB];
	_ =	sdelay $0x3  }
0x92: {  	_ =	strace s18  }
0x93: {  	s3 =	sld [smem:$0x3FFC];
	_ =	sdelay $0x3  }
0x94: {  	_ =	strace s3  }
0x95: {  	s3 =	sld [smem:$0x3FFD];
	_ =	sdelay $0x3  }
0x96: {  	_ =	strace s3  }
0x97: {  	_ =	strace $0x8FFFFFFF  }
0x98: {  	s19 =	sld [smem:$0x3FDB];
	_ =	sdelay $0x1  }
0x99: {  	s4 =	simm.s32 $_scs_section_size  }
0x9a: {  	s5 =	simm.s32 $_size__tile_overlayer_lowered;
	s6 =	simm.s32 $_tile_overlayer_lowered  }
0x9b: {  	s22 =	simm.s32 $0x1BFF;
	s21 =	sshll.u32 s6, $0x1;
	s3 =	sadd.s32 s4, s19  }
0x9c: {  	s7 =	simm.s32 $0x0;
	s20 =	sshll.u32 s5, $0x1;
	s5 =	sadd.s32 s21, s3  }
0x9d: {  	[timem:s7], [sflag:s22] =	dma.local [hbm:s5], s20  }
0x9e: {  	_ =	swait.ge [sflag:s22], s20  }
0x9f: {  	s4 =	ssub.s32 $0x0, s20;
	[sflag:s22] =	ssyncset.done $0x0  }
0xa0: {  	[sflag:s22] =	ssyncadd.s32 s4;
	_ =	sdelay $0x1  }
0xa1: {  	s23 =	simm.s32 $0x1B8B  }
0xa2: {  	_ =	swait.ge [sflag:s23], $0x1  }
0xa3: {  	[sflag:s23] =	ssyncset.done $0x0  }
0xa4: {  	s25 =	simm.s32 $0x1B8E;
	s24 =	sld [smem:$0x3FFE];
	[sflag:s23] =	ssyncadd.s32 $0xFFFFFFFF  }
0xa5: {  	s26 =	simm.s32 $execute0_lowered;
	[smem:$0x3FD2] =	sst s25  }
0xa6: {  	s5 =	sshll.u32 s26, $0x1;
	_ =	strace $0x80000046;
	[dreg:$0x1] =	wrdreg $0xFFFFFFFF  }
0xa7: {  	s28 =	simm.s32 $_size_execute0_lowered;
	s3 =	sadd.s32 s3, s5;
	[dreg:$0x0] =	wrdreg $0x0  }
0xa8: {  	s5 =	sshll.u32 s28, $0x1;
	[dreg:$0x2] =	wrdreg s3  }
0xa9: {  	[dreg:$0x3] =	wrdreg s5  }
0xaa: {  	[dreg:$0x4] =	wrdreg $0xC0  }
0xab: {  	_ =	task [dreg:s7], $0x5FFFF  }
0xac: {  	[dreg:$0x1] =	wrdreg $0xFFFFFFFF  }
0xad: {  	[dreg:$0x0] =	wrdreg $0x60  }
0xae: {  	[dreg:$0x2] =	wrdreg s24  }
0xaf: {  	[dreg:$0x3] =	wrdreg s2  }
0xb0: {  	[dreg:$0x4] =	wrdreg $0x9  }
0xb1: {  	_ =	task.clear_ibuf [dreg:s7], $0x5FFFF;
	_ =	strace $0x90000046  }
0xb2: {  	s29 =	simm.s32 $0x9;
	_ =	strace $0x80000048  }
0xb3: {  	_ =	swait.ge [sflag:s29], $0x1  }
0xb4: {  	[sflag:s29] =	ssyncadd.s32 $0xFFFFFFFF  }
0xb5: {  	_ =	strace $0x90000048  }
0xb6: {  	_ =	sfence  }
0xb7: {  	s30 =	sld [smem:$0x0];
	_ =	sdelay $0x2  }
0xb8: {  	s31 =	sshll.u32 s1, $0xD;
	s1 =	sshrl.u32 s1, $0x2  }
0xb9: {  	s3 =	sand.u32 $0x4000, s31;
	s1 =	sadd.s32 s1, s30  }
0xba: {  	s0 =	sor.u32 s3, s0;
	s1 =	sshll.u32 s1, $0x11  }
0xbb: {  	s0 =	sor.u32 s1, s0  }
0xbc: {  	s0 =	sadd.s32 $0x8F2B, s0  }
0xbd: {  	[sflag:s0] =	ssyncadd.remote.s32 $0x1  }
0xbe: {  	_ =	sfence.sel $0xFFFF  }
0xbf: {  	[dreg:$0x0] =	wrdreg $0xFFFFFFFF;
	(pc) =	sbr.abs _section_cstart, $3  }
0xc0: {  	[dreg:$0x1] =	wrdreg $0xFFFFFFFF  }
0xc1: {  	_ =	task.clear_ibuf [dreg:s7], $0x2FFFF;
	_ =	strace $0x9FFFFFFF  }
0xc2: {  	(tm) =	ssettm $0x7FFFFFFF  }
0xc3: {  	_ =	shalt  }
tec
execute0_lowered:
.L_overlay_start_1:
0x0: {  	(tag) =	ssettag $0x1  }
0x1: {  	s0 =	rddreg [dreg:$0x0]  }
0x2: {  	s8 =	rddreg [dreg:$0x1];
	s3 =	simm.s32 $0x0  }
0x3: {  	[smem:$0x7FF] =	sst s3;
	s6 =	sadd.s32 $0x1000, s8  }
0x4: {  	s7 =	sadd.s32 $0x2000, s8;
	_ =	strace $0x80000047;
	[dreg:$0x5] =	wrdreg s6  }
0x5: {  	s9 =	sadd.s32 $0x3000, s8;
	[dreg:$0x6] =	wrdreg s7  }
0x6: {  	s10 =	sadd.s32 $0x4000, s8;
	[dreg:$0x7] =	wrdreg s9  }
0x7: {  	s11 =	sadd.s32 $0x5000, s8;
	[dreg:$0x8] =	wrdreg s10  }
0x8: {  	s12 =	sadd.s32 $0x6000, s8;
	[dreg:$0x9] =	wrdreg s11  }
0x9: {  	s13 =	sadd.s32 $0x7000, s8;
	[dreg:$0xa] =	wrdreg s12  }
0xa: {  	s14 =	sadd.s32 $0x8000, s8;
	[dreg:$0xb] =	wrdreg s13  }
0xb: {  	s15 =	sadd.s32 $0x9000, s8;
	[dreg:$0xc] =	wrdreg s14  }
0xc: {  	s1 =	srdreg.scid;
	s16 =	sadd.s32 $0xA000, s8;
	[dreg:$0xd] =	wrdreg s15  }
0xd: {  	s2 =	stileid.u32;
	s17 =	sadd.s32 $0xB000, s8;
	[dreg:$0xe] =	wrdreg s16  }
0xe: {  	s1 =	sand.u32 $0x1, s1;
	s18 =	sadd.s32 $0xC000, s8;
	[dreg:$0xf] =	wrdreg s17  }
0xf: {  	s2 =	sshll.u32 s2, $0x1;
	s19 =	sadd.s32 $0xD000, s8;
	[dreg:$0x10] =	wrdreg s18  }
0x10: {  	s4 =	sadd.s32 $0x19400, s0;
	s20 =	sadd.s32 $0xE000, s8;
	[dreg:$0x11] =	wrdreg s19  }
0x11: {  	s21 =	sadd.s32 $0xF000, s8;
	s22 =	sadd.s32 $0x10000, s8;
	[dreg:$0x12] =	wrdreg s20  }
0x12: {  	s23 =	sadd.s32 $0x11000, s8;
	s24 =	sadd.s32 $0x12000, s8;
	[dreg:$0x13] =	wrdreg s21  }
0x13: {  	s26 =	sadd.s32 $0x13000, s8;
	s29 =	sadd.s32 $0x15000, s8;
	[dreg:$0x14] =	wrdreg s22  }
0x14: {  	s30 =	sadd.s32 $0x16000, s8;
	s31 =	sadd.s32 $0x17000, s8;
	[dreg:$0x15] =	wrdreg s23  }
0x15: {  	s2 =	sor.u32 s1, s2;
	s1 =	ssub.s32 $0x2, s1;
	[dreg:$0x16] =	wrdreg s24  }
0x16: {  	[dreg:$0x18] =	wrdreg s26;
	s6 =	sadd.s32 $0x1D000, s8;
	s7 =	sadd.s32 $0x1E000, s8  }
0x17: {  	s9 =	simm.s32 $0x80;
	s10 =	simm.s32 $0x1;
	s11 =	simm.s32 $0x14800  }
0x18: {  	s12 =	simm.s32 $0x2;
	s13 =	simm.s32 $0x16A00;
	s14 =	simm.s32 $0x18C00  }
0x19: {  	s15 =	simm.s32 $0x5;
	s16 =	simm.s32 $0x4;
	s17 =	simm.s32 $0x1AE00  }
0x1a: {  	v5 =	vlaneseq.u32;
	s18 =	simm.s32 $0x6;
	s5 =	smul.u32 $0xC80, s2;
	s28 =	sshrl.u32 s1, $0x1  }
0x1b: {  	v0 =	vmul.u32 $0xC8, v5;
	s21 =	simm.s32 $0x0;
	s1 =	ssub.s32 s1, s28;
	s28 =	sadd.s32 $0x14000, s8  }
.Ltmp0:
0x1c: {  	s0 =	sadd.s32 s5, s0;
	s5 =	sshll.u32 s2, $0x7;
	(pc) =	sbr.rel .LBB2_1-.Ltmp0, $4  }
0x1d: {  	v5 =	vmul.u32 $0x88, v5;
	v1 =	vadd.s32 $0xC80, v0;
	s25 =	smax.u32 s1, $0x1;
	[dreg:$0x19] =	wrdreg s28;
	s1 =	sadd.s32 $0x18000, s8  }
0x1e: {  	v2 =	vadd.s32 $0x1900, v0;
	v3 =	vadd.s32 $0x2580, v0;
	v4 =	vadd.s32 $0x3200, v0;
	s2 =	sadd.s32 $0x1C000, s8;
	s0 =	sadd.s32 $0x400, s0;
	[dreg:$0x4] =	wrdreg s5  }
0x1f: {  	v6 =	vadd.s32 $0x3E80, v0;
	v7 =	vadd.s32 $0x4B00, v0;
	v8 =	vadd.s32 $0x5780, v0;
	[dreg:$0x17] =	wrdreg s25;
	s5 =	sadd.s32 $0x1A000, s8;
	s25 =	sadd.s32 $0x1B000, s8  }
0x20: {  	v9 =	vadd.s32 $0x880, v5;
	v10 =	vadd.s32 $0x1100, v5;
	v11 =	vadd.s32 $0x1980, v5;
	[dreg:$0x3] =	wrdreg s0;
	s0 =	sadd.s32 $0x19000, s8;
	s8 =	sadd.s32 $0x1F000, s8  }
.LBB2_14:
0x21: {  	s19 =	simm.s32 $0x7  }
0x22: {  	_ =	swait.ge [sflag:s19], $0x400  }
0x23: {  	[sflag:s19] =	ssyncset.done $0x0  }
0x24: {  	[sflag:s19] =	ssyncadd.s32 $0xFFFFFC00  }
0x25: {  	_ =	swait.ge [sflag:s19], $0x400  }
0x26: {  	[sflag:s19] =	ssyncset.done $0x0  }
0x27: {  	[sflag:s19] =	ssyncadd.s32 $0xFFFFFC00  }
0x28: {  	_ =	swait.ge [sflag:s19], $0x400  }
0x29: {  	[sflag:s19] =	ssyncset.done $0x0  }
0x2a: {  	[sflag:s19] =	ssyncadd.s32 $0xFFFFFC00  }
0x2b: {  	_ =	swait.ge [sflag:s19], $0x400  }
0x2c: {  	[sflag:s19] =	ssyncset.done $0x0  }
0x2d: {  	[sflag:s19] =	ssyncadd.s32 $0xFFFFFC00  }
0x2e: {  	_ =	swait.ge [sflag:s19], $0x400  }
0x2f: {  	[sflag:s19] =	ssyncset.done $0x0  }
0x30: {  	[sflag:s19] =	ssyncadd.s32 $0xFFFFFC00  }
0x31: {  	_ =	swait.ge [sflag:s19], $0x400  }
0x32: {  	[sflag:s19] =	ssyncset.done $0x0  }
0x33: {  	[sflag:s19] =	ssyncadd.s32 $0xFFFFFC00  }
0x34: {  	_ =	swait.ge [sflag:s19], $0x400  }
0x35: {  	[sflag:s19] =	ssyncset.done $0x0  }
0x36: {  	[sflag:s19] =	ssyncadd.s32 $0xFFFFFC00  }
0x37: {  	_ =	swait.ge [sflag:s19], $0x400  }
0x38: {  	[sflag:s19] =	ssyncset.done $0x0  }
0x39: {  	s20 =	simm.s32 $0x8;
	[sflag:s19] =	ssyncadd.s32 $0xFFFFFC00  }
0x3a: {  	_ =	swait.ge [sflag:s20], $0x400  }
0x3b: {  	[sflag:s20] =	ssyncset.done $0x0  }
0x3c: {  	[sflag:s20] =	ssyncadd.s32 $0xFFFFFC00  }
0x3d: {  	_ =	swait.ge [sflag:s20], $0x400  }
0x3e: {  	[sflag:s20] =	ssyncset.done $0x0  }
0x3f: {  	[sflag:s20] =	ssyncadd.s32 $0xFFFFFC00  }
0x40: {  	_ =	swait.ge [sflag:s20], $0x400  }
0x41: {  	[sflag:s20] =	ssyncset.done $0x0  }
0x42: {  	[sflag:s20] =	ssyncadd.s32 $0xFFFFFC00  }
0x43: {  	_ =	swait.ge [sflag:s20], $0x400  }
0x44: {  	[sflag:s20] =	ssyncset.done $0x0  }
0x45: {  	[sflag:s20] =	ssyncadd.s32 $0xFFFFFC00  }
0x46: {  	_ =	swait.ge [sflag:s20], $0x400  }
0x47: {  	[sflag:s20] =	ssyncset.done $0x0  }
0x48: {  	[sflag:s20] =	ssyncadd.s32 $0xFFFFFC00  }
0x49: {  	_ =	swait.ge [sflag:s20], $0x400  }
0x4a: {  	[sflag:s20] =	ssyncset.done $0x0  }
0x4b: {  	[sflag:s20] =	ssyncadd.s32 $0xFFFFFC00  }
0x4c: {  	_ =	swait.ge [sflag:s20], $0x400  }
0x4d: {  	[sflag:s20] =	ssyncset.done $0x0  }
0x4e: {  	[sflag:s20] =	ssyncadd.s32 $0xFFFFFC00  }
0x4f: {  	_ =	swait.ge [sflag:s20], $0x400  }
0x50: {  	s21 =	rddreg [dreg:$0x1a]  }
0x51: {  	s28 =	rddreg [dreg:$0x17];
	s21 =	sadd.s32 $0x1, s21  }
0x52: {  	p0 =	sne.s32 s21, s28  }
.Ltmp1:
0x53: {  	_ = 	snop;
	(pc) =	sbr.rel @!p0 .LBB2_15-.Ltmp1, $3  }
0x54: {  	_ =	sdelay $0x1  }
0x55: {  	[sflag:s20] =	ssyncset.done $0x0  }
0x56: {  	[sflag:s20] =	ssyncadd.s32 $0xFFFFFC00  }
.LBB2_1:
0x57: {  	[dreg:$0x1a] =	wrdreg s21  }
0x58: {  	v12 =	vadd.s32 s3, v0;
	s19 =	rddreg [dreg:$0x3];
	s28 =	simm.s32 $0x9  }
0x59: {  	[tilespmem:s3], [sflag:$0x9] =	stream.linear.gather [hbm4b:s19+s3], $0x6400, $0x38;
	[tilespmem:$0x1D000] =	vst v63  }
0x5a: {  	_ =	swait.ge [sflag:s28], $0x6400  }
0x5b: {  	[sflag:s28] =	ssyncset.done $0x0  }
0x5c: {  	[sflag:s28] =	ssyncadd.s32 $0xFFFF9C00  }
0x5d: {  	v12 =	vld.idx.msk [tilespmem:v12+s3+$0x0], $0xffff  }
0x5e: {  	v13 =	vadd.s32 s3, v1;
	_ =	sdelay $0x2  }
0x5f: {  	s19 =	simm.s32 $0x6440  }
0x60: {  	[tilespmem:s19+$0xFFFFFFC0] =	vst v12  }
0x61: {  	v12 =	vld.idx.msk [tilespmem:v13+s3+$0x0], $0xffff  }
0x62: {  	v13 =	vadd.s32 s3, v2;
	_ =	sdelay $0x3  }
0x63: {  	[tilespmem:s19+$0xFFFFFFD0] =	vst v12  }
0x64: {  	v12 =	vld.idx.msk [tilespmem:v13+s3+$0x0], $0xffff  }
0x65: {  	v13 =	vadd.s32 s3, v3;
	_ =	sdelay $0x3  }
0x66: {  	[tilespmem:s19+$0xFFFFFFE0] =	vst v12  }
0x67: {  	v12 =	vld.idx.msk [tilespmem:v13+s3+$0x0], $0xffff  }
0x68: {  	v13 =	vadd.s32 s3, v4;
	_ =	sdelay $0x3  }
0x69: {  	[tilespmem:s19+$0xFFFFFFF0] =	vst v12  }
0x6a: {  	v12 =	vld.idx.msk [tilespmem:v13+s3+$0x0], $0xffff  }
0x6b: {  	v13 =	vadd.s32 s3, v6;
	_ =	sdelay $0x3  }
0x6c: {  	[tilespmem:s19+$0x0] =	vst v12  }
0x6d: {  	v12 =	vld.idx.msk [tilespmem:v13+s3+$0x0], $0xffff  }
0x6e: {  	v13 =	vadd.s32 s3, v7;
	_ =	sdelay $0x3  }
0x6f: {  	[tilespmem:s19+$0x10] =	vst v12  }
0x70: {  	v12 =	vld.idx.msk [tilespmem:v13+s3+$0x0], $0xffff  }
0x71: {  	v13 =	vadd.s32 s3, v8;
	_ =	sdelay $0x3  }
0x72: {  	[tilespmem:s19+$0x20] =	vst v12  }
0x73: {  	s20 =	simm.s32 $0x1;
	v12 =	vld.idx.msk [tilespmem:v13+s3+$0x0], $0xffff  }
0x74: {  	s21 =	simm.s32 $0x2;
	v13 =	vadd.s32 s20, v0  }
.LBB2_2:
0x75: {  	p0 =	sne.s32 s21, $0xC7;
	_ =	sdelay $0x2  }
0x76: {  	[tilespmem:s19+$0x30] =	vst v12  }
0x77: {  	v12 =	vld.idx.msk [tilespmem:v13+s3+$0x0], $0xffff;
	_ =	sdelay $0x1  }
0x78: {  	v13 =	vadd.s32 s20, v1;
	_ =	sdelay $0x2  }
0x79: {  	s19 =	sadd.s32 $0x80, s19  }
0x7a: {  	[tilespmem:s19+$0xFFFFFFC0] =	vst v12  }
0x7b: {  	v12 =	vld.idx.msk [tilespmem:v13+s3+$0x0], $0xffff;
	_ =	sdelay $0x1  }
0x7c: {  	v13 =	vadd.s32 s20, v2;
	_ =	sdelay $0x3  }
0x7d: {  	[tilespmem:s19+$0xFFFFFFD0] =	vst v12  }
0x7e: {  	v12 =	vld.idx.msk [tilespmem:v13+s3+$0x0], $0xffff;
	_ =	sdelay $0x1  }
0x7f: {  	v13 =	vadd.s32 s20, v3;
	_ =	sdelay $0x3  }
0x80: {  	[tilespmem:s19+$0xFFFFFFE0] =	vst v12  }
0x81: {  	v12 =	vld.idx.msk [tilespmem:v13+s3+$0x0], $0xffff;
	_ =	sdelay $0x1  }
0x82: {  	v13 =	vadd.s32 s20, v4;
	_ =	sdelay $0x3  }
0x83: {  	[tilespmem:s19+$0xFFFFFFF0] =	vst v12  }
0x84: {  	v12 =	vld.idx.msk [tilespmem:v13+s3+$0x0], $0xffff;
	_ =	sdelay $0x1  }
0x85: {  	v13 =	vadd.s32 s20, v6;
	_ =	sdelay $0x3  }
0x86: {  	[tilespmem:s19+$0x0] =	vst v12  }
0x87: {  	v12 =	vld.idx.msk [tilespmem:v13+s3+$0x0], $0xffff;
	_ =	sdelay $0x1  }
0x88: {  	v13 =	vadd.s32 s20, v7;
	_ =	sdelay $0x3  }
0x89: {  	[tilespmem:s19+$0x10] =	vst v12  }
0x8a: {  	v12 =	vld.idx.msk [tilespmem:v13+s3+$0x0], $0xffff;
	_ =	sdelay $0x1  }
0x8b: {  	v13 =	vadd.s32 s20, v8;
	s20 =	smov.u32 s21;
	_ =	sdelay $0x2  }
.Ltmp2:
0x8c: {  	(pc) =	sbr.rel @p0 .LBB2_2-.Ltmp2, $3  }
0x8d: {  	[tilespmem:s19+$0x20] =	vst v12  }
0x8e: {  	v12 =	vld.idx.msk [tilespmem:v13+s3+$0x0], $0xffff;
	_ =	sdelay $0x1  }
0x8f: {  	s21 =	sadd.s32 $0x1, s21;
	v13 =	vadd.s32 s20, v0  }
0x90: {  	_ =	sdelay $0x2  }
0x91: {  	[tilespmem:s19+$0x30] =	vst v12  }
0x92: {  	v12 =	vld.idx.msk [tilespmem:v13+s3+$0x0], $0xffff  }
0x93: {  	v57 =	vadd.s32 s20, v1;
	_ =	sdelay $0x2  }
0x94: {  	s24 =	sadd.s32 $0x80, s19  }
0x95: {  	[tilespmem:s24+$0xFFFFFFC0] =	vst v12  }
0x96: {  	v12 =	vld.idx.msk [tilespmem:v57+s3+$0x0], $0xffff  }
0x97: {  	v58 =	vadd.s32 s20, v2;
	_ =	sdelay $0x3  }
0x98: {  	[tilespmem:s24+$0xFFFFFFD0] =	vst v12  }
0x99: {  	v12 =	vld.idx.msk [tilespmem:v58+s3+$0x0], $0xffff  }
0x9a: {  	v59 =	vadd.s32 s20, v3;
	_ =	sdelay $0x3  }
0x9b: {  	[tilespmem:s24+$0xFFFFFFE0] =	vst v12  }
0x9c: {  	v12 =	vld.idx.msk [tilespmem:v59+s3+$0x0], $0xffff  }
0x9d: {  	v60 =	vadd.s32 s20, v4;
	_ =	sdelay $0x3  }
0x9e: {  	[tilespmem:s24+$0xFFFFFFF0] =	vst v12  }
0x9f: {  	v12 =	vld.idx.msk [tilespmem:v60+s3+$0x0], $0xffff  }
0xa0: {  	v61 =	vadd.s32 s20, v6;
	_ =	sdelay $0x3  }
0xa1: {  	[tilespmem:s24+$0x0] =	vst v12  }
0xa2: {  	v12 =	vld.idx.msk [tilespmem:v61+s3+$0x0], $0xffff  }
0xa3: {  	v62 =	vadd.s32 s20, v7;
	_ =	sdelay $0x3  }
0xa4: {  	[tilespmem:s24+$0x10] =	vst v12  }
0xa5: {  	v12 =	vld.idx.msk [tilespmem:v62+s3+$0x0], $0xffff  }
0xa6: {  	v63 =	vadd.s32 s20, v8;
	_ =	sdelay $0x3  }
0xa7: {  	[tilespmem:s24+$0x20] =	vst v12  }
0xa8: {  	v12 =	vld.idx.msk [tilespmem:v63+s3+$0x0], $0xffff;
	_ =	sdelay $0x4  }
0xa9: {  	s26 =	simm.s32 $0x6400;
	s28 =	simm.s32 $0xC800;
	[tilespmem:s24+$0x30] =	vst v12  }
0xaa: {  	[tilespmem:s28], [sflag:$0x1] =	stream.indirect.gather [hbm4b:s4+s9], $0x40, s26, s9, $0xb8;
	[tilespmem:$0x1D000] =	vst v63  }
0xab: {  	s21 =	simm.s32 $0x6480;
	s22 =	simm.s32 $0xE800  }
0xac: {  	[tilespmem:s22], [sflag:$0x2] =	stream.indirect.gather [hbm4b:s4+s9], $0x40, s21, s9, $0xb8;
	[tilespmem:$0x1D000] =	vst v63  }
0xad: {  	s23 =	simm.s32 $0x6500;
	s24 =	simm.s32 $0x10800  }
0xae: {  	[tilespmem:s24], [sflag:$0x3] =	stream.indirect.gather [hbm4b:s4+s9], $0x40, s23, s9, $0xb8;
	[tilespmem:$0x1D000] =	vst v63  }
0xaf: {  	s19 =	simm.s32 $0x0;
	s26 =	simm.s32 $0x6580;
	s28 =	simm.s32 $0x12800  }
0xb0: {  	[tilespmem:s28], [sflag:$0x4] =	stream.indirect.gather [hbm4b:s4+s9], $0x40, s26, s9, $0xb8;
	[tilespmem:$0x1D000] =	vst v63  }
.LBB2_4:
0xb1: {  	_ =	swait.ge [sflag:s10], $0x2000;
	s20 =	simm.s32 $0x0  }
0xb2: {  	[sflag:s10] =	ssyncset.done $0x0;
	v12 =	vmov s20  }
0xb3: {  	s20 =	simm.s32 $0xC880;
	[sflag:s10] =	ssyncadd.s32 $0xFFFFE000;
	v12 =	vand.u32 $0x7C, v12  }
0xb4: {  	v13 =	vld [tilespmem:s20+$0xFFFFFF80];
	v14 =	vadd.s32 v5, v12;
	_ =	sdelay $0x4  }
0xb5: {  	[tilespmem:v14+s11+$0x0] =	vst.idx.msk $0xffff, v13  }
0xb6: {  	v14 =	vadd.s32 v9, v12;
	v13 =	vld [tilespmem:s20+$0xFFFFFF90];
	_ =	sdelay $0x4  }
0xb7: {  	[tilespmem:v14+s11+$0x0] =	vst.idx.msk $0xffff, v13  }
0xb8: {  	v14 =	vadd.s32 v10, v12;
	v13 =	vld [tilespmem:s20+$0xFFFFFFA0];
	_ =	sdelay $0x4  }
0xb9: {  	[tilespmem:v14+s11+$0x0] =	vst.idx.msk $0xffff, v13  }
0xba: {  	v12 =	vadd.s32 v11, v12;
	v13 =	vld [tilespmem:s20+$0xFFFFFFB0];
	_ =	sdelay $0x2  }
0xbb: {  	s21 =	simm.s32 $0x1  }
0xbc: {  	v14 =	vmov s21  }
0xbd: {  	[tilespmem:v12+s11+$0x0] =	vst.idx.msk $0xffff, v13;
	v12 =	vand.u32 $0x7D, v14  }
0xbe: {  	v13 =	vld [tilespmem:s20+$0xFFFFFFC0];
	v14 =	vadd.s32 v5, v12;
	_ =	sdelay $0x4  }
0xbf: {  	[tilespmem:v14+s11+$0x0] =	vst.idx.msk $0xffff, v13  }
0xc0: {  	v14 =	vadd.s32 v9, v12;
	v13 =	vld [tilespmem:s20+$0xFFFFFFD0];
	_ =	sdelay $0x4  }
0xc1: {  	[tilespmem:v14+s11+$0x0] =	vst.idx.msk $0xffff, v13  }
0xc2: {  	v14 =	vadd.s32 v10, v12;
	v13 =	vld [tilespmem:s20+$0xFFFFFFE0];
	_ =	sdelay $0x4  }
0xc3: {  	[tilespmem:v14+s11+$0x0] =	vst.idx.msk $0xffff, v13  }
0xc4: {  	v12 =	vadd.s32 v11, v12;
	v13 =	vld [tilespmem:s20+$0xFFFFFFF0];
	_ =	sdelay $0x2  }
0xc5: {  	s26 =	simm.s32 $0x2  }
0xc6: {  	v14 =	vmov s26  }
0xc7: {  	[tilespmem:v12+s11+$0x0] =	vst.idx.msk $0xffff, v13;
	v12 =	vand.u32 $0x7E, v14  }
0xc8: {  	v13 =	vld [tilespmem:s20+$0x0];
	v14 =	vadd.s32 v5, v12;
	_ =	sdelay $0x4  }
0xc9: {  	[tilespmem:v14+s11+$0x0] =	vst.idx.msk $0xffff, v13  }
0xca: {  	v14 =	vadd.s32 v9, v12;
	v13 =	vld [tilespmem:s20+$0x10];
	_ =	sdelay $0x4  }
0xcb: {  	[tilespmem:v14+s11+$0x0] =	vst.idx.msk $0xffff, v13  }
0xcc: {  	v14 =	vadd.s32 v10, v12;
	v13 =	vld [tilespmem:s20+$0x20];
	_ =	sdelay $0x4  }
0xcd: {  	[tilespmem:v14+s11+$0x0] =	vst.idx.msk $0xffff, v13  }
0xce: {  	v12 =	vadd.s32 v11, v12;
	v13 =	vld [tilespmem:s20+$0x30];
	_ =	sdelay $0x2  }
0xcf: {  	s28 =	simm.s32 $0x3  }
0xd0: {  	v14 =	vmov s28  }
0xd1: {  	[tilespmem:v12+s11+$0x0] =	vst.idx.msk $0xffff, v13;
	v13 =	vand.u32 $0x7F, v14  }
0xd2: {  	v12 =	vld [tilespmem:s20+$0x40];
	v14 =	vadd.s32 v5, v13;
	_ =	sdelay $0x4  }
0xd3: {  	[tilespmem:v14+s11+$0x0] =	vst.idx.msk $0xffff, v12  }
0xd4: {  	v14 =	vadd.s32 v9, v13;
	v12 =	vld [tilespmem:s20+$0x50];
	_ =	sdelay $0x4  }
0xd5: {  	[tilespmem:v14+s11+$0x0] =	vst.idx.msk $0xffff, v12  }
0xd6: {  	v14 =	vadd.s32 v10, v13;
	v12 =	vld [tilespmem:s20+$0x60];
	_ =	sdelay $0x4  }
0xd7: {  	[tilespmem:v14+s11+$0x0] =	vst.idx.msk $0xffff, v12  }
0xd8: {  	v13 =	vadd.s32 v11, v13;
	v12 =	vld [tilespmem:s20+$0x70];
	_ =	sdelay $0x2  }
0xd9: {  	s21 =	simm.s32 $0x4  }
0xda: {  	s22 =	simm.s32 $0x8;
	v14 =	vmov s21  }
.LBB2_5:
0xdb: {  	p0 =	sne.s32 s22, $0x7C;
	v14 =	vand.u32 $0x7C, v14;
	[tilespmem:v13+s11+$0x0] =	vst.idx.msk $0xffff, v12;
	s20 =	sadd.s32 $0x100, s20  }
0xdc: {  	v12 =	vld [tilespmem:s20+$0xFFFFFF80];
	v13 =	vadd.s32 v5, v14;
	_ =	sdelay $0x4  }
0xdd: {  	[tilespmem:v13+s11+$0x0] =	vst.idx.msk $0xffff, v12  }
0xde: {  	v13 =	vadd.s32 v9, v14;
	v12 =	vld [tilespmem:s20+$0xFFFFFF90];
	_ =	sdelay $0x4  }
0xdf: {  	[tilespmem:v13+s11+$0x0] =	vst.idx.msk $0xffff, v12  }
0xe0: {  	v13 =	vadd.s32 v10, v14;
	v12 =	vld [tilespmem:s20+$0xFFFFFFA0];
	_ =	sdelay $0x4  }
0xe1: {  	[tilespmem:v13+s11+$0x0] =	vst.idx.msk $0xffff, v12  }
0xe2: {  	v13 =	vadd.s32 v11, v14;
	v12 =	vld [tilespmem:s20+$0xFFFFFFB0];
	_ =	sdelay $0x2  }
0xe3: {  	s23 =	sadd.s32 $0x1, s21  }
0xe4: {  	v14 =	vmov s23  }
0xe5: {  	[tilespmem:v13+s11+$0x0] =	vst.idx.msk $0xffff, v12;
	v12 =	vand.u32 $0x7D, v14  }
0xe6: {  	v13 =	vld [tilespmem:s20+$0xFFFFFFC0];
	v14 =	vadd.s32 v5, v12;
	_ =	sdelay $0x4  }
0xe7: {  	[tilespmem:v14+s11+$0x0] =	vst.idx.msk $0xffff, v13  }
0xe8: {  	v14 =	vadd.s32 v9, v12;
	v13 =	vld [tilespmem:s20+$0xFFFFFFD0];
	_ =	sdelay $0x4  }
0xe9: {  	[tilespmem:v14+s11+$0x0] =	vst.idx.msk $0xffff, v13  }
0xea: {  	v14 =	vadd.s32 v10, v12;
	v13 =	vld [tilespmem:s20+$0xFFFFFFE0];
	_ =	sdelay $0x4  }
0xeb: {  	[tilespmem:v14+s11+$0x0] =	vst.idx.msk $0xffff, v13  }
0xec: {  	v12 =	vadd.s32 v11, v12;
	v13 =	vld [tilespmem:s20+$0xFFFFFFF0];
	_ =	sdelay $0x2  }
0xed: {  	s23 =	sadd.s32 $0x2, s21  }
0xee: {  	v14 =	vmov s23  }
0xef: {  	[tilespmem:v12+s11+$0x0] =	vst.idx.msk $0xffff, v13;
	v12 =	vand.u32 $0x7E, v14  }
0xf0: {  	v13 =	vld [tilespmem:s20+$0x0];
	v14 =	vadd.s32 v5, v12;
	_ =	sdelay $0x4  }
0xf1: {  	[tilespmem:v14+s11+$0x0] =	vst.idx.msk $0xffff, v13  }
0xf2: {  	v14 =	vadd.s32 v9, v12;
	v13 =	vld [tilespmem:s20+$0x10];
	_ =	sdelay $0x4  }
0xf3: {  	[tilespmem:v14+s11+$0x0] =	vst.idx.msk $0xffff, v13  }
0xf4: {  	v14 =	vadd.s32 v10, v12;
	v13 =	vld [tilespmem:s20+$0x20];
	_ =	sdelay $0x4  }
0xf5: {  	[tilespmem:v14+s11+$0x0] =	vst.idx.msk $0xffff, v13  }
0xf6: {  	v12 =	vadd.s32 v11, v12;
	v13 =	vld [tilespmem:s20+$0x30];
	_ =	sdelay $0x2  }
0xf7: {  	s23 =	sadd.s32 $0x3, s21;
	s21 =	smov.u32 s22  }
0xf8: {  	v14 =	vmov s23  }
0xf9: {  	[tilespmem:v12+s11+$0x0] =	vst.idx.msk $0xffff, v13;
	v13 =	vand.u32 $0x7F, v14  }
0xfa: {  	v12 =	vld [tilespmem:s20+$0x40];
	v14 =	vadd.s32 v5, v13;
	_ =	sdelay $0x4  }
0xfb: {  	[tilespmem:v14+s11+$0x0] =	vst.idx.msk $0xffff, v12  }
0xfc: {  	v14 =	vadd.s32 v9, v13;
	v12 =	vld [tilespmem:s20+$0x50];
	_ =	sdelay $0x4  }
0xfd: {  	[tilespmem:v14+s11+$0x0] =	vst.idx.msk $0xffff, v12  }
0xfe: {  	v14 =	vadd.s32 v10, v13;
	v12 =	vld [tilespmem:s20+$0x60];
	_ =	sdelay $0x4  }
0xff: {  	[tilespmem:v14+s11+$0x0] =	vst.idx.msk $0xffff, v12  }
.Ltmp3:
0x100: {  	v13 =	vadd.s32 v11, v13;
	v12 =	vld [tilespmem:s20+$0x70];
	(pc) =	sbr.rel @p0 .LBB2_5-.Ltmp3, $2  }
0x101: {  	_ =	sdelay $0x2  }
0x102: {  	s22 =	sadd.s32 $0x4, s22;
	v14 =	vmov s21  }
0x103: {  	_ =	sdelay $0x3  }
0x104: {  	v14 =	vand.u32 $0x7C, v14;
	[tilespmem:v13+s11+$0x0] =	vst.idx.msk $0xffff, v12;
	s20 =	sadd.s32 $0x100, s20  }
0x105: {  	v12 =	vld [tilespmem:s20+$0xFFFFFF80];
	v13 =	vadd.s32 v5, v14;
	_ =	sdelay $0x4  }
0x106: {  	[tilespmem:v13+s11+$0x0] =	vst.idx.msk $0xffff, v12  }
0x107: {  	v13 =	vadd.s32 v9, v14;
	v12 =	vld [tilespmem:s20+$0xFFFFFF90];
	_ =	sdelay $0x4  }
0x108: {  	[tilespmem:v13+s11+$0x0] =	vst.idx.msk $0xffff, v12  }
0x109: {  	v13 =	vadd.s32 v10, v14;
	v12 =	vld [tilespmem:s20+$0xFFFFFFA0];
	_ =	sdelay $0x4  }
0x10a: {  	[tilespmem:v13+s11+$0x0] =	vst.idx.msk $0xffff, v12  }
0x10b: {  	v13 =	vadd.s32 v11, v14;
	v12 =	vld [tilespmem:s20+$0xFFFFFFB0];
	_ =	sdelay $0x2  }
0x10c: {  	s22 =	sadd.s32 $0x1, s21  }
0x10d: {  	v14 =	vmov s22  }
0x10e: {  	[tilespmem:v13+s11+$0x0] =	vst.idx.msk $0xffff, v12;
	v12 =	vand.u32 $0x7D, v14  }
0x10f: {  	v13 =	vld [tilespmem:s20+$0xFFFFFFC0];
	v14 =	vadd.s32 v5, v12;
	_ =	sdelay $0x4  }
0x110: {  	[tilespmem:v14+s11+$0x0] =	vst.idx.msk $0xffff, v13  }
0x111: {  	v14 =	vadd.s32 v9, v12;
	v13 =	vld [tilespmem:s20+$0xFFFFFFD0];
	_ =	sdelay $0x4  }
0x112: {  	[tilespmem:v14+s11+$0x0] =	vst.idx.msk $0xffff, v13  }
0x113: {  	v14 =	vadd.s32 v10, v12;
	v13 =	vld [tilespmem:s20+$0xFFFFFFE0];
	_ =	sdelay $0x4  }
0x114: {  	[tilespmem:v14+s11+$0x0] =	vst.idx.msk $0xffff, v13  }
0x115: {  	v12 =	vadd.s32 v11, v12;
	v13 =	vld [tilespmem:s20+$0xFFFFFFF0];
	_ =	sdelay $0x2  }
0x116: {  	s28 =	sadd.s32 $0x2, s21  }
0x117: {  	v14 =	vmov s28  }
0x118: {  	[tilespmem:v12+s11+$0x0] =	vst.idx.msk $0xffff, v13;
	v12 =	vand.u32 $0x7E, v14  }
0x119: {  	v13 =	vld [tilespmem:s20+$0x0];
	v14 =	vadd.s32 v5, v12;
	_ =	sdelay $0x4  }
0x11a: {  	[tilespmem:v14+s11+$0x0] =	vst.idx.msk $0xffff, v13  }
0x11b: {  	v14 =	vadd.s32 v9, v12;
	v13 =	vld [tilespmem:s20+$0x10];
	_ =	sdelay $0x4  }
0x11c: {  	[tilespmem:v14+s11+$0x0] =	vst.idx.msk $0xffff, v13  }
0x11d: {  	v14 =	vadd.s32 v10, v12;
	v13 =	vld [tilespmem:s20+$0x20];
	_ =	sdelay $0x4  }
0x11e: {  	[tilespmem:v14+s11+$0x0] =	vst.idx.msk $0xffff, v13  }
0x11f: {  	v12 =	vadd.s32 v11, v12;
	v13 =	vld [tilespmem:s20+$0x30];
	_ =	sdelay $0x2  }
0x120: {  	s22 =	sadd.s32 $0x3, s21  }
0x121: {  	v14 =	vmov s22  }
0x122: {  	[tilespmem:v12+s11+$0x0] =	vst.idx.msk $0xffff, v13;
	v12 =	vand.u32 $0x7F, v14  }
0x123: {  	v13 =	vld [tilespmem:s20+$0x40];
	v14 =	vadd.s32 v5, v12;
	_ =	sdelay $0x4  }
0x124: {  	[tilespmem:v14+s11+$0x0] =	vst.idx.msk $0xffff, v13  }
0x125: {  	v14 =	vadd.s32 v9, v12;
	v13 =	vld [tilespmem:s20+$0x50];
	_ =	sdelay $0x4  }
0x126: {  	[tilespmem:v14+s11+$0x0] =	vst.idx.msk $0xffff, v13  }
0x127: {  	v14 =	vadd.s32 v10, v12;
	v13 =	vld [tilespmem:s20+$0x60];
	_ =	sdelay $0x4  }
0x128: {  	[tilespmem:v14+s11+$0x0] =	vst.idx.msk $0xffff, v13  }
0x129: {  	v12 =	vadd.s32 v11, v12;
	v13 =	vld [tilespmem:s20+$0x70];
	_ =	sdelay $0x2  }
0x12a: {  	s23 =	sshll.u32 s19, $0x11;
	s24 =	rddreg [dreg:$0x4]  }
0x12b: {  	s26 =	rddreg [dreg:$0x1];
	s20 =	sor.u32 s24, s23  }
0x12c: {  	s21 =	sadd.s32 s26, s20;
	[tilespmem:v12+s11+$0x0] =	vst.idx.msk $0xffff, v13  }
0x12d: {  	[hbm4b:s21+s3] =	stream.linear.scatter [tilespmem:s11], [sflag:$0x5], $0x80, $0x38;
	[tilespmem:$0x1D000] =	vst v63  }
0x12e: {  	s23 =	simm.s32 $0x14888;
	s28 =	sadd.s32 $0x10, s21  }
0x12f: {  	[hbm4b:s28+s3] =	stream.linear.scatter [tilespmem:s23], [sflag:$0x5], $0x80, $0x38;
	[tilespmem:$0x1D000] =	vst v63  }
0x130: {  	s24 =	simm.s32 $0x14910;
	s23 =	sadd.s32 $0x20, s21  }
0x131: {  	[hbm4b:s23+s3] =	stream.linear.scatter [tilespmem:s24], [sflag:$0x5], $0x80, $0x38;
	[tilespmem:$0x1D000] =	vst v63  }
0x132: {  	s26 =	sadd.s32 $0x30, s21;
	s28 =	simm.s32 $0x14998  }
0x133: {  	[hbm4b:s26+s3] =	stream.linear.scatter [tilespmem:s28], [sflag:$0x5], $0x80, $0x38;
	[tilespmem:$0x1D000] =	vst v63  }
0x134: {  	s23 =	sadd.s32 $0x40, s21;
	s24 =	simm.s32 $0x14A20  }
0x135: {  	[hbm4b:s23+s3] =	stream.linear.scatter [tilespmem:s24], [sflag:$0x5], $0x80, $0x38;
	[tilespmem:$0x1D000] =	vst v63  }
0x136: {  	s26 =	sadd.s32 $0x50, s21;
	s28 =	simm.s32 $0x14AA8  }
0x137: {  	[hbm4b:s26+s3] =	stream.linear.scatter [tilespmem:s28], [sflag:$0x5], $0x80, $0x38;
	[tilespmem:$0x1D000] =	vst v63  }
0x138: {  	s24 =	sadd.s32 $0x60, s21;
	s26 =	simm.s32 $0x14B30  }
0x139: {  	[hbm4b:s24+s3] =	stream.linear.scatter [tilespmem:s26], [sflag:$0x5], $0x80, $0x38;
	[tilespmem:$0x1D000] =	vst v63  }
0x13a: {  	s21 =	sadd.s32 $0x70, s21;
	s23 =	rddreg [dreg:$0x5];
	s28 =	simm.s32 $0x14BB8  }
0x13b: {  	[hbm4b:s21+s3] =	stream.linear.scatter [tilespmem:s28], [sflag:$0x5], $0x80, $0x38;
	[tilespmem:$0x1D000] =	vst v63  }
0x13c: {  	s24 =	simm.s32 $0x14C40;
	s21 =	sadd.s32 s20, s23  }
0x13d: {  	[hbm4b:s21+s3] =	stream.linear.scatter [tilespmem:s24], [sflag:$0x5], $0x80, $0x38;
	[tilespmem:$0x1D000] =	vst v63  }
0x13e: {  	s28 =	simm.s32 $0x14CC8;
	s26 =	sadd.s32 $0x10, s21  }
0x13f: {  	[hbm4b:s26+s3] =	stream.linear.scatter [tilespmem:s28], [sflag:$0x5], $0x80, $0x38;
	[tilespmem:$0x1D000] =	vst v63  }
0x140: {  	s23 =	sadd.s32 $0x20, s21;
	s24 =	simm.s32 $0x14D50  }
0x141: {  	[hbm4b:s23+s3] =	stream.linear.scatter [tilespmem:s24], [sflag:$0x5], $0x80, $0x38;
	[tilespmem:$0x1D000] =	vst v63  }
0x142: {  	s26 =	sadd.s32 $0x30, s21;
	s28 =	simm.s32 $0x14DD8  }
0x143: {  	[hbm4b:s26+s3] =	stream.linear.scatter [tilespmem:s28], [sflag:$0x5], $0x80, $0x38;
	[tilespmem:$0x1D000] =	vst v63  }
0x144: {  	s23 =	sadd.s32 $0x40, s21;
	s24 =	simm.s32 $0x14E60  }
0x145: {  	[hbm4b:s23+s3] =	stream.linear.scatter [tilespmem:s24], [sflag:$0x5], $0x80, $0x38;
	[tilespmem:$0x1D000] =	vst v63  }
0x146: {  	s26 =	sadd.s32 $0x50, s21;
	s28 =	simm.s32 $0x14EE8  }
0x147: {  	[hbm4b:s26+s3] =	stream.linear.scatter [tilespmem:s28], [sflag:$0x5], $0x80, $0x38;
	[tilespmem:$0x1D000] =	vst v63  }
0x148: {  	s24 =	sadd.s32 $0x60, s21;
	s26 =	simm.s32 $0x14F70  }
0x149: {  	[hbm4b:s24+s3] =	stream.linear.scatter [tilespmem:s26], [sflag:$0x5], $0x80, $0x38;
	[tilespmem:$0x1D000] =	vst v63  }
0x14a: {  	s21 =	sadd.s32 $0x70, s21;
	s23 =	rddreg [dreg:$0x6];
	s28 =	simm.s32 $0x14FF8  }
0x14b: {  	[hbm4b:s21+s3] =	stream.linear.scatter [tilespmem:s28], [sflag:$0x5], $0x80, $0x38;
	[tilespmem:$0x1D000] =	vst v63  }
0x14c: {  	s24 =	simm.s32 $0x15080;
	s21 =	sadd.s32 s20, s23  }
0x14d: {  	[hbm4b:s21+s3] =	stream.linear.scatter [tilespmem:s24], [sflag:$0x5], $0x80, $0x38;
	[tilespmem:$0x1D000] =	vst v63  }
0x14e: {  	s28 =	simm.s32 $0x15108;
	s26 =	sadd.s32 $0x10, s21  }
0x14f: {  	[hbm4b:s26+s3] =	stream.linear.scatter [tilespmem:s28], [sflag:$0x5], $0x80, $0x38;
	[tilespmem:$0x1D000] =	vst v63  }
0x150: {  	s23 =	sadd.s32 $0x20, s21;
	s24 =	simm.s32 $0x15190  }
0x151: {  	[hbm4b:s23+s3] =	stream.linear.scatter [tilespmem:s24], [sflag:$0x5], $0x80, $0x38;
	[tilespmem:$0x1D000] =	vst v63  }
0x152: {  	s26 =	sadd.s32 $0x30, s21;
	s28 =	simm.s32 $0x15218  }
0x153: {  	[hbm4b:s26+s3] =	stream.linear.scatter [tilespmem:s28], [sflag:$0x5], $0x80, $0x38;
	[tilespmem:$0x1D000] =	vst v63  }
0x154: {  	s23 =	sadd.s32 $0x40, s21;
	s24 =	simm.s32 $0x152A0  }
0x155: {  	[hbm4b:s23+s3] =	stream.linear.scatter [tilespmem:s24], [sflag:$0x5], $0x80, $0x38;
	[tilespmem:$0x1D000] =	vst v63  }
0x156: {  	s26 =	sadd.s32 $0x50, s21;
	s28 =	simm.s32 $0x15328  }
0x157: {  	[hbm4b:s26+s3] =	stream.linear.scatter [tilespmem:s28], [sflag:$0x5], $0x80, $0x38;
	[tilespmem:$0x1D000] =	vst v63  }
0x158: {  	s24 =	sadd.s32 $0x60, s21;
	s26 =	simm.s32 $0x153B0  }
0x159: {  	[hbm4b:s24+s3] =	stream.linear.scatter [tilespmem:s26], [sflag:$0x5], $0x80, $0x38;
	[tilespmem:$0x1D000] =	vst v63  }
0x15a: {  	s21 =	sadd.s32 $0x70, s21;
	s23 =	rddreg [dreg:$0x7];
	s28 =	simm.s32 $0x15438  }
0x15b: {  	[hbm4b:s21+s3] =	stream.linear.scatter [tilespmem:s28], [sflag:$0x5], $0x80, $0x38;
	[tilespmem:$0x1D000] =	vst v63  }
0x15c: {  	s24 =	simm.s32 $0x154C0;
	s21 =	sadd.s32 s20, s23  }
0x15d: {  	[hbm4b:s21+s3] =	stream.linear.scatter [tilespmem:s24], [sflag:$0x5], $0x80, $0x38;
	[tilespmem:$0x1D000] =	vst v63  }
0x15e: {  	s28 =	simm.s32 $0x15548;
	s26 =	sadd.s32 $0x10, s21  }
0x15f: {  	[hbm4b:s26+s3] =	stream.linear.scatter [tilespmem:s28], [sflag:$0x5], $0x80, $0x38;
	[tilespmem:$0x1D000] =	vst v63  }
0x160: {  	s23 =	sadd.s32 $0x20, s21;
	s24 =	simm.s32 $0x155D0  }
0x161: {  	[hbm4b:s23+s3] =	stream.linear.scatter [tilespmem:s24], [sflag:$0x5], $0x80, $0x38;
	[tilespmem:$0x1D000] =	vst v63  }
0x162: {  	s26 =	sadd.s32 $0x30, s21;
	s28 =	simm.s32 $0x15658  }
0x163: {  	[hbm4b:s26+s3] =	stream.linear.scatter [tilespmem:s28], [sflag:$0x5], $0x80, $0x38;
	[tilespmem:$0x1D000] =	vst v63  }
0x164: {  	s23 =	sadd.s32 $0x40, s21;
	s24 =	simm.s32 $0x156E0  }
0x165: {  	[hbm4b:s23+s3] =	stream.linear.scatter [tilespmem:s24], [sflag:$0x5], $0x80, $0x38;
	[tilespmem:$0x1D000] =	vst v63  }
0x166: {  	s26 =	sadd.s32 $0x50, s21;
	s28 =	simm.s32 $0x15768  }
0x167: {  	[hbm4b:s26+s3] =	stream.linear.scatter [tilespmem:s28], [sflag:$0x5], $0x80, $0x38;
	[tilespmem:$0x1D000] =	vst v63  }
0x168: {  	s24 =	sadd.s32 $0x60, s21;
	s26 =	simm.s32 $0x157F0  }
0x169: {  	[hbm4b:s24+s3] =	stream.linear.scatter [tilespmem:s26], [sflag:$0x5], $0x80, $0x38;
	[tilespmem:$0x1D000] =	vst v63  }
0x16a: {  	s21 =	sadd.s32 $0x70, s21;
	s23 =	rddreg [dreg:$0x8];
	s28 =	simm.s32 $0x15878  }
0x16b: {  	[hbm4b:s21+s3] =	stream.linear.scatter [tilespmem:s28], [sflag:$0x5], $0x80, $0x38;
	[tilespmem:$0x1D000] =	vst v63  }
0x16c: {  	s24 =	simm.s32 $0x15900;
	s21 =	sadd.s32 s20, s23  }
0x16d: {  	[hbm4b:s21+s3] =	stream.linear.scatter [tilespmem:s24], [sflag:$0x5], $0x80, $0x38;
	[tilespmem:$0x1D000] =	vst v63  }
0x16e: {  	s28 =	simm.s32 $0x15988;
	s26 =	sadd.s32 $0x10, s21  }
0x16f: {  	[hbm4b:s26+s3] =	stream.linear.scatter [tilespmem:s28], [sflag:$0x5], $0x80, $0x38;
	[tilespmem:$0x1D000] =	vst v63  }
0x170: {  	s23 =	sadd.s32 $0x20, s21;
	s24 =	simm.s32 $0x15A10  }
0x171: {  	[hbm4b:s23+s3] =	stream.linear.scatter [tilespmem:s24], [sflag:$0x5], $0x80, $0x38;
	[tilespmem:$0x1D000] =	vst v63  }
0x172: {  	s26 =	sadd.s32 $0x30, s21;
	s28 =	simm.s32 $0x15A98  }
0x173: {  	[hbm4b:s26+s3] =	stream.linear.scatter [tilespmem:s28], [sflag:$0x5], $0x80, $0x38;
	[tilespmem:$0x1D000] =	vst v63  }
0x174: {  	s23 =	sadd.s32 $0x40, s21;
	s24 =	simm.s32 $0x15B20  }
0x175: {  	[hbm4b:s23+s3] =	stream.linear.scatter [tilespmem:s24], [sflag:$0x5], $0x80, $0x38;
	[tilespmem:$0x1D000] =	vst v63  }
0x176: {  	s26 =	sadd.s32 $0x50, s21;
	s28 =	simm.s32 $0x15BA8  }
0x177: {  	[hbm4b:s26+s3] =	stream.linear.scatter [tilespmem:s28], [sflag:$0x5], $0x80, $0x38;
	[tilespmem:$0x1D000] =	vst v63  }
0x178: {  	s24 =	sadd.s32 $0x60, s21;
	s26 =	simm.s32 $0x15C30  }
0x179: {  	[hbm4b:s24+s3] =	stream.linear.scatter [tilespmem:s26], [sflag:$0x5], $0x80, $0x38;
	[tilespmem:$0x1D000] =	vst v63  }
0x17a: {  	s21 =	sadd.s32 $0x70, s21;
	s23 =	rddreg [dreg:$0x9];
	s28 =	simm.s32 $0x15CB8  }
0x17b: {  	[hbm4b:s21+s3] =	stream.linear.scatter [tilespmem:s28], [sflag:$0x5], $0x80, $0x38;
	[tilespmem:$0x1D000] =	vst v63  }
0x17c: {  	s24 =	simm.s32 $0x15D40;
	s21 =	sadd.s32 s20, s23  }
0x17d: {  	[hbm4b:s21+s3] =	stream.linear.scatter [tilespmem:s24], [sflag:$0x5], $0x80, $0x38;
	[tilespmem:$0x1D000] =	vst v63  }
0x17e: {  	s28 =	simm.s32 $0x15DC8;
	s26 =	sadd.s32 $0x10, s21  }
0x17f: {  	[hbm4b:s26+s3] =	stream.linear.scatter [tilespmem:s28], [sflag:$0x5], $0x80, $0x38;
	[tilespmem:$0x1D000] =	vst v63  }
0x180: {  	s23 =	sadd.s32 $0x20, s21;
	s24 =	simm.s32 $0x15E50  }
0x181: {  	[hbm4b:s23+s3] =	stream.linear.scatter [tilespmem:s24], [sflag:$0x5], $0x80, $0x38;
	[tilespmem:$0x1D000] =	vst v63  }
0x182: {  	s26 =	sadd.s32 $0x30, s21;
	s28 =	simm.s32 $0x15ED8  }
0x183: {  	[hbm4b:s26+s3] =	stream.linear.scatter [tilespmem:s28], [sflag:$0x5], $0x80, $0x38;
	[tilespmem:$0x1D000] =	vst v63  }
0x184: {  	s23 =	sadd.s32 $0x40, s21;
	s24 =	simm.s32 $0x15F60  }
0x185: {  	[hbm4b:s23+s3] =	stream.linear.scatter [tilespmem:s24], [sflag:$0x5], $0x80, $0x38;
	[tilespmem:$0x1D000] =	vst v63  }
0x186: {  	s26 =	sadd.s32 $0x50, s21;
	s28 =	simm.s32 $0x15FE8  }
0x187: {  	[hbm4b:s26+s3] =	stream.linear.scatter [tilespmem:s28], [sflag:$0x5], $0x80, $0x38;
	[tilespmem:$0x1D000] =	vst v63  }
0x188: {  	s24 =	sadd.s32 $0x60, s21;
	s26 =	simm.s32 $0x16070  }
0x189: {  	[hbm4b:s24+s3] =	stream.linear.scatter [tilespmem:s26], [sflag:$0x5], $0x80, $0x38;
	[tilespmem:$0x1D000] =	vst v63  }
0x18a: {  	s21 =	sadd.s32 $0x70, s21;
	s23 =	rddreg [dreg:$0xa];
	s28 =	simm.s32 $0x160F8  }
0x18b: {  	[hbm4b:s21+s3] =	stream.linear.scatter [tilespmem:s28], [sflag:$0x5], $0x80, $0x38;
	[tilespmem:$0x1D000] =	vst v63  }
0x18c: {  	s24 =	simm.s32 $0x16180;
	s21 =	sadd.s32 s20, s23  }
0x18d: {  	[hbm4b:s21+s3] =	stream.linear.scatter [tilespmem:s24], [sflag:$0x5], $0x80, $0x38;
	[tilespmem:$0x1D000] =	vst v63  }
0x18e: {  	s28 =	simm.s32 $0x16208;
	s26 =	sadd.s32 $0x10, s21  }
0x18f: {  	[hbm4b:s26+s3] =	stream.linear.scatter [tilespmem:s28], [sflag:$0x5], $0x80, $0x38;
	[tilespmem:$0x1D000] =	vst v63  }
0x190: {  	s23 =	sadd.s32 $0x20, s21;
	s24 =	simm.s32 $0x16290  }
0x191: {  	[hbm4b:s23+s3] =	stream.linear.scatter [tilespmem:s24], [sflag:$0x5], $0x80, $0x38;
	[tilespmem:$0x1D000] =	vst v63  }
0x192: {  	s26 =	sadd.s32 $0x30, s21;
	s28 =	simm.s32 $0x16318  }
0x193: {  	[hbm4b:s26+s3] =	stream.linear.scatter [tilespmem:s28], [sflag:$0x5], $0x80, $0x38;
	[tilespmem:$0x1D000] =	vst v63  }
0x194: {  	s23 =	sadd.s32 $0x40, s21;
	s24 =	simm.s32 $0x163A0  }
0x195: {  	[hbm4b:s23+s3] =	stream.linear.scatter [tilespmem:s24], [sflag:$0x5], $0x80, $0x38;
	[tilespmem:$0x1D000] =	vst v63  }
0x196: {  	s26 =	sadd.s32 $0x50, s21;
	s28 =	simm.s32 $0x16428  }
0x197: {  	[hbm4b:s26+s3] =	stream.linear.scatter [tilespmem:s28], [sflag:$0x5], $0x80, $0x38;
	[tilespmem:$0x1D000] =	vst v63  }
0x198: {  	s24 =	sadd.s32 $0x60, s21;
	s26 =	simm.s32 $0x164B0  }
0x199: {  	[hbm4b:s24+s3] =	stream.linear.scatter [tilespmem:s26], [sflag:$0x5], $0x80, $0x38;
	[tilespmem:$0x1D000] =	vst v63  }
0x19a: {  	s21 =	sadd.s32 $0x70, s21;
	s23 =	rddreg [dreg:$0xb];
	s28 =	simm.s32 $0x16538  }
0x19b: {  	[hbm4b:s21+s3] =	stream.linear.scatter [tilespmem:s28], [sflag:$0x5], $0x80, $0x38;
	[tilespmem:$0x1D000] =	vst v63  }
0x19c: {  	s24 =	simm.s32 $0x165C0;
	s21 =	sadd.s32 s20, s23  }
0x19d: {  	[hbm4b:s21+s3] =	stream.linear.scatter [tilespmem:s24], [sflag:$0x5], $0x80, $0x38;
	[tilespmem:$0x1D000] =	vst v63  }
0x19e: {  	s28 =	simm.s32 $0x16648;
	s26 =	sadd.s32 $0x10, s21  }
0x19f: {  	[hbm4b:s26+s3] =	stream.linear.scatter [tilespmem:s28], [sflag:$0x5], $0x80, $0x38;
	[tilespmem:$0x1D000] =	vst v63  }
0x1a0: {  	s23 =	sadd.s32 $0x20, s21;
	s24 =	simm.s32 $0x166D0  }
0x1a1: {  	[hbm4b:s23+s3] =	stream.linear.scatter [tilespmem:s24], [sflag:$0x5], $0x80, $0x38;
	[tilespmem:$0x1D000] =	vst v63  }
0x1a2: {  	s26 =	sadd.s32 $0x30, s21;
	s28 =	simm.s32 $0x16758  }
0x1a3: {  	[hbm4b:s26+s3] =	stream.linear.scatter [tilespmem:s28], [sflag:$0x5], $0x80, $0x38;
	[tilespmem:$0x1D000] =	vst v63  }
0x1a4: {  	s23 =	sadd.s32 $0x40, s21;
	s24 =	simm.s32 $0x167E0  }
0x1a5: {  	[hbm4b:s23+s3] =	stream.linear.scatter [tilespmem:s24], [sflag:$0x5], $0x80, $0x38;
	[tilespmem:$0x1D000] =	vst v63  }
0x1a6: {  	s26 =	sadd.s32 $0x50, s21;
	s28 =	simm.s32 $0x16868  }
0x1a7: {  	[hbm4b:s26+s3] =	stream.linear.scatter [tilespmem:s28], [sflag:$0x5], $0x80, $0x38;
	[tilespmem:$0x1D000] =	vst v63  }
0x1a8: {  	s24 =	sadd.s32 $0x60, s21;
	s26 =	simm.s32 $0x168F0  }
0x1a9: {  	[hbm4b:s24+s3] =	stream.linear.scatter [tilespmem:s26], [sflag:$0x5], $0x80, $0x38;
	[tilespmem:$0x1D000] =	vst v63  }
0x1aa: {  	p0 =	seq.s32 s19, $0x0;
	s21 =	sadd.s32 $0x70, s21;
	s28 =	simm.s32 $0x16978  }
0x1ab: {  	[hbm4b:s21+s3] =	stream.linear.scatter [tilespmem:s28], [sflag:$0x5], $0x80, $0x38;
	[tilespmem:$0x1D000] =	vst v63  }
0x1ac: {  	s21 =	simm.s32 @!p0 $0x7  }
0x1ad: {  	_ =	swait.ge @!p0 [sflag:s21], $0x400  }
0x1ae: {  	[sflag:s21] =	ssyncset.done @!p0 $0x0  }
0x1af: {  	[sflag:s21] =	ssyncadd.s32 @!p0 $0xFFFFFC00  }
0x1b0: {  	_ =	swait.ge @!p0 [sflag:s21], $0x400  }
0x1b1: {  	[sflag:s21] =	ssyncset.done @!p0 $0x0  }
0x1b2: {  	[sflag:s21] =	ssyncadd.s32 @!p0 $0xFFFFFC00  }
0x1b3: {  	_ =	swait.ge @!p0 [sflag:s21], $0x400  }
0x1b4: {  	[sflag:s21] =	ssyncset.done @!p0 $0x0  }
0x1b5: {  	[sflag:s21] =	ssyncadd.s32 @!p0 $0xFFFFFC00  }
0x1b6: {  	_ =	swait.ge @!p0 [sflag:s21], $0x400  }
0x1b7: {  	[sflag:s21] =	ssyncset.done @!p0 $0x0  }
0x1b8: {  	[sflag:s21] =	ssyncadd.s32 @!p0 $0xFFFFFC00  }
0x1b9: {  	_ =	swait.ge @!p0 [sflag:s21], $0x400  }
0x1ba: {  	[sflag:s21] =	ssyncset.done @!p0 $0x0  }
0x1bb: {  	[sflag:s21] =	ssyncadd.s32 @!p0 $0xFFFFFC00  }
0x1bc: {  	_ =	swait.ge @!p0 [sflag:s21], $0x400  }
0x1bd: {  	[sflag:s21] =	ssyncset.done @!p0 $0x0  }
0x1be: {  	[sflag:s21] =	ssyncadd.s32 @!p0 $0xFFFFFC00  }
0x1bf: {  	_ =	swait.ge @!p0 [sflag:s21], $0x400  }
0x1c0: {  	[sflag:s21] =	ssyncset.done @!p0 $0x0  }
0x1c1: {  	[sflag:s21] =	ssyncadd.s32 @!p0 $0xFFFFFC00  }
0x1c2: {  	_ =	swait.ge @!p0 [sflag:s21], $0x400  }
0x1c3: {  	p1 =	seq.s32 @!p0 s19, $0x31;
	[sflag:s21] =	ssyncset.done @!p0 $0x0  }
0x1c4: {  	p1 =	por p0, !p1;
	[sflag:s21] =	ssyncadd.s32 @!p0 $0xFFFFFC00;
	s21 =	sshll.u32 s19, $0xB  }
0x1c5: {  	s22 =	sshrl.u32 @p1 s21, $0x2  }
0x1c6: {  	s23 =	simm.s32 @p1 $0xC800;
	s22 =	sadd.s32 @p1 $0x6600, s22  }
0x1c7: {  	[tilespmem:s23], [sflag:$0x1] =	stream.indirect.gather @p1 [hbm4b:s4+s9], $0x40, s22, s9, $0xb8;
	[tilespmem:$0x1D000] =	vst v63  }
0x1c8: {  	s23 =	simm.s32 $0x0;
	_ =	swait.ge [sflag:s12], $0x2000  }
0x1c9: {  	v12 =	vmov s23;
	[sflag:s12] =	ssyncset.done $0x0  }
0x1ca: {  	s22 =	simm.s32 $0xE8F0;
	v12 =	vand.u32 $0x7C, v12;
	[sflag:s12] =	ssyncadd.s32 $0xFFFFE000  }
0x1cb: {  	v14 =	vadd.s32 v5, v12;
	v13 =	vld [tilespmem:s22+$0xFFFFFF10];
	_ =	sdelay $0x4  }
0x1cc: {  	[tilespmem:v14+s13+$0x0] =	vst.idx.msk $0xffff, v13  }
0x1cd: {  	v14 =	vadd.s32 v9, v12;
	v13 =	vld [tilespmem:s22+$0xFFFFFF20];
	_ =	sdelay $0x4  }
0x1ce: {  	[tilespmem:v14+s13+$0x0] =	vst.idx.msk $0xffff, v13  }
0x1cf: {  	v14 =	vadd.s32 v10, v12;
	v13 =	vld [tilespmem:s22+$0xFFFFFF30];
	_ =	sdelay $0x4  }
0x1d0: {  	[tilespmem:v14+s13+$0x0] =	vst.idx.msk $0xffff, v13  }
0x1d1: {  	v12 =	vadd.s32 v11, v12;
	v13 =	vld [tilespmem:s22+$0xFFFFFF40];
	_ =	sdelay $0x2  }
0x1d2: {  	s24 =	simm.s32 $0x1  }
0x1d3: {  	v14 =	vmov s24  }
0x1d4: {  	[tilespmem:v12+s13+$0x0] =	vst.idx.msk $0xffff, v13;
	v12 =	vand.u32 $0x7D, v14  }
0x1d5: {  	v13 =	vld [tilespmem:s22+$0xFFFFFF50];
	v14 =	vadd.s32 v5, v12;
	_ =	sdelay $0x4  }
0x1d6: {  	[tilespmem:v14+s13+$0x0] =	vst.idx.msk $0xffff, v13  }
0x1d7: {  	v14 =	vadd.s32 v9, v12;
	v13 =	vld [tilespmem:s22+$0xFFFFFF60];
	_ =	sdelay $0x4  }
0x1d8: {  	[tilespmem:v14+s13+$0x0] =	vst.idx.msk $0xffff, v13  }
0x1d9: {  	v14 =	vadd.s32 v10, v12;
	v13 =	vld [tilespmem:s22+$0xFFFFFF70];
	_ =	sdelay $0x4  }
0x1da: {  	[tilespmem:v14+s13+$0x0] =	vst.idx.msk $0xffff, v13  }
0x1db: {  	v12 =	vadd.s32 v11, v12;
	v13 =	vld [tilespmem:s22+$0xFFFFFF80];
	_ =	sdelay $0x2  }
0x1dc: {  	s26 =	simm.s32 $0x2  }
0x1dd: {  	v14 =	vmov s26  }
0x1de: {  	[tilespmem:v12+s13+$0x0] =	vst.idx.msk $0xffff, v13;
	v12 =	vand.u32 $0x7E, v14  }
0x1df: {  	v13 =	vld [tilespmem:s22+$0xFFFFFF90];
	v14 =	vadd.s32 v5, v12;
	_ =	sdelay $0x4  }
0x1e0: {  	[tilespmem:v14+s13+$0x0] =	vst.idx.msk $0xffff, v13  }
0x1e1: {  	v14 =	vadd.s32 v9, v12;
	v13 =	vld [tilespmem:s22+$0xFFFFFFA0];
	_ =	sdelay $0x4  }
0x1e2: {  	[tilespmem:v14+s13+$0x0] =	vst.idx.msk $0xffff, v13  }
0x1e3: {  	v14 =	vadd.s32 v10, v12;
	v13 =	vld [tilespmem:s22+$0xFFFFFFB0];
	_ =	sdelay $0x4  }
0x1e4: {  	[tilespmem:v14+s13+$0x0] =	vst.idx.msk $0xffff, v13  }
0x1e5: {  	v12 =	vadd.s32 v11, v12;
	v13 =	vld [tilespmem:s22+$0xFFFFFFC0];
	_ =	sdelay $0x2  }
0x1e6: {  	s28 =	simm.s32 $0x3  }
0x1e7: {  	v14 =	vmov s28  }
0x1e8: {  	[tilespmem:v12+s13+$0x0] =	vst.idx.msk $0xffff, v13;
	v13 =	vand.u32 $0x7F, v14  }
0x1e9: {  	v12 =	vld [tilespmem:s22+$0xFFFFFFD0];
	v14 =	vadd.s32 v5, v13;
	_ =	sdelay $0x4  }
0x1ea: {  	[tilespmem:v14+s13+$0x0] =	vst.idx.msk $0xffff, v12  }
0x1eb: {  	v14 =	vadd.s32 v9, v13;
	v12 =	vld [tilespmem:s22+$0xFFFFFFE0];
	_ =	sdelay $0x4  }
0x1ec: {  	[tilespmem:v14+s13+$0x0] =	vst.idx.msk $0xffff, v12  }
0x1ed: {  	v14 =	vadd.s32 v10, v13;
	v12 =	vld [tilespmem:s22+$0xFFFFFFF0];
	_ =	sdelay $0x4  }
0x1ee: {  	[tilespmem:v14+s13+$0x0] =	vst.idx.msk $0xffff, v12  }
0x1ef: {  	v13 =	vadd.s32 v11, v13;
	v12 =	vld [tilespmem:s22+$0x0];
	_ =	sdelay $0x2  }
0x1f0: {  	s23 =	simm.s32 $0x4  }
0x1f1: {  	s24 =	simm.s32 $0x8;
	v14 =	vmov s23  }
.LBB2_7:
0x1f2: {  	p2 =	sne.s32 s24, $0x7C;
	v14 =	vand.u32 $0x7C, v14;
	[tilespmem:v13+s13+$0x0] =	vst.idx.msk $0xffff, v12;
	s22 =	sadd.s32 $0x100, s22  }
0x1f3: {  	v12 =	vld [tilespmem:s22+$0xFFFFFF10];
	v13 =	vadd.s32 v5, v14;
	_ =	sdelay $0x4  }
0x1f4: {  	[tilespmem:v13+s13+$0x0] =	vst.idx.msk $0xffff, v12  }
0x1f5: {  	v13 =	vadd.s32 v9, v14;
	v12 =	vld [tilespmem:s22+$0xFFFFFF20];
	_ =	sdelay $0x4  }
0x1f6: {  	[tilespmem:v13+s13+$0x0] =	vst.idx.msk $0xffff, v12  }
0x1f7: {  	v13 =	vadd.s32 v10, v14;
	v12 =	vld [tilespmem:s22+$0xFFFFFF30];
	_ =	sdelay $0x4  }
0x1f8: {  	[tilespmem:v13+s13+$0x0] =	vst.idx.msk $0xffff, v12  }
0x1f9: {  	v13 =	vadd.s32 v11, v14;
	v12 =	vld [tilespmem:s22+$0xFFFFFF40];
	_ =	sdelay $0x2  }
0x1fa: {  	s26 =	sadd.s32 $0x1, s23  }
0x1fb: {  	v14 =	vmov s26  }
0x1fc: {  	[tilespmem:v13+s13+$0x0] =	vst.idx.msk $0xffff, v12;
	v12 =	vand.u32 $0x7D, v14  }
0x1fd: {  	v13 =	vld [tilespmem:s22+$0xFFFFFF50];
	v14 =	vadd.s32 v5, v12;
	_ =	sdelay $0x4  }
0x1fe: {  	[tilespmem:v14+s13+$0x0] =	vst.idx.msk $0xffff, v13  }
0x1ff: {  	v14 =	vadd.s32 v9, v12;
	v13 =	vld [tilespmem:s22+$0xFFFFFF60];
	_ =	sdelay $0x4  }
0x200: {  	[tilespmem:v14+s13+$0x0] =	vst.idx.msk $0xffff, v13  }
0x201: {  	v14 =	vadd.s32 v10, v12;
	v13 =	vld [tilespmem:s22+$0xFFFFFF70];
	_ =	sdelay $0x4  }
0x202: {  	[tilespmem:v14+s13+$0x0] =	vst.idx.msk $0xffff, v13  }
0x203: {  	v12 =	vadd.s32 v11, v12;
	v13 =	vld [tilespmem:s22+$0xFFFFFF80];
	_ =	sdelay $0x2  }
0x204: {  	s26 =	sadd.s32 $0x2, s23  }
0x205: {  	v14 =	vmov s26  }
0x206: {  	[tilespmem:v12+s13+$0x0] =	vst.idx.msk $0xffff, v13;
	v12 =	vand.u32 $0x7E, v14  }
0x207: {  	v13 =	vld [tilespmem:s22+$0xFFFFFF90];
	v14 =	vadd.s32 v5, v12;
	_ =	sdelay $0x4  }
0x208: {  	[tilespmem:v14+s13+$0x0] =	vst.idx.msk $0xffff, v13  }
0x209: {  	v14 =	vadd.s32 v9, v12;
	v13 =	vld [tilespmem:s22+$0xFFFFFFA0];
	_ =	sdelay $0x4  }
0x20a: {  	[tilespmem:v14+s13+$0x0] =	vst.idx.msk $0xffff, v13  }
0x20b: {  	v14 =	vadd.s32 v10, v12;
	v13 =	vld [tilespmem:s22+$0xFFFFFFB0];
	_ =	sdelay $0x4  }
0x20c: {  	[tilespmem:v14+s13+$0x0] =	vst.idx.msk $0xffff, v13  }
0x20d: {  	v12 =	vadd.s32 v11, v12;
	v13 =	vld [tilespmem:s22+$0xFFFFFFC0];
	_ =	sdelay $0x2  }
0x20e: {  	s26 =	sadd.s32 $0x3, s23;
	s23 =	smov.u32 s24  }
0x20f: {  	v14 =	vmov s26  }
0x210: {  	[tilespmem:v12+s13+$0x0] =	vst.idx.msk $0xffff, v13;
	v13 =	vand.u32 $0x7F, v14  }
0x211: {  	v12 =	vld [tilespmem:s22+$0xFFFFFFD0];
	v14 =	vadd.s32 v5, v13;
	_ =	sdelay $0x4  }
0x212: {  	[tilespmem:v14+s13+$0x0] =	vst.idx.msk $0xffff, v12  }
0x213: {  	v14 =	vadd.s32 v9, v13;
	v12 =	vld [tilespmem:s22+$0xFFFFFFE0];
	_ =	sdelay $0x4  }
0x214: {  	[tilespmem:v14+s13+$0x0] =	vst.idx.msk $0xffff, v12  }
0x215: {  	v14 =	vadd.s32 v10, v13;
	v12 =	vld [tilespmem:s22+$0xFFFFFFF0];
	_ =	sdelay $0x4  }
0x216: {  	[tilespmem:v14+s13+$0x0] =	vst.idx.msk $0xffff, v12  }
.Ltmp4:
0x217: {  	v13 =	vadd.s32 v11, v13;
	v12 =	vld [tilespmem:s22+$0x0];
	(pc) =	sbr.rel @p2 .LBB2_7-.Ltmp4, $2  }
0x218: {  	_ =	sdelay $0x2  }
0x219: {  	s24 =	sadd.s32 $0x4, s24;
	v14 =	vmov s23  }
0x21a: {  	_ =	sdelay $0x3  }
0x21b: {  	v14 =	vand.u32 $0x7C, v14;
	[tilespmem:v13+s13+$0x0] =	vst.idx.msk $0xffff, v12;
	s22 =	sadd.s32 $0x100, s22  }
0x21c: {  	v12 =	vld [tilespmem:s22+$0xFFFFFF10];
	v13 =	vadd.s32 v5, v14;
	_ =	sdelay $0x4  }
0x21d: {  	[tilespmem:v13+s13+$0x0] =	vst.idx.msk $0xffff, v12  }
0x21e: {  	v13 =	vadd.s32 v9, v14;
	v12 =	vld [tilespmem:s22+$0xFFFFFF20];
	_ =	sdelay $0x4  }
0x21f: {  	[tilespmem:v13+s13+$0x0] =	vst.idx.msk $0xffff, v12  }
0x220: {  	v13 =	vadd.s32 v10, v14;
	v12 =	vld [tilespmem:s22+$0xFFFFFF30];
	_ =	sdelay $0x4  }
0x221: {  	[tilespmem:v13+s13+$0x0] =	vst.idx.msk $0xffff, v12  }
0x222: {  	v13 =	vadd.s32 v11, v14;
	v12 =	vld [tilespmem:s22+$0xFFFFFF40];
	_ =	sdelay $0x2  }
0x223: {  	s24 =	sadd.s32 $0x1, s23  }
0x224: {  	v14 =	vmov s24  }
0x225: {  	[tilespmem:v13+s13+$0x0] =	vst.idx.msk $0xffff, v12;
	v12 =	vand.u32 $0x7D, v14  }
0x226: {  	v13 =	vld [tilespmem:s22+$0xFFFFFF50];
	v14 =	vadd.s32 v5, v12;
	_ =	sdelay $0x4  }
0x227: {  	[tilespmem:v14+s13+$0x0] =	vst.idx.msk $0xffff, v13  }
0x228: {  	v14 =	vadd.s32 v9, v12;
	v13 =	vld [tilespmem:s22+$0xFFFFFF60];
	_ =	sdelay $0x4  }
0x229: {  	[tilespmem:v14+s13+$0x0] =	vst.idx.msk $0xffff, v13  }
0x22a: {  	v14 =	vadd.s32 v10, v12;
	v13 =	vld [tilespmem:s22+$0xFFFFFF70];
	_ =	sdelay $0x4  }
0x22b: {  	[tilespmem:v14+s13+$0x0] =	vst.idx.msk $0xffff, v13  }
0x22c: {  	v12 =	vadd.s32 v11, v12;
	v13 =	vld [tilespmem:s22+$0xFFFFFF80];
	_ =	sdelay $0x2  }
0x22d: {  	s26 =	sadd.s32 $0x2, s23  }
0x22e: {  	v14 =	vmov s26  }
0x22f: {  	[tilespmem:v12+s13+$0x0] =	vst.idx.msk $0xffff, v13;
	v12 =	vand.u32 $0x7E, v14  }
0x230: {  	v13 =	vld [tilespmem:s22+$0xFFFFFF90];
	v14 =	vadd.s32 v5, v12;
	_ =	sdelay $0x4  }
0x231: {  	[tilespmem:v14+s13+$0x0] =	vst.idx.msk $0xffff, v13  }
0x232: {  	v14 =	vadd.s32 v9, v12;
	v13 =	vld [tilespmem:s22+$0xFFFFFFA0];
	_ =	sdelay $0x4  }
0x233: {  	[tilespmem:v14+s13+$0x0] =	vst.idx.msk $0xffff, v13  }
0x234: {  	v14 =	vadd.s32 v10, v12;
	v13 =	vld [tilespmem:s22+$0xFFFFFFB0];
	_ =	sdelay $0x4  }
0x235: {  	[tilespmem:v14+s13+$0x0] =	vst.idx.msk $0xffff, v13  }
0x236: {  	v12 =	vadd.s32 v11, v12;
	v13 =	vld [tilespmem:s22+$0xFFFFFFC0];
	_ =	sdelay $0x2  }
0x237: {  	s28 =	sadd.s32 $0x3, s23  }
0x238: {  	v14 =	vmov s28  }
0x239: {  	[tilespmem:v12+s13+$0x0] =	vst.idx.msk $0xffff, v13;
	v12 =	vand.u32 $0x7F, v14  }
0x23a: {  	v13 =	vld [tilespmem:s22+$0xFFFFFFD0];
	v14 =	vadd.s32 v5, v12;
	_ =	sdelay $0x4  }
0x23b: {  	[tilespmem:v14+s13+$0x0] =	vst.idx.msk $0xffff, v13  }
0x23c: {  	v14 =	vadd.s32 v9, v12;
	v13 =	vld [tilespmem:s22+$0xFFFFFFE0];
	_ =	sdelay $0x4  }
0x23d: {  	[tilespmem:v14+s13+$0x0] =	vst.idx.msk $0xffff, v13  }
0x23e: {  	v14 =	vadd.s32 v10, v12;
	v13 =	vld [tilespmem:s22+$0xFFFFFFF0];
	_ =	sdelay $0x4  }
0x23f: {  	[tilespmem:v14+s13+$0x0] =	vst.idx.msk $0xffff, v13  }
0x240: {  	v12 =	vadd.s32 v11, v12;
	v13 =	vld [tilespmem:s22+$0x0];
	_ =	sdelay $0x3  }
0x241: {  	s24 =	rddreg [dreg:$0xc]  }
0x242: {  	s22 =	sadd.s32 s20, s24;
	[tilespmem:v12+s13+$0x0] =	vst.idx.msk $0xffff, v13  }
0x243: {  	[hbm4b:s22+s3] =	stream.linear.scatter [tilespmem:s13], [sflag:$0x6], $0x80, $0x38;
	[tilespmem:$0x1D000] =	vst v63  }
0x244: {  	s28 =	simm.s32 $0x16A88;
	s26 =	sadd.s32 $0x10, s22  }
0x245: {  	[hbm4b:s26+s3] =	stream.linear.scatter [tilespmem:s28], [sflag:$0x6], $0x80, $0x38;
	[tilespmem:$0x1D000] =	vst v63  }
0x246: {  	s26 =	sadd.s32 $0x20, s22;
	s28 =	simm.s32 $0x16B10  }
0x247: {  	[hbm4b:s26+s3] =	stream.linear.scatter [tilespmem:s28], [sflag:$0x6], $0x80, $0x38;
	[tilespmem:$0x1D000] =	vst v63  }
0x248: {  	s26 =	sadd.s32 $0x30, s22;
	s28 =	simm.s32 $0x16B98  }
0x249: {  	[hbm4b:s26+s3] =	stream.linear.scatter [tilespmem:s28], [sflag:$0x6], $0x80, $0x38;
	[tilespmem:$0x1D000] =	vst v63  }
0x24a: {  	s26 =	sadd.s32 $0x40, s22;
	s28 =	simm.s32 $0x16C20  }
0x24b: {  	[hbm4b:s26+s3] =	stream.linear.scatter [tilespmem:s28], [sflag:$0x6], $0x80, $0x38;
	[tilespmem:$0x1D000] =	vst v63  }
0x24c: {  	s26 =	sadd.s32 $0x50, s22;
	s28 =	simm.s32 $0x16CA8  }
0x24d: {  	[hbm4b:s26+s3] =	stream.linear.scatter [tilespmem:s28], [sflag:$0x6], $0x80, $0x38;
	[tilespmem:$0x1D000] =	vst v63  }
0x24e: {  	s24 =	sadd.s32 $0x60, s22;
	s26 =	simm.s32 $0x16D30  }
0x24f: {  	[hbm4b:s24+s3] =	stream.linear.scatter [tilespmem:s26], [sflag:$0x6], $0x80, $0x38;
	[tilespmem:$0x1D000] =	vst v63  }
0x250: {  	s23 =	rddreg [dreg:$0xd];
	s22 =	sadd.s32 $0x70, s22;
	s28 =	simm.s32 $0x16DB8  }
0x251: {  	[hbm4b:s22+s3] =	stream.linear.scatter [tilespmem:s28], [sflag:$0x6], $0x80, $0x38;
	[tilespmem:$0x1D000] =	vst v63  }
0x252: {  	s24 =	simm.s32 $0x16E40;
	s22 =	sadd.s32 s20, s23  }
0x253: {  	[hbm4b:s22+s3] =	stream.linear.scatter [tilespmem:s24], [sflag:$0x6], $0x80, $0x38;
	[tilespmem:$0x1D000] =	vst v63  }
0x254: {  	s28 =	simm.s32 $0x16EC8;
	s26 =	sadd.s32 $0x10, s22  }
0x255: {  	[hbm4b:s26+s3] =	stream.linear.scatter [tilespmem:s28], [sflag:$0x6], $0x80, $0x38;
	[tilespmem:$0x1D000] =	vst v63  }
0x256: {  	s26 =	sadd.s32 $0x20, s22;
	s28 =	simm.s32 $0x16F50  }
0x257: {  	[hbm4b:s26+s3] =	stream.linear.scatter [tilespmem:s28], [sflag:$0x6], $0x80, $0x38;
	[tilespmem:$0x1D000] =	vst v63  }
0x258: {  	s26 =	sadd.s32 $0x30, s22;
	s28 =	simm.s32 $0x16FD8  }
0x259: {  	[hbm4b:s26+s3] =	stream.linear.scatter [tilespmem:s28], [sflag:$0x6], $0x80, $0x38;
	[tilespmem:$0x1D000] =	vst v63  }
0x25a: {  	s26 =	sadd.s32 $0x40, s22;
	s28 =	simm.s32 $0x17060  }
0x25b: {  	[hbm4b:s26+s3] =	stream.linear.scatter [tilespmem:s28], [sflag:$0x6], $0x80, $0x38;
	[tilespmem:$0x1D000] =	vst v63  }
0x25c: {  	s26 =	sadd.s32 $0x50, s22;
	s28 =	simm.s32 $0x170E8  }
0x25d: {  	[hbm4b:s26+s3] =	stream.linear.scatter [tilespmem:s28], [sflag:$0x6], $0x80, $0x38;
	[tilespmem:$0x1D000] =	vst v63  }
0x25e: {  	s24 =	sadd.s32 $0x60, s22;
	s26 =	simm.s32 $0x17170  }
0x25f: {  	[hbm4b:s24+s3] =	stream.linear.scatter [tilespmem:s26], [sflag:$0x6], $0x80, $0x38;
	[tilespmem:$0x1D000] =	vst v63  }
0x260: {  	s23 =	rddreg [dreg:$0xe];
	s22 =	sadd.s32 $0x70, s22;
	s28 =	simm.s32 $0x171F8  }
0x261: {  	[hbm4b:s22+s3] =	stream.linear.scatter [tilespmem:s28], [sflag:$0x6], $0x80, $0x38;
	[tilespmem:$0x1D000] =	vst v63  }
0x262: {  	s24 =	simm.s32 $0x17280;
	s22 =	sadd.s32 s20, s23  }
0x263: {  	[hbm4b:s22+s3] =	stream.linear.scatter [tilespmem:s24], [sflag:$0x6], $0x80, $0x38;
	[tilespmem:$0x1D000] =	vst v63  }
0x264: {  	s28 =	simm.s32 $0x17308;
	s26 =	sadd.s32 $0x10, s22  }
0x265: {  	[hbm4b:s26+s3] =	stream.linear.scatter [tilespmem:s28], [sflag:$0x6], $0x80, $0x38;
	[tilespmem:$0x1D000] =	vst v63  }
0x266: {  	s26 =	sadd.s32 $0x20, s22;
	s28 =	simm.s32 $0x17390  }
0x267: {  	[hbm4b:s26+s3] =	stream.linear.scatter [tilespmem:s28], [sflag:$0x6], $0x80, $0x38;
	[tilespmem:$0x1D000] =	vst v63  }
0x268: {  	s26 =	sadd.s32 $0x30, s22;
	s28 =	simm.s32 $0x17418  }
0x269: {  	[hbm4b:s26+s3] =	stream.linear.scatter [tilespmem:s28], [sflag:$0x6], $0x80, $0x38;
	[tilespmem:$0x1D000] =	vst v63  }
0x26a: {  	s26 =	sadd.s32 $0x40, s22;
	s28 =	simm.s32 $0x174A0  }
0x26b: {  	[hbm4b:s26+s3] =	stream.linear.scatter [tilespmem:s28], [sflag:$0x6], $0x80, $0x38;
	[tilespmem:$0x1D000] =	vst v63  }
0x26c: {  	s26 =	sadd.s32 $0x50, s22;
	s28 =	simm.s32 $0x17528  }
0x26d: {  	[hbm4b:s26+s3] =	stream.linear.scatter [tilespmem:s28], [sflag:$0x6], $0x80, $0x38;
	[tilespmem:$0x1D000] =	vst v63  }
0x26e: {  	s24 =	sadd.s32 $0x60, s22;
	s26 =	simm.s32 $0x175B0  }
0x26f: {  	[hbm4b:s24+s3] =	stream.linear.scatter [tilespmem:s26], [sflag:$0x6], $0x80, $0x38;
	[tilespmem:$0x1D000] =	vst v63  }
0x270: {  	s23 =	rddreg [dreg:$0xf];
	s22 =	sadd.s32 $0x70, s22;
	s28 =	simm.s32 $0x17638  }
0x271: {  	[hbm4b:s22+s3] =	stream.linear.scatter [tilespmem:s28], [sflag:$0x6], $0x80, $0x38;
	[tilespmem:$0x1D000] =	vst v63  }
0x272: {  	s24 =	simm.s32 $0x176C0;
	s22 =	sadd.s32 s20, s23  }
0x273: {  	[hbm4b:s22+s3] =	stream.linear.scatter [tilespmem:s24], [sflag:$0x6], $0x80, $0x38;
	[tilespmem:$0x1D000] =	vst v63  }
0x274: {  	s28 =	simm.s32 $0x17748;
	s26 =	sadd.s32 $0x10, s22  }
0x275: {  	[hbm4b:s26+s3] =	stream.linear.scatter [tilespmem:s28], [sflag:$0x6], $0x80, $0x38;
	[tilespmem:$0x1D000] =	vst v63  }
0x276: {  	s26 =	sadd.s32 $0x20, s22;
	s28 =	simm.s32 $0x177D0  }
0x277: {  	[hbm4b:s26+s3] =	stream.linear.scatter [tilespmem:s28], [sflag:$0x6], $0x80, $0x38;
	[tilespmem:$0x1D000] =	vst v63  }
0x278: {  	s26 =	sadd.s32 $0x30, s22;
	s28 =	simm.s32 $0x17858  }
0x279: {  	[hbm4b:s26+s3] =	stream.linear.scatter [tilespmem:s28], [sflag:$0x6], $0x80, $0x38;
	[tilespmem:$0x1D000] =	vst v63  }
0x27a: {  	s26 =	sadd.s32 $0x40, s22;
	s28 =	simm.s32 $0x178E0  }
0x27b: {  	[hbm4b:s26+s3] =	stream.linear.scatter [tilespmem:s28], [sflag:$0x6], $0x80, $0x38;
	[tilespmem:$0x1D000] =	vst v63  }
0x27c: {  	s26 =	sadd.s32 $0x50, s22;
	s28 =	simm.s32 $0x17968  }
0x27d: {  	[hbm4b:s26+s3] =	stream.linear.scatter [tilespmem:s28], [sflag:$0x6], $0x80, $0x38;
	[tilespmem:$0x1D000] =	vst v63  }
0x27e: {  	s24 =	sadd.s32 $0x60, s22;
	s26 =	simm.s32 $0x179F0  }
0x27f: {  	[hbm4b:s24+s3] =	stream.linear.scatter [tilespmem:s26], [sflag:$0x6], $0x80, $0x38;
	[tilespmem:$0x1D000] =	vst v63  }
0x280: {  	s23 =	rddreg [dreg:$0x10];
	s22 =	sadd.s32 $0x70, s22;
	s28 =	simm.s32 $0x17A78  }
0x281: {  	[hbm4b:s22+s3] =	stream.linear.scatter [tilespmem:s28], [sflag:$0x6], $0x80, $0x38;
	[tilespmem:$0x1D000] =	vst v63  }
0x282: {  	s24 =	simm.s32 $0x17B00;
	s22 =	sadd.s32 s20, s23  }
0x283: {  	[hbm4b:s22+s3] =	stream.linear.scatter [tilespmem:s24], [sflag:$0x6], $0x80, $0x38;
	[tilespmem:$0x1D000] =	vst v63  }
0x284: {  	s28 =	simm.s32 $0x17B88;
	s26 =	sadd.s32 $0x10, s22  }
0x285: {  	[hbm4b:s26+s3] =	stream.linear.scatter [tilespmem:s28], [sflag:$0x6], $0x80, $0x38;
	[tilespmem:$0x1D000] =	vst v63  }
0x286: {  	s26 =	sadd.s32 $0x20, s22;
	s28 =	simm.s32 $0x17C10  }
0x287: {  	[hbm4b:s26+s3] =	stream.linear.scatter [tilespmem:s28], [sflag:$0x6], $0x80, $0x38;
	[tilespmem:$0x1D000] =	vst v63  }
0x288: {  	s26 =	sadd.s32 $0x30, s22;
	s28 =	simm.s32 $0x17C98  }
0x289: {  	[hbm4b:s26+s3] =	stream.linear.scatter [tilespmem:s28], [sflag:$0x6], $0x80, $0x38;
	[tilespmem:$0x1D000] =	vst v63  }
0x28a: {  	s26 =	sadd.s32 $0x40, s22;
	s28 =	simm.s32 $0x17D20  }
0x28b: {  	[hbm4b:s26+s3] =	stream.linear.scatter [tilespmem:s28], [sflag:$0x6], $0x80, $0x38;
	[tilespmem:$0x1D000] =	vst v63  }
0x28c: {  	s26 =	sadd.s32 $0x50, s22;
	s28 =	simm.s32 $0x17DA8  }
0x28d: {  	[hbm4b:s26+s3] =	stream.linear.scatter [tilespmem:s28], [sflag:$0x6], $0x80, $0x38;
	[tilespmem:$0x1D000] =	vst v63  }
0x28e: {  	s24 =	sadd.s32 $0x60, s22;
	s26 =	simm.s32 $0x17E30  }
0x28f: {  	[hbm4b:s24+s3] =	stream.linear.scatter [tilespmem:s26], [sflag:$0x6], $0x80, $0x38;
	[tilespmem:$0x1D000] =	vst v63  }
0x290: {  	s23 =	rddreg [dreg:$0x11];
	s22 =	sadd.s32 $0x70, s22;
	s28 =	simm.s32 $0x17EB8  }
0x291: {  	[hbm4b:s22+s3] =	stream.linear.scatter [tilespmem:s28], [sflag:$0x6], $0x80, $0x38;
	[tilespmem:$0x1D000] =	vst v63  }
0x292: {  	s24 =	simm.s32 $0x17F40;
	s22 =	sadd.s32 s20, s23  }
0x293: {  	[hbm4b:s22+s3] =	stream.linear.scatter [tilespmem:s24], [sflag:$0x6], $0x80, $0x38;
	[tilespmem:$0x1D000] =	vst v63  }
0x294: {  	s28 =	simm.s32 $0x17FC8;
	s26 =	sadd.s32 $0x10, s22  }
0x295: {  	[hbm4b:s26+s3] =	stream.linear.scatter [tilespmem:s28], [sflag:$0x6], $0x80, $0x38;
	[tilespmem:$0x1D000] =	vst v63  }
0x296: {  	s26 =	sadd.s32 $0x20, s22;
	s28 =	simm.s32 $0x18050  }
0x297: {  	[hbm4b:s26+s3] =	stream.linear.scatter [tilespmem:s28], [sflag:$0x6], $0x80, $0x38;
	[tilespmem:$0x1D000] =	vst v63  }
0x298: {  	s26 =	sadd.s32 $0x30, s22;
	s28 =	simm.s32 $0x180D8  }
0x299: {  	[hbm4b:s26+s3] =	stream.linear.scatter [tilespmem:s28], [sflag:$0x6], $0x80, $0x38;
	[tilespmem:$0x1D000] =	vst v63  }
0x29a: {  	s26 =	sadd.s32 $0x40, s22;
	s28 =	simm.s32 $0x18160  }
0x29b: {  	[hbm4b:s26+s3] =	stream.linear.scatter [tilespmem:s28], [sflag:$0x6], $0x80, $0x38;
	[tilespmem:$0x1D000] =	vst v63  }
0x29c: {  	s26 =	sadd.s32 $0x50, s22;
	s28 =	simm.s32 $0x181E8  }
0x29d: {  	[hbm4b:s26+s3] =	stream.linear.scatter [tilespmem:s28], [sflag:$0x6], $0x80, $0x38;
	[tilespmem:$0x1D000] =	vst v63  }
0x29e: {  	s24 =	sadd.s32 $0x60, s22;
	s26 =	simm.s32 $0x18270  }
0x29f: {  	[hbm4b:s24+s3] =	stream.linear.scatter [tilespmem:s26], [sflag:$0x6], $0x80, $0x38;
	[tilespmem:$0x1D000] =	vst v63  }
0x2a0: {  	s23 =	rddreg [dreg:$0x12];
	s22 =	sadd.s32 $0x70, s22;
	s28 =	simm.s32 $0x182F8  }
0x2a1: {  	[hbm4b:s22+s3] =	stream.linear.scatter [tilespmem:s28], [sflag:$0x6], $0x80, $0x38;
	[tilespmem:$0x1D000] =	vst v63  }
0x2a2: {  	s24 =	simm.s32 $0x18380;
	s22 =	sadd.s32 s20, s23  }
0x2a3: {  	[hbm4b:s22+s3] =	stream.linear.scatter [tilespmem:s24], [sflag:$0x6], $0x80, $0x38;
	[tilespmem:$0x1D000] =	vst v63  }
0x2a4: {  	s28 =	simm.s32 $0x18408;
	s26 =	sadd.s32 $0x10, s22  }
0x2a5: {  	[hbm4b:s26+s3] =	stream.linear.scatter [tilespmem:s28], [sflag:$0x6], $0x80, $0x38;
	[tilespmem:$0x1D000] =	vst v63  }
0x2a6: {  	s26 =	sadd.s32 $0x20, s22;
	s28 =	simm.s32 $0x18490  }
0x2a7: {  	[hbm4b:s26+s3] =	stream.linear.scatter [tilespmem:s28], [sflag:$0x6], $0x80, $0x38;
	[tilespmem:$0x1D000] =	vst v63  }
0x2a8: {  	s26 =	sadd.s32 $0x30, s22;
	s28 =	simm.s32 $0x18518  }
0x2a9: {  	[hbm4b:s26+s3] =	stream.linear.scatter [tilespmem:s28], [sflag:$0x6], $0x80, $0x38;
	[tilespmem:$0x1D000] =	vst v63  }
0x2aa: {  	s26 =	sadd.s32 $0x40, s22;
	s28 =	simm.s32 $0x185A0  }
0x2ab: {  	[hbm4b:s26+s3] =	stream.linear.scatter [tilespmem:s28], [sflag:$0x6], $0x80, $0x38;
	[tilespmem:$0x1D000] =	vst v63  }
0x2ac: {  	s26 =	sadd.s32 $0x50, s22;
	s28 =	simm.s32 $0x18628  }
0x2ad: {  	[hbm4b:s26+s3] =	stream.linear.scatter [tilespmem:s28], [sflag:$0x6], $0x80, $0x38;
	[tilespmem:$0x1D000] =	vst v63  }
0x2ae: {  	s24 =	sadd.s32 $0x60, s22;
	s26 =	simm.s32 $0x186B0  }
0x2af: {  	[hbm4b:s24+s3] =	stream.linear.scatter [tilespmem:s26], [sflag:$0x6], $0x80, $0x38;
	[tilespmem:$0x1D000] =	vst v63  }
0x2b0: {  	s23 =	rddreg [dreg:$0x13];
	s22 =	sadd.s32 $0x70, s22;
	s28 =	simm.s32 $0x18738  }
0x2b1: {  	[hbm4b:s22+s3] =	stream.linear.scatter [tilespmem:s28], [sflag:$0x6], $0x80, $0x38;
	[tilespmem:$0x1D000] =	vst v63  }
0x2b2: {  	s24 =	simm.s32 $0x187C0;
	s22 =	sadd.s32 s20, s23  }
0x2b3: {  	[hbm4b:s22+s3] =	stream.linear.scatter [tilespmem:s24], [sflag:$0x6], $0x80, $0x38;
	[tilespmem:$0x1D000] =	vst v63  }
0x2b4: {  	s28 =	simm.s32 $0x18848;
	s26 =	sadd.s32 $0x10, s22  }
0x2b5: {  	[hbm4b:s26+s3] =	stream.linear.scatter [tilespmem:s28], [sflag:$0x6], $0x80, $0x38;
	[tilespmem:$0x1D000] =	vst v63  }
0x2b6: {  	s26 =	sadd.s32 $0x20, s22;
	s28 =	simm.s32 $0x188D0  }
0x2b7: {  	[hbm4b:s26+s3] =	stream.linear.scatter [tilespmem:s28], [sflag:$0x6], $0x80, $0x38;
	[tilespmem:$0x1D000] =	vst v63  }
0x2b8: {  	s26 =	sadd.s32 $0x30, s22;
	s28 =	simm.s32 $0x18958  }
0x2b9: {  	[hbm4b:s26+s3] =	stream.linear.scatter [tilespmem:s28], [sflag:$0x6], $0x80, $0x38;
	[tilespmem:$0x1D000] =	vst v63  }
0x2ba: {  	s26 =	sadd.s32 $0x40, s22;
	s28 =	simm.s32 $0x189E0  }
0x2bb: {  	[hbm4b:s26+s3] =	stream.linear.scatter [tilespmem:s28], [sflag:$0x6], $0x80, $0x38;
	[tilespmem:$0x1D000] =	vst v63  }
0x2bc: {  	s26 =	sadd.s32 $0x50, s22;
	s28 =	simm.s32 $0x18A68  }
0x2bd: {  	[hbm4b:s26+s3] =	stream.linear.scatter [tilespmem:s28], [sflag:$0x6], $0x80, $0x38;
	[tilespmem:$0x1D000] =	vst v63  }
0x2be: {  	s24 =	sadd.s32 $0x60, s22;
	s26 =	simm.s32 $0x18AF0  }
0x2bf: {  	[hbm4b:s24+s3] =	stream.linear.scatter [tilespmem:s26], [sflag:$0x6], $0x80, $0x38;
	[tilespmem:$0x1D000] =	vst v63  }
0x2c0: {  	s22 =	sadd.s32 $0x70, s22;
	s28 =	simm.s32 $0x18B78  }
0x2c1: {  	[hbm4b:s22+s3] =	stream.linear.scatter [tilespmem:s28], [sflag:$0x6], $0x80, $0x38;
	[tilespmem:$0x1D000] =	vst v63  }
0x2c2: {  	s22 =	simm.s32 @!p0 $0x8  }
0x2c3: {  	_ =	swait.ge @!p0 [sflag:s22], $0x400  }
0x2c4: {  	[sflag:s22] =	ssyncset.done @!p0 $0x0  }
0x2c5: {  	[sflag:s22] =	ssyncadd.s32 @!p0 $0xFFFFFC00  }
0x2c6: {  	_ =	swait.ge @!p0 [sflag:s22], $0x400  }
0x2c7: {  	[sflag:s22] =	ssyncset.done @!p0 $0x0  }
0x2c8: {  	[sflag:s22] =	ssyncadd.s32 @!p0 $0xFFFFFC00  }
0x2c9: {  	_ =	swait.ge @!p0 [sflag:s22], $0x400  }
0x2ca: {  	[sflag:s22] =	ssyncset.done @!p0 $0x0  }
0x2cb: {  	[sflag:s22] =	ssyncadd.s32 @!p0 $0xFFFFFC00  }
0x2cc: {  	_ =	swait.ge @!p0 [sflag:s22], $0x400  }
0x2cd: {  	[sflag:s22] =	ssyncset.done @!p0 $0x0  }
0x2ce: {  	[sflag:s22] =	ssyncadd.s32 @!p0 $0xFFFFFC00  }
0x2cf: {  	_ =	swait.ge @!p0 [sflag:s22], $0x400  }
0x2d0: {  	[sflag:s22] =	ssyncset.done @!p0 $0x0  }
0x2d1: {  	[sflag:s22] =	ssyncadd.s32 @!p0 $0xFFFFFC00  }
0x2d2: {  	_ =	swait.ge @!p0 [sflag:s22], $0x400  }
0x2d3: {  	[sflag:s22] =	ssyncset.done @!p0 $0x0  }
0x2d4: {  	[sflag:s22] =	ssyncadd.s32 @!p0 $0xFFFFFC00  }
0x2d5: {  	_ =	swait.ge @!p0 [sflag:s22], $0x400  }
0x2d6: {  	[sflag:s22] =	ssyncset.done @!p0 $0x0  }
0x2d7: {  	[sflag:s22] =	ssyncadd.s32 @!p0 $0xFFFFFC00  }
0x2d8: {  	_ =	swait.ge @!p0 [sflag:s22], $0x400  }
0x2d9: {  	[sflag:s22] =	ssyncset.done @!p0 $0x0  }
0x2da: {  	[sflag:s22] =	ssyncadd.s32 @!p0 $0xFFFFFC00;
	s22 =	sshrl.u32 @p1 s21, $0x2  }
0x2db: {  	s23 =	simm.s32 @p1 $0xE800;
	s22 =	sadd.s32 @p1 $0x6680, s22  }
0x2dc: {  	[tilespmem:s23], [sflag:$0x2] =	stream.indirect.gather @p1 [hbm4b:s4+s9], $0x40, s22, s9, $0xb8;
	[tilespmem:$0x1D000] =	vst v63  }
0x2dd: {  	s22 =	simm.s32 $0x3  }
0x2de: {  	s24 =	simm.s32 $0x0;
	_ =	swait.ge [sflag:s22], $0x2000  }
0x2df: {  	v12 =	vmov s24;
	[sflag:s22] =	ssyncset.done $0x0  }
0x2e0: {  	s24 =	simm.s32 $0x0;
	v12 =	vand.u32 $0x7C, v12;
	[sflag:s22] =	ssyncadd.s32 $0xFFFFE000  }
0x2e1: {  	v14 =	vadd.s32 v5, v12;
	v13 =	vld [tilespmem:s24+$0x10800];
	_ =	sdelay $0x4  }
0x2e2: {  	[tilespmem:v14+s14+$0x0] =	vst.idx.msk $0xffff, v13  }
0x2e3: {  	v14 =	vadd.s32 v9, v12;
	v13 =	vld [tilespmem:s24+$0x10810];
	_ =	sdelay $0x4  }
0x2e4: {  	[tilespmem:v14+s14+$0x0] =	vst.idx.msk $0xffff, v13  }
0x2e5: {  	v14 =	vadd.s32 v10, v12;
	v13 =	vld [tilespmem:s24+$0x10820];
	_ =	sdelay $0x4  }
0x2e6: {  	[tilespmem:v14+s14+$0x0] =	vst.idx.msk $0xffff, v13  }
0x2e7: {  	v12 =	vadd.s32 v11, v12;
	v13 =	vld [tilespmem:s24+$0x10830];
	_ =	sdelay $0x2  }
0x2e8: {  	s26 =	simm.s32 $0x1  }
0x2e9: {  	v14 =	vmov s26  }
0x2ea: {  	[tilespmem:v12+s14+$0x0] =	vst.idx.msk $0xffff, v13;
	v12 =	vand.u32 $0x7D, v14  }
0x2eb: {  	v13 =	vld [tilespmem:s24+$0x10840];
	v14 =	vadd.s32 v5, v12;
	_ =	sdelay $0x4  }
0x2ec: {  	[tilespmem:v14+s14+$0x0] =	vst.idx.msk $0xffff, v13  }
0x2ed: {  	v14 =	vadd.s32 v9, v12;
	v13 =	vld [tilespmem:s24+$0x10850];
	_ =	sdelay $0x4  }
0x2ee: {  	[tilespmem:v14+s14+$0x0] =	vst.idx.msk $0xffff, v13  }
0x2ef: {  	v14 =	vadd.s32 v10, v12;
	v13 =	vld [tilespmem:s24+$0x10860];
	_ =	sdelay $0x4  }
0x2f0: {  	[tilespmem:v14+s14+$0x0] =	vst.idx.msk $0xffff, v13  }
0x2f1: {  	v12 =	vadd.s32 v11, v12;
	v13 =	vld [tilespmem:s24+$0x10870];
	_ =	sdelay $0x2  }
0x2f2: {  	s28 =	simm.s32 $0x2  }
0x2f3: {  	v14 =	vmov s28  }
0x2f4: {  	[tilespmem:v12+s14+$0x0] =	vst.idx.msk $0xffff, v13;
	v12 =	vand.u32 $0x7E, v14  }
0x2f5: {  	v13 =	vld [tilespmem:s24+$0x10880];
	v14 =	vadd.s32 v5, v12;
	_ =	sdelay $0x4  }
0x2f6: {  	[tilespmem:v14+s14+$0x0] =	vst.idx.msk $0xffff, v13  }
0x2f7: {  	v14 =	vadd.s32 v9, v12;
	v13 =	vld [tilespmem:s24+$0x10890];
	_ =	sdelay $0x4  }
0x2f8: {  	[tilespmem:v14+s14+$0x0] =	vst.idx.msk $0xffff, v13  }
0x2f9: {  	v14 =	vadd.s32 v10, v12;
	v13 =	vld [tilespmem:s24+$0x108A0];
	_ =	sdelay $0x4  }
0x2fa: {  	[tilespmem:v14+s14+$0x0] =	vst.idx.msk $0xffff, v13  }
0x2fb: {  	v12 =	vadd.s32 v11, v12;
	v13 =	vld [tilespmem:s24+$0x108B0];
	_ =	sdelay $0x3  }
0x2fc: {  	v14 =	vmov s22  }
0x2fd: {  	[tilespmem:v12+s14+$0x0] =	vst.idx.msk $0xffff, v13;
	v13 =	vand.u32 $0x7F, v14  }
0x2fe: {  	v12 =	vld [tilespmem:s24+$0x108C0];
	v14 =	vadd.s32 v5, v13;
	_ =	sdelay $0x4  }
0x2ff: {  	[tilespmem:v14+s14+$0x0] =	vst.idx.msk $0xffff, v12  }
0x300: {  	v14 =	vadd.s32 v9, v13;
	v12 =	vld [tilespmem:s24+$0x108D0];
	_ =	sdelay $0x4  }
0x301: {  	[tilespmem:v14+s14+$0x0] =	vst.idx.msk $0xffff, v12  }
0x302: {  	v14 =	vadd.s32 v10, v13;
	v12 =	vld [tilespmem:s24+$0x108E0];
	_ =	sdelay $0x4  }
0x303: {  	[tilespmem:v14+s14+$0x0] =	vst.idx.msk $0xffff, v12  }
0x304: {  	v13 =	vadd.s32 v11, v13;
	v12 =	vld [tilespmem:s24+$0x108F0];
	_ =	sdelay $0x1  }
0x305: {  	s23 =	simm.s32 $0x400  }
0x306: {  	s26 =	simm.s32 $0x4;
	s22 =	simm.s32 $0x7;
	s24 =	simm.s32 $0x800  }
.LBB2_9:
0x307: {  	p0 =	sne.s32 s24, $0x7C00;
	v14 =	vmov s26  }
0x308: {  	s26 =	sshra.s32 s23, $0x2;
	s23 =	smov.u32 s24;
	v14 =	vand.u32 $0x7C, v14;
	[tilespmem:v13+s14+$0x0] =	vst.idx.msk $0xffff, v12  }
0x309: {  	v12 =	vld [tilespmem:s26+$0x10800];
	v13 =	vadd.s32 v5, v14;
	_ =	sdelay $0x4  }
0x30a: {  	[tilespmem:v13+s14+$0x0] =	vst.idx.msk $0xffff, v12  }
0x30b: {  	v13 =	vadd.s32 v9, v14;
	v12 =	vld [tilespmem:s26+$0x10810];
	_ =	sdelay $0x4  }
0x30c: {  	[tilespmem:v13+s14+$0x0] =	vst.idx.msk $0xffff, v12  }
0x30d: {  	v13 =	vadd.s32 v10, v14;
	v12 =	vld [tilespmem:s26+$0x10820];
	_ =	sdelay $0x4  }
0x30e: {  	[tilespmem:v13+s14+$0x0] =	vst.idx.msk $0xffff, v12  }
0x30f: {  	v13 =	vadd.s32 v11, v14;
	v12 =	vld [tilespmem:s26+$0x10830];
	_ =	sdelay $0x2  }
0x310: {  	s28 =	sadd.s32 $0xFFFFFFFE, s22  }
0x311: {  	v14 =	vmov s28  }
0x312: {  	[tilespmem:v13+s14+$0x0] =	vst.idx.msk $0xffff, v12;
	v12 =	vand.u32 $0x7D, v14  }
0x313: {  	v13 =	vld [tilespmem:s26+$0x10840];
	v14 =	vadd.s32 v5, v12;
	_ =	sdelay $0x4  }
0x314: {  	[tilespmem:v14+s14+$0x0] =	vst.idx.msk $0xffff, v13  }
0x315: {  	v14 =	vadd.s32 v9, v12;
	v13 =	vld [tilespmem:s26+$0x10850];
	_ =	sdelay $0x4  }
0x316: {  	[tilespmem:v14+s14+$0x0] =	vst.idx.msk $0xffff, v13  }
0x317: {  	v14 =	vadd.s32 v10, v12;
	v13 =	vld [tilespmem:s26+$0x10860];
	_ =	sdelay $0x4  }
0x318: {  	[tilespmem:v14+s14+$0x0] =	vst.idx.msk $0xffff, v13  }
0x319: {  	v12 =	vadd.s32 v11, v12;
	v13 =	vld [tilespmem:s26+$0x10870];
	_ =	sdelay $0x2  }
0x31a: {  	s28 =	sadd.s32 $0xFFFFFFFF, s22  }
0x31b: {  	v14 =	vmov s28  }
0x31c: {  	[tilespmem:v12+s14+$0x0] =	vst.idx.msk $0xffff, v13;
	v12 =	vand.u32 $0x7E, v14  }
0x31d: {  	v13 =	vld [tilespmem:s26+$0x10880];
	v14 =	vadd.s32 v5, v12;
	_ =	sdelay $0x4  }
0x31e: {  	[tilespmem:v14+s14+$0x0] =	vst.idx.msk $0xffff, v13  }
0x31f: {  	v14 =	vadd.s32 v9, v12;
	v13 =	vld [tilespmem:s26+$0x10890];
	_ =	sdelay $0x4  }
0x320: {  	[tilespmem:v14+s14+$0x0] =	vst.idx.msk $0xffff, v13  }
0x321: {  	v14 =	vadd.s32 v10, v12;
	v13 =	vld [tilespmem:s26+$0x108A0];
	_ =	sdelay $0x4  }
0x322: {  	[tilespmem:v14+s14+$0x0] =	vst.idx.msk $0xffff, v13  }
0x323: {  	v12 =	vadd.s32 v11, v12;
	v13 =	vld [tilespmem:s26+$0x108B0];
	_ =	sdelay $0x3  }
0x324: {  	v14 =	vmov s22  }
0x325: {  	[tilespmem:v12+s14+$0x0] =	vst.idx.msk $0xffff, v13;
	v13 =	vand.u32 $0x7F, v14  }
0x326: {  	v12 =	vld [tilespmem:s26+$0x108C0];
	v14 =	vadd.s32 v5, v13;
	_ =	sdelay $0x4  }
0x327: {  	[tilespmem:v14+s14+$0x0] =	vst.idx.msk $0xffff, v12  }
0x328: {  	v14 =	vadd.s32 v9, v13;
	v12 =	vld [tilespmem:s26+$0x108D0];
	_ =	sdelay $0x4  }
0x329: {  	[tilespmem:v14+s14+$0x0] =	vst.idx.msk $0xffff, v12  }
0x32a: {  	v14 =	vadd.s32 v10, v13;
	v12 =	vld [tilespmem:s26+$0x108E0];
	_ =	sdelay $0x4  }
.Ltmp5:
0x32b: {  	[tilespmem:v14+s14+$0x0] =	vst.idx.msk $0xffff, v12;
	(pc) =	sbr.rel @p0 .LBB2_9-.Ltmp5, $3  }
0x32c: {  	v13 =	vadd.s32 v11, v13;
	v12 =	vld [tilespmem:s26+$0x108F0];
	_ =	sdelay $0x1  }
0x32d: {  	s22 =	sadd.s32 $0x4, s22  }
0x32e: {  	s24 =	sadd.s32 $0x400, s24;
	s26 =	sadd.s32 $0xFFFFFFFD, s22  }
0x32f: {  	_ =	sdelay $0x2  }
0x330: {  	v14 =	vmov s26  }
0x331: {  	s23 =	sshra.s32 s23, $0x2;
	v14 =	vand.u32 $0x7C, v14;
	[tilespmem:v13+s14+$0x0] =	vst.idx.msk $0xffff, v12  }
0x332: {  	v12 =	vld [tilespmem:s23+$0x10800];
	v13 =	vadd.s32 v5, v14;
	_ =	sdelay $0x4  }
0x333: {  	[tilespmem:v13+s14+$0x0] =	vst.idx.msk $0xffff, v12  }
0x334: {  	v13 =	vadd.s32 v9, v14;
	v12 =	vld [tilespmem:s23+$0x10810];
	_ =	sdelay $0x4  }
0x335: {  	[tilespmem:v13+s14+$0x0] =	vst.idx.msk $0xffff, v12  }
0x336: {  	v13 =	vadd.s32 v10, v14;
	v12 =	vld [tilespmem:s23+$0x10820];
	_ =	sdelay $0x4  }
0x337: {  	[tilespmem:v13+s14+$0x0] =	vst.idx.msk $0xffff, v12  }
0x338: {  	v13 =	vadd.s32 v11, v14;
	v12 =	vld [tilespmem:s23+$0x10830];
	_ =	sdelay $0x2  }
0x339: {  	s24 =	sadd.s32 $0xFFFFFFFE, s22  }
0x33a: {  	v14 =	vmov s24  }
0x33b: {  	[tilespmem:v13+s14+$0x0] =	vst.idx.msk $0xffff, v12;
	v12 =	vand.u32 $0x7D, v14  }
0x33c: {  	v13 =	vld [tilespmem:s23+$0x10840];
	v14 =	vadd.s32 v5, v12;
	_ =	sdelay $0x4  }
0x33d: {  	[tilespmem:v14+s14+$0x0] =	vst.idx.msk $0xffff, v13  }
0x33e: {  	v14 =	vadd.s32 v9, v12;
	v13 =	vld [tilespmem:s23+$0x10850];
	_ =	sdelay $0x4  }
0x33f: {  	[tilespmem:v14+s14+$0x0] =	vst.idx.msk $0xffff, v13  }
0x340: {  	v14 =	vadd.s32 v10, v12;
	v13 =	vld [tilespmem:s23+$0x10860];
	_ =	sdelay $0x4  }
0x341: {  	[tilespmem:v14+s14+$0x0] =	vst.idx.msk $0xffff, v13  }
0x342: {  	v12 =	vadd.s32 v11, v12;
	v13 =	vld [tilespmem:s23+$0x10870];
	_ =	sdelay $0x2  }
0x343: {  	s28 =	sadd.s32 $0xFFFFFFFF, s22  }
0x344: {  	v14 =	vmov s28  }
0x345: {  	[tilespmem:v12+s14+$0x0] =	vst.idx.msk $0xffff, v13;
	v12 =	vand.u32 $0x7E, v14  }
0x346: {  	v13 =	vld [tilespmem:s23+$0x10880];
	v14 =	vadd.s32 v5, v12;
	_ =	sdelay $0x4  }
0x347: {  	[tilespmem:v14+s14+$0x0] =	vst.idx.msk $0xffff, v13  }
0x348: {  	v14 =	vadd.s32 v9, v12;
	v13 =	vld [tilespmem:s23+$0x10890];
	_ =	sdelay $0x4  }
0x349: {  	[tilespmem:v14+s14+$0x0] =	vst.idx.msk $0xffff, v13  }
0x34a: {  	v14 =	vadd.s32 v10, v12;
	v13 =	vld [tilespmem:s23+$0x108A0];
	_ =	sdelay $0x4  }
0x34b: {  	[tilespmem:v14+s14+$0x0] =	vst.idx.msk $0xffff, v13  }
0x34c: {  	v12 =	vadd.s32 v11, v12;
	v13 =	vld [tilespmem:s23+$0x108B0];
	_ =	sdelay $0x3  }
0x34d: {  	v14 =	vmov s22  }
0x34e: {  	[tilespmem:v12+s14+$0x0] =	vst.idx.msk $0xffff, v13;
	v12 =	vand.u32 $0x7F, v14  }
0x34f: {  	v13 =	vld [tilespmem:s23+$0x108C0];
	v14 =	vadd.s32 v5, v12;
	_ =	sdelay $0x4  }
0x350: {  	[tilespmem:v14+s14+$0x0] =	vst.idx.msk $0xffff, v13  }
0x351: {  	v14 =	vadd.s32 v9, v12;
	v13 =	vld [tilespmem:s23+$0x108D0];
	_ =	sdelay $0x4  }
0x352: {  	[tilespmem:v14+s14+$0x0] =	vst.idx.msk $0xffff, v13  }
0x353: {  	v14 =	vadd.s32 v10, v12;
	v13 =	vld [tilespmem:s23+$0x108E0];
	_ =	sdelay $0x4  }
0x354: {  	[tilespmem:v14+s14+$0x0] =	vst.idx.msk $0xffff, v13  }
0x355: {  	v12 =	vadd.s32 v11, v12;
	v13 =	vld [tilespmem:s23+$0x108F0];
	_ =	sdelay $0x3  }
0x356: {  	s24 =	rddreg [dreg:$0x14]  }
0x357: {  	s22 =	sadd.s32 s20, s24;
	[tilespmem:v12+s14+$0x0] =	vst.idx.msk $0xffff, v13  }
0x358: {  	[hbm4b:s22+s3] =	stream.linear.scatter [tilespmem:s14], [sflag:$0x7], $0x80, $0x38;
	[tilespmem:$0x1D000] =	vst v63  }
0x359: {  	s28 =	simm.s32 $0x18C88;
	s26 =	sadd.s32 $0x10, s22  }
0x35a: {  	[hbm4b:s26+s3] =	stream.linear.scatter [tilespmem:s28], [sflag:$0x7], $0x80, $0x38;
	[tilespmem:$0x1D000] =	vst v63  }
0x35b: {  	s26 =	sadd.s32 $0x20, s22;
	s28 =	simm.s32 $0x18D10  }
0x35c: {  	[hbm4b:s26+s3] =	stream.linear.scatter [tilespmem:s28], [sflag:$0x7], $0x80, $0x38;
	[tilespmem:$0x1D000] =	vst v63  }
0x35d: {  	s26 =	sadd.s32 $0x30, s22;
	s28 =	simm.s32 $0x18D98  }
0x35e: {  	[hbm4b:s26+s3] =	stream.linear.scatter [tilespmem:s28], [sflag:$0x7], $0x80, $0x38;
	[tilespmem:$0x1D000] =	vst v63  }
0x35f: {  	s26 =	sadd.s32 $0x40, s22;
	s28 =	simm.s32 $0x18E20  }
0x360: {  	[hbm4b:s26+s3] =	stream.linear.scatter [tilespmem:s28], [sflag:$0x7], $0x80, $0x38;
	[tilespmem:$0x1D000] =	vst v63  }
0x361: {  	s26 =	sadd.s32 $0x50, s22;
	s28 =	simm.s32 $0x18EA8  }
0x362: {  	[hbm4b:s26+s3] =	stream.linear.scatter [tilespmem:s28], [sflag:$0x7], $0x80, $0x38;
	[tilespmem:$0x1D000] =	vst v63  }
0x363: {  	s24 =	sadd.s32 $0x60, s22;
	s26 =	simm.s32 $0x18F30  }
0x364: {  	[hbm4b:s24+s3] =	stream.linear.scatter [tilespmem:s26], [sflag:$0x7], $0x80, $0x38;
	[tilespmem:$0x1D000] =	vst v63  }
0x365: {  	s23 =	rddreg [dreg:$0x15];
	s22 =	sadd.s32 $0x70, s22;
	s28 =	simm.s32 $0x18FB8  }
0x366: {  	[hbm4b:s22+s3] =	stream.linear.scatter [tilespmem:s28], [sflag:$0x7], $0x80, $0x38;
	[tilespmem:$0x1D000] =	vst v63  }
0x367: {  	s24 =	simm.s32 $0x19040;
	s22 =	sadd.s32 s20, s23  }
0x368: {  	[hbm4b:s22+s3] =	stream.linear.scatter [tilespmem:s24], [sflag:$0x7], $0x80, $0x38;
	[tilespmem:$0x1D000] =	vst v63  }
0x369: {  	s28 =	simm.s32 $0x190C8;
	s26 =	sadd.s32 $0x10, s22  }
0x36a: {  	[hbm4b:s26+s3] =	stream.linear.scatter [tilespmem:s28], [sflag:$0x7], $0x80, $0x38;
	[tilespmem:$0x1D000] =	vst v63  }
0x36b: {  	s26 =	sadd.s32 $0x20, s22;
	s28 =	simm.s32 $0x19150  }
0x36c: {  	[hbm4b:s26+s3] =	stream.linear.scatter [tilespmem:s28], [sflag:$0x7], $0x80, $0x38;
	[tilespmem:$0x1D000] =	vst v63  }
0x36d: {  	s26 =	sadd.s32 $0x30, s22;
	s28 =	simm.s32 $0x191D8  }
0x36e: {  	[hbm4b:s26+s3] =	stream.linear.scatter [tilespmem:s28], [sflag:$0x7], $0x80, $0x38;
	[tilespmem:$0x1D000] =	vst v63  }
0x36f: {  	s26 =	sadd.s32 $0x40, s22;
	s28 =	simm.s32 $0x19260  }
0x370: {  	[hbm4b:s26+s3] =	stream.linear.scatter [tilespmem:s28], [sflag:$0x7], $0x80, $0x38;
	[tilespmem:$0x1D000] =	vst v63  }
0x371: {  	s26 =	sadd.s32 $0x50, s22;
	s28 =	simm.s32 $0x192E8  }
0x372: {  	[hbm4b:s26+s3] =	stream.linear.scatter [tilespmem:s28], [sflag:$0x7], $0x80, $0x38;
	[tilespmem:$0x1D000] =	vst v63  }
0x373: {  	s24 =	sadd.s32 $0x60, s22;
	s26 =	simm.s32 $0x19370  }
0x374: {  	[hbm4b:s24+s3] =	stream.linear.scatter [tilespmem:s26], [sflag:$0x7], $0x80, $0x38;
	[tilespmem:$0x1D000] =	vst v63  }
0x375: {  	s23 =	rddreg [dreg:$0x16];
	s22 =	sadd.s32 $0x70, s22;
	s28 =	simm.s32 $0x193F8  }
0x376: {  	[hbm4b:s22+s3] =	stream.linear.scatter [tilespmem:s28], [sflag:$0x7], $0x80, $0x38;
	[tilespmem:$0x1D000] =	vst v63  }
0x377: {  	s24 =	simm.s32 $0x19480;
	s22 =	sadd.s32 s20, s23  }
0x378: {  	[hbm4b:s22+s3] =	stream.linear.scatter [tilespmem:s24], [sflag:$0x7], $0x80, $0x38;
	[tilespmem:$0x1D000] =	vst v63  }
0x379: {  	s28 =	simm.s32 $0x19508;
	s26 =	sadd.s32 $0x10, s22  }
0x37a: {  	[hbm4b:s26+s3] =	stream.linear.scatter [tilespmem:s28], [sflag:$0x7], $0x80, $0x38;
	[tilespmem:$0x1D000] =	vst v63  }
0x37b: {  	s26 =	sadd.s32 $0x20, s22;
	s28 =	simm.s32 $0x19590  }
0x37c: {  	[hbm4b:s26+s3] =	stream.linear.scatter [tilespmem:s28], [sflag:$0x7], $0x80, $0x38;
	[tilespmem:$0x1D000] =	vst v63  }
0x37d: {  	s26 =	sadd.s32 $0x30, s22;
	s28 =	simm.s32 $0x19618  }
0x37e: {  	[hbm4b:s26+s3] =	stream.linear.scatter [tilespmem:s28], [sflag:$0x7], $0x80, $0x38;
	[tilespmem:$0x1D000] =	vst v63  }
0x37f: {  	s26 =	sadd.s32 $0x40, s22;
	s28 =	simm.s32 $0x196A0  }
0x380: {  	[hbm4b:s26+s3] =	stream.linear.scatter [tilespmem:s28], [sflag:$0x7], $0x80, $0x38;
	[tilespmem:$0x1D000] =	vst v63  }
0x381: {  	s26 =	sadd.s32 $0x50, s22;
	s28 =	simm.s32 $0x19728  }
0x382: {  	[hbm4b:s26+s3] =	stream.linear.scatter [tilespmem:s28], [sflag:$0x7], $0x80, $0x38;
	[tilespmem:$0x1D000] =	vst v63  }
0x383: {  	s24 =	sadd.s32 $0x60, s22;
	s26 =	simm.s32 $0x197B0  }
0x384: {  	[hbm4b:s24+s3] =	stream.linear.scatter [tilespmem:s26], [sflag:$0x7], $0x80, $0x38;
	[tilespmem:$0x1D000] =	vst v63  }
0x385: {  	s23 =	rddreg [dreg:$0x18];
	s22 =	sadd.s32 $0x70, s22;
	s28 =	simm.s32 $0x19838  }
0x386: {  	[hbm4b:s22+s3] =	stream.linear.scatter [tilespmem:s28], [sflag:$0x7], $0x80, $0x38;
	[tilespmem:$0x1D000] =	vst v63  }
0x387: {  	s24 =	simm.s32 $0x198C0;
	s22 =	sadd.s32 s20, s23  }
0x388: {  	[hbm4b:s22+s3] =	stream.linear.scatter [tilespmem:s24], [sflag:$0x7], $0x80, $0x38;
	[tilespmem:$0x1D000] =	vst v63  }
0x389: {  	s28 =	simm.s32 $0x19948;
	s26 =	sadd.s32 $0x10, s22  }
0x38a: {  	[hbm4b:s26+s3] =	stream.linear.scatter [tilespmem:s28], [sflag:$0x7], $0x80, $0x38;
	[tilespmem:$0x1D000] =	vst v63  }
0x38b: {  	s26 =	sadd.s32 $0x20, s22;
	s28 =	simm.s32 $0x199D0  }
0x38c: {  	[hbm4b:s26+s3] =	stream.linear.scatter [tilespmem:s28], [sflag:$0x7], $0x80, $0x38;
	[tilespmem:$0x1D000] =	vst v63  }
0x38d: {  	s26 =	sadd.s32 $0x30, s22;
	s28 =	simm.s32 $0x19A58  }
0x38e: {  	[hbm4b:s26+s3] =	stream.linear.scatter [tilespmem:s28], [sflag:$0x7], $0x80, $0x38;
	[tilespmem:$0x1D000] =	vst v63  }
0x38f: {  	s26 =	sadd.s32 $0x40, s22;
	s28 =	simm.s32 $0x19AE0  }
0x390: {  	[hbm4b:s26+s3] =	stream.linear.scatter [tilespmem:s28], [sflag:$0x7], $0x80, $0x38;
	[tilespmem:$0x1D000] =	vst v63  }
0x391: {  	s26 =	sadd.s32 $0x50, s22;
	s28 =	simm.s32 $0x19B68  }
0x392: {  	[hbm4b:s26+s3] =	stream.linear.scatter [tilespmem:s28], [sflag:$0x7], $0x80, $0x38;
	[tilespmem:$0x1D000] =	vst v63  }
0x393: {  	s24 =	sadd.s32 $0x60, s22;
	s26 =	simm.s32 $0x19BF0  }
0x394: {  	[hbm4b:s24+s3] =	stream.linear.scatter [tilespmem:s26], [sflag:$0x7], $0x80, $0x38;
	[tilespmem:$0x1D000] =	vst v63  }
0x395: {  	s23 =	rddreg [dreg:$0x19];
	s22 =	sadd.s32 $0x70, s22;
	s28 =	simm.s32 $0x19C78  }
0x396: {  	[hbm4b:s22+s3] =	stream.linear.scatter [tilespmem:s28], [sflag:$0x7], $0x80, $0x38;
	[tilespmem:$0x1D000] =	vst v63  }
0x397: {  	s24 =	simm.s32 $0x19D00;
	s22 =	sadd.s32 s20, s23  }
0x398: {  	[hbm4b:s22+s3] =	stream.linear.scatter [tilespmem:s24], [sflag:$0x7], $0x80, $0x38;
	[tilespmem:$0x1D000] =	vst v63  }
0x399: {  	s28 =	simm.s32 $0x19D88;
	s26 =	sadd.s32 $0x10, s22  }
0x39a: {  	[hbm4b:s26+s3] =	stream.linear.scatter [tilespmem:s28], [sflag:$0x7], $0x80, $0x38;
	[tilespmem:$0x1D000] =	vst v63  }
0x39b: {  	s26 =	sadd.s32 $0x20, s22;
	s28 =	simm.s32 $0x19E10  }
0x39c: {  	[hbm4b:s26+s3] =	stream.linear.scatter [tilespmem:s28], [sflag:$0x7], $0x80, $0x38;
	[tilespmem:$0x1D000] =	vst v63  }
0x39d: {  	s26 =	sadd.s32 $0x30, s22;
	s28 =	simm.s32 $0x19E98  }
0x39e: {  	[hbm4b:s26+s3] =	stream.linear.scatter [tilespmem:s28], [sflag:$0x7], $0x80, $0x38;
	[tilespmem:$0x1D000] =	vst v63  }
0x39f: {  	s26 =	sadd.s32 $0x40, s22;
	s28 =	simm.s32 $0x19F20  }
0x3a0: {  	[hbm4b:s26+s3] =	stream.linear.scatter [tilespmem:s28], [sflag:$0x7], $0x80, $0x38;
	[tilespmem:$0x1D000] =	vst v63  }
0x3a1: {  	s26 =	sadd.s32 $0x50, s22;
	s28 =	simm.s32 $0x19FA8  }
0x3a2: {  	[hbm4b:s26+s3] =	stream.linear.scatter [tilespmem:s28], [sflag:$0x7], $0x80, $0x38;
	[tilespmem:$0x1D000] =	vst v63  }
0x3a3: {  	s24 =	sadd.s32 $0x60, s22;
	s26 =	simm.s32 $0x1A030  }
0x3a4: {  	[hbm4b:s24+s3] =	stream.linear.scatter [tilespmem:s26], [sflag:$0x7], $0x80, $0x38;
	[tilespmem:$0x1D000] =	vst v63  }
0x3a5: {  	s22 =	sadd.s32 $0x70, s22;
	s28 =	simm.s32 $0x1A0B8  }
0x3a6: {  	[hbm4b:s22+s3] =	stream.linear.scatter [tilespmem:s28], [sflag:$0x7], $0x80, $0x38;
	[tilespmem:$0x1D000] =	vst v63  }
0x3a7: {  	s24 =	simm.s32 $0x1A140;
	s22 =	sadd.s32 s20, s29  }
0x3a8: {  	[hbm4b:s22+s3] =	stream.linear.scatter [tilespmem:s24], [sflag:$0x7], $0x80, $0x38;
	[tilespmem:$0x1D000] =	vst v63  }
0x3a9: {  	s28 =	simm.s32 $0x1A1C8;
	s26 =	sadd.s32 $0x10, s22  }
0x3aa: {  	[hbm4b:s26+s3] =	stream.linear.scatter [tilespmem:s28], [sflag:$0x7], $0x80, $0x38;
	[tilespmem:$0x1D000] =	vst v63  }
0x3ab: {  	s26 =	sadd.s32 $0x20, s22;
	s28 =	simm.s32 $0x1A250  }
0x3ac: {  	[hbm4b:s26+s3] =	stream.linear.scatter [tilespmem:s28], [sflag:$0x7], $0x80, $0x38;
	[tilespmem:$0x1D000] =	vst v63  }
0x3ad: {  	s26 =	sadd.s32 $0x30, s22;
	s28 =	simm.s32 $0x1A2D8  }
0x3ae: {  	[hbm4b:s26+s3] =	stream.linear.scatter [tilespmem:s28], [sflag:$0x7], $0x80, $0x38;
	[tilespmem:$0x1D000] =	vst v63  }
0x3af: {  	s26 =	sadd.s32 $0x40, s22;
	s28 =	simm.s32 $0x1A360  }
0x3b0: {  	[hbm4b:s26+s3] =	stream.linear.scatter [tilespmem:s28], [sflag:$0x7], $0x80, $0x38;
	[tilespmem:$0x1D000] =	vst v63  }
0x3b1: {  	s26 =	sadd.s32 $0x50, s22;
	s28 =	simm.s32 $0x1A3E8  }
0x3b2: {  	[hbm4b:s26+s3] =	stream.linear.scatter [tilespmem:s28], [sflag:$0x7], $0x80, $0x38;
	[tilespmem:$0x1D000] =	vst v63  }
0x3b3: {  	s24 =	sadd.s32 $0x60, s22;
	s26 =	simm.s32 $0x1A470  }
0x3b4: {  	[hbm4b:s24+s3] =	stream.linear.scatter [tilespmem:s26], [sflag:$0x7], $0x80, $0x38;
	[tilespmem:$0x1D000] =	vst v63  }
0x3b5: {  	s22 =	sadd.s32 $0x70, s22;
	s28 =	simm.s32 $0x1A4F8  }
0x3b6: {  	[hbm4b:s22+s3] =	stream.linear.scatter [tilespmem:s28], [sflag:$0x7], $0x80, $0x38;
	[tilespmem:$0x1D000] =	vst v63  }
0x3b7: {  	s24 =	simm.s32 $0x1A580;
	s22 =	sadd.s32 s20, s30  }
0x3b8: {  	[hbm4b:s22+s3] =	stream.linear.scatter [tilespmem:s24], [sflag:$0x7], $0x80, $0x38;
	[tilespmem:$0x1D000] =	vst v63  }
0x3b9: {  	s28 =	simm.s32 $0x1A608;
	s26 =	sadd.s32 $0x10, s22  }
0x3ba: {  	[hbm4b:s26+s3] =	stream.linear.scatter [tilespmem:s28], [sflag:$0x7], $0x80, $0x38;
	[tilespmem:$0x1D000] =	vst v63  }
0x3bb: {  	s26 =	sadd.s32 $0x20, s22;
	s28 =	simm.s32 $0x1A690  }
0x3bc: {  	[hbm4b:s26+s3] =	stream.linear.scatter [tilespmem:s28], [sflag:$0x7], $0x80, $0x38;
	[tilespmem:$0x1D000] =	vst v63  }
0x3bd: {  	s26 =	sadd.s32 $0x30, s22;
	s28 =	simm.s32 $0x1A718  }
0x3be: {  	[hbm4b:s26+s3] =	stream.linear.scatter [tilespmem:s28], [sflag:$0x7], $0x80, $0x38;
	[tilespmem:$0x1D000] =	vst v63  }
0x3bf: {  	s26 =	sadd.s32 $0x40, s22;
	s28 =	simm.s32 $0x1A7A0  }
0x3c0: {  	[hbm4b:s26+s3] =	stream.linear.scatter [tilespmem:s28], [sflag:$0x7], $0x80, $0x38;
	[tilespmem:$0x1D000] =	vst v63  }
0x3c1: {  	s26 =	sadd.s32 $0x50, s22;
	s28 =	simm.s32 $0x1A828  }
0x3c2: {  	[hbm4b:s26+s3] =	stream.linear.scatter [tilespmem:s28], [sflag:$0x7], $0x80, $0x38;
	[tilespmem:$0x1D000] =	vst v63  }
0x3c3: {  	s24 =	sadd.s32 $0x60, s22;
	s26 =	simm.s32 $0x1A8B0  }
0x3c4: {  	[hbm4b:s24+s3] =	stream.linear.scatter [tilespmem:s26], [sflag:$0x7], $0x80, $0x38;
	[tilespmem:$0x1D000] =	vst v63  }
0x3c5: {  	s22 =	sadd.s32 $0x70, s22;
	s28 =	simm.s32 $0x1A938  }
0x3c6: {  	[hbm4b:s22+s3] =	stream.linear.scatter [tilespmem:s28], [sflag:$0x7], $0x80, $0x38;
	[tilespmem:$0x1D000] =	vst v63  }
0x3c7: {  	s24 =	simm.s32 $0x1A9C0;
	s22 =	sadd.s32 s20, s31  }
0x3c8: {  	[hbm4b:s22+s3] =	stream.linear.scatter [tilespmem:s24], [sflag:$0x7], $0x80, $0x38;
	[tilespmem:$0x1D000] =	vst v63  }
0x3c9: {  	s28 =	simm.s32 $0x1AA48;
	s26 =	sadd.s32 $0x10, s22  }
0x3ca: {  	[hbm4b:s26+s3] =	stream.linear.scatter [tilespmem:s28], [sflag:$0x7], $0x80, $0x38;
	[tilespmem:$0x1D000] =	vst v63  }
0x3cb: {  	s26 =	sadd.s32 $0x20, s22;
	s28 =	simm.s32 $0x1AAD0  }
0x3cc: {  	[hbm4b:s26+s3] =	stream.linear.scatter [tilespmem:s28], [sflag:$0x7], $0x80, $0x38;
	[tilespmem:$0x1D000] =	vst v63  }
0x3cd: {  	s26 =	sadd.s32 $0x30, s22;
	s28 =	simm.s32 $0x1AB58  }
0x3ce: {  	[hbm4b:s26+s3] =	stream.linear.scatter [tilespmem:s28], [sflag:$0x7], $0x80, $0x38;
	[tilespmem:$0x1D000] =	vst v63  }
0x3cf: {  	s26 =	sadd.s32 $0x40, s22;
	s28 =	simm.s32 $0x1ABE0  }
0x3d0: {  	[hbm4b:s26+s3] =	stream.linear.scatter [tilespmem:s28], [sflag:$0x7], $0x80, $0x38;
	[tilespmem:$0x1D000] =	vst v63  }
0x3d1: {  	s26 =	sadd.s32 $0x50, s22;
	s28 =	simm.s32 $0x1AC68  }
0x3d2: {  	[hbm4b:s26+s3] =	stream.linear.scatter [tilespmem:s28], [sflag:$0x7], $0x80, $0x38;
	[tilespmem:$0x1D000] =	vst v63  }
0x3d3: {  	s24 =	sadd.s32 $0x60, s22;
	s26 =	simm.s32 $0x1ACF0  }
0x3d4: {  	[hbm4b:s24+s3] =	stream.linear.scatter [tilespmem:s26], [sflag:$0x7], $0x80, $0x38;
	[tilespmem:$0x1D000] =	vst v63  }
0x3d5: {  	s22 =	sadd.s32 $0x70, s22;
	s28 =	simm.s32 $0x1AD78  }
0x3d6: {  	[hbm4b:s22+s3] =	stream.linear.scatter [tilespmem:s28], [sflag:$0x7], $0x80, $0x38;
	[tilespmem:$0x1D000] =	vst v63  }
0x3d7: {  	_ =	swait.ge [sflag:s15], $0x400  }
0x3d8: {  	[sflag:s15] =	ssyncset.done $0x0  }
0x3d9: {  	[sflag:s15] =	ssyncadd.s32 $0xFFFFFC00  }
0x3da: {  	_ =	swait.ge [sflag:s15], $0x400  }
0x3db: {  	[sflag:s15] =	ssyncset.done $0x0  }
0x3dc: {  	[sflag:s15] =	ssyncadd.s32 $0xFFFFFC00  }
0x3dd: {  	_ =	swait.ge [sflag:s15], $0x400  }
0x3de: {  	[sflag:s15] =	ssyncset.done $0x0  }
0x3df: {  	[sflag:s15] =	ssyncadd.s32 $0xFFFFFC00  }
0x3e0: {  	_ =	swait.ge [sflag:s15], $0x400  }
0x3e1: {  	[sflag:s15] =	ssyncset.done $0x0  }
0x3e2: {  	[sflag:s15] =	ssyncadd.s32 $0xFFFFFC00  }
0x3e3: {  	_ =	swait.ge [sflag:s15], $0x400  }
0x3e4: {  	[sflag:s15] =	ssyncset.done $0x0  }
0x3e5: {  	[sflag:s15] =	ssyncadd.s32 $0xFFFFFC00  }
0x3e6: {  	_ =	swait.ge [sflag:s15], $0x400  }
0x3e7: {  	[sflag:s15] =	ssyncset.done $0x0  }
0x3e8: {  	[sflag:s15] =	ssyncadd.s32 $0xFFFFFC00  }
0x3e9: {  	_ =	swait.ge [sflag:s15], $0x400  }
0x3ea: {  	[sflag:s15] =	ssyncset.done $0x0  }
0x3eb: {  	[sflag:s15] =	ssyncadd.s32 $0xFFFFFC00  }
0x3ec: {  	p0 =	seq.s32 s19, $0x31;
	_ =	swait.ge [sflag:s15], $0x400  }
0x3ed: {  	s23 =	simm.s32 @!p0 $0x80;
	s22 =	sshrl.u32 @!p0 s21, $0x2;
	[sflag:s15] =	ssyncset.done $0x0  }
0x3ee: {  	s24 =	simm.s32 @!p0 $0x10800;
	s22 =	sadd.s32 @!p0 $0x6700, s22;
	[sflag:s15] =	ssyncadd.s32 $0xFFFFFC00  }
0x3ef: {  	[tilespmem:s24], [sflag:$0x3] =	stream.indirect.gather @!p0 [hbm4b:s4+s23], $0x40, s22, s23, $0xb8;
	[tilespmem:$0x1D000] =	vst v63  }
0x3f0: {  	s23 =	simm.s32 $0x0;
	_ =	swait.ge [sflag:s16], $0x2000  }
0x3f1: {  	v12 =	vmov s23;
	[sflag:s16] =	ssyncset.done $0x0  }
0x3f2: {  	s22 =	simm.s32 $0x0;
	v12 =	vand.u32 $0x7C, v12;
	[sflag:s16] =	ssyncadd.s32 $0xFFFFE000  }
0x3f3: {  	v14 =	vadd.s32 v5, v12;
	v13 =	vld [tilespmem:s22+$0x12800];
	_ =	sdelay $0x4  }
0x3f4: {  	[tilespmem:v14+s17+$0x0] =	vst.idx.msk $0xffff, v13  }
0x3f5: {  	v14 =	vadd.s32 v9, v12;
	v13 =	vld [tilespmem:s22+$0x12810];
	_ =	sdelay $0x4  }
0x3f6: {  	[tilespmem:v14+s17+$0x0] =	vst.idx.msk $0xffff, v13  }
0x3f7: {  	v14 =	vadd.s32 v10, v12;
	v13 =	vld [tilespmem:s22+$0x12820];
	_ =	sdelay $0x4  }
0x3f8: {  	[tilespmem:v14+s17+$0x0] =	vst.idx.msk $0xffff, v13  }
0x3f9: {  	v12 =	vadd.s32 v11, v12;
	v13 =	vld [tilespmem:s22+$0x12830];
	_ =	sdelay $0x2  }
0x3fa: {  	s24 =	simm.s32 $0x1  }
0x3fb: {  	v14 =	vmov s24  }
0x3fc: {  	[tilespmem:v12+s17+$0x0] =	vst.idx.msk $0xffff, v13;
	v12 =	vand.u32 $0x7D, v14  }
0x3fd: {  	v13 =	vld [tilespmem:s22+$0x12840];
	v14 =	vadd.s32 v5, v12;
	_ =	sdelay $0x4  }
0x3fe: {  	[tilespmem:v14+s17+$0x0] =	vst.idx.msk $0xffff, v13  }
0x3ff: {  	v14 =	vadd.s32 v9, v12;
	v13 =	vld [tilespmem:s22+$0x12850];
	_ =	sdelay $0x4  }
0x400: {  	[tilespmem:v14+s17+$0x0] =	vst.idx.msk $0xffff, v13  }
0x401: {  	v14 =	vadd.s32 v10, v12;
	v13 =	vld [tilespmem:s22+$0x12860];
	_ =	sdelay $0x4  }
0x402: {  	[tilespmem:v14+s17+$0x0] =	vst.idx.msk $0xffff, v13  }
0x403: {  	v12 =	vadd.s32 v11, v12;
	v13 =	vld [tilespmem:s22+$0x12870];
	_ =	sdelay $0x2  }
0x404: {  	s26 =	simm.s32 $0x2  }
0x405: {  	v14 =	vmov s26  }
0x406: {  	[tilespmem:v12+s17+$0x0] =	vst.idx.msk $0xffff, v13;
	v12 =	vand.u32 $0x7E, v14  }
0x407: {  	v13 =	vld [tilespmem:s22+$0x12880];
	v14 =	vadd.s32 v5, v12;
	_ =	sdelay $0x4  }
0x408: {  	[tilespmem:v14+s17+$0x0] =	vst.idx.msk $0xffff, v13  }
0x409: {  	v14 =	vadd.s32 v9, v12;
	v13 =	vld [tilespmem:s22+$0x12890];
	_ =	sdelay $0x4  }
0x40a: {  	[tilespmem:v14+s17+$0x0] =	vst.idx.msk $0xffff, v13  }
0x40b: {  	v14 =	vadd.s32 v10, v12;
	v13 =	vld [tilespmem:s22+$0x128A0];
	_ =	sdelay $0x4  }
0x40c: {  	[tilespmem:v14+s17+$0x0] =	vst.idx.msk $0xffff, v13  }
0x40d: {  	v12 =	vadd.s32 v11, v12;
	v13 =	vld [tilespmem:s22+$0x128B0];
	_ =	sdelay $0x2  }
0x40e: {  	s28 =	simm.s32 $0x3  }
0x40f: {  	v14 =	vmov s28  }
0x410: {  	[tilespmem:v12+s17+$0x0] =	vst.idx.msk $0xffff, v13;
	v13 =	vand.u32 $0x7F, v14  }
0x411: {  	v12 =	vld [tilespmem:s22+$0x128C0];
	v14 =	vadd.s32 v5, v13;
	_ =	sdelay $0x4  }
0x412: {  	[tilespmem:v14+s17+$0x0] =	vst.idx.msk $0xffff, v12  }
0x413: {  	v14 =	vadd.s32 v9, v13;
	v12 =	vld [tilespmem:s22+$0x128D0];
	_ =	sdelay $0x4  }
0x414: {  	[tilespmem:v14+s17+$0x0] =	vst.idx.msk $0xffff, v12  }
0x415: {  	v14 =	vadd.s32 v10, v13;
	v12 =	vld [tilespmem:s22+$0x128E0];
	_ =	sdelay $0x4  }
0x416: {  	[tilespmem:v14+s17+$0x0] =	vst.idx.msk $0xffff, v12  }
0x417: {  	v13 =	vadd.s32 v11, v13;
	v12 =	vld [tilespmem:s22+$0x128F0];
	_ =	sdelay $0x1  }
0x418: {  	s23 =	simm.s32 $0x400  }
0x419: {  	s24 =	simm.s32 $0x800;
	s26 =	simm.s32 $0x4;
	s22 =	simm.s32 $0x7  }
.LBB2_11:
0x41a: {  	p1 =	sne.s32 s24, $0x7C00;
	v14 =	vmov s26  }
0x41b: {  	s26 =	sshra.s32 s23, $0x2;
	s23 =	smov.u32 s24;
	v14 =	vand.u32 $0x7C, v14;
	[tilespmem:v13+s17+$0x0] =	vst.idx.msk $0xffff, v12  }
0x41c: {  	v12 =	vld [tilespmem:s26+$0x12800];
	v13 =	vadd.s32 v5, v14;
	_ =	sdelay $0x4  }
0x41d: {  	[tilespmem:v13+s17+$0x0] =	vst.idx.msk $0xffff, v12  }
0x41e: {  	v13 =	vadd.s32 v9, v14;
	v12 =	vld [tilespmem:s26+$0x12810];
	_ =	sdelay $0x4  }
0x41f: {  	[tilespmem:v13+s17+$0x0] =	vst.idx.msk $0xffff, v12  }
0x420: {  	v13 =	vadd.s32 v10, v14;
	v12 =	vld [tilespmem:s26+$0x12820];
	_ =	sdelay $0x4  }
0x421: {  	[tilespmem:v13+s17+$0x0] =	vst.idx.msk $0xffff, v12  }
0x422: {  	v13 =	vadd.s32 v11, v14;
	v12 =	vld [tilespmem:s26+$0x12830];
	_ =	sdelay $0x2  }
0x423: {  	s28 =	sadd.s32 $0xFFFFFFFE, s22  }
0x424: {  	v14 =	vmov s28  }
0x425: {  	[tilespmem:v13+s17+$0x0] =	vst.idx.msk $0xffff, v12;
	v12 =	vand.u32 $0x7D, v14  }
0x426: {  	v13 =	vld [tilespmem:s26+$0x12840];
	v14 =	vadd.s32 v5, v12;
	_ =	sdelay $0x4  }
0x427: {  	[tilespmem:v14+s17+$0x0] =	vst.idx.msk $0xffff, v13  }
0x428: {  	v14 =	vadd.s32 v9, v12;
	v13 =	vld [tilespmem:s26+$0x12850];
	_ =	sdelay $0x4  }
0x429: {  	[tilespmem:v14+s17+$0x0] =	vst.idx.msk $0xffff, v13  }
0x42a: {  	v14 =	vadd.s32 v10, v12;
	v13 =	vld [tilespmem:s26+$0x12860];
	_ =	sdelay $0x4  }
0x42b: {  	[tilespmem:v14+s17+$0x0] =	vst.idx.msk $0xffff, v13  }
0x42c: {  	v12 =	vadd.s32 v11, v12;
	v13 =	vld [tilespmem:s26+$0x12870];
	_ =	sdelay $0x2  }
0x42d: {  	s28 =	sadd.s32 $0xFFFFFFFF, s22  }
0x42e: {  	v14 =	vmov s28  }
0x42f: {  	[tilespmem:v12+s17+$0x0] =	vst.idx.msk $0xffff, v13;
	v12 =	vand.u32 $0x7E, v14  }
0x430: {  	v13 =	vld [tilespmem:s26+$0x12880];
	v14 =	vadd.s32 v5, v12;
	_ =	sdelay $0x4  }
0x431: {  	[tilespmem:v14+s17+$0x0] =	vst.idx.msk $0xffff, v13  }
0x432: {  	v14 =	vadd.s32 v9, v12;
	v13 =	vld [tilespmem:s26+$0x12890];
	_ =	sdelay $0x4  }
0x433: {  	[tilespmem:v14+s17+$0x0] =	vst.idx.msk $0xffff, v13  }
0x434: {  	v14 =	vadd.s32 v10, v12;
	v13 =	vld [tilespmem:s26+$0x128A0];
	_ =	sdelay $0x4  }
0x435: {  	[tilespmem:v14+s17+$0x0] =	vst.idx.msk $0xffff, v13  }
0x436: {  	v12 =	vadd.s32 v11, v12;
	v13 =	vld [tilespmem:s26+$0x128B0];
	_ =	sdelay $0x3  }
0x437: {  	v14 =	vmov s22  }
0x438: {  	[tilespmem:v12+s17+$0x0] =	vst.idx.msk $0xffff, v13;
	v13 =	vand.u32 $0x7F, v14  }
0x439: {  	v12 =	vld [tilespmem:s26+$0x128C0];
	v14 =	vadd.s32 v5, v13;
	_ =	sdelay $0x4  }
0x43a: {  	[tilespmem:v14+s17+$0x0] =	vst.idx.msk $0xffff, v12  }
0x43b: {  	v14 =	vadd.s32 v9, v13;
	v12 =	vld [tilespmem:s26+$0x128D0];
	_ =	sdelay $0x4  }
0x43c: {  	[tilespmem:v14+s17+$0x0] =	vst.idx.msk $0xffff, v12  }
0x43d: {  	v14 =	vadd.s32 v10, v13;
	v12 =	vld [tilespmem:s26+$0x128E0];
	_ =	sdelay $0x4  }
.Ltmp6:
0x43e: {  	[tilespmem:v14+s17+$0x0] =	vst.idx.msk $0xffff, v12;
	(pc) =	sbr.rel @p1 .LBB2_11-.Ltmp6, $3  }
0x43f: {  	v13 =	vadd.s32 v11, v13;
	v12 =	vld [tilespmem:s26+$0x128F0];
	_ =	sdelay $0x1  }
0x440: {  	s22 =	sadd.s32 $0x4, s22  }
0x441: {  	s24 =	sadd.s32 $0x400, s24;
	s26 =	sadd.s32 $0xFFFFFFFD, s22  }
0x442: {  	_ =	sdelay $0x2  }
0x443: {  	v14 =	vmov s26  }
0x444: {  	s23 =	sshra.s32 s23, $0x2;
	v14 =	vand.u32 $0x7C, v14;
	[tilespmem:v13+s17+$0x0] =	vst.idx.msk $0xffff, v12  }
0x445: {  	v12 =	vld [tilespmem:s23+$0x12800];
	v48 =	vadd.s32 v5, v14;
	_ =	sdelay $0x4  }
0x446: {  	[tilespmem:v48+s17+$0x0] =	vst.idx.msk $0xffff, v12  }
0x447: {  	v49 =	vadd.s32 v9, v14;
	v12 =	vld [tilespmem:s23+$0x12810];
	_ =	sdelay $0x4  }
0x448: {  	[tilespmem:v49+s17+$0x0] =	vst.idx.msk $0xffff, v12  }
0x449: {  	v50 =	vadd.s32 v10, v14;
	v12 =	vld [tilespmem:s23+$0x12820];
	_ =	sdelay $0x4  }
0x44a: {  	[tilespmem:v50+s17+$0x0] =	vst.idx.msk $0xffff, v12  }
0x44b: {  	v51 =	vadd.s32 v11, v14;
	v12 =	vld [tilespmem:s23+$0x12830];
	_ =	sdelay $0x2  }
0x44c: {  	s24 =	sadd.s32 $0xFFFFFFFE, s22  }
0x44d: {  	v52 =	vmov s24  }
0x44e: {  	v53 =	vand.u32 $0x7D, v52;
	[tilespmem:v51+s17+$0x0] =	vst.idx.msk $0xffff, v12  }
0x44f: {  	v14 =	vadd.s32 v5, v53;
	v13 =	vld [tilespmem:s23+$0x12840];
	_ =	sdelay $0x4  }
0x450: {  	[tilespmem:v14+s17+$0x0] =	vst.idx.msk $0xffff, v13  }
0x451: {  	v54 =	vadd.s32 v9, v53;
	v13 =	vld [tilespmem:s23+$0x12850];
	_ =	sdelay $0x4  }
0x452: {  	[tilespmem:v54+s17+$0x0] =	vst.idx.msk $0xffff, v13  }
0x453: {  	v55 =	vadd.s32 v10, v53;
	v13 =	vld [tilespmem:s23+$0x12860];
	_ =	sdelay $0x4  }
0x454: {  	[tilespmem:v55+s17+$0x0] =	vst.idx.msk $0xffff, v13  }
0x455: {  	v12 =	vadd.s32 v11, v53;
	v13 =	vld [tilespmem:s23+$0x12870];
	_ =	sdelay $0x2  }
0x456: {  	s28 =	sadd.s32 $0xFFFFFFFF, s22  }
0x457: {  	v56 =	vmov s28  }
0x458: {  	v57 =	vand.u32 $0x7E, v56;
	[tilespmem:v12+s17+$0x0] =	vst.idx.msk $0xffff, v13  }
0x459: {  	v14 =	vadd.s32 v5, v57;
	v13 =	vld [tilespmem:s23+$0x12880];
	_ =	sdelay $0x4  }
0x45a: {  	[tilespmem:v14+s17+$0x0] =	vst.idx.msk $0xffff, v13  }
0x45b: {  	v58 =	vadd.s32 v9, v57;
	v13 =	vld [tilespmem:s23+$0x12890];
	_ =	sdelay $0x4  }
0x45c: {  	[tilespmem:v58+s17+$0x0] =	vst.idx.msk $0xffff, v13  }
0x45d: {  	v59 =	vadd.s32 v10, v57;
	v13 =	vld [tilespmem:s23+$0x128A0];
	_ =	sdelay $0x4  }
0x45e: {  	[tilespmem:v59+s17+$0x0] =	vst.idx.msk $0xffff, v13  }
0x45f: {  	v12 =	vadd.s32 v11, v57;
	v13 =	vld [tilespmem:s23+$0x128B0];
	_ =	sdelay $0x3  }
0x460: {  	v60 =	vmov s22  }
0x461: {  	v61 =	vand.u32 $0x7F, v60;
	[tilespmem:v12+s17+$0x0] =	vst.idx.msk $0xffff, v13  }
0x462: {  	v14 =	vadd.s32 v5, v61;
	v13 =	vld [tilespmem:s23+$0x128C0];
	_ =	sdelay $0x4  }
0x463: {  	[tilespmem:v14+s17+$0x0] =	vst.idx.msk $0xffff, v13  }
0x464: {  	v62 =	vadd.s32 v9, v61;
	v13 =	vld [tilespmem:s23+$0x128D0];
	_ =	sdelay $0x4  }
0x465: {  	[tilespmem:v62+s17+$0x0] =	vst.idx.msk $0xffff, v13  }
0x466: {  	v63 =	vadd.s32 v10, v61;
	v13 =	vld [tilespmem:s23+$0x128E0];
	_ =	sdelay $0x4  }
0x467: {  	[tilespmem:v63+s17+$0x0] =	vst.idx.msk $0xffff, v13  }
0x468: {  	v12 =	vadd.s32 v11, v61;
	v13 =	vld [tilespmem:s23+$0x128F0];
	_ =	sdelay $0x4  }
0x469: {  	s22 =	sadd.s32 s20, s1;
	[tilespmem:v12+s17+$0x0] =	vst.idx.msk $0xffff, v13  }
0x46a: {  	[hbm4b:s22+s3] =	stream.linear.scatter [tilespmem:s17], [sflag:$0x8], $0x80, $0x38;
	[tilespmem:$0x1D000] =	vst v63  }
0x46b: {  	s26 =	sadd.s32 $0x10, s22;
	s28 =	simm.s32 $0x1AE88  }
0x46c: {  	[hbm4b:s26+s3] =	stream.linear.scatter [tilespmem:s28], [sflag:$0x8], $0x80, $0x38;
	[tilespmem:$0x1D000] =	vst v63  }
0x46d: {  	s26 =	sadd.s32 $0x20, s22;
	s28 =	simm.s32 $0x1AF10  }
0x46e: {  	[hbm4b:s26+s3] =	stream.linear.scatter [tilespmem:s28], [sflag:$0x8], $0x80, $0x38;
	[tilespmem:$0x1D000] =	vst v63  }
0x46f: {  	s26 =	sadd.s32 $0x30, s22;
	s28 =	simm.s32 $0x1AF98  }
0x470: {  	[hbm4b:s26+s3] =	stream.linear.scatter [tilespmem:s28], [sflag:$0x8], $0x80, $0x38;
	[tilespmem:$0x1D000] =	vst v63  }
0x471: {  	s26 =	sadd.s32 $0x40, s22;
	s28 =	simm.s32 $0x1B020  }
0x472: {  	[hbm4b:s26+s3] =	stream.linear.scatter [tilespmem:s28], [sflag:$0x8], $0x80, $0x38;
	[tilespmem:$0x1D000] =	vst v63  }
0x473: {  	s26 =	sadd.s32 $0x50, s22;
	s28 =	simm.s32 $0x1B0A8  }
0x474: {  	[hbm4b:s26+s3] =	stream.linear.scatter [tilespmem:s28], [sflag:$0x8], $0x80, $0x38;
	[tilespmem:$0x1D000] =	vst v63  }
0x475: {  	s24 =	sadd.s32 $0x60, s22;
	s26 =	simm.s32 $0x1B130  }
0x476: {  	[hbm4b:s24+s3] =	stream.linear.scatter [tilespmem:s26], [sflag:$0x8], $0x80, $0x38;
	[tilespmem:$0x1D000] =	vst v63  }
0x477: {  	s22 =	sadd.s32 $0x70, s22;
	s28 =	simm.s32 $0x1B1B8  }
0x478: {  	[hbm4b:s22+s3] =	stream.linear.scatter [tilespmem:s28], [sflag:$0x8], $0x80, $0x38;
	[tilespmem:$0x1D000] =	vst v63  }
0x479: {  	s24 =	simm.s32 $0x1B240;
	s22 =	sadd.s32 s20, s0  }
0x47a: {  	[hbm4b:s22+s3] =	stream.linear.scatter [tilespmem:s24], [sflag:$0x8], $0x80, $0x38;
	[tilespmem:$0x1D000] =	vst v63  }
0x47b: {  	s28 =	simm.s32 $0x1B2C8;
	s26 =	sadd.s32 $0x10, s22  }
0x47c: {  	[hbm4b:s26+s3] =	stream.linear.scatter [tilespmem:s28], [sflag:$0x8], $0x80, $0x38;
	[tilespmem:$0x1D000] =	vst v63  }
0x47d: {  	s26 =	sadd.s32 $0x20, s22;
	s28 =	simm.s32 $0x1B350  }
0x47e: {  	[hbm4b:s26+s3] =	stream.linear.scatter [tilespmem:s28], [sflag:$0x8], $0x80, $0x38;
	[tilespmem:$0x1D000] =	vst v63  }
0x47f: {  	s26 =	sadd.s32 $0x30, s22;
	s28 =	simm.s32 $0x1B3D8  }
0x480: {  	[hbm4b:s26+s3] =	stream.linear.scatter [tilespmem:s28], [sflag:$0x8], $0x80, $0x38;
	[tilespmem:$0x1D000] =	vst v63  }
0x481: {  	s26 =	sadd.s32 $0x40, s22;
	s28 =	simm.s32 $0x1B460  }
0x482: {  	[hbm4b:s26+s3] =	stream.linear.scatter [tilespmem:s28], [sflag:$0x8], $0x80, $0x38;
	[tilespmem:$0x1D000] =	vst v63  }
0x483: {  	s26 =	sadd.s32 $0x50, s22;
	s28 =	simm.s32 $0x1B4E8  }
0x484: {  	[hbm4b:s26+s3] =	stream.linear.scatter [tilespmem:s28], [sflag:$0x8], $0x80, $0x38;
	[tilespmem:$0x1D000] =	vst v63  }
0x485: {  	s24 =	sadd.s32 $0x60, s22;
	s26 =	simm.s32 $0x1B570  }
0x486: {  	[hbm4b:s24+s3] =	stream.linear.scatter [tilespmem:s26], [sflag:$0x8], $0x80, $0x38;
	[tilespmem:$0x1D000] =	vst v63  }
0x487: {  	s22 =	sadd.s32 $0x70, s22;
	s28 =	simm.s32 $0x1B5F8  }
0x488: {  	[hbm4b:s22+s3] =	stream.linear.scatter [tilespmem:s28], [sflag:$0x8], $0x80, $0x38;
	[tilespmem:$0x1D000] =	vst v63  }
0x489: {  	s24 =	simm.s32 $0x1B680;
	s22 =	sadd.s32 s20, s5  }
0x48a: {  	[hbm4b:s22+s3] =	stream.linear.scatter [tilespmem:s24], [sflag:$0x8], $0x80, $0x38;
	[tilespmem:$0x1D000] =	vst v63  }
0x48b: {  	s28 =	simm.s32 $0x1B708;
	s26 =	sadd.s32 $0x10, s22  }
0x48c: {  	[hbm4b:s26+s3] =	stream.linear.scatter [tilespmem:s28], [sflag:$0x8], $0x80, $0x38;
	[tilespmem:$0x1D000] =	vst v63  }
0x48d: {  	s26 =	sadd.s32 $0x20, s22;
	s28 =	simm.s32 $0x1B790  }
0x48e: {  	[hbm4b:s26+s3] =	stream.linear.scatter [tilespmem:s28], [sflag:$0x8], $0x80, $0x38;
	[tilespmem:$0x1D000] =	vst v63  }
0x48f: {  	s26 =	sadd.s32 $0x30, s22;
	s28 =	simm.s32 $0x1B818  }
0x490: {  	[hbm4b:s26+s3] =	stream.linear.scatter [tilespmem:s28], [sflag:$0x8], $0x80, $0x38;
	[tilespmem:$0x1D000] =	vst v63  }
0x491: {  	s26 =	sadd.s32 $0x40, s22;
	s28 =	simm.s32 $0x1B8A0  }
0x492: {  	[hbm4b:s26+s3] =	stream.linear.scatter [tilespmem:s28], [sflag:$0x8], $0x80, $0x38;
	[tilespmem:$0x1D000] =	vst v63  }
0x493: {  	s26 =	sadd.s32 $0x50, s22;
	s28 =	simm.s32 $0x1B928  }
0x494: {  	[hbm4b:s26+s3] =	stream.linear.scatter [tilespmem:s28], [sflag:$0x8], $0x80, $0x38;
	[tilespmem:$0x1D000] =	vst v63  }
0x495: {  	s24 =	sadd.s32 $0x60, s22;
	s26 =	simm.s32 $0x1B9B0  }
0x496: {  	[hbm4b:s24+s3] =	stream.linear.scatter [tilespmem:s26], [sflag:$0x8], $0x80, $0x38;
	[tilespmem:$0x1D000] =	vst v63  }
0x497: {  	s22 =	sadd.s32 $0x70, s22;
	s28 =	simm.s32 $0x1BA38  }
0x498: {  	[hbm4b:s22+s3] =	stream.linear.scatter [tilespmem:s28], [sflag:$0x8], $0x80, $0x38;
	[tilespmem:$0x1D000] =	vst v63  }
0x499: {  	s24 =	simm.s32 $0x1BAC0;
	s22 =	sadd.s32 s20, s25  }
0x49a: {  	[hbm4b:s22+s3] =	stream.linear.scatter [tilespmem:s24], [sflag:$0x8], $0x80, $0x38;
	[tilespmem:$0x1D000] =	vst v63  }
0x49b: {  	s28 =	simm.s32 $0x1BB48;
	s26 =	sadd.s32 $0x10, s22  }
0x49c: {  	[hbm4b:s26+s3] =	stream.linear.scatter [tilespmem:s28], [sflag:$0x8], $0x80, $0x38;
	[tilespmem:$0x1D000] =	vst v63  }
0x49d: {  	s26 =	sadd.s32 $0x20, s22;
	s28 =	simm.s32 $0x1BBD0  }
0x49e: {  	[hbm4b:s26+s3] =	stream.linear.scatter [tilespmem:s28], [sflag:$0x8], $0x80, $0x38;
	[tilespmem:$0x1D000] =	vst v63  }
0x49f: {  	s26 =	sadd.s32 $0x30, s22;
	s28 =	simm.s32 $0x1BC58  }
0x4a0: {  	[hbm4b:s26+s3] =	stream.linear.scatter [tilespmem:s28], [sflag:$0x8], $0x80, $0x38;
	[tilespmem:$0x1D000] =	vst v63  }
0x4a1: {  	s26 =	sadd.s32 $0x40, s22;
	s28 =	simm.s32 $0x1BCE0  }
0x4a2: {  	[hbm4b:s26+s3] =	stream.linear.scatter [tilespmem:s28], [sflag:$0x8], $0x80, $0x38;
	[tilespmem:$0x1D000] =	vst v63  }
0x4a3: {  	s26 =	sadd.s32 $0x50, s22;
	s28 =	simm.s32 $0x1BD68  }
0x4a4: {  	[hbm4b:s26+s3] =	stream.linear.scatter [tilespmem:s28], [sflag:$0x8], $0x80, $0x38;
	[tilespmem:$0x1D000] =	vst v63  }
0x4a5: {  	s24 =	sadd.s32 $0x60, s22;
	s26 =	simm.s32 $0x1BDF0  }
0x4a6: {  	[hbm4b:s24+s3] =	stream.linear.scatter [tilespmem:s26], [sflag:$0x8], $0x80, $0x38;
	[tilespmem:$0x1D000] =	vst v63  }
0x4a7: {  	s22 =	sadd.s32 $0x70, s22;
	s28 =	simm.s32 $0x1BE78  }
0x4a8: {  	[hbm4b:s22+s3] =	stream.linear.scatter [tilespmem:s28], [sflag:$0x8], $0x80, $0x38;
	[tilespmem:$0x1D000] =	vst v63  }
0x4a9: {  	s24 =	simm.s32 $0x1BF00;
	s22 =	sadd.s32 s20, s2  }
0x4aa: {  	[hbm4b:s22+s3] =	stream.linear.scatter [tilespmem:s24], [sflag:$0x8], $0x80, $0x38;
	[tilespmem:$0x1D000] =	vst v63  }
0x4ab: {  	s28 =	simm.s32 $0x1BF88;
	s26 =	sadd.s32 $0x10, s22  }
0x4ac: {  	[hbm4b:s26+s3] =	stream.linear.scatter [tilespmem:s28], [sflag:$0x8], $0x80, $0x38;
	[tilespmem:$0x1D000] =	vst v63  }
0x4ad: {  	s26 =	sadd.s32 $0x20, s22;
	s28 =	simm.s32 $0x1C010  }
0x4ae: {  	[hbm4b:s26+s3] =	stream.linear.scatter [tilespmem:s28], [sflag:$0x8], $0x80, $0x38;
	[tilespmem:$0x1D000] =	vst v63  }
0x4af: {  	s26 =	sadd.s32 $0x30, s22;
	s28 =	simm.s32 $0x1C098  }
0x4b0: {  	[hbm4b:s26+s3] =	stream.linear.scatter [tilespmem:s28], [sflag:$0x8], $0x80, $0x38;
	[tilespmem:$0x1D000] =	vst v63  }
0x4b1: {  	s26 =	sadd.s32 $0x40, s22;
	s28 =	simm.s32 $0x1C120  }
0x4b2: {  	[hbm4b:s26+s3] =	stream.linear.scatter [tilespmem:s28], [sflag:$0x8], $0x80, $0x38;
	[tilespmem:$0x1D000] =	vst v63  }
0x4b3: {  	s26 =	sadd.s32 $0x50, s22;
	s28 =	simm.s32 $0x1C1A8  }
0x4b4: {  	[hbm4b:s26+s3] =	stream.linear.scatter [tilespmem:s28], [sflag:$0x8], $0x80, $0x38;
	[tilespmem:$0x1D000] =	vst v63  }
0x4b5: {  	s24 =	sadd.s32 $0x60, s22;
	s26 =	simm.s32 $0x1C230  }
0x4b6: {  	[hbm4b:s24+s3] =	stream.linear.scatter [tilespmem:s26], [sflag:$0x8], $0x80, $0x38;
	[tilespmem:$0x1D000] =	vst v63  }
0x4b7: {  	s22 =	sadd.s32 $0x70, s22;
	s28 =	simm.s32 $0x1C2B8  }
0x4b8: {  	[hbm4b:s22+s3] =	stream.linear.scatter [tilespmem:s28], [sflag:$0x8], $0x80, $0x38;
	[tilespmem:$0x1D000] =	vst v63  }
0x4b9: {  	s24 =	simm.s32 $0x1C340;
	s22 =	sadd.s32 s20, s6  }
0x4ba: {  	[hbm4b:s22+s3] =	stream.linear.scatter [tilespmem:s24], [sflag:$0x8], $0x80, $0x38;
	[tilespmem:$0x1D000] =	vst v63  }
0x4bb: {  	s28 =	simm.s32 $0x1C3C8;
	s26 =	sadd.s32 $0x10, s22  }
0x4bc: {  	[hbm4b:s26+s3] =	stream.linear.scatter [tilespmem:s28], [sflag:$0x8], $0x80, $0x38;
	[tilespmem:$0x1D000] =	vst v63  }
0x4bd: {  	s26 =	sadd.s32 $0x20, s22;
	s28 =	simm.s32 $0x1C450  }
0x4be: {  	[hbm4b:s26+s3] =	stream.linear.scatter [tilespmem:s28], [sflag:$0x8], $0x80, $0x38;
	[tilespmem:$0x1D000] =	vst v63  }
0x4bf: {  	s26 =	sadd.s32 $0x30, s22;
	s28 =	simm.s32 $0x1C4D8  }
0x4c0: {  	[hbm4b:s26+s3] =	stream.linear.scatter [tilespmem:s28], [sflag:$0x8], $0x80, $0x38;
	[tilespmem:$0x1D000] =	vst v63  }
0x4c1: {  	s26 =	sadd.s32 $0x40, s22;
	s28 =	simm.s32 $0x1C560  }
0x4c2: {  	[hbm4b:s26+s3] =	stream.linear.scatter [tilespmem:s28], [sflag:$0x8], $0x80, $0x38;
	[tilespmem:$0x1D000] =	vst v63  }
0x4c3: {  	s26 =	sadd.s32 $0x50, s22;
	s28 =	simm.s32 $0x1C5E8  }
0x4c4: {  	[hbm4b:s26+s3] =	stream.linear.scatter [tilespmem:s28], [sflag:$0x8], $0x80, $0x38;
	[tilespmem:$0x1D000] =	vst v63  }
0x4c5: {  	s24 =	sadd.s32 $0x60, s22;
	s26 =	simm.s32 $0x1C670  }
0x4c6: {  	[hbm4b:s24+s3] =	stream.linear.scatter [tilespmem:s26], [sflag:$0x8], $0x80, $0x38;
	[tilespmem:$0x1D000] =	vst v63  }
0x4c7: {  	s22 =	sadd.s32 $0x70, s22;
	s28 =	simm.s32 $0x1C6F8  }
0x4c8: {  	[hbm4b:s22+s3] =	stream.linear.scatter [tilespmem:s28], [sflag:$0x8], $0x80, $0x38;
	[tilespmem:$0x1D000] =	vst v63  }
0x4c9: {  	s24 =	simm.s32 $0x1C780;
	s22 =	sadd.s32 s20, s7  }
0x4ca: {  	[hbm4b:s22+s3] =	stream.linear.scatter [tilespmem:s24], [sflag:$0x8], $0x80, $0x38;
	[tilespmem:$0x1D000] =	vst v63  }
0x4cb: {  	s28 =	simm.s32 $0x1C808;
	s26 =	sadd.s32 $0x10, s22  }
0x4cc: {  	[hbm4b:s26+s3] =	stream.linear.scatter [tilespmem:s28], [sflag:$0x8], $0x80, $0x38;
	[tilespmem:$0x1D000] =	vst v63  }
0x4cd: {  	s26 =	sadd.s32 $0x20, s22;
	s28 =	simm.s32 $0x1C890  }
0x4ce: {  	[hbm4b:s26+s3] =	stream.linear.scatter [tilespmem:s28], [sflag:$0x8], $0x80, $0x38;
	[tilespmem:$0x1D000] =	vst v63  }
0x4cf: {  	s26 =	sadd.s32 $0x30, s22;
	s28 =	simm.s32 $0x1C918  }
0x4d0: {  	[hbm4b:s26+s3] =	stream.linear.scatter [tilespmem:s28], [sflag:$0x8], $0x80, $0x38;
	[tilespmem:$0x1D000] =	vst v63  }
0x4d1: {  	s26 =	sadd.s32 $0x40, s22;
	s28 =	simm.s32 $0x1C9A0  }
0x4d2: {  	[hbm4b:s26+s3] =	stream.linear.scatter [tilespmem:s28], [sflag:$0x8], $0x80, $0x38;
	[tilespmem:$0x1D000] =	vst v63  }
0x4d3: {  	s26 =	sadd.s32 $0x50, s22;
	s28 =	simm.s32 $0x1CA28  }
0x4d4: {  	[hbm4b:s26+s3] =	stream.linear.scatter [tilespmem:s28], [sflag:$0x8], $0x80, $0x38;
	[tilespmem:$0x1D000] =	vst v63  }
0x4d5: {  	s24 =	sadd.s32 $0x60, s22;
	s26 =	simm.s32 $0x1CAB0  }
0x4d6: {  	[hbm4b:s24+s3] =	stream.linear.scatter [tilespmem:s26], [sflag:$0x8], $0x80, $0x38;
	[tilespmem:$0x1D000] =	vst v63  }
0x4d7: {  	s22 =	sadd.s32 $0x70, s22;
	s28 =	simm.s32 $0x1CB38  }
0x4d8: {  	[hbm4b:s22+s3] =	stream.linear.scatter [tilespmem:s28], [sflag:$0x8], $0x80, $0x38;
	[tilespmem:$0x1D000] =	vst v63  }
0x4d9: {  	s20 =	sadd.s32 s20, s8;
	s24 =	simm.s32 $0x1CBC0  }
0x4da: {  	[hbm4b:s20+s3] =	stream.linear.scatter [tilespmem:s24], [sflag:$0x8], $0x80, $0x38;
	[tilespmem:$0x1D000] =	vst v63  }
0x4db: {  	s26 =	sadd.s32 $0x10, s20;
	s28 =	simm.s32 $0x1CC48  }
0x4dc: {  	[hbm4b:s26+s3] =	stream.linear.scatter [tilespmem:s28], [sflag:$0x8], $0x80, $0x38;
	[tilespmem:$0x1D000] =	vst v63  }
0x4dd: {  	s23 =	sadd.s32 $0x20, s20;
	s24 =	simm.s32 $0x1CCD0  }
0x4de: {  	[hbm4b:s23+s3] =	stream.linear.scatter [tilespmem:s24], [sflag:$0x8], $0x80, $0x38;
	[tilespmem:$0x1D000] =	vst v63  }
0x4df: {  	s26 =	sadd.s32 $0x30, s20;
	s28 =	simm.s32 $0x1CD58  }
0x4e0: {  	[hbm4b:s26+s3] =	stream.linear.scatter [tilespmem:s28], [sflag:$0x8], $0x80, $0x38;
	[tilespmem:$0x1D000] =	vst v63  }
0x4e1: {  	s23 =	sadd.s32 $0x40, s20;
	s24 =	simm.s32 $0x1CDE0  }
0x4e2: {  	[hbm4b:s23+s3] =	stream.linear.scatter [tilespmem:s24], [sflag:$0x8], $0x80, $0x38;
	[tilespmem:$0x1D000] =	vst v63  }
0x4e3: {  	s26 =	sadd.s32 $0x50, s20;
	s28 =	simm.s32 $0x1CE68  }
0x4e4: {  	[hbm4b:s26+s3] =	stream.linear.scatter [tilespmem:s28], [sflag:$0x8], $0x80, $0x38;
	[tilespmem:$0x1D000] =	vst v63  }
0x4e5: {  	s24 =	sadd.s32 $0x60, s20;
	s26 =	simm.s32 $0x1CEF0  }
0x4e6: {  	[hbm4b:s24+s3] =	stream.linear.scatter [tilespmem:s26], [sflag:$0x8], $0x80, $0x38;
	[tilespmem:$0x1D000] =	vst v63  }
0x4e7: {  	s20 =	sadd.s32 $0x70, s20;
	s28 =	simm.s32 $0x1CF78  }
0x4e8: {  	[hbm4b:s20+s3] =	stream.linear.scatter [tilespmem:s28], [sflag:$0x8], $0x80, $0x38;
	[tilespmem:$0x1D000] =	vst v63  }
0x4e9: {  	_ =	swait.ge [sflag:s18], $0x400  }
0x4ea: {  	[sflag:s18] =	ssyncset.done $0x0  }
0x4eb: {  	[sflag:s18] =	ssyncadd.s32 $0xFFFFFC00  }
0x4ec: {  	_ =	swait.ge [sflag:s18], $0x400  }
0x4ed: {  	[sflag:s18] =	ssyncset.done $0x0  }
0x4ee: {  	[sflag:s18] =	ssyncadd.s32 $0xFFFFFC00  }
0x4ef: {  	_ =	swait.ge [sflag:s18], $0x400  }
0x4f0: {  	[sflag:s18] =	ssyncset.done $0x0  }
0x4f1: {  	[sflag:s18] =	ssyncadd.s32 $0xFFFFFC00  }
0x4f2: {  	_ =	swait.ge [sflag:s18], $0x400  }
0x4f3: {  	[sflag:s18] =	ssyncset.done $0x0  }
0x4f4: {  	[sflag:s18] =	ssyncadd.s32 $0xFFFFFC00  }
0x4f5: {  	_ =	swait.ge [sflag:s18], $0x400  }
0x4f6: {  	[sflag:s18] =	ssyncset.done $0x0  }
0x4f7: {  	[sflag:s18] =	ssyncadd.s32 $0xFFFFFC00  }
0x4f8: {  	_ =	swait.ge [sflag:s18], $0x400  }
0x4f9: {  	[sflag:s18] =	ssyncset.done $0x0  }
0x4fa: {  	[sflag:s18] =	ssyncadd.s32 $0xFFFFFC00  }
0x4fb: {  	_ =	swait.ge [sflag:s18], $0x400  }
.Ltmp7:
0x4fc: {  	[sflag:s18] =	ssyncset.done $0x0;
	(pc) =	sbr.rel @p0 .LBB2_14-.Ltmp7, $4  }
0x4fd: {  	[sflag:s18] =	ssyncadd.s32 $0xFFFFFC00  }
0x4fe: {  	_ =	swait.ge [sflag:s18], $0x400  }
0x4ff: {  	[sflag:s18] =	ssyncset.done $0x0  }
0x500: {  	[sflag:s18] =	ssyncadd.s32 $0xFFFFFC00  }
.Ltmp8:
0x501: {  	(pc) =	sbr.rel .LBB2_4-.Ltmp8, $4  }
0x502: {  	_ = 	snop  }
0x503: {  	s20 =	sshrl.u32 s21, $0x2  }
0x504: {  	s28 =	simm.s32 $0x12800;
	s19 =	sadd.s32 $0x1, s19;
	s20 =	sadd.s32 $0x6780, s20  }
0x505: {  	[tilespmem:s28], [sflag:$0x4] =	stream.indirect.gather [hbm4b:s4+s9], $0x40, s20, s9, $0xb8;
	[tilespmem:$0x1D000] =	vst v63  }
.LBB2_15:
0x506: {  	_ =	sfence.sel $0x180000  }
0x507: {  	[bflag:$0x0] =	sbarrier.arrive $0xFFFF  }
0x508: {  	_ =	strace $0x90000047  }
0x509: {  	s0 =	stileid.u32;
	[bflag:$0x2] =	sbarrier.arrive $0xFFFF  }
0x50a: {  	p0 =	sne.s32 s0, $0x0;
	s0 =	rddreg [dreg:$0x2]  }
0x50b: {  	s0 =	sadd.s32 @!p0 $0x100000, s0  }
0x50c: {  	[sflag:s0] =	ssyncadd.tile.s32 @!p0 $0x1;
	_ =	shalt  }
.Lfunc_end2:
_tile_overlayer_lowered:
.L_overlay_start_2:
0x50d: {  	(tag) =	ssettag $0x2  }
0x50e: {  	s0 =	rddreg [dreg:$0x0];
	s2 =	stileid.u32  }
0x50f: {  	s1 =	rddreg [dreg:$0x1];
	p0 =	sne.s32 s2, $0x0  }
0x510: {  	s3 =	rddreg [dreg:$0x2];
	[bflag:$0x3] =	sbarrier.arrive $0xFFFF;
	s2 =	simm.s32 @!p0 $0x1C09  }
0x511: {  	[timem:s3], [sflag:s2] =	dma.local @!p0 [hbm:s0], s1  }
0x512: {  	s0 =	simm.s32 @!p0 $0x9  }
0x513: {  	_ =	swait.ge @!p0 [sflag:s0], s1  }
0x514: {  	s1 =	ssub.s32 @!p0 $0x0, s1;
	[sflag:s0] =	ssyncset.done @!p0 $0x0  }
0x515: {  	[sflag:s0] =	ssyncadd.s32 @!p0 s1  }
0x516: {  	[bflag:$0x3] =	sbarrier.arrive $0xFFFF  }
0x517: {  	_ =	shalt  }

</sc_bundles>
